<compile_context>
chip_gen: v7x
topology: tpu7x:2x2x1
jax: 0.10.2.dev20260603
libtpu: 0.0.44.dev20260713+nightly
codegen_flags: <defaults>
</compile_context>

<pallas_src>
import functools

import jax
import jax.numpy as jnp
from jax import lax
from jax.experimental import pallas as pl
from jax.experimental.pallas import tpu as pltpu
from jax.experimental.pallas import tpu_sc as plsc

_N = 10000
_E = 320000
_D = 128
_NC, _NS = 2, 16
_NW = _NC * _NS
_EPW = _E // _NW
_CH = 125
_NCHUNK = _EPW // _CH
_BLK = 16
_CHA = 64
_NCHA = 160
_EP = _NW * _NCHA * _CHA
_NBUF = 5
_DUMP = 8
_WRS = 624
_TAIL = _N - _NS * _WRS
_ZR = 24
_DG = 16
_DHALF = _N // _NC
_DSLAB = 312
_DTAIL = _DHALF - _NS * _DSLAB
_BR = 1000

_MESH = plsc.VectorSubcoreMesh(core_axis_name="c", subcore_axis_name="s")


def _fill(ref, rows, width, value):
    def row(i, carry):
        def col(k, c2):
            ref[i, pl.ds(k * 16, 16)] = jnp.full((16,), value, jnp.float32)
            return c2
        return lax.fori_loop(0, width // 16, col, carry)
    lax.fori_loop(0, rows, row, 0)


def _zero_slabs(s, sh_ref, z_ref):
    r0 = s * _WRS
    for t in range(_WRS // _ZR):
        pltpu.sync_copy(z_ref, sh_ref.at[pl.ds(r0 + t * _ZR, _ZR)])

    @pl.when(s == _NS - 1)
    def _tail():
        pltpu.sync_copy(z_ref.at[pl.ds(0, _TAIL)],
                        sh_ref.at[pl.ds(_NS * _WRS, _TAIL)])


def _write_slabs(s, c, sh_ref, out_ref):
    r0 = s * _WRS
    pltpu.sync_copy(sh_ref.at[pl.ds(r0, _WRS)],
                    out_ref.at[c].at[pl.ds(r0, _WRS)])

    @pl.when(s == _NS - 1)
    def _tail():
        pltpu.sync_copy(sh_ref.at[pl.ds(_NS * _WRS, _TAIL)],
                        out_ref.at[c].at[pl.ds(_NS * _WRS, _TAIL)])


def _sc_agg_body(x_hbm, src_hbm, dst_hbm, z_hbm, agg_out,
                 srcb_v, dstb_v, rows_v, sems, sem_s, agg_sh):
    c = lax.axis_index("c")
    s = lax.axis_index("s")
    wid = c * _NS + s
    base = wid * _NCHA
    pltpu.sync_copy(z_hbm, agg_sh.at[pl.ds(s * _WRS, _WRS)])

    @pl.when(s == _NS - 1)
    def _zero_tail():
        pltpu.sync_copy(z_hbm.at[pl.ds(0, _TAIL)],
                        agg_sh.at[pl.ds(_NS * _WRS, _TAIL)])

    plsc.subcore_barrier()

    pltpu.sync_copy(src_hbm.at[pl.ds(base, _BLK)], srcb_v.at[0])
    pltpu.sync_copy(dst_hbm.at[pl.ds(base, _BLK)], dstb_v.at[0])
    for k in range(_NBUF - 1):
        pltpu.async_copy(x_hbm.at[srcb_v.at[0].at[k]], rows_v.at[k],
                         sems.at[k])

    def step(j, carry):
        jb = j % _NBUF
        p = j % _BLK
        bb = (j // _BLK) % 2
        pltpu.make_async_copy(x_hbm.at[srcb_v.at[bb].at[p]],
                              rows_v.at[jb], sems.at[jb]).wait()

        @pl.when(j > 0)
        def _drain_prev_scatter():
            p0 = (j - 1) % _BLK
            bb0 = ((j - 1) // _BLK) % 2
            pltpu.make_async_copy(rows_v.at[(j - 1) % _NBUF],
                                  agg_sh.at[dstb_v.at[bb0].at[p0]],
                                  sem_s).wait()

        jn = j + _NBUF - 1

        @pl.when((jn % _BLK == 0) & (jn < _NCHA))
        def _load_next_idx():
            off = pl.multiple_of(base + jn, _BLK)
            nbb = (jn // _BLK) % 2
            pltpu.sync_copy(src_hbm.at[pl.ds(off, _BLK)], srcb_v.at[nbb])
            pltpu.sync_copy(dst_hbm.at[pl.ds(off, _BLK)], dstb_v.at[nbb])

        @pl.when(jn < _NCHA)
        def _prefetch():
            pn = jn % _BLK
            bbn = (jn // _BLK) % 2
            pltpu.async_copy(x_hbm.at[srcb_v.at[bbn].at[pn]],
                             rows_v.at[jn % _NBUF], sems.at[jn % _NBUF])

        pltpu.async_copy(rows_v.at[jb], agg_sh.at[dstb_v.at[bb].at[p]],
                         sem_s, add=True)
        return carry

    lax.fori_loop(0, _NCHA, step, 0)
    jl = _NCHA - 1
    pltpu.make_async_copy(rows_v.at[jl % _NBUF],
                          agg_sh.at[dstb_v.at[(jl // _BLK) % 2].at[jl % _BLK]],
                          sem_s).wait()
    plsc.subcore_barrier()
    _write_slabs(s, c, agg_sh, agg_out)


def _sc_deg_body(dst_hbm, deg_out, dstb_v, zd_v, ones_v, sem_s, deg_sh):
    c = lax.axis_index("c")
    s = lax.axis_index("s")
    wid = c * _NS + s
    _fill(zd_v, _ZR, _D, 0.0)
    _fill(ones_v, _CH, _D, 1.0)
    _zero_slabs(s, deg_sh, zd_v)
    plsc.subcore_barrier()

    def step(j, carry):
        p = j % _BLK
        bb = (j // _BLK) % 2

        @pl.when((p == 0) & (j >= 2 * _BLK))
        def _drain_block():
            for _ in range(_BLK):
                pltpu.make_async_copy(ones_v, deg_sh.at[dstb_v.at[0].at[0]],
                                      sem_s).wait()

        @pl.when(p == 0)
        def _load_idx():
            off = pl.multiple_of(wid * _NCHUNK + j, _BLK)
            pltpu.sync_copy(dst_hbm.at[pl.ds(off, _BLK)], dstb_v.at[bb])

        pltpu.async_copy(ones_v, deg_sh.at[dstb_v.at[bb].at[p]], sem_s,
                         add=True)
        return carry

    lax.fori_loop(0, _NCHUNK, step, 0)
    for _ in range(2 * _BLK):
        pltpu.make_async_copy(ones_v, deg_sh.at[dstb_v.at[0].at[0]],
                              sem_s).wait()
    plsc.subcore_barrier()
    _write_slabs(s, c, deg_sh, deg_out)


_sc_agg = functools.partial(
    pl.kernel,
    out_type=[jax.ShapeDtypeStruct((_NC, _N, _D), jnp.float32)],
    mesh=_MESH,
    scratch_types=[
        pltpu.VMEM((2, _BLK, _CHA), jnp.int32),
        pltpu.VMEM((2, _BLK, _CHA), jnp.int32),
        pltpu.VMEM((_NBUF, _CHA, _D), jnp.float32),
        pltpu.SemaphoreType.DMA((_NBUF,)),
        pltpu.SemaphoreType.DMA,
        pltpu.VMEM_SHARED((_N + _DUMP, _D), jnp.float32),
    ],
)(_sc_agg_body)


_sc_deg = functools.partial(
    pl.kernel,
    out_type=[jax.ShapeDtypeStruct((_NC, _N, _D), jnp.float32)],
    mesh=_MESH,
    scratch_types=[
        pltpu.VMEM((2, _BLK, _CH), jnp.int32),
        pltpu.VMEM((_ZR, _D), jnp.float32),
        pltpu.VMEM((_CH, _D), jnp.float32),
        pltpu.SemaphoreType.DMA,
        pltpu.VMEM_SHARED((_N, _D), jnp.float32),
    ],
)(_sc_deg_body)


def _linear_body(x_ref, agg0_ref, agg1_ref, deg0_ref, deg1_ref,
                 wt_ref, wb_ref, b_ref, o_ref, *, relu):
    deg = deg0_ref[:, 0:1] + deg1_ref[:, 0:1]
    safe = jnp.where(deg > 0, deg, 1.0)
    dinv = jnp.where(deg > 0, 1.0 / safe, 0.0)
    neigh = (agg0_ref[...] + agg1_ref[...]) * dinv
    h = jnp.dot(x_ref[...], wt_ref[...], preferred_element_type=jnp.float32)
    h = h + jnp.dot(neigh, wb_ref[...], preferred_element_type=jnp.float32)
    h = h + b_ref[...]
    o_ref[...] = jnp.maximum(h, 0.0) if relu else h


def _linear(x, agg, deg, wt, wb, b2d, relu):
    row_spec = pl.BlockSpec((_BR, _D), lambda i: (i, 0))
    deg_spec = pl.BlockSpec((_BR, _D), lambda i: (i, 0))
    full_spec = pl.BlockSpec((_D, _D), lambda i: (0, 0))
    return pl.pallas_call(
        functools.partial(_linear_body, relu=relu),
        grid=(_N // _BR,),
        in_specs=[row_spec, row_spec, row_spec, deg_spec, deg_spec,
                  full_spec, full_spec,
                  pl.BlockSpec((1, _D), lambda i: (0, 0))],
        out_specs=row_spec,
        out_shape=jax.ShapeDtypeStruct((_N, _D), jnp.float32),
    )(x, agg[0], agg[1], deg[0], deg[1], wt, wb, b2d)


def kernel(node_states, edge_index, W0, b0, W1, b1, W2, b2):
    dstf = edge_index[0].astype(jnp.int32)
    srcf = edge_index[1].astype(jnp.int32)
    dst2d = dstf.reshape(_NW * _NCHUNK, _CH)
    npad = _EP - _E
    iota = jnp.arange(npad, dtype=jnp.int32)
    srcp = jnp.concatenate([srcf, (iota * 37) % _N]).reshape(-1, _CHA)
    dstp = jnp.concatenate([dstf, _N + (iota % _DUMP)]).reshape(-1, _CHA)

    (deg,) = _sc_deg(dst2d)
    zrows = jnp.zeros((_WRS, _D), jnp.float32)
    (agg0,) = _sc_agg(node_states, srcp, dstp, zrows)
    h1 = _linear(node_states, agg0, deg, W0[:_D], W0[_D:],
                 b0.reshape(1, _D), True)
    (agg1,) = _sc_agg(h1, srcp, dstp, zrows)
    h2 = _linear(h1, agg1, deg, W1[:_D], W1[_D:], b1.reshape(1, _D), True)
    (agg2,) = _sc_agg(h2, srcp, dstp, zrows)
    return _linear(h2, agg2, deg, W2[:_D], W2[_D:], b2.reshape(1, _D), False)

# --- scband reference (transcript-rebuilt; emitter-appended) ---
"""Pipeline reference for scband-graph-sagenetwork-69758858822457 (READ-ONLY COPY).

The authoritative reference and input builder live on the scoring server;
editing this copy changes nothing except your own understanding.
"""

import jax, jax.numpy as jnp
import numpy as np

N = 10000
E = 320000
D = 128
H = 128
O = 128


def setup_inputs(seed: int = 0) -> dict:
    key = jax.random.key(seed)
    ks = jax.random.split(key, 8)
    node_states = jax.random.normal(ks[0], (N, D), dtype=jnp.float32)
    edge_index = jax.random.randint(ks[1], (2, E), 0, N)
    W0 = jax.random.normal(ks[2], (2 * D, H), dtype=jnp.float32) * 0.05
    b0 = jnp.zeros((H,), dtype=jnp.float32)
    W1 = jax.random.normal(ks[3], (2 * H, H), dtype=jnp.float32) * 0.05
    b1 = jnp.zeros((H,), dtype=jnp.float32)
    W2 = jax.random.normal(ks[4], (2 * H, O), dtype=jnp.float32) * 0.05
    b2 = jnp.zeros((O,), dtype=jnp.float32)
    return {"node_states": node_states, "edge_index": edge_index,
            "W0": W0, "b0": b0, "W1": W1, "b1": b1, "W2": W2, "b2": b2}


def _sage_layer(x, dst, src, W, b, relu):
    # adjacency row-normalized mean aggregation: D^{-1} A x, with reciprocal_no_nan semantics
    ones = jnp.ones((src.shape[0],), dtype=jnp.float32)
    deg = jax.ops.segment_sum(ones, dst, num_segments=N)
    agg = jax.ops.segment_sum(jnp.take(x, src, axis=0), dst, num_segments=N)
    deg_inv = jnp.where(deg > 0, 1.0 / jnp.where(deg > 0, deg, 1.0), 0.0)
    neigh = agg * deg_inv[:, None]
    h = jnp.concatenate([x, neigh], axis=1) @ W + b
    if relu:
        h = jnp.maximum(h, 0.0)
    return h


def reference(node_states, edge_index, W0, b0, W1, b1, W2, b2):
    dst = edge_index[0]
    src = edge_index[1]
    x = _sage_layer(node_states, dst, src, W0, b0, True)
    x = _sage_layer(x, dst, src, W1, b1, True)
    out = _sage_layer(x, dst, src, W2, b2, False)
    return out

if __name__ == "__main__":
    import jax
    _d = setup_inputs()
    print(jax.jit(kernel)(*tuple(_d.values())))

</pallas_src>

<mosaic_0001>
#map = affine_map<(d0, d1) -> (0, 0)>
#map1 = affine_map<(d0, d1) -> (0, 0, 0)>
module attributes {stable_mosaic.version = 14 : i64} {
  func.func @_sc_agg_body(%arg0: i32, %arg1: i32, %arg2: memref<10000x128xf32, #tpu.memory_space<hbm>>, %arg3: memref<5120x64xi32, #tpu.memory_space<hbm>>, %arg4: memref<5120x64xi32, #tpu.memory_space<hbm>>, %arg5: memref<624x128xf32, #tpu.memory_space<hbm>>, %arg6: memref<2x10000x128xf32, #tpu.memory_space<hbm>>, %arg7: memref<2x16x64xi32, #tpu.memory_space<vmem>>, %arg8: memref<2x16x64xi32, #tpu.memory_space<vmem>>, %arg9: memref<5x64x128xf32, #tpu.memory_space<vmem>>, %arg10: memref<5x!tpu.dma_semaphore, #tpu.memory_space<semaphore_mem>>, %arg11: memref<!tpu.dma_semaphore, #tpu.memory_space<semaphore_mem>>, %arg12: memref<10008x128xf32, #tpu.memory_space<vmem_shared>>) attributes {dimension_semantics = [#tpu.dimension_semantics<core_parallel>, #tpu.dimension_semantics<subcore_parallel>], iteration_bounds = array<i64: 2, 16>, scalar_prefetch = 0 : i64, scratch_operands = 6 : i64, tpu.core_type = #tpu.core_type<sc_vector_subcore>, window_params = [{transform_indices = #map}, {transform_indices = #map}, {transform_indices = #map}, {transform_indices = #map}, {transform_indices = #map1}]} {
    %mul3A = arith.constant 16 : i32
    %mul3A_0 = arith.muli %arg0, %mul3A : i32
    %add3A = arith.addi %mul3A_0, %arg1 : i32
    %mul3A_1 = arith.constant 160 : i32
    %mul3A_2 = arith.muli %add3A, %mul3A_1 : i32
    %mul3A_3 = arith.constant 624 : i32
    %mul3A_4 = arith.muli %arg1, %mul3A_3 : i32
    "tpu.region"() ({
      %run_scoped3A_116 = tpu.sem_alloc : memref<!tpu.dma_semaphore, #tpu.memory_space<semaphore_mem>>
      %dma_start3A_117 = arith.constant 0 : i32
      %dma_start3A_118 = tpu.memref_slice %arg12[%mul3A_4, %dma_start3A_117] : memref<10008x128xf32, #tpu.memory_space<vmem_shared>> -> memref<624x128xf32, #tpu.memory_space<vmem_shared>>
      tpu.enqueue_dma source(%arg5 : memref<624x128xf32, #tpu.memory_space<hbm>>) target(%dma_start3A_118 : memref<624x128xf32, #tpu.memory_space<vmem_shared>>) target_semaphore(%run_scoped3A_116 : memref<!tpu.dma_semaphore, #tpu.memory_space<semaphore_mem>>)
      %dma_wait3A_119 = arith.constant 0 : i32
      %dma_wait3A_120 = tpu.memref_slice %arg12[%mul3A_4, %dma_wait3A_119] : memref<10008x128xf32, #tpu.memory_space<vmem_shared>> -> memref<624x128xf32, #tpu.memory_space<vmem_shared>>
      tpu.wait_dma2 semaphore(%run_scoped3A_116 : memref<!tpu.dma_semaphore, #tpu.memory_space<semaphore_mem>>) src(%arg5 : memref<624x128xf32, #tpu.memory_space<hbm>>) dst(%dma_wait3A_120 : memref<624x128xf32, #tpu.memory_space<vmem_shared>>)
      tpu.yield
    }) : () -> ()
    %eq3A = arith.constant 15 : i32
    %eq3A_5 = arith.cmpi eq, %arg1, %eq3A : i32
    %convert_element_type3A = arith.extui %eq3A_5 : i1 to i32
    %cond3A = arith.constant 0 : i32
    %cond3A_6 = arith.cmpi ne, %convert_element_type3A, %cond3A : i32
    scf.if %cond3A_6 {
      "tpu.region"() ({
        %run_scoped3A_116 = tpu.sem_alloc : memref<!tpu.dma_semaphore, #tpu.memory_space<semaphore_mem>>
        %dma_start3A_117 = arith.constant 9984 : i32
        %dma_start3A_118 = arith.constant 0 : i32
        %dma_start3A_119 = tpu.memref_slice %arg12[%dma_start3A_117, %dma_start3A_118] : memref<10008x128xf32, #tpu.memory_space<vmem_shared>> -> memref<16x128xf32, #tpu.memory_space<vmem_shared>>
        %dma_start3A_120 = arith.constant 0 : i32
        %dma_start3A_121 = arith.constant 0 : i32
        %dma_start3A_122 = tpu.memref_slice %arg5[%dma_start3A_120, %dma_start3A_121] : memref<624x128xf32, #tpu.memory_space<hbm>> -> memref<16x128xf32, #tpu.memory_space<hbm>>
        tpu.enqueue_dma source(%dma_start3A_122 : memref<16x128xf32, #tpu.memory_space<hbm>>) target(%dma_start3A_119 : memref<16x128xf32, #tpu.memory_space<vmem_shared>>) target_semaphore(%run_scoped3A_116 : memref<!tpu.dma_semaphore, #tpu.memory_space<semaphore_mem>>)
        %dma_wait3A_123 = arith.constant 9984 : i32
        %dma_wait3A_124 = arith.constant 0 : i32
        %dma_wait3A_125 = tpu.memref_slice %arg12[%dma_wait3A_123, %dma_wait3A_124] : memref<10008x128xf32, #tpu.memory_space<vmem_shared>> -> memref<16x128xf32, #tpu.memory_space<vmem_shared>>
        %dma_wait3A_126 = arith.constant 0 : i32
        %dma_wait3A_127 = arith.constant 0 : i32
        %dma_wait3A_128 = tpu.memref_slice %arg5[%dma_wait3A_126, %dma_wait3A_127] : memref<624x128xf32, #tpu.memory_space<hbm>> -> memref<16x128xf32, #tpu.memory_space<hbm>>
        tpu.wait_dma2 semaphore(%run_scoped3A_116 : memref<!tpu.dma_semaphore, #tpu.memory_space<semaphore_mem>>) src(%dma_wait3A_128 : memref<16x128xf32, #tpu.memory_space<hbm>>) dst(%dma_wait3A_125 : memref<16x128xf32, #tpu.memory_space<vmem_shared>>)
        tpu.yield
      }) : () -> ()
    } else {
    }
    %barrier3A = arith.constant 0 : index
    tpu.barrier barrier_id(%barrier3A)
    %run_scoped3A = arith.constant 0 : i32
    "tpu.region"() ({
      %run_scoped3A_116 = tpu.sem_alloc : memref<!tpu.dma_semaphore, #tpu.memory_space<semaphore_mem>>
      %dma_start3A_117 = arith.constant 0 : i32
      %dma_start3A_118 = arith.constant 0 : i32
      %dma_start3A_119 = tpu.memref_slice %arg7[%run_scoped3A, %dma_start3A_117, %dma_start3A_118] : memref<2x16x64xi32, #tpu.memory_space<vmem>> -> memref<1x16x64xi32, #tpu.memory_space<vmem>>
      %dma_start3A_120 = tpu.memref_squeeze %dma_start3A_119 : memref<1x16x64xi32, #tpu.memory_space<vmem>> -> memref<16x64xi32, #tpu.memory_space<vmem>>
      %dma_start3A_121 = arith.constant 0 : i32
      %dma_start3A_122 = tpu.memref_slice %arg3[%mul3A_2, %dma_start3A_121] : memref<5120x64xi32, #tpu.memory_space<hbm>> -> memref<16x64xi32, #tpu.memory_space<hbm>>
      %dma_start3A_123 = arith.constant 0 : i32
      %dma_start3A_124 = arith.constant 0 : i32
      %dma_start3A_125 = tpu.memref_slice %arg7[%run_scoped3A, %dma_start3A_123, %dma_start3A_124] : memref<2x16x64xi32, #tpu.memory_space<vmem>> -> memref<1x16x64xi32, #tpu.memory_space<vmem>>
      %dma_start3A_126 = tpu.memref_squeeze %dma_start3A_125 : memref<1x16x64xi32, #tpu.memory_space<vmem>> -> memref<16x64xi32, #tpu.memory_space<vmem>>
      %dma_start3A_127 = arith.constant 0 : i32
      %dma_start3A_128 = tpu.memref_slice %arg3[%mul3A_2, %dma_start3A_127] : memref<5120x64xi32, #tpu.memory_space<hbm>> -> memref<16x64xi32, #tpu.memory_space<hbm>>
      tpu.enqueue_dma source(%dma_start3A_128 : memref<16x64xi32, #tpu.memory_space<hbm>>) target(%dma_start3A_126 : memref<16x64xi32, #tpu.memory_space<vmem>>) target_semaphore(%run_scoped3A_116 : memref<!tpu.dma_semaphore, #tpu.memory_space<semaphore_mem>>)
      %dma_wait3A_129 = arith.constant 0 : i32
      %dma_wait3A_130 = arith.constant 0 : i32
      %dma_wait3A_131 = tpu.memref_slice %arg7[%run_scoped3A, %dma_wait3A_129, %dma_wait3A_130] : memref<2x16x64xi32, #tpu.memory_space<vmem>> -> memref<1x16x64xi32, #tpu.memory_space<vmem>>
      %dma_wait3A_132 = tpu.memref_squeeze %dma_wait3A_131 : memref<1x16x64xi32, #tpu.memory_space<vmem>> -> memref<16x64xi32, #tpu.memory_space<vmem>>
      %dma_wait3A_133 = arith.constant 0 : i32
      %dma_wait3A_134 = tpu.memref_slice %arg3[%mul3A_2, %dma_wait3A_133] : memref<5120x64xi32, #tpu.memory_space<hbm>> -> memref<16x64xi32, #tpu.memory_space<hbm>>
      %dma_wait3A_135 = arith.constant 0 : i32
      %dma_wait3A_136 = arith.constant 0 : i32
      %dma_wait3A_137 = tpu.memref_slice %arg7[%run_scoped3A, %dma_wait3A_135, %dma_wait3A_136] : memref<2x16x64xi32, #tpu.memory_space<vmem>> -> memref<1x16x64xi32, #tpu.memory_space<vmem>>
      %dma_wait3A_138 = tpu.memref_squeeze %dma_wait3A_137 : memref<1x16x64xi32, #tpu.memory_space<vmem>> -> memref<16x64xi32, #tpu.memory_space<vmem>>
      %dma_wait3A_139 = arith.constant 0 : i32
      %dma_wait3A_140 = tpu.memref_slice %arg3[%mul3A_2, %dma_wait3A_139] : memref<5120x64xi32, #tpu.memory_space<hbm>> -> memref<16x64xi32, #tpu.memory_space<hbm>>
      tpu.wait_dma2 semaphore(%run_scoped3A_116 : memref<!tpu.dma_semaphore, #tpu.memory_space<semaphore_mem>>) src(%dma_wait3A_140 : memref<16x64xi32, #tpu.memory_space<hbm>>) dst(%dma_wait3A_138 : memref<16x64xi32, #tpu.memory_space<vmem>>)
      tpu.yield
    }) : () -> ()
    %run_scoped3A_7 = arith.constant 0 : i32
    "tpu.region"() ({
      %run_scoped3A_116 = tpu.sem_alloc : memref<!tpu.dma_semaphore, #tpu.memory_space<semaphore_mem>>
      %dma_start3A_117 = arith.constant 0 : i32
      %dma_start3A_118 = arith.constant 0 : i32
      %dma_start3A_119 = tpu.memref_slice %arg8[%run_scoped3A_7, %dma_start3A_117, %dma_start3A_118] : memref<2x16x64xi32, #tpu.memory_space<vmem>> -> memref<1x16x64xi32, #tpu.memory_space<vmem>>
      %dma_start3A_120 = tpu.memref_squeeze %dma_start3A_119 : memref<1x16x64xi32, #tpu.memory_space<vmem>> -> memref<16x64xi32, #tpu.memory_space<vmem>>
      %dma_start3A_121 = arith.constant 0 : i32
      %dma_start3A_122 = tpu.memref_slice %arg4[%mul3A_2, %dma_start3A_121] : memref<5120x64xi32, #tpu.memory_space<hbm>> -> memref<16x64xi32, #tpu.memory_space<hbm>>
      %dma_start3A_123 = arith.constant 0 : i32
      %dma_start3A_124 = arith.constant 0 : i32
      %dma_start3A_125 = tpu.memref_slice %arg8[%run_scoped3A_7, %dma_start3A_123, %dma_start3A_124] : memref<2x16x64xi32, #tpu.memory_space<vmem>> -> memref<1x16x64xi32, #tpu.memory_space<vmem>>
      %dma_start3A_126 = tpu.memref_squeeze %dma_start3A_125 : memref<1x16x64xi32, #tpu.memory_space<vmem>> -> memref<16x64xi32, #tpu.memory_space<vmem>>
      %dma_start3A_127 = arith.constant 0 : i32
      %dma_start3A_128 = tpu.memref_slice %arg4[%mul3A_2, %dma_start3A_127] : memref<5120x64xi32, #tpu.memory_space<hbm>> -> memref<16x64xi32, #tpu.memory_space<hbm>>
      tpu.enqueue_dma source(%dma_start3A_128 : memref<16x64xi32, #tpu.memory_space<hbm>>) target(%dma_start3A_126 : memref<16x64xi32, #tpu.memory_space<vmem>>) target_semaphore(%run_scoped3A_116 : memref<!tpu.dma_semaphore, #tpu.memory_space<semaphore_mem>>)
      %dma_wait3A_129 = arith.constant 0 : i32
      %dma_wait3A_130 = arith.constant 0 : i32
      %dma_wait3A_131 = tpu.memref_slice %arg8[%run_scoped3A_7, %dma_wait3A_129, %dma_wait3A_130] : memref<2x16x64xi32, #tpu.memory_space<vmem>> -> memref<1x16x64xi32, #tpu.memory_space<vmem>>
      %dma_wait3A_132 = tpu.memref_squeeze %dma_wait3A_131 : memref<1x16x64xi32, #tpu.memory_space<vmem>> -> memref<16x64xi32, #tpu.memory_space<vmem>>
      %dma_wait3A_133 = arith.constant 0 : i32
      %dma_wait3A_134 = tpu.memref_slice %arg4[%mul3A_2, %dma_wait3A_133] : memref<5120x64xi32, #tpu.memory_space<hbm>> -> memref<16x64xi32, #tpu.memory_space<hbm>>
      %dma_wait3A_135 = arith.constant 0 : i32
      %dma_wait3A_136 = arith.constant 0 : i32
      %dma_wait3A_137 = tpu.memref_slice %arg8[%run_scoped3A_7, %dma_wait3A_135, %dma_wait3A_136] : memref<2x16x64xi32, #tpu.memory_space<vmem>> -> memref<1x16x64xi32, #tpu.memory_space<vmem>>
      %dma_wait3A_138 = tpu.memref_squeeze %dma_wait3A_137 : memref<1x16x64xi32, #tpu.memory_space<vmem>> -> memref<16x64xi32, #tpu.memory_space<vmem>>
      %dma_wait3A_139 = arith.constant 0 : i32
      %dma_wait3A_140 = tpu.memref_slice %arg4[%mul3A_2, %dma_wait3A_139] : memref<5120x64xi32, #tpu.memory_space<hbm>> -> memref<16x64xi32, #tpu.memory_space<hbm>>
      tpu.wait_dma2 semaphore(%run_scoped3A_116 : memref<!tpu.dma_semaphore, #tpu.memory_space<semaphore_mem>>) src(%dma_wait3A_140 : memref<16x64xi32, #tpu.memory_space<hbm>>) dst(%dma_wait3A_138 : memref<16x64xi32, #tpu.memory_space<vmem>>)
      tpu.yield
    }) : () -> ()
    %dma_start3A = arith.constant 0 : i32
    %dma_start3A_8 = arith.constant 0 : i32
    %dma_start3A_9 = arith.constant 0 : i32
    %dma_start3A_10 = arith.constant 0 : i32
    %dma_start3A_11 = arith.constant 0 : i32
    %dma_start3A_12 = arith.constant 0 : i32
    %dma_start3A_13 = tpu.memref_slice %arg9[%dma_start3A_9, %dma_start3A_11, %dma_start3A_12] : memref<5x64x128xf32, #tpu.memory_space<vmem>> -> memref<1x64x128xf32, #tpu.memory_space<vmem>>
    %dma_start3A_14 = tpu.memref_squeeze %dma_start3A_13 : memref<1x64x128xf32, #tpu.memory_space<vmem>> -> memref<64x128xf32, #tpu.memory_space<vmem>>
    %dma_start3A_15 = arith.constant 0 : i32
    %dma_start3A_16 = arith.constant 0 : i32
    %dma_start3A_17 = tpu.memref_slice %arg7[%dma_start3A, %dma_start3A_15, %dma_start3A_16] : memref<2x16x64xi32, #tpu.memory_space<vmem>> -> memref<1x16x64xi32, #tpu.memory_space<vmem>>
    %dma_start3A_18 = tpu.memref_squeeze %dma_start3A_17 : memref<1x16x64xi32, #tpu.memory_space<vmem>> -> memref<16x64xi32, #tpu.memory_space<vmem>>
    %dma_start3A_19 = arith.constant 0 : i32
    %dma_start3A_20 = tpu.memref_slice %dma_start3A_18[%dma_start3A_8, %dma_start3A_19] : memref<16x64xi32, #tpu.memory_space<vmem>> -> memref<1x64xi32, #tpu.memory_space<vmem>>
    %dma_start3A_21 = tpu.memref_squeeze %dma_start3A_20 : memref<1x64xi32, #tpu.memory_space<vmem>> -> memref<64xi32, #tpu.memory_space<vmem>>
    %dma_start3A_22 = arith.constant 0 : i32
    %dma_start3A_23 = arith.constant 0 : i32
    %dma_start3A_24 = tpu.memref_slice %arg2[%dma_start3A_22, %dma_start3A_23] : memref<10000x128xf32, #tpu.memory_space<hbm>> -> memref<10000x128xf32, #tpu.memory_space<hbm>>
    %dma_start3A_25 = tpu.memref_slice %arg10[%dma_start3A_10] : memref<5x!tpu.dma_semaphore, #tpu.memory_space<semaphore_mem>> -> memref<1x!tpu.dma_semaphore, #tpu.memory_space<semaphore_mem>>
    %dma_start3A_26 = tpu.memref_squeeze %dma_start3A_25 : memref<1x!tpu.dma_semaphore, #tpu.memory_space<semaphore_mem>> -> memref<!tpu.dma_semaphore, #tpu.memory_space<semaphore_mem>>
    tpu.enqueue_indirect_dma source(%dma_start3A_24 : memref<10000x128xf32, #tpu.memory_space<hbm>>) target(%dma_start3A_14 : memref<64x128xf32, #tpu.memory_space<vmem>>) offsets(%dma_start3A_21 : memref<64xi32, #tpu.memory_space<vmem>>) semaphore(%dma_start3A_26 : memref<!tpu.dma_semaphore, #tpu.memory_space<semaphore_mem>>)
    %dma_start3A_27 = arith.constant 0 : i32
    %dma_start3A_28 = arith.constant 1 : i32
    %dma_start3A_29 = arith.constant 1 : i32
    %dma_start3A_30 = arith.constant 1 : i32
    %dma_start3A_31 = arith.constant 0 : i32
    %dma_start3A_32 = arith.constant 0 : i32
    %dma_start3A_33 = tpu.memref_slice %arg9[%dma_start3A_29, %dma_start3A_31, %dma_start3A_32] : memref<5x64x128xf32, #tpu.memory_space<vmem>> -> memref<1x64x128xf32, #tpu.memory_space<vmem>>
    %dma_start3A_34 = tpu.memref_squeeze %dma_start3A_33 : memref<1x64x128xf32, #tpu.memory_space<vmem>> -> memref<64x128xf32, #tpu.memory_space<vmem>>
    %dma_start3A_35 = arith.constant 0 : i32
    %dma_start3A_36 = arith.constant 0 : i32
    %dma_start3A_37 = tpu.memref_slice %arg7[%dma_start3A_27, %dma_start3A_35, %dma_start3A_36] : memref<2x16x64xi32, #tpu.memory_space<vmem>> -> memref<1x16x64xi32, #tpu.memory_space<vmem>>
    %dma_start3A_38 = tpu.memref_squeeze %dma_start3A_37 : memref<1x16x64xi32, #tpu.memory_space<vmem>> -> memref<16x64xi32, #tpu.memory_space<vmem>>
    %dma_start3A_39 = arith.constant 0 : i32
    %dma_start3A_40 = tpu.memref_slice %dma_start3A_38[%dma_start3A_28, %dma_start3A_39] : memref<16x64xi32, #tpu.memory_space<vmem>> -> memref<1x64xi32, #tpu.memory_space<vmem>>
    %dma_start3A_41 = tpu.memref_squeeze %dma_start3A_40 : memref<1x64xi32, #tpu.memory_space<vmem>> -> memref<64xi32, #tpu.memory_space<vmem>>
    %dma_start3A_42 = arith.constant 0 : i32
    %dma_start3A_43 = arith.constant 0 : i32
    %dma_start3A_44 = tpu.memref_slice %arg2[%dma_start3A_42, %dma_start3A_43] : memref<10000x128xf32, #tpu.memory_space<hbm>> -> memref<10000x128xf32, #tpu.memory_space<hbm>>
    %dma_start3A_45 = tpu.memref_slice %arg10[%dma_start3A_30] : memref<5x!tpu.dma_semaphore, #tpu.memory_space<semaphore_mem>> -> memref<1x!tpu.dma_semaphore, #tpu.memory_space<semaphore_mem>>
    %dma_start3A_46 = tpu.memref_squeeze %dma_start3A_45 : memref<1x!tpu.dma_semaphore, #tpu.memory_space<semaphore_mem>> -> memref<!tpu.dma_semaphore, #tpu.memory_space<semaphore_mem>>
    tpu.enqueue_indirect_dma source(%dma_start3A_44 : memref<10000x128xf32, #tpu.memory_space<hbm>>) target(%dma_start3A_34 : memref<64x128xf32, #tpu.memory_space<vmem>>) offsets(%dma_start3A_41 : memref<64xi32, #tpu.memory_space<vmem>>) semaphore(%dma_start3A_46 : memref<!tpu.dma_semaphore, #tpu.memory_space<semaphore_mem>>)
    %dma_start3A_47 = arith.constant 0 : i32
    %dma_start3A_48 = arith.constant 2 : i32
    %dma_start3A_49 = arith.constant 2 : i32
    %dma_start3A_50 = arith.constant 2 : i32
    %dma_start3A_51 = arith.constant 0 : i32
    %dma_start3A_52 = arith.constant 0 : i32
    %dma_start3A_53 = tpu.memref_slice %arg9[%dma_start3A_49, %dma_start3A_51, %dma_start3A_52] : memref<5x64x128xf32, #tpu.memory_space<vmem>> -> memref<1x64x128xf32, #tpu.memory_space<vmem>>
    %dma_start3A_54 = tpu.memref_squeeze %dma_start3A_53 : memref<1x64x128xf32, #tpu.memory_space<vmem>> -> memref<64x128xf32, #tpu.memory_space<vmem>>
    %dma_start3A_55 = arith.constant 0 : i32
    %dma_start3A_56 = arith.constant 0 : i32
    %dma_start3A_57 = tpu.memref_slice %arg7[%dma_start3A_47, %dma_start3A_55, %dma_start3A_56] : memref<2x16x64xi32, #tpu.memory_space<vmem>> -> memref<1x16x64xi32, #tpu.memory_space<vmem>>
    %dma_start3A_58 = tpu.memref_squeeze %dma_start3A_57 : memref<1x16x64xi32, #tpu.memory_space<vmem>> -> memref<16x64xi32, #tpu.memory_space<vmem>>
    %dma_start3A_59 = arith.constant 0 : i32
    %dma_start3A_60 = tpu.memref_slice %dma_start3A_58[%dma_start3A_48, %dma_start3A_59] : memref<16x64xi32, #tpu.memory_space<vmem>> -> memref<1x64xi32, #tpu.memory_space<vmem>>
    %dma_start3A_61 = tpu.memref_squeeze %dma_start3A_60 : memref<1x64xi32, #tpu.memory_space<vmem>> -> memref<64xi32, #tpu.memory_space<vmem>>
    %dma_start3A_62 = arith.constant 0 : i32
    %dma_start3A_63 = arith.constant 0 : i32
    %dma_start3A_64 = tpu.memref_slice %arg2[%dma_start3A_62, %dma_start3A_63] : memref<10000x128xf32, #tpu.memory_space<hbm>> -> memref<10000x128xf32, #tpu.memory_space<hbm>>
    %dma_start3A_65 = tpu.memref_slice %arg10[%dma_start3A_50] : memref<5x!tpu.dma_semaphore, #tpu.memory_space<semaphore_mem>> -> memref<1x!tpu.dma_semaphore, #tpu.memory_space<semaphore_mem>>
    %dma_start3A_66 = tpu.memref_squeeze %dma_start3A_65 : memref<1x!tpu.dma_semaphore, #tpu.memory_space<semaphore_mem>> -> memref<!tpu.dma_semaphore, #tpu.memory_space<semaphore_mem>>
    tpu.enqueue_indirect_dma source(%dma_start3A_64 : memref<10000x128xf32, #tpu.memory_space<hbm>>) target(%dma_start3A_54 : memref<64x128xf32, #tpu.memory_space<vmem>>) offsets(%dma_start3A_61 : memref<64xi32, #tpu.memory_space<vmem>>) semaphore(%dma_start3A_66 : memref<!tpu.dma_semaphore, #tpu.memory_space<semaphore_mem>>)
    %dma_start3A_67 = arith.constant 0 : i32
    %dma_start3A_68 = arith.constant 3 : i32
    %dma_start3A_69 = arith.constant 3 : i32
    %dma_start3A_70 = arith.constant 3 : i32
    %dma_start3A_71 = arith.constant 0 : i32
    %dma_start3A_72 = arith.constant 0 : i32
    %dma_start3A_73 = tpu.memref_slice %arg9[%dma_start3A_69, %dma_start3A_71, %dma_start3A_72] : memref<5x64x128xf32, #tpu.memory_space<vmem>> -> memref<1x64x128xf32, #tpu.memory_space<vmem>>
    %dma_start3A_74 = tpu.memref_squeeze %dma_start3A_73 : memref<1x64x128xf32, #tpu.memory_space<vmem>> -> memref<64x128xf32, #tpu.memory_space<vmem>>
    %dma_start3A_75 = arith.constant 0 : i32
    %dma_start3A_76 = arith.constant 0 : i32
    %dma_start3A_77 = tpu.memref_slice %arg7[%dma_start3A_67, %dma_start3A_75, %dma_start3A_76] : memref<2x16x64xi32, #tpu.memory_space<vmem>> -> memref<1x16x64xi32, #tpu.memory_space<vmem>>
    %dma_start3A_78 = tpu.memref_squeeze %dma_start3A_77 : memref<1x16x64xi32, #tpu.memory_space<vmem>> -> memref<16x64xi32, #tpu.memory_space<vmem>>
    %dma_start3A_79 = arith.constant 0 : i32
    %dma_start3A_80 = tpu.memref_slice %dma_start3A_78[%dma_start3A_68, %dma_start3A_79] : memref<16x64xi32, #tpu.memory_space<vmem>> -> memref<1x64xi32, #tpu.memory_space<vmem>>
    %dma_start3A_81 = tpu.memref_squeeze %dma_start3A_80 : memref<1x64xi32, #tpu.memory_space<vmem>> -> memref<64xi32, #tpu.memory_space<vmem>>
    %dma_start3A_82 = arith.constant 0 : i32
    %dma_start3A_83 = arith.constant 0 : i32
    %dma_start3A_84 = tpu.memref_slice %arg2[%dma_start3A_82, %dma_start3A_83] : memref<10000x128xf32, #tpu.memory_space<hbm>> -> memref<10000x128xf32, #tpu.memory_space<hbm>>
    %dma_start3A_85 = tpu.memref_slice %arg10[%dma_start3A_70] : memref<5x!tpu.dma_semaphore, #tpu.memory_space<semaphore_mem>> -> memref<1x!tpu.dma_semaphore, #tpu.memory_space<semaphore_mem>>
    %dma_start3A_86 = tpu.memref_squeeze %dma_start3A_85 : memref<1x!tpu.dma_semaphore, #tpu.memory_space<semaphore_mem>> -> memref<!tpu.dma_semaphore, #tpu.memory_space<semaphore_mem>>
    tpu.enqueue_indirect_dma source(%dma_start3A_84 : memref<10000x128xf32, #tpu.memory_space<hbm>>) target(%dma_start3A_74 : memref<64x128xf32, #tpu.memory_space<vmem>>) offsets(%dma_start3A_81 : memref<64xi32, #tpu.memory_space<vmem>>) semaphore(%dma_start3A_86 : memref<!tpu.dma_semaphore, #tpu.memory_space<semaphore_mem>>)
    %scan3A = arith.constant 0 : i32
    %scan3A_87 = arith.constant 0 : i32
    %scan3A_88 = arith.constant 160 : i32
    %scan3A_89 = arith.addi %scan3A_87, %scan3A_88 : i32
    %scan3A_90 = arith.constant 1 : i32
    scf.for %scan3A_116 = %scan3A_87 to %scan3A_89 step %scan3A_90  : i32 {
      %jit3A = arith.constant 5 : i32
      %eq3A_117 = arith.constant 0 : i32
      %eq3A_118 = arith.cmpi eq, %jit3A, %eq3A_117 : i32
      %jit3A_119 = arith.constant 1 : i32
      %select_n3A = arith.select %eq3A_118, %jit3A_119, %jit3A : i32
      %rem3A = arith.remsi %scan3A_116, %select_n3A : i32
      %ne3A = arith.constant 0 : i32
      %ne3A_120 = arith.cmpi ne, %rem3A, %ne3A : i32
      %lt3A = arith.constant 0 : i32
      %lt3A_121 = arith.cmpi slt, %rem3A, %lt3A : i32
      %lt3A_122 = arith.constant 0 : i32
      %lt3A_123 = arith.cmpi slt, %select_n3A, %lt3A_122 : i32
      %ne3A_124 = arith.xori %lt3A_121, %lt3A_123 : i1
      %and3A = arith.andi %ne3A_124, %ne3A_120 : i1
      %add3A_125 = arith.addi %rem3A, %select_n3A : i32
      %select_n3A_126 = arith.select %and3A, %add3A_125, %rem3A : i32
      %jit3A_127 = arith.constant 16 : i32
      %eq3A_128 = arith.constant 0 : i32
      %eq3A_129 = arith.cmpi eq, %jit3A_127, %eq3A_128 : i32
      %jit3A_130 = arith.constant 1 : i32
      %select_n3A_131 = arith.select %eq3A_129, %jit3A_130, %jit3A_127 : i32
      %rem3A_132 = arith.remsi %scan3A_116, %select_n3A_131 : i32
      %ne3A_133 = arith.constant 0 : i32
      %ne3A_134 = arith.cmpi ne, %rem3A_132, %ne3A_133 : i32
      %lt3A_135 = arith.constant 0 : i32
      %lt3A_136 = arith.cmpi slt, %rem3A_132, %lt3A_135 : i32
      %lt3A_137 = arith.constant 0 : i32
      %lt3A_138 = arith.cmpi slt, %select_n3A_131, %lt3A_137 : i32
      %ne3A_139 = arith.xori %lt3A_136, %lt3A_138 : i1
      %and3A_140 = arith.andi %ne3A_139, %ne3A_134 : i1
      %add3A_141 = arith.addi %rem3A_132, %select_n3A_131 : i32
      %select_n3A_142 = arith.select %and3A_140, %add3A_141, %rem3A_132 : i32
      %jit3A_143 = arith.constant 16 : i32
      %div3A = arith.divsi %scan3A_116, %jit3A_143 : i32
      %sign3A = arith.constant 0 : i32
      %sign3A_144 = arith.cmpi sgt, %scan3A_116, %sign3A : i32
      %sign3A_145 = arith.extui %sign3A_144 : i1 to i32
      %sign3A_146 = arith.constant 0 : i32
      %sign3A_147 = arith.cmpi slt, %scan3A_116, %sign3A_146 : i32
      %sign3A_148 = arith.extui %sign3A_147 : i1 to i32
      %sign3A_149 = arith.subi %sign3A_145, %sign3A_148 : i32
      %sign3A_150 = arith.constant 0 : i32
      %sign3A_151 = arith.cmpi sgt, %jit3A_143, %sign3A_150 : i32
      %sign3A_152 = arith.extui %sign3A_151 : i1 to i32
      %sign3A_153 = arith.constant 0 : i32
      %sign3A_154 = arith.cmpi slt, %jit3A_143, %sign3A_153 : i32
      %sign3A_155 = arith.extui %sign3A_154 : i1 to i32
      %sign3A_156 = arith.subi %sign3A_152, %sign3A_155 : i32
      %ne3A_157 = arith.cmpi ne, %sign3A_149, %sign3A_156 : i32
      %rem3A_158 = arith.remsi %scan3A_116, %jit3A_143 : i32
      %ne3A_159 = arith.constant 0 : i32
      %ne3A_160 = arith.cmpi ne, %rem3A_158, %ne3A_159 : i32
      %and3A_161 = arith.andi %ne3A_157, %ne3A_160 : i1
      %sub3A = arith.constant 1 : i32
      %sub3A_162 = arith.subi %div3A, %sub3A : i32
      %select_n3A_163 = arith.select %and3A_161, %sub3A_162, %div3A : i32
      %jit3A_164 = arith.constant 2 : i32
      %eq3A_165 = arith.constant 0 : i32
      %eq3A_166 = arith.cmpi eq, %jit3A_164, %eq3A_165 : i32
      %jit3A_167 = arith.constant 1 : i32
      %select_n3A_168 = arith.select %eq3A_166, %jit3A_167, %jit3A_164 : i32
      %rem3A_169 = arith.remsi %select_n3A_163, %select_n3A_168 : i32
      %ne3A_170 = arith.constant 0 : i32
      %ne3A_171 = arith.cmpi ne, %rem3A_169, %ne3A_170 : i32
      %lt3A_172 = arith.constant 0 : i32
      %lt3A_173 = arith.cmpi slt, %rem3A_169, %lt3A_172 : i32
      %lt3A_174 = arith.constant 0 : i32
      %lt3A_175 = arith.cmpi slt, %select_n3A_168, %lt3A_174 : i32
      %ne3A_176 = arith.xori %lt3A_173, %lt3A_175 : i1
      %and3A_177 = arith.andi %ne3A_176, %ne3A_171 : i1
      %add3A_178 = arith.addi %rem3A_169, %select_n3A_168 : i32
      %select_n3A_179 = arith.select %and3A_177, %add3A_178, %rem3A_169 : i32
      %dma_wait3A_180 = arith.constant 0 : i32
      %dma_wait3A_181 = arith.constant 0 : i32
      %dma_wait3A_182 = tpu.memref_slice %arg9[%select_n3A_126, %dma_wait3A_180, %dma_wait3A_181] : memref<5x64x128xf32, #tpu.memory_space<vmem>> -> memref<1x64x128xf32, #tpu.memory_space<vmem>>
      %dma_wait3A_183 = tpu.memref_squeeze %dma_wait3A_182 : memref<1x64x128xf32, #tpu.memory_space<vmem>> -> memref<64x128xf32, #tpu.memory_space<vmem>>
      %dma_wait3A_184 = arith.constant 0 : i32
      %dma_wait3A_185 = arith.constant 0 : i32
      %dma_wait3A_186 = tpu.memref_slice %arg7[%select_n3A_179, %dma_wait3A_184, %dma_wait3A_185] : memref<2x16x64xi32, #tpu.memory_space<vmem>> -> memref<1x16x64xi32, #tpu.memory_space<vmem>>
      %dma_wait3A_187 = tpu.memref_squeeze %dma_wait3A_186 : memref<1x16x64xi32, #tpu.memory_space<vmem>> -> memref<16x64xi32, #tpu.memory_space<vmem>>
      %dma_wait3A_188 = arith.constant 0 : i32
      %dma_wait3A_189 = tpu.memref_slice %dma_wait3A_187[%select_n3A_142, %dma_wait3A_188] : memref<16x64xi32, #tpu.memory_space<vmem>> -> memref<1x64xi32, #tpu.memory_space<vmem>>
      %dma_wait3A_190 = tpu.memref_squeeze %dma_wait3A_189 : memref<1x64xi32, #tpu.memory_space<vmem>> -> memref<64xi32, #tpu.memory_space<vmem>>
      %dma_wait3A_191 = arith.constant 0 : i32
      %dma_wait3A_192 = arith.constant 0 : i32
      %dma_wait3A_193 = tpu.memref_slice %arg2[%dma_wait3A_191, %dma_wait3A_192] : memref<10000x128xf32, #tpu.memory_space<hbm>> -> memref<10000x128xf32, #tpu.memory_space<hbm>>
      %dma_wait3A_194 = tpu.memref_slice %arg10[%select_n3A_126] : memref<5x!tpu.dma_semaphore, #tpu.memory_space<semaphore_mem>> -> memref<1x!tpu.dma_semaphore, #tpu.memory_space<semaphore_mem>>
      %dma_wait3A_195 = tpu.memref_squeeze %dma_wait3A_194 : memref<1x!tpu.dma_semaphore, #tpu.memory_space<semaphore_mem>> -> memref<!tpu.dma_semaphore, #tpu.memory_space<semaphore_mem>>
      tpu.wait_indirect_dma semaphore(%dma_wait3A_195 : memref<!tpu.dma_semaphore, #tpu.memory_space<semaphore_mem>>) src(%dma_wait3A_193 : memref<10000x128xf32, #tpu.memory_space<hbm>>) dst(%dma_wait3A_183 : memref<64x128xf32, #tpu.memory_space<vmem>>)
      %gt3A = arith.constant 0 : i32
      %gt3A_196 = arith.cmpi sgt, %scan3A_116, %gt3A : i32
      %convert_element_type3A_197 = arith.extui %gt3A_196 : i1 to i32
      %cond3A_198 = arith.constant 0 : i32
      %cond3A_199 = arith.cmpi ne, %convert_element_type3A_197, %cond3A_198 : i32
      scf.if %cond3A_199 {
        %sub3A_247 = arith.constant 1 : i32
        %sub3A_248 = arith.subi %scan3A_116, %sub3A_247 : i32
        %jit3A_249 = arith.constant 16 : i32
        %eq3A_250 = arith.constant 0 : i32
        %eq3A_251 = arith.cmpi eq, %jit3A_249, %eq3A_250 : i32
        %jit3A_252 = arith.constant 1 : i32
        %select_n3A_253 = arith.select %eq3A_251, %jit3A_252, %jit3A_249 : i32
        %rem3A_254 = arith.remsi %sub3A_248, %select_n3A_253 : i32
        %ne3A_255 = arith.constant 0 : i32
        %ne3A_256 = arith.cmpi ne, %rem3A_254, %ne3A_255 : i32
        %lt3A_257 = arith.constant 0 : i32
        %lt3A_258 = arith.cmpi slt, %rem3A_254, %lt3A_257 : i32
        %lt3A_259 = arith.constant 0 : i32
        %lt3A_260 = arith.cmpi slt, %select_n3A_253, %lt3A_259 : i32
        %ne3A_261 = arith.xori %lt3A_258, %lt3A_260 : i1
        %and3A_262 = arith.andi %ne3A_261, %ne3A_256 : i1
        %add3A_263 = arith.addi %rem3A_254, %select_n3A_253 : i32
        %select_n3A_264 = arith.select %and3A_262, %add3A_263, %rem3A_254 : i32
        %sub3A_265 = arith.constant 1 : i32
        %sub3A_266 = arith.subi %scan3A_116, %sub3A_265 : i32
        %jit3A_267 = arith.constant 16 : i32
        %div3A_268 = arith.divsi %sub3A_266, %jit3A_267 : i32
        %sign3A_269 = arith.constant 0 : i32
        %sign3A_270 = arith.cmpi sgt, %sub3A_266, %sign3A_269 : i32
        %sign3A_271 = arith.extui %sign3A_270 : i1 to i32
        %sign3A_272 = arith.constant 0 : i32
        %sign3A_273 = arith.cmpi slt, %sub3A_266, %sign3A_272 : i32
        %sign3A_274 = arith.extui %sign3A_273 : i1 to i32
        %sign3A_275 = arith.subi %sign3A_271, %sign3A_274 : i32
        %sign3A_276 = arith.constant 0 : i32
        %sign3A_277 = arith.cmpi sgt, %jit3A_267, %sign3A_276 : i32
        %sign3A_278 = arith.extui %sign3A_277 : i1 to i32
        %sign3A_279 = arith.constant 0 : i32
        %sign3A_280 = arith.cmpi slt, %jit3A_267, %sign3A_279 : i32
        %sign3A_281 = arith.extui %sign3A_280 : i1 to i32
        %sign3A_282 = arith.subi %sign3A_278, %sign3A_281 : i32
        %ne3A_283 = arith.cmpi ne, %sign3A_275, %sign3A_282 : i32
        %rem3A_284 = arith.remsi %sub3A_266, %jit3A_267 : i32
        %ne3A_285 = arith.constant 0 : i32
        %ne3A_286 = arith.cmpi ne, %rem3A_284, %ne3A_285 : i32
        %and3A_287 = arith.andi %ne3A_283, %ne3A_286 : i1
        %sub3A_288 = arith.constant 1 : i32
        %sub3A_289 = arith.subi %div3A_268, %sub3A_288 : i32
        %select_n3A_290 = arith.select %and3A_287, %sub3A_289, %div3A_268 : i32
        %jit3A_291 = arith.constant 2 : i32
        %eq3A_292 = arith.constant 0 : i32
        %eq3A_293 = arith.cmpi eq, %jit3A_291, %eq3A_292 : i32
        %jit3A_294 = arith.constant 1 : i32
        %select_n3A_295 = arith.select %eq3A_293, %jit3A_294, %jit3A_291 : i32
        %rem3A_296 = arith.remsi %select_n3A_290, %select_n3A_295 : i32
        %ne3A_297 = arith.constant 0 : i32
        %ne3A_298 = arith.cmpi ne, %rem3A_296, %ne3A_297 : i32
        %lt3A_299 = arith.constant 0 : i32
        %lt3A_300 = arith.cmpi slt, %rem3A_296, %lt3A_299 : i32
        %lt3A_301 = arith.constant 0 : i32
        %lt3A_302 = arith.cmpi slt, %select_n3A_295, %lt3A_301 : i32
        %ne3A_303 = arith.xori %lt3A_300, %lt3A_302 : i1
        %and3A_304 = arith.andi %ne3A_303, %ne3A_298 : i1
        %add3A_305 = arith.addi %rem3A_296, %select_n3A_295 : i32
        %select_n3A_306 = arith.select %and3A_304, %add3A_305, %rem3A_296 : i32
        %sub3A_307 = arith.constant 1 : i32
        %sub3A_308 = arith.subi %scan3A_116, %sub3A_307 : i32
        %jit3A_309 = arith.constant 5 : i32
        %eq3A_310 = arith.constant 0 : i32
        %eq3A_311 = arith.cmpi eq, %jit3A_309, %eq3A_310 : i32
        %jit3A_312 = arith.constant 1 : i32
        %select_n3A_313 = arith.select %eq3A_311, %jit3A_312, %jit3A_309 : i32
        %rem3A_314 = arith.remsi %sub3A_308, %select_n3A_313 : i32
        %ne3A_315 = arith.constant 0 : i32
        %ne3A_316 = arith.cmpi ne, %rem3A_314, %ne3A_315 : i32
        %lt3A_317 = arith.constant 0 : i32
        %lt3A_318 = arith.cmpi slt, %rem3A_314, %lt3A_317 : i32
        %lt3A_319 = arith.constant 0 : i32
        %lt3A_320 = arith.cmpi slt, %select_n3A_313, %lt3A_319 : i32
        %ne3A_321 = arith.xori %lt3A_318, %lt3A_320 : i1
        %and3A_322 = arith.andi %ne3A_321, %ne3A_316 : i1
        %add3A_323 = arith.addi %rem3A_314, %select_n3A_313 : i32
        %select_n3A_324 = arith.select %and3A_322, %add3A_323, %rem3A_314 : i32
        %dma_wait3A_325 = arith.constant 0 : i32
        %dma_wait3A_326 = arith.constant 0 : i32
        %dma_wait3A_327 = tpu.memref_slice %arg9[%select_n3A_324, %dma_wait3A_325, %dma_wait3A_326] : memref<5x64x128xf32, #tpu.memory_space<vmem>> -> memref<1x64x128xf32, #tpu.memory_space<vmem>>
        %dma_wait3A_328 = tpu.memref_squeeze %dma_wait3A_327 : memref<1x64x128xf32, #tpu.memory_space<vmem>> -> memref<64x128xf32, #tpu.memory_space<vmem>>
        %dma_wait3A_329 = arith.constant 0 : i32
        %dma_wait3A_330 = arith.constant 0 : i32
        %dma_wait3A_331 = tpu.memref_slice %arg8[%select_n3A_306, %dma_wait3A_329, %dma_wait3A_330] : memref<2x16x64xi32, #tpu.memory_space<vmem>> -> memref<1x16x64xi32, #tpu.memory_space<vmem>>
        %dma_wait3A_332 = tpu.memref_squeeze %dma_wait3A_331 : memref<1x16x64xi32, #tpu.memory_space<vmem>> -> memref<16x64xi32, #tpu.memory_space<vmem>>
        %dma_wait3A_333 = arith.constant 0 : i32
        %dma_wait3A_334 = tpu.memref_slice %dma_wait3A_332[%select_n3A_264, %dma_wait3A_333] : memref<16x64xi32, #tpu.memory_space<vmem>> -> memref<1x64xi32, #tpu.memory_space<vmem>>
        %dma_wait3A_335 = tpu.memref_squeeze %dma_wait3A_334 : memref<1x64xi32, #tpu.memory_space<vmem>> -> memref<64xi32, #tpu.memory_space<vmem>>
        %dma_wait3A_336 = arith.constant 0 : i32
        %dma_wait3A_337 = arith.constant 0 : i32
        %dma_wait3A_338 = tpu.memref_slice %arg12[%dma_wait3A_336, %dma_wait3A_337] : memref<10008x128xf32, #tpu.memory_space<vmem_shared>> -> memref<10008x128xf32, #tpu.memory_space<vmem_shared>>
        tpu.wait_indirect_dma semaphore(%arg11 : memref<!tpu.dma_semaphore, #tpu.memory_space<semaphore_mem>>) src(%dma_wait3A_328 : memref<64x128xf32, #tpu.memory_space<vmem>>) dst(%dma_wait3A_338 : memref<10008x128xf32, #tpu.memory_space<vmem_shared>>)
      } else {
      }
      %add3A_200 = arith.constant 5 : i32
      %add3A_201 = arith.addi %scan3A_116, %add3A_200 : i32
      %sub3A_202 = arith.constant 1 : i32
      %sub3A_203 = arith.subi %add3A_201, %sub3A_202 : i32
      %jit3A_204 = arith.constant 16 : i32
      %eq3A_205 = arith.constant 0 : i32
      %eq3A_206 = arith.cmpi eq, %jit3A_204, %eq3A_205 : i32
      %jit3A_207 = arith.constant 1 : i32
      %select_n3A_208 = arith.select %eq3A_206, %jit3A_207, %jit3A_204 : i32
      %rem3A_209 = arith.remsi %sub3A_203, %select_n3A_208 : i32
      %ne3A_210 = arith.constant 0 : i32
      %ne3A_211 = arith.cmpi ne, %rem3A_209, %ne3A_210 : i32
      %lt3A_212 = arith.constant 0 : i32
      %lt3A_213 = arith.cmpi slt, %rem3A_209, %lt3A_212 : i32
      %lt3A_214 = arith.constant 0 : i32
      %lt3A_215 = arith.cmpi slt, %select_n3A_208, %lt3A_214 : i32
      %ne3A_216 = arith.xori %lt3A_213, %lt3A_215 : i1
      %and3A_217 = arith.andi %ne3A_216, %ne3A_211 : i1
      %add3A_218 = arith.addi %rem3A_209, %select_n3A_208 : i32
      %select_n3A_219 = arith.select %and3A_217, %add3A_218, %rem3A_209 : i32
      %eq3A_220 = arith.constant 0 : i32
      %eq3A_221 = arith.cmpi eq, %select_n3A_219, %eq3A_220 : i32
      %lt3A_222 = arith.constant 160 : i32
      %lt3A_223 = arith.cmpi slt, %sub3A_203, %lt3A_222 : i32
      %and3A_224 = arith.andi %eq3A_221, %lt3A_223 : i1
      %convert_element_type3A_225 = arith.extui %and3A_224 : i1 to i32
      %cond3A_226 = arith.constant 0 : i32
      %cond3A_227 = arith.cmpi ne, %convert_element_type3A_225, %cond3A_226 : i32
      scf.if %cond3A_227 {
        %add3A_247 = arith.addi %mul3A_2, %sub3A_203 : i32
        %multiple_of3A = tpu.assume_multiple %add3A_247, 16 : i32
        %jit3A_248 = arith.constant 16 : i32
        %div3A_249 = arith.divsi %sub3A_203, %jit3A_248 : i32
        %sign3A_250 = arith.constant 0 : i32
        %sign3A_251 = arith.cmpi sgt, %sub3A_203, %sign3A_250 : i32
        %sign3A_252 = arith.extui %sign3A_251 : i1 to i32
        %sign3A_253 = arith.constant 0 : i32
        %sign3A_254 = arith.cmpi slt, %sub3A_203, %sign3A_253 : i32
        %sign3A_255 = arith.extui %sign3A_254 : i1 to i32
        %sign3A_256 = arith.subi %sign3A_252, %sign3A_255 : i32
        %sign3A_257 = arith.constant 0 : i32
        %sign3A_258 = arith.cmpi sgt, %jit3A_248, %sign3A_257 : i32
        %sign3A_259 = arith.extui %sign3A_258 : i1 to i32
        %sign3A_260 = arith.constant 0 : i32
        %sign3A_261 = arith.cmpi slt, %jit3A_248, %sign3A_260 : i32
        %sign3A_262 = arith.extui %sign3A_261 : i1 to i32
        %sign3A_263 = arith.subi %sign3A_259, %sign3A_262 : i32
        %ne3A_264 = arith.cmpi ne, %sign3A_256, %sign3A_263 : i32
        %rem3A_265 = arith.remsi %sub3A_203, %jit3A_248 : i32
        %ne3A_266 = arith.constant 0 : i32
        %ne3A_267 = arith.cmpi ne, %rem3A_265, %ne3A_266 : i32
        %and3A_268 = arith.andi %ne3A_264, %ne3A_267 : i1
        %sub3A_269 = arith.constant 1 : i32
        %sub3A_270 = arith.subi %div3A_249, %sub3A_269 : i32
        %select_n3A_271 = arith.select %and3A_268, %sub3A_270, %div3A_249 : i32
        %jit3A_272 = arith.constant 2 : i32
        %eq3A_273 = arith.constant 0 : i32
        %eq3A_274 = arith.cmpi eq, %jit3A_272, %eq3A_273 : i32
        %jit3A_275 = arith.constant 1 : i32
        %select_n3A_276 = arith.select %eq3A_274, %jit3A_275, %jit3A_272 : i32
        %rem3A_277 = arith.remsi %select_n3A_271, %select_n3A_276 : i32
        %ne3A_278 = arith.constant 0 : i32
        %ne3A_279 = arith.cmpi ne, %rem3A_277, %ne3A_278 : i32
        %lt3A_280 = arith.constant 0 : i32
        %lt3A_281 = arith.cmpi slt, %rem3A_277, %lt3A_280 : i32
        %lt3A_282 = arith.constant 0 : i32
        %lt3A_283 = arith.cmpi slt, %select_n3A_276, %lt3A_282 : i32
        %ne3A_284 = arith.xori %lt3A_281, %lt3A_283 : i1
        %and3A_285 = arith.andi %ne3A_284, %ne3A_279 : i1
        %add3A_286 = arith.addi %rem3A_277, %select_n3A_276 : i32
        %select_n3A_287 = arith.select %and3A_285, %add3A_286, %rem3A_277 : i32
        "tpu.region"() ({
          %run_scoped3A_288 = tpu.sem_alloc : memref<!tpu.dma_semaphore, #tpu.memory_space<semaphore_mem>>
          %dma_start3A_289 = arith.constant 0 : i32
          %dma_start3A_290 = arith.constant 0 : i32
          %dma_start3A_291 = tpu.memref_slice %arg7[%select_n3A_287, %dma_start3A_289, %dma_start3A_290] : memref<2x16x64xi32, #tpu.memory_space<vmem>> -> memref<1x16x64xi32, #tpu.memory_space<vmem>>
          %dma_start3A_292 = tpu.memref_squeeze %dma_start3A_291 : memref<1x16x64xi32, #tpu.memory_space<vmem>> -> memref<16x64xi32, #tpu.memory_space<vmem>>
          %dma_start3A_293 = arith.constant 0 : i32
          %dma_start3A_294 = tpu.memref_slice %arg3[%multiple_of3A, %dma_start3A_293] : memref<5120x64xi32, #tpu.memory_space<hbm>> -> memref<16x64xi32, #tpu.memory_space<hbm>>
          %dma_start3A_295 = arith.constant 0 : i32
          %dma_start3A_296 = arith.constant 0 : i32
          %dma_start3A_297 = tpu.memref_slice %arg7[%select_n3A_287, %dma_start3A_295, %dma_start3A_296] : memref<2x16x64xi32, #tpu.memory_space<vmem>> -> memref<1x16x64xi32, #tpu.memory_space<vmem>>
          %dma_start3A_298 = tpu.memref_squeeze %dma_start3A_297 : memref<1x16x64xi32, #tpu.memory_space<vmem>> -> memref<16x64xi32, #tpu.memory_space<vmem>>
          %dma_start3A_299 = arith.constant 0 : i32
          %dma_start3A_300 = tpu.memref_slice %arg3[%multiple_of3A, %dma_start3A_299] : memref<5120x64xi32, #tpu.memory_space<hbm>> -> memref<16x64xi32, #tpu.memory_space<hbm>>
          tpu.enqueue_dma source(%dma_start3A_300 : memref<16x64xi32, #tpu.memory_space<hbm>>) target(%dma_start3A_298 : memref<16x64xi32, #tpu.memory_space<vmem>>) target_semaphore(%run_scoped3A_288 : memref<!tpu.dma_semaphore, #tpu.memory_space<semaphore_mem>>)
          %dma_wait3A_301 = arith.constant 0 : i32
          %dma_wait3A_302 = arith.constant 0 : i32
          %dma_wait3A_303 = tpu.memref_slice %arg7[%select_n3A_287, %dma_wait3A_301, %dma_wait3A_302] : memref<2x16x64xi32, #tpu.memory_space<vmem>> -> memref<1x16x64xi32, #tpu.memory_space<vmem>>
          %dma_wait3A_304 = tpu.memref_squeeze %dma_wait3A_303 : memref<1x16x64xi32, #tpu.memory_space<vmem>> -> memref<16x64xi32, #tpu.memory_space<vmem>>
          %dma_wait3A_305 = arith.constant 0 : i32
          %dma_wait3A_306 = tpu.memref_slice %arg3[%multiple_of3A, %dma_wait3A_305] : memref<5120x64xi32, #tpu.memory_space<hbm>> -> memref<16x64xi32, #tpu.memory_space<hbm>>
          %dma_wait3A_307 = arith.constant 0 : i32
          %dma_wait3A_308 = arith.constant 0 : i32
          %dma_wait3A_309 = tpu.memref_slice %arg7[%select_n3A_287, %dma_wait3A_307, %dma_wait3A_308] : memref<2x16x64xi32, #tpu.memory_space<vmem>> -> memref<1x16x64xi32, #tpu.memory_space<vmem>>
          %dma_wait3A_310 = tpu.memref_squeeze %dma_wait3A_309 : memref<1x16x64xi32, #tpu.memory_space<vmem>> -> memref<16x64xi32, #tpu.memory_space<vmem>>
          %dma_wait3A_311 = arith.constant 0 : i32
          %dma_wait3A_312 = tpu.memref_slice %arg3[%multiple_of3A, %dma_wait3A_311] : memref<5120x64xi32, #tpu.memory_space<hbm>> -> memref<16x64xi32, #tpu.memory_space<hbm>>
          tpu.wait_dma2 semaphore(%run_scoped3A_288 : memref<!tpu.dma_semaphore, #tpu.memory_space<semaphore_mem>>) src(%dma_wait3A_312 : memref<16x64xi32, #tpu.memory_space<hbm>>) dst(%dma_wait3A_310 : memref<16x64xi32, #tpu.memory_space<vmem>>)
          tpu.yield
        }) : () -> ()
        "tpu.region"() ({
          %run_scoped3A_288 = tpu.sem_alloc : memref<!tpu.dma_semaphore, #tpu.memory_space<semaphore_mem>>
          %dma_start3A_289 = arith.constant 0 : i32
          %dma_start3A_290 = arith.constant 0 : i32
          %dma_start3A_291 = tpu.memref_slice %arg8[%select_n3A_287, %dma_start3A_289, %dma_start3A_290] : memref<2x16x64xi32, #tpu.memory_space<vmem>> -> memref<1x16x64xi32, #tpu.memory_space<vmem>>
          %dma_start3A_292 = tpu.memref_squeeze %dma_start3A_291 : memref<1x16x64xi32, #tpu.memory_space<vmem>> -> memref<16x64xi32, #tpu.memory_space<vmem>>
          %dma_start3A_293 = arith.constant 0 : i32
          %dma_start3A_294 = tpu.memref_slice %arg4[%multiple_of3A, %dma_start3A_293] : memref<5120x64xi32, #tpu.memory_space<hbm>> -> memref<16x64xi32, #tpu.memory_space<hbm>>
          %dma_start3A_295 = arith.constant 0 : i32
          %dma_start3A_296 = arith.constant 0 : i32
          %dma_start3A_297 = tpu.memref_slice %arg8[%select_n3A_287, %dma_start3A_295, %dma_start3A_296] : memref<2x16x64xi32, #tpu.memory_space<vmem>> -> memref<1x16x64xi32, #tpu.memory_space<vmem>>
          %dma_start3A_298 = tpu.memref_squeeze %dma_start3A_297 : memref<1x16x64xi32, #tpu.memory_space<vmem>> -> memref<16x64xi32, #tpu.memory_space<vmem>>
          %dma_start3A_299 = arith.constant 0 : i32
          %dma_start3A_300 = tpu.memref_slice %arg4[%multiple_of3A, %dma_start3A_299] : memref<5120x64xi32, #tpu.memory_space<hbm>> -> memref<16x64xi32, #tpu.memory_space<hbm>>
          tpu.enqueue_dma source(%dma_start3A_300 : memref<16x64xi32, #tpu.memory_space<hbm>>) target(%dma_start3A_298 : memref<16x64xi32, #tpu.memory_space<vmem>>) target_semaphore(%run_scoped3A_288 : memref<!tpu.dma_semaphore, #tpu.memory_space<semaphore_mem>>)
          %dma_wait3A_301 = arith.constant 0 : i32
          %dma_wait3A_302 = arith.constant 0 : i32
          %dma_wait3A_303 = tpu.memref_slice %arg8[%select_n3A_287, %dma_wait3A_301, %dma_wait3A_302] : memref<2x16x64xi32, #tpu.memory_space<vmem>> -> memref<1x16x64xi32, #tpu.memory_space<vmem>>
          %dma_wait3A_304 = tpu.memref_squeeze %dma_wait3A_303 : memref<1x16x64xi32, #tpu.memory_space<vmem>> -> memref<16x64xi32, #tpu.memory_space<vmem>>
          %dma_wait3A_305 = arith.constant 0 : i32
          %dma_wait3A_306 = tpu.memref_slice %arg4[%multiple_of3A, %dma_wait3A_305] : memref<5120x64xi32, #tpu.memory_space<hbm>> -> memref<16x64xi32, #tpu.memory_space<hbm>>
          %dma_wait3A_307 = arith.constant 0 : i32
          %dma_wait3A_308 = arith.constant 0 : i32
          %dma_wait3A_309 = tpu.memref_slice %arg8[%select_n3A_287, %dma_wait3A_307, %dma_wait3A_308] : memref<2x16x64xi32, #tpu.memory_space<vmem>> -> memref<1x16x64xi32, #tpu.memory_space<vmem>>
          %dma_wait3A_310 = tpu.memref_squeeze %dma_wait3A_309 : memref<1x16x64xi32, #tpu.memory_space<vmem>> -> memref<16x64xi32, #tpu.memory_space<vmem>>
          %dma_wait3A_311 = arith.constant 0 : i32
          %dma_wait3A_312 = tpu.memref_slice %arg4[%multiple_of3A, %dma_wait3A_311] : memref<5120x64xi32, #tpu.memory_space<hbm>> -> memref<16x64xi32, #tpu.memory_space<hbm>>
          tpu.wait_dma2 semaphore(%run_scoped3A_288 : memref<!tpu.dma_semaphore, #tpu.memory_space<semaphore_mem>>) src(%dma_wait3A_312 : memref<16x64xi32, #tpu.memory_space<hbm>>) dst(%dma_wait3A_310 : memref<16x64xi32, #tpu.memory_space<vmem>>)
          tpu.yield
        }) : () -> ()
      } else {
      }
      %lt3A_228 = arith.constant 160 : i32
      %lt3A_229 = arith.cmpi slt, %sub3A_203, %lt3A_228 : i32
      %convert_element_type3A_230 = arith.extui %lt3A_229 : i1 to i32
      %cond3A_231 = arith.constant 0 : i32
      %cond3A_232 = arith.cmpi ne, %convert_element_type3A_230, %cond3A_231 : i32
      scf.if %cond3A_232 {
        %jit3A_247 = arith.constant 16 : i32
        %eq3A_248 = arith.constant 0 : i32
        %eq3A_249 = arith.cmpi eq, %jit3A_247, %eq3A_248 : i32
        %jit3A_250 = arith.constant 1 : i32
        %select_n3A_251 = arith.select %eq3A_249, %jit3A_250, %jit3A_247 : i32
        %rem3A_252 = arith.remsi %sub3A_203, %select_n3A_251 : i32
        %ne3A_253 = arith.constant 0 : i32
        %ne3A_254 = arith.cmpi ne, %rem3A_252, %ne3A_253 : i32
        %lt3A_255 = arith.constant 0 : i32
        %lt3A_256 = arith.cmpi slt, %rem3A_252, %lt3A_255 : i32
        %lt3A_257 = arith.constant 0 : i32
        %lt3A_258 = arith.cmpi slt, %select_n3A_251, %lt3A_257 : i32
        %ne3A_259 = arith.xori %lt3A_256, %lt3A_258 : i1
        %and3A_260 = arith.andi %ne3A_259, %ne3A_254 : i1
        %add3A_261 = arith.addi %rem3A_252, %select_n3A_251 : i32
        %select_n3A_262 = arith.select %and3A_260, %add3A_261, %rem3A_252 : i32
        %jit3A_263 = arith.constant 16 : i32
        %div3A_264 = arith.divsi %sub3A_203, %jit3A_263 : i32
        %sign3A_265 = arith.constant 0 : i32
        %sign3A_266 = arith.cmpi sgt, %sub3A_203, %sign3A_265 : i32
        %sign3A_267 = arith.extui %sign3A_266 : i1 to i32
        %sign3A_268 = arith.constant 0 : i32
        %sign3A_269 = arith.cmpi slt, %sub3A_203, %sign3A_268 : i32
        %sign3A_270 = arith.extui %sign3A_269 : i1 to i32
        %sign3A_271 = arith.subi %sign3A_267, %sign3A_270 : i32
        %sign3A_272 = arith.constant 0 : i32
        %sign3A_273 = arith.cmpi sgt, %jit3A_263, %sign3A_272 : i32
        %sign3A_274 = arith.extui %sign3A_273 : i1 to i32
        %sign3A_275 = arith.constant 0 : i32
        %sign3A_276 = arith.cmpi slt, %jit3A_263, %sign3A_275 : i32
        %sign3A_277 = arith.extui %sign3A_276 : i1 to i32
        %sign3A_278 = arith.subi %sign3A_274, %sign3A_277 : i32
        %ne3A_279 = arith.cmpi ne, %sign3A_271, %sign3A_278 : i32
        %rem3A_280 = arith.remsi %sub3A_203, %jit3A_263 : i32
        %ne3A_281 = arith.constant 0 : i32
        %ne3A_282 = arith.cmpi ne, %rem3A_280, %ne3A_281 : i32
        %and3A_283 = arith.andi %ne3A_279, %ne3A_282 : i1
        %sub3A_284 = arith.constant 1 : i32
        %sub3A_285 = arith.subi %div3A_264, %sub3A_284 : i32
        %select_n3A_286 = arith.select %and3A_283, %sub3A_285, %div3A_264 : i32
        %jit3A_287 = arith.constant 2 : i32
        %eq3A_288 = arith.constant 0 : i32
        %eq3A_289 = arith.cmpi eq, %jit3A_287, %eq3A_288 : i32
        %jit3A_290 = arith.constant 1 : i32
        %select_n3A_291 = arith.select %eq3A_289, %jit3A_290, %jit3A_287 : i32
        %rem3A_292 = arith.remsi %select_n3A_286, %select_n3A_291 : i32
        %ne3A_293 = arith.constant 0 : i32
        %ne3A_294 = arith.cmpi ne, %rem3A_292, %ne3A_293 : i32
        %lt3A_295 = arith.constant 0 : i32
        %lt3A_296 = arith.cmpi slt, %rem3A_292, %lt3A_295 : i32
        %lt3A_297 = arith.constant 0 : i32
        %lt3A_298 = arith.cmpi slt, %select_n3A_291, %lt3A_297 : i32
        %ne3A_299 = arith.xori %lt3A_296, %lt3A_298 : i1
        %and3A_300 = arith.andi %ne3A_299, %ne3A_294 : i1
        %add3A_301 = arith.addi %rem3A_292, %select_n3A_291 : i32
        %select_n3A_302 = arith.select %and3A_300, %add3A_301, %rem3A_292 : i32
        %jit3A_303 = arith.constant 5 : i32
        %eq3A_304 = arith.constant 0 : i32
        %eq3A_305 = arith.cmpi eq, %jit3A_303, %eq3A_304 : i32
        %jit3A_306 = arith.constant 1 : i32
        %select_n3A_307 = arith.select %eq3A_305, %jit3A_306, %jit3A_303 : i32
        %rem3A_308 = arith.remsi %sub3A_203, %select_n3A_307 : i32
        %ne3A_309 = arith.constant 0 : i32
        %ne3A_310 = arith.cmpi ne, %rem3A_308, %ne3A_309 : i32
        %lt3A_311 = arith.constant 0 : i32
        %lt3A_312 = arith.cmpi slt, %rem3A_308, %lt3A_311 : i32
        %lt3A_313 = arith.constant 0 : i32
        %lt3A_314 = arith.cmpi slt, %select_n3A_307, %lt3A_313 : i32
        %ne3A_315 = arith.xori %lt3A_312, %lt3A_314 : i1
        %and3A_316 = arith.andi %ne3A_315, %ne3A_310 : i1
        %add3A_317 = arith.addi %rem3A_308, %select_n3A_307 : i32
        %select_n3A_318 = arith.select %and3A_316, %add3A_317, %rem3A_308 : i32
        %jit3A_319 = arith.constant 5 : i32
        %eq3A_320 = arith.constant 0 : i32
        %eq3A_321 = arith.cmpi eq, %jit3A_319, %eq3A_320 : i32
        %jit3A_322 = arith.constant 1 : i32
        %select_n3A_323 = arith.select %eq3A_321, %jit3A_322, %jit3A_319 : i32
        %rem3A_324 = arith.remsi %sub3A_203, %select_n3A_323 : i32
        %ne3A_325 = arith.constant 0 : i32
        %ne3A_326 = arith.cmpi ne, %rem3A_324, %ne3A_325 : i32
        %lt3A_327 = arith.constant 0 : i32
        %lt3A_328 = arith.cmpi slt, %rem3A_324, %lt3A_327 : i32
        %lt3A_329 = arith.constant 0 : i32
        %lt3A_330 = arith.cmpi slt, %select_n3A_323, %lt3A_329 : i32
        %ne3A_331 = arith.xori %lt3A_328, %lt3A_330 : i1
        %and3A_332 = arith.andi %ne3A_331, %ne3A_326 : i1
        %add3A_333 = arith.addi %rem3A_324, %select_n3A_323 : i32
        %select_n3A_334 = arith.select %and3A_332, %add3A_333, %rem3A_324 : i32
        %dma_start3A_335 = arith.constant 0 : i32
        %dma_start3A_336 = arith.constant 0 : i32
        %dma_start3A_337 = tpu.memref_slice %arg9[%select_n3A_318, %dma_start3A_335, %dma_start3A_336] : memref<5x64x128xf32, #tpu.memory_space<vmem>> -> memref<1x64x128xf32, #tpu.memory_space<vmem>>
        %dma_start3A_338 = tpu.memref_squeeze %dma_start3A_337 : memref<1x64x128xf32, #tpu.memory_space<vmem>> -> memref<64x128xf32, #tpu.memory_space<vmem>>
        %dma_start3A_339 = arith.constant 0 : i32
        %dma_start3A_340 = arith.constant 0 : i32
        %dma_start3A_341 = tpu.memref_slice %arg7[%select_n3A_302, %dma_start3A_339, %dma_start3A_340] : memref<2x16x64xi32, #tpu.memory_space<vmem>> -> memref<1x16x64xi32, #tpu.memory_space<vmem>>
        %dma_start3A_342 = tpu.memref_squeeze %dma_start3A_341 : memref<1x16x64xi32, #tpu.memory_space<vmem>> -> memref<16x64xi32, #tpu.memory_space<vmem>>
        %dma_start3A_343 = arith.constant 0 : i32
        %dma_start3A_344 = tpu.memref_slice %dma_start3A_342[%select_n3A_262, %dma_start3A_343] : memref<16x64xi32, #tpu.memory_space<vmem>> -> memref<1x64xi32, #tpu.memory_space<vmem>>
        %dma_start3A_345 = tpu.memref_squeeze %dma_start3A_344 : memref<1x64xi32, #tpu.memory_space<vmem>> -> memref<64xi32, #tpu.memory_space<vmem>>
        %dma_start3A_346 = arith.constant 0 : i32
        %dma_start3A_347 = arith.constant 0 : i32
        %dma_start3A_348 = tpu.memref_slice %arg2[%dma_start3A_346, %dma_start3A_347] : memref<10000x128xf32, #tpu.memory_space<hbm>> -> memref<10000x128xf32, #tpu.memory_space<hbm>>
        %dma_start3A_349 = tpu.memref_slice %arg10[%select_n3A_334] : memref<5x!tpu.dma_semaphore, #tpu.memory_space<semaphore_mem>> -> memref<1x!tpu.dma_semaphore, #tpu.memory_space<semaphore_mem>>
        %dma_start3A_350 = tpu.memref_squeeze %dma_start3A_349 : memref<1x!tpu.dma_semaphore, #tpu.memory_space<semaphore_mem>> -> memref<!tpu.dma_semaphore, #tpu.memory_space<semaphore_mem>>
        tpu.enqueue_indirect_dma source(%dma_start3A_348 : memref<10000x128xf32, #tpu.memory_space<hbm>>) target(%dma_start3A_338 : memref<64x128xf32, #tpu.memory_space<vmem>>) offsets(%dma_start3A_345 : memref<64xi32, #tpu.memory_space<vmem>>) semaphore(%dma_start3A_350 : memref<!tpu.dma_semaphore, #tpu.memory_space<semaphore_mem>>)
      } else {
      }
      %dma_start3A_233 = arith.constant 0 : i32
      %dma_start3A_234 = arith.constant 0 : i32
      %dma_start3A_235 = tpu.memref_slice %arg9[%select_n3A_126, %dma_start3A_233, %dma_start3A_234] : memref<5x64x128xf32, #tpu.memory_space<vmem>> -> memref<1x64x128xf32, #tpu.memory_space<vmem>>
      %dma_start3A_236 = tpu.memref_squeeze %dma_start3A_235 : memref<1x64x128xf32, #tpu.memory_space<vmem>> -> memref<64x128xf32, #tpu.memory_space<vmem>>
      %dma_start3A_237 = arith.constant 0 : i32
      %dma_start3A_238 = arith.constant 0 : i32
      %dma_start3A_239 = tpu.memref_slice %arg8[%select_n3A_179, %dma_start3A_237, %dma_start3A_238] : memref<2x16x64xi32, #tpu.memory_space<vmem>> -> memref<1x16x64xi32, #tpu.memory_space<vmem>>
      %dma_start3A_240 = tpu.memref_squeeze %dma_start3A_239 : memref<1x16x64xi32, #tpu.memory_space<vmem>> -> memref<16x64xi32, #tpu.memory_space<vmem>>
      %dma_start3A_241 = arith.constant 0 : i32
      %dma_start3A_242 = tpu.memref_slice %dma_start3A_240[%select_n3A_142, %dma_start3A_241] : memref<16x64xi32, #tpu.memory_space<vmem>> -> memref<1x64xi32, #tpu.memory_space<vmem>>
      %dma_start3A_243 = tpu.memref_squeeze %dma_start3A_242 : memref<1x64xi32, #tpu.memory_space<vmem>> -> memref<64xi32, #tpu.memory_space<vmem>>
      %dma_start3A_244 = arith.constant 0 : i32
      %dma_start3A_245 = arith.constant 0 : i32
      %dma_start3A_246 = tpu.memref_slice %arg12[%dma_start3A_244, %dma_start3A_245] : memref<10008x128xf32, #tpu.memory_space<vmem_shared>> -> memref<10008x128xf32, #tpu.memory_space<vmem_shared>>
      tpu.enqueue_indirect_dma source(%dma_start3A_236 : memref<64x128xf32, #tpu.memory_space<vmem>>) target(%dma_start3A_246 : memref<10008x128xf32, #tpu.memory_space<vmem_shared>>) offsets(%dma_start3A_243 : memref<64xi32, #tpu.memory_space<vmem>>) semaphore(%arg11 : memref<!tpu.dma_semaphore, #tpu.memory_space<semaphore_mem>>) {add = true}
    }
    %scan3A_91 = arith.constant 160 : i32
    %dma_wait3A = arith.constant 4 : i32
    %dma_wait3A_92 = arith.constant 1 : i32
    %dma_wait3A_93 = arith.constant 15 : i32
    %dma_wait3A_94 = arith.constant 0 : i32
    %dma_wait3A_95 = arith.constant 0 : i32
    %dma_wait3A_96 = tpu.memref_slice %arg9[%dma_wait3A, %dma_wait3A_94, %dma_wait3A_95] : memref<5x64x128xf32, #tpu.memory_space<vmem>> -> memref<1x64x128xf32, #tpu.memory_space<vmem>>
    %dma_wait3A_97 = tpu.memref_squeeze %dma_wait3A_96 : memref<1x64x128xf32, #tpu.memory_space<vmem>> -> memref<64x128xf32, #tpu.memory_space<vmem>>
    %dma_wait3A_98 = arith.constant 0 : i32
    %dma_wait3A_99 = arith.constant 0 : i32
    %dma_wait3A_100 = tpu.memref_slice %arg8[%dma_wait3A_92, %dma_wait3A_98, %dma_wait3A_99] : memref<2x16x64xi32, #tpu.memory_space<vmem>> -> memref<1x16x64xi32, #tpu.memory_space<vmem>>
    %dma_wait3A_101 = tpu.memref_squeeze %dma_wait3A_100 : memref<1x16x64xi32, #tpu.memory_space<vmem>> -> memref<16x64xi32, #tpu.memory_space<vmem>>
    %dma_wait3A_102 = arith.constant 0 : i32
    %dma_wait3A_103 = tpu.memref_slice %dma_wait3A_101[%dma_wait3A_93, %dma_wait3A_102] : memref<16x64xi32, #tpu.memory_space<vmem>> -> memref<1x64xi32, #tpu.memory_space<vmem>>
    %dma_wait3A_104 = tpu.memref_squeeze %dma_wait3A_103 : memref<1x64xi32, #tpu.memory_space<vmem>> -> memref<64xi32, #tpu.memory_space<vmem>>
    %dma_wait3A_105 = arith.constant 0 : i32
    %dma_wait3A_106 = arith.constant 0 : i32
    %dma_wait3A_107 = tpu.memref_slice %arg12[%dma_wait3A_105, %dma_wait3A_106] : memref<10008x128xf32, #tpu.memory_space<vmem_shared>> -> memref<10008x128xf32, #tpu.memory_space<vmem_shared>>
    tpu.wait_indirect_dma semaphore(%arg11 : memref<!tpu.dma_semaphore, #tpu.memory_space<semaphore_mem>>) src(%dma_wait3A_97 : memref<64x128xf32, #tpu.memory_space<vmem>>) dst(%dma_wait3A_107 : memref<10008x128xf32, #tpu.memory_space<vmem_shared>>)
    %barrier3A_108 = arith.constant 0 : index
    tpu.barrier barrier_id(%barrier3A_108)
    %mul3A_109 = arith.constant 624 : i32
    %mul3A_110 = arith.muli %arg1, %mul3A_109 : i32
    "tpu.region"() ({
      %run_scoped3A_116 = tpu.sem_alloc : memref<!tpu.dma_semaphore, #tpu.memory_space<semaphore_mem>>
      %dma_start3A_117 = arith.constant 0 : i32
      %dma_start3A_118 = arith.constant 0 : i32
      %dma_start3A_119 = tpu.memref_slice %arg6[%arg0, %dma_start3A_117, %dma_start3A_118] : memref<2x10000x128xf32, #tpu.memory_space<hbm>> -> memref<1x10000x128xf32, #tpu.memory_space<hbm>>
      %dma_start3A_120 = tpu.memref_squeeze %dma_start3A_119 : memref<1x10000x128xf32, #tpu.memory_space<hbm>> -> memref<10000x128xf32, #tpu.memory_space<hbm>>
      %dma_start3A_121 = arith.constant 0 : i32
      %dma_start3A_122 = tpu.memref_slice %dma_start3A_120[%mul3A_110, %dma_start3A_121] : memref<10000x128xf32, #tpu.memory_space<hbm>> -> memref<624x128xf32, #tpu.memory_space<hbm>>
      %dma_start3A_123 = arith.constant 0 : i32
      %dma_start3A_124 = tpu.memref_slice %arg12[%mul3A_110, %dma_start3A_123] : memref<10008x128xf32, #tpu.memory_space<vmem_shared>> -> memref<624x128xf32, #tpu.memory_space<vmem_shared>>
      tpu.enqueue_dma source(%dma_start3A_124 : memref<624x128xf32, #tpu.memory_space<vmem_shared>>) target(%dma_start3A_122 : memref<624x128xf32, #tpu.memory_space<hbm>>) target_semaphore(%run_scoped3A_116 : memref<!tpu.dma_semaphore, #tpu.memory_space<semaphore_mem>>)
      %dma_wait3A_125 = arith.constant 0 : i32
      %dma_wait3A_126 = arith.constant 0 : i32
      %dma_wait3A_127 = tpu.memref_slice %arg6[%arg0, %dma_wait3A_125, %dma_wait3A_126] : memref<2x10000x128xf32, #tpu.memory_space<hbm>> -> memref<1x10000x128xf32, #tpu.memory_space<hbm>>
      %dma_wait3A_128 = tpu.memref_squeeze %dma_wait3A_127 : memref<1x10000x128xf32, #tpu.memory_space<hbm>> -> memref<10000x128xf32, #tpu.memory_space<hbm>>
      %dma_wait3A_129 = arith.constant 0 : i32
      %dma_wait3A_130 = tpu.memref_slice %dma_wait3A_128[%mul3A_110, %dma_wait3A_129] : memref<10000x128xf32, #tpu.memory_space<hbm>> -> memref<624x128xf32, #tpu.memory_space<hbm>>
      %dma_wait3A_131 = arith.constant 0 : i32
      %dma_wait3A_132 = tpu.memref_slice %arg12[%mul3A_110, %dma_wait3A_131] : memref<10008x128xf32, #tpu.memory_space<vmem_shared>> -> memref<624x128xf32, #tpu.memory_space<vmem_shared>>
      tpu.wait_dma2 semaphore(%run_scoped3A_116 : memref<!tpu.dma_semaphore, #tpu.memory_space<semaphore_mem>>) src(%dma_wait3A_132 : memref<624x128xf32, #tpu.memory_space<vmem_shared>>) dst(%dma_wait3A_130 : memref<624x128xf32, #tpu.memory_space<hbm>>)
      tpu.yield
    }) : () -> ()
    %eq3A_111 = arith.constant 15 : i32
    %eq3A_112 = arith.cmpi eq, %arg1, %eq3A_111 : i32
    %convert_element_type3A_113 = arith.extui %eq3A_112 : i1 to i32
    %cond3A_114 = arith.constant 0 : i32
    %cond3A_115 = arith.cmpi ne, %convert_element_type3A_113, %cond3A_114 : i32
    scf.if %cond3A_115 {
      "tpu.region"() ({
        %run_scoped3A_116 = tpu.sem_alloc : memref<!tpu.dma_semaphore, #tpu.memory_space<semaphore_mem>>
        %dma_start3A_117 = arith.constant 0 : i32
        %dma_start3A_118 = arith.constant 0 : i32
        %dma_start3A_119 = tpu.memref_slice %arg6[%arg0, %dma_start3A_117, %dma_start3A_118] : memref<2x10000x128xf32, #tpu.memory_space<hbm>> -> memref<1x10000x128xf32, #tpu.memory_space<hbm>>
        %dma_start3A_120 = tpu.memref_squeeze %dma_start3A_119 : memref<1x10000x128xf32, #tpu.memory_space<hbm>> -> memref<10000x128xf32, #tpu.memory_space<hbm>>
        %dma_start3A_121 = arith.constant 9984 : i32
        %dma_start3A_122 = arith.constant 0 : i32
        %dma_start3A_123 = tpu.memref_slice %dma_start3A_120[%dma_start3A_121, %dma_start3A_122] : memref<10000x128xf32, #tpu.memory_space<hbm>> -> memref<16x128xf32, #tpu.memory_space<hbm>>
        %dma_start3A_124 = arith.constant 9984 : i32
        %dma_start3A_125 = arith.constant 0 : i32
        %dma_start3A_126 = tpu.memref_slice %arg12[%dma_start3A_124, %dma_start3A_125] : memref<10008x128xf32, #tpu.memory_space<vmem_shared>> -> memref<16x128xf32, #tpu.memory_space<vmem_shared>>
        tpu.enqueue_dma source(%dma_start3A_126 : memref<16x128xf32, #tpu.memory_space<vmem_shared>>) target(%dma_start3A_123 : memref<16x128xf32, #tpu.memory_space<hbm>>) target_semaphore(%run_scoped3A_116 : memref<!tpu.dma_semaphore, #tpu.memory_space<semaphore_mem>>)
        %dma_wait3A_127 = arith.constant 0 : i32
        %dma_wait3A_128 = arith.constant 0 : i32
        %dma_wait3A_129 = tpu.memref_slice %arg6[%arg0, %dma_wait3A_127, %dma_wait3A_128] : memref<2x10000x128xf32, #tpu.memory_space<hbm>> -> memref<1x10000x128xf32, #tpu.memory_space<hbm>>
        %dma_wait3A_130 = tpu.memref_squeeze %dma_wait3A_129 : memref<1x10000x128xf32, #tpu.memory_space<hbm>> -> memref<10000x128xf32, #tpu.memory_space<hbm>>
        %dma_wait3A_131 = arith.constant 9984 : i32
        %dma_wait3A_132 = arith.constant 0 : i32
        %dma_wait3A_133 = tpu.memref_slice %dma_wait3A_130[%dma_wait3A_131, %dma_wait3A_132] : memref<10000x128xf32, #tpu.memory_space<hbm>> -> memref<16x128xf32, #tpu.memory_space<hbm>>
        %dma_wait3A_134 = arith.constant 9984 : i32
        %dma_wait3A_135 = arith.constant 0 : i32
        %dma_wait3A_136 = tpu.memref_slice %arg12[%dma_wait3A_134, %dma_wait3A_135] : memref<10008x128xf32, #tpu.memory_space<vmem_shared>> -> memref<16x128xf32, #tpu.memory_space<vmem_shared>>
        tpu.wait_dma2 semaphore(%run_scoped3A_116 : memref<!tpu.dma_semaphore, #tpu.memory_space<semaphore_mem>>) src(%dma_wait3A_136 : memref<16x128xf32, #tpu.memory_space<vmem_shared>>) dst(%dma_wait3A_133 : memref<16x128xf32, #tpu.memory_space<hbm>>)
        tpu.yield
      }) : () -> ()
    } else {
    }
    return
  }
}

#map = affine_map<(d0, d1) -> (0, 0)>
#map1 = affine_map<(d0, d1) -> (0, 0, 0)>
module attributes {stable_mosaic.version = 14 : i64} {
  func.func @_sc_deg_body(%arg0: i32, %arg1: i32, %arg2: memref<2560x125xi32, #tpu.memory_space<hbm>>, %arg3: memref<2x10000x128xf32, #tpu.memory_space<hbm>>, %arg4: memref<2x16x125xi32, #tpu.memory_space<vmem>>, %arg5: memref<24x128xf32, #tpu.memory_space<vmem>>, %arg6: memref<125x128xf32, #tpu.memory_space<vmem>>, %arg7: memref<!tpu.dma_semaphore, #tpu.memory_space<semaphore_mem>>, %arg8: memref<10000x128xf32, #tpu.memory_space<vmem_shared>>) attributes {dimension_semantics = [#tpu.dimension_semantics<core_parallel>, #tpu.dimension_semantics<subcore_parallel>], iteration_bounds = array<i64: 2, 16>, scalar_prefetch = 0 : i64, scratch_operands = 5 : i64, tpu.core_type = #tpu.core_type<sc_vector_subcore>, window_params = [{transform_indices = #map}, {transform_indices = #map1}]} {
    %mul3A = arith.constant 16 : i32
    %mul3A_0 = arith.muli %arg0, %mul3A : i32
    %add3A = arith.addi %mul3A_0, %arg1 : i32
    %scan3A = arith.constant 0 : i32
    %scan3A_1 = arith.constant 0 : i32
    %scan3A_2 = arith.constant 24 : i32
    %scan3A_3 = arith.addi %scan3A_1, %scan3A_2 : i32
    %scan3A_4 = arith.constant 1 : i32
    scf.for %scan3A_465 = %scan3A_1 to %scan3A_3 step %scan3A_4  : i32 {
      %scan3A_466 = arith.constant 0 : i32
      %scan3A_467 = arith.constant 8 : i32
      %scan3A_468 = arith.addi %scan3A_466, %scan3A_467 : i32
      %scan3A_469 = arith.constant 1 : i32
      scf.for %scan3A_471 = %scan3A_466 to %scan3A_468 step %scan3A_469  : i32 {
        %broadcast_in_dim3A = arith.constant 0.000000e+00 : f32
        %broadcast_in_dim3A_472 = vector.broadcast %broadcast_in_dim3A : f32 to vector<16xf32>
        %mul3A_473 = arith.constant 16 : i32
        %mul3A_474 = arith.muli %scan3A_471, %mul3A_473 : i32
        %swap3A = arith.index_cast %scan3A_465 : i32 to index
        %swap3A_475 = arith.index_cast %mul3A_474 : i32 to index
        %swap3A_476 = tpu.vector_load %arg5[%swap3A, %swap3A_475] {strides = array<i32>} : memref<24x128xf32, #tpu.memory_space<vmem>>, vector<1x16xf32>,
        %swap3A_477 = vector.shape_cast %swap3A_476 : vector<1x16xf32> to vector<16xf32>
        %swap3A_478 = vector.shape_cast %broadcast_in_dim3A_472 : vector<16xf32> to vector<1x16xf32>
        tpu.vector_store %arg5[%swap3A, %swap3A_475], %swap3A_478 {strides = array<i32>} : memref<24x128xf32, #tpu.memory_space<vmem>>, vector<1x16xf32>,
      }
      %scan3A_470 = arith.constant 8 : i32
    }
    %scan3A_5 = arith.constant 24 : i32
    %scan3A_6 = arith.constant 0 : i32
    %scan3A_7 = arith.constant 0 : i32
    %scan3A_8 = arith.constant 125 : i32
    %scan3A_9 = arith.addi %scan3A_7, %scan3A_8 : i32
    %scan3A_10 = arith.constant 1 : i32
    scf.for %scan3A_465 = %scan3A_7 to %scan3A_9 step %scan3A_10  : i32 {
      %scan3A_466 = arith.constant 0 : i32
      %scan3A_467 = arith.constant 8 : i32
      %scan3A_468 = arith.addi %scan3A_466, %scan3A_467 : i32
      %scan3A_469 = arith.constant 1 : i32
      scf.for %scan3A_471 = %scan3A_466 to %scan3A_468 step %scan3A_469  : i32 {
        %broadcast_in_dim3A = arith.constant 1.000000e+00 : f32
        %broadcast_in_dim3A_472 = vector.broadcast %broadcast_in_dim3A : f32 to vector<16xf32>
        %mul3A_473 = arith.constant 16 : i32
        %mul3A_474 = arith.muli %scan3A_471, %mul3A_473 : i32
        %swap3A = arith.index_cast %scan3A_465 : i32 to index
        %swap3A_475 = arith.index_cast %mul3A_474 : i32 to index
        %swap3A_476 = tpu.vector_load %arg6[%swap3A, %swap3A_475] {strides = array<i32>} : memref<125x128xf32, #tpu.memory_space<vmem>>, vector<1x16xf32>,
        %swap3A_477 = vector.shape_cast %swap3A_476 : vector<1x16xf32> to vector<16xf32>
        %swap3A_478 = vector.shape_cast %broadcast_in_dim3A_472 : vector<16xf32> to vector<1x16xf32>
        tpu.vector_store %arg6[%swap3A, %swap3A_475], %swap3A_478 {strides = array<i32>} : memref<125x128xf32, #tpu.memory_space<vmem>>, vector<1x16xf32>,
      }
      %scan3A_470 = arith.constant 8 : i32
    }
    %scan3A_11 = arith.constant 125 : i32
    %mul3A_12 = arith.constant 624 : i32
    %mul3A_13 = arith.muli %arg1, %mul3A_12 : i32
    %add3A_14 = arith.constant 0 : i32
    %add3A_15 = arith.addi %mul3A_13, %add3A_14 : i32
    "tpu.region"() ({
      %run_scoped3A = tpu.sem_alloc : memref<!tpu.dma_semaphore, #tpu.memory_space<semaphore_mem>>
      %dma_start3A = arith.constant 0 : i32
      %dma_start3A_465 = tpu.memref_slice %arg8[%add3A_15, %dma_start3A] : memref<10000x128xf32, #tpu.memory_space<vmem_shared>> -> memref<24x128xf32, #tpu.memory_space<vmem_shared>>
      %dma_start3A_466 = arith.constant 0 : i32
      %dma_start3A_467 = tpu.memref_slice %arg8[%add3A_15, %dma_start3A_466] : memref<10000x128xf32, #tpu.memory_space<vmem_shared>> -> memref<24x128xf32, #tpu.memory_space<vmem_shared>>
      tpu.enqueue_dma source(%arg5 : memref<24x128xf32, #tpu.memory_space<vmem>>) target(%dma_start3A_467 : memref<24x128xf32, #tpu.memory_space<vmem_shared>>) target_semaphore(%run_scoped3A : memref<!tpu.dma_semaphore, #tpu.memory_space<semaphore_mem>>)
      %dma_wait3A_468 = arith.constant 0 : i32
      %dma_wait3A_469 = tpu.memref_slice %arg8[%add3A_15, %dma_wait3A_468] : memref<10000x128xf32, #tpu.memory_space<vmem_shared>> -> memref<24x128xf32, #tpu.memory_space<vmem_shared>>
      %dma_wait3A_470 = arith.constant 0 : i32
      %dma_wait3A_471 = tpu.memref_slice %arg8[%add3A_15, %dma_wait3A_470] : memref<10000x128xf32, #tpu.memory_space<vmem_shared>> -> memref<24x128xf32, #tpu.memory_space<vmem_shared>>
      tpu.wait_dma2 semaphore(%run_scoped3A : memref<!tpu.dma_semaphore, #tpu.memory_space<semaphore_mem>>) src(%arg5 : memref<24x128xf32, #tpu.memory_space<vmem>>) dst(%dma_wait3A_471 : memref<24x128xf32, #tpu.memory_space<vmem_shared>>)
      tpu.yield
    }) : () -> ()
    %add3A_16 = arith.constant 24 : i32
    %add3A_17 = arith.addi %mul3A_13, %add3A_16 : i32
    "tpu.region"() ({
      %run_scoped3A = tpu.sem_alloc : memref<!tpu.dma_semaphore, #tpu.memory_space<semaphore_mem>>
      %dma_start3A = arith.constant 0 : i32
      %dma_start3A_465 = tpu.memref_slice %arg8[%add3A_17, %dma_start3A] : memref<10000x128xf32, #tpu.memory_space<vmem_shared>> -> memref<24x128xf32, #tpu.memory_space<vmem_shared>>
      %dma_start3A_466 = arith.constant 0 : i32
      %dma_start3A_467 = tpu.memref_slice %arg8[%add3A_17, %dma_start3A_466] : memref<10000x128xf32, #tpu.memory_space<vmem_shared>> -> memref<24x128xf32, #tpu.memory_space<vmem_shared>>
      tpu.enqueue_dma source(%arg5 : memref<24x128xf32, #tpu.memory_space<vmem>>) target(%dma_start3A_467 : memref<24x128xf32, #tpu.memory_space<vmem_shared>>) target_semaphore(%run_scoped3A : memref<!tpu.dma_semaphore, #tpu.memory_space<semaphore_mem>>)
      %dma_wait3A_468 = arith.constant 0 : i32
      %dma_wait3A_469 = tpu.memref_slice %arg8[%add3A_17, %dma_wait3A_468] : memref<10000x128xf32, #tpu.memory_space<vmem_shared>> -> memref<24x128xf32, #tpu.memory_space<vmem_shared>>
      %dma_wait3A_470 = arith.constant 0 : i32
      %dma_wait3A_471 = tpu.memref_slice %arg8[%add3A_17, %dma_wait3A_470] : memref<10000x128xf32, #tpu.memory_space<vmem_shared>> -> memref<24x128xf32, #tpu.memory_space<vmem_shared>>
      tpu.wait_dma2 semaphore(%run_scoped3A : memref<!tpu.dma_semaphore, #tpu.memory_space<semaphore_mem>>) src(%arg5 : memref<24x128xf32, #tpu.memory_space<vmem>>) dst(%dma_wait3A_471 : memref<24x128xf32, #tpu.memory_space<vmem_shared>>)
      tpu.yield
    }) : () -> ()
    %add3A_18 = arith.constant 48 : i32
    %add3A_19 = arith.addi %mul3A_13, %add3A_18 : i32
    "tpu.region"() ({
      %run_scoped3A = tpu.sem_alloc : memref<!tpu.dma_semaphore, #tpu.memory_space<semaphore_mem>>
      %dma_start3A = arith.constant 0 : i32
      %dma_start3A_465 = tpu.memref_slice %arg8[%add3A_19, %dma_start3A] : memref<10000x128xf32, #tpu.memory_space<vmem_shared>> -> memref<24x128xf32, #tpu.memory_space<vmem_shared>>
      %dma_start3A_466 = arith.constant 0 : i32
      %dma_start3A_467 = tpu.memref_slice %arg8[%add3A_19, %dma_start3A_466] : memref<10000x128xf32, #tpu.memory_space<vmem_shared>> -> memref<24x128xf32, #tpu.memory_space<vmem_shared>>
      tpu.enqueue_dma source(%arg5 : memref<24x128xf32, #tpu.memory_space<vmem>>) target(%dma_start3A_467 : memref<24x128xf32, #tpu.memory_space<vmem_shared>>) target_semaphore(%run_scoped3A : memref<!tpu.dma_semaphore, #tpu.memory_space<semaphore_mem>>)
      %dma_wait3A_468 = arith.constant 0 : i32
      %dma_wait3A_469 = tpu.memref_slice %arg8[%add3A_19, %dma_wait3A_468] : memref<10000x128xf32, #tpu.memory_space<vmem_shared>> -> memref<24x128xf32, #tpu.memory_space<vmem_shared>>
      %dma_wait3A_470 = arith.constant 0 : i32
      %dma_wait3A_471 = tpu.memref_slice %arg8[%add3A_19, %dma_wait3A_470] : memref<10000x128xf32, #tpu.memory_space<vmem_shared>> -> memref<24x128xf32, #tpu.memory_space<vmem_shared>>
      tpu.wait_dma2 semaphore(%run_scoped3A : memref<!tpu.dma_semaphore, #tpu.memory_space<semaphore_mem>>) src(%arg5 : memref<24x128xf32, #tpu.memory_space<vmem>>) dst(%dma_wait3A_471 : memref<24x128xf32, #tpu.memory_space<vmem_shared>>)
      tpu.yield
    }) : () -> ()
    %add3A_20 = arith.constant 72 : i32
    %add3A_21 = arith.addi %mul3A_13, %add3A_20 : i32
    "tpu.region"() ({
      %run_scoped3A = tpu.sem_alloc : memref<!tpu.dma_semaphore, #tpu.memory_space<semaphore_mem>>
      %dma_start3A = arith.constant 0 : i32
      %dma_start3A_465 = tpu.memref_slice %arg8[%add3A_21, %dma_start3A] : memref<10000x128xf32, #tpu.memory_space<vmem_shared>> -> memref<24x128xf32, #tpu.memory_space<vmem_shared>>
      %dma_start3A_466 = arith.constant 0 : i32
      %dma_start3A_467 = tpu.memref_slice %arg8[%add3A_21, %dma_start3A_466] : memref<10000x128xf32, #tpu.memory_space<vmem_shared>> -> memref<24x128xf32, #tpu.memory_space<vmem_shared>>
      tpu.enqueue_dma source(%arg5 : memref<24x128xf32, #tpu.memory_space<vmem>>) target(%dma_start3A_467 : memref<24x128xf32, #tpu.memory_space<vmem_shared>>) target_semaphore(%run_scoped3A : memref<!tpu.dma_semaphore, #tpu.memory_space<semaphore_mem>>)
      %dma_wait3A_468 = arith.constant 0 : i32
      %dma_wait3A_469 = tpu.memref_slice %arg8[%add3A_21, %dma_wait3A_468] : memref<10000x128xf32, #tpu.memory_space<vmem_shared>> -> memref<24x128xf32, #tpu.memory_space<vmem_shared>>
      %dma_wait3A_470 = arith.constant 0 : i32
      %dma_wait3A_471 = tpu.memref_slice %arg8[%add3A_21, %dma_wait3A_470] : memref<10000x128xf32, #tpu.memory_space<vmem_shared>> -> memref<24x128xf32, #tpu.memory_space<vmem_shared>>
      tpu.wait_dma2 semaphore(%run_scoped3A : memref<!tpu.dma_semaphore, #tpu.memory_space<semaphore_mem>>) src(%arg5 : memref<24x128xf32, #tpu.memory_space<vmem>>) dst(%dma_wait3A_471 : memref<24x128xf32, #tpu.memory_space<vmem_shared>>)
      tpu.yield
    }) : () -> ()
    %add3A_22 = arith.constant 96 : i32
    %add3A_23 = arith.addi %mul3A_13, %add3A_22 : i32
    "tpu.region"() ({
      %run_scoped3A = tpu.sem_alloc : memref<!tpu.dma_semaphore, #tpu.memory_space<semaphore_mem>>
      %dma_start3A = arith.constant 0 : i32
      %dma_start3A_465 = tpu.memref_slice %arg8[%add3A_23, %dma_start3A] : memref<10000x128xf32, #tpu.memory_space<vmem_shared>> -> memref<24x128xf32, #tpu.memory_space<vmem_shared>>
      %dma_start3A_466 = arith.constant 0 : i32
      %dma_start3A_467 = tpu.memref_slice %arg8[%add3A_23, %dma_start3A_466] : memref<10000x128xf32, #tpu.memory_space<vmem_shared>> -> memref<24x128xf32, #tpu.memory_space<vmem_shared>>
      tpu.enqueue_dma source(%arg5 : memref<24x128xf32, #tpu.memory_space<vmem>>) target(%dma_start3A_467 : memref<24x128xf32, #tpu.memory_space<vmem_shared>>) target_semaphore(%run_scoped3A : memref<!tpu.dma_semaphore, #tpu.memory_space<semaphore_mem>>)
      %dma_wait3A_468 = arith.constant 0 : i32
      %dma_wait3A_469 = tpu.memref_slice %arg8[%add3A_23, %dma_wait3A_468] : memref<10000x128xf32, #tpu.memory_space<vmem_shared>> -> memref<24x128xf32, #tpu.memory_space<vmem_shared>>
      %dma_wait3A_470 = arith.constant 0 : i32
      %dma_wait3A_471 = tpu.memref_slice %arg8[%add3A_23, %dma_wait3A_470] : memref<10000x128xf32, #tpu.memory_space<vmem_shared>> -> memref<24x128xf32, #tpu.memory_space<vmem_shared>>
      tpu.wait_dma2 semaphore(%run_scoped3A : memref<!tpu.dma_semaphore, #tpu.memory_space<semaphore_mem>>) src(%arg5 : memref<24x128xf32, #tpu.memory_space<vmem>>) dst(%dma_wait3A_471 : memref<24x128xf32, #tpu.memory_space<vmem_shared>>)
      tpu.yield
    }) : () -> ()
    %add3A_24 = arith.constant 120 : i32
    %add3A_25 = arith.addi %mul3A_13, %add3A_24 : i32
    "tpu.region"() ({
      %run_scoped3A = tpu.sem_alloc : memref<!tpu.dma_semaphore, #tpu.memory_space<semaphore_mem>>
      %dma_start3A = arith.constant 0 : i32
      %dma_start3A_465 = tpu.memref_slice %arg8[%add3A_25, %dma_start3A] : memref<10000x128xf32, #tpu.memory_space<vmem_shared>> -> memref<24x128xf32, #tpu.memory_space<vmem_shared>>
      %dma_start3A_466 = arith.constant 0 : i32
      %dma_start3A_467 = tpu.memref_slice %arg8[%add3A_25, %dma_start3A_466] : memref<10000x128xf32, #tpu.memory_space<vmem_shared>> -> memref<24x128xf32, #tpu.memory_space<vmem_shared>>
      tpu.enqueue_dma source(%arg5 : memref<24x128xf32, #tpu.memory_space<vmem>>) target(%dma_start3A_467 : memref<24x128xf32, #tpu.memory_space<vmem_shared>>) target_semaphore(%run_scoped3A : memref<!tpu.dma_semaphore, #tpu.memory_space<semaphore_mem>>)
      %dma_wait3A_468 = arith.constant 0 : i32
      %dma_wait3A_469 = tpu.memref_slice %arg8[%add3A_25, %dma_wait3A_468] : memref<10000x128xf32, #tpu.memory_space<vmem_shared>> -> memref<24x128xf32, #tpu.memory_space<vmem_shared>>
      %dma_wait3A_470 = arith.constant 0 : i32
      %dma_wait3A_471 = tpu.memref_slice %arg8[%add3A_25, %dma_wait3A_470] : memref<10000x128xf32, #tpu.memory_space<vmem_shared>> -> memref<24x128xf32, #tpu.memory_space<vmem_shared>>
      tpu.wait_dma2 semaphore(%run_scoped3A : memref<!tpu.dma_semaphore, #tpu.memory_space<semaphore_mem>>) src(%arg5 : memref<24x128xf32, #tpu.memory_space<vmem>>) dst(%dma_wait3A_471 : memref<24x128xf32, #tpu.memory_space<vmem_shared>>)
      tpu.yield
    }) : () -> ()
    %add3A_26 = arith.constant 144 : i32
    %add3A_27 = arith.addi %mul3A_13, %add3A_26 : i32
    "tpu.region"() ({
      %run_scoped3A = tpu.sem_alloc : memref<!tpu.dma_semaphore, #tpu.memory_space<semaphore_mem>>
      %dma_start3A = arith.constant 0 : i32
      %dma_start3A_465 = tpu.memref_slice %arg8[%add3A_27, %dma_start3A] : memref<10000x128xf32, #tpu.memory_space<vmem_shared>> -> memref<24x128xf32, #tpu.memory_space<vmem_shared>>
      %dma_start3A_466 = arith.constant 0 : i32
      %dma_start3A_467 = tpu.memref_slice %arg8[%add3A_27, %dma_start3A_466] : memref<10000x128xf32, #tpu.memory_space<vmem_shared>> -> memref<24x128xf32, #tpu.memory_space<vmem_shared>>
      tpu.enqueue_dma source(%arg5 : memref<24x128xf32, #tpu.memory_space<vmem>>) target(%dma_start3A_467 : memref<24x128xf32, #tpu.memory_space<vmem_shared>>) target_semaphore(%run_scoped3A : memref<!tpu.dma_semaphore, #tpu.memory_space<semaphore_mem>>)
      %dma_wait3A_468 = arith.constant 0 : i32
      %dma_wait3A_469 = tpu.memref_slice %arg8[%add3A_27, %dma_wait3A_468] : memref<10000x128xf32, #tpu.memory_space<vmem_shared>> -> memref<24x128xf32, #tpu.memory_space<vmem_shared>>
      %dma_wait3A_470 = arith.constant 0 : i32
      %dma_wait3A_471 = tpu.memref_slice %arg8[%add3A_27, %dma_wait3A_470] : memref<10000x128xf32, #tpu.memory_space<vmem_shared>> -> memref<24x128xf32, #tpu.memory_space<vmem_shared>>
      tpu.wait_dma2 semaphore(%run_scoped3A : memref<!tpu.dma_semaphore, #tpu.memory_space<semaphore_mem>>) src(%arg5 : memref<24x128xf32, #tpu.memory_space<vmem>>) dst(%dma_wait3A_471 : memref<24x128xf32, #tpu.memory_space<vmem_shared>>)
      tpu.yield
    }) : () -> ()
    %add3A_28 = arith.constant 168 : i32
    %add3A_29 = arith.addi %mul3A_13, %add3A_28 : i32
    "tpu.region"() ({
      %run_scoped3A = tpu.sem_alloc : memref<!tpu.dma_semaphore, #tpu.memory_space<semaphore_mem>>
      %dma_start3A = arith.constant 0 : i32
      %dma_start3A_465 = tpu.memref_slice %arg8[%add3A_29, %dma_start3A] : memref<10000x128xf32, #tpu.memory_space<vmem_shared>> -> memref<24x128xf32, #tpu.memory_space<vmem_shared>>
      %dma_start3A_466 = arith.constant 0 : i32
      %dma_start3A_467 = tpu.memref_slice %arg8[%add3A_29, %dma_start3A_466] : memref<10000x128xf32, #tpu.memory_space<vmem_shared>> -> memref<24x128xf32, #tpu.memory_space<vmem_shared>>
      tpu.enqueue_dma source(%arg5 : memref<24x128xf32, #tpu.memory_space<vmem>>) target(%dma_start3A_467 : memref<24x128xf32, #tpu.memory_space<vmem_shared>>) target_semaphore(%run_scoped3A : memref<!tpu.dma_semaphore, #tpu.memory_space<semaphore_mem>>)
      %dma_wait3A_468 = arith.constant 0 : i32
      %dma_wait3A_469 = tpu.memref_slice %arg8[%add3A_29, %dma_wait3A_468] : memref<10000x128xf32, #tpu.memory_space<vmem_shared>> -> memref<24x128xf32, #tpu.memory_space<vmem_shared>>
      %dma_wait3A_470 = arith.constant 0 : i32
      %dma_wait3A_471 = tpu.memref_slice %arg8[%add3A_29, %dma_wait3A_470] : memref<10000x128xf32, #tpu.memory_space<vmem_shared>> -> memref<24x128xf32, #tpu.memory_space<vmem_shared>>
      tpu.wait_dma2 semaphore(%run_scoped3A : memref<!tpu.dma_semaphore, #tpu.memory_space<semaphore_mem>>) src(%arg5 : memref<24x128xf32, #tpu.memory_space<vmem>>) dst(%dma_wait3A_471 : memref<24x128xf32, #tpu.memory_space<vmem_shared>>)
      tpu.yield
    }) : () -> ()
    %add3A_30 = arith.constant 192 : i32
    %add3A_31 = arith.addi %mul3A_13, %add3A_30 : i32
    "tpu.region"() ({
      %run_scoped3A = tpu.sem_alloc : memref<!tpu.dma_semaphore, #tpu.memory_space<semaphore_mem>>
      %dma_start3A = arith.constant 0 : i32
      %dma_start3A_465 = tpu.memref_slice %arg8[%add3A_31, %dma_start3A] : memref<10000x128xf32, #tpu.memory_space<vmem_shared>> -> memref<24x128xf32, #tpu.memory_space<vmem_shared>>
      %dma_start3A_466 = arith.constant 0 : i32
      %dma_start3A_467 = tpu.memref_slice %arg8[%add3A_31, %dma_start3A_466] : memref<10000x128xf32, #tpu.memory_space<vmem_shared>> -> memref<24x128xf32, #tpu.memory_space<vmem_shared>>
      tpu.enqueue_dma source(%arg5 : memref<24x128xf32, #tpu.memory_space<vmem>>) target(%dma_start3A_467 : memref<24x128xf32, #tpu.memory_space<vmem_shared>>) target_semaphore(%run_scoped3A : memref<!tpu.dma_semaphore, #tpu.memory_space<semaphore_mem>>)
      %dma_wait3A_468 = arith.constant 0 : i32
      %dma_wait3A_469 = tpu.memref_slice %arg8[%add3A_31, %dma_wait3A_468] : memref<10000x128xf32, #tpu.memory_space<vmem_shared>> -> memref<24x128xf32, #tpu.memory_space<vmem_shared>>
      %dma_wait3A_470 = arith.constant 0 : i32
      %dma_wait3A_471 = tpu.memref_slice %arg8[%add3A_31, %dma_wait3A_470] : memref<10000x128xf32, #tpu.memory_space<vmem_shared>> -> memref<24x128xf32, #tpu.memory_space<vmem_shared>>
      tpu.wait_dma2 semaphore(%run_scoped3A : memref<!tpu.dma_semaphore, #tpu.memory_space<semaphore_mem>>) src(%arg5 : memref<24x128xf32, #tpu.memory_space<vmem>>) dst(%dma_wait3A_471 : memref<24x128xf32, #tpu.memory_space<vmem_shared>>)
      tpu.yield
    }) : () -> ()
    %add3A_32 = arith.constant 216 : i32
    %add3A_33 = arith.addi %mul3A_13, %add3A_32 : i32
    "tpu.region"() ({
      %run_scoped3A = tpu.sem_alloc : memref<!tpu.dma_semaphore, #tpu.memory_space<semaphore_mem>>
      %dma_start3A = arith.constant 0 : i32
      %dma_start3A_465 = tpu.memref_slice %arg8[%add3A_33, %dma_start3A] : memref<10000x128xf32, #tpu.memory_space<vmem_shared>> -> memref<24x128xf32, #tpu.memory_space<vmem_shared>>
      %dma_start3A_466 = arith.constant 0 : i32
      %dma_start3A_467 = tpu.memref_slice %arg8[%add3A_33, %dma_start3A_466] : memref<10000x128xf32, #tpu.memory_space<vmem_shared>> -> memref<24x128xf32, #tpu.memory_space<vmem_shared>>
      tpu.enqueue_dma source(%arg5 : memref<24x128xf32, #tpu.memory_space<vmem>>) target(%dma_start3A_467 : memref<24x128xf32, #tpu.memory_space<vmem_shared>>) target_semaphore(%run_scoped3A : memref<!tpu.dma_semaphore, #tpu.memory_space<semaphore_mem>>)
      %dma_wait3A_468 = arith.constant 0 : i32
      %dma_wait3A_469 = tpu.memref_slice %arg8[%add3A_33, %dma_wait3A_468] : memref<10000x128xf32, #tpu.memory_space<vmem_shared>> -> memref<24x128xf32, #tpu.memory_space<vmem_shared>>
      %dma_wait3A_470 = arith.constant 0 : i32
      %dma_wait3A_471 = tpu.memref_slice %arg8[%add3A_33, %dma_wait3A_470] : memref<10000x128xf32, #tpu.memory_space<vmem_shared>> -> memref<24x128xf32, #tpu.memory_space<vmem_shared>>
      tpu.wait_dma2 semaphore(%run_scoped3A : memref<!tpu.dma_semaphore, #tpu.memory_space<semaphore_mem>>) src(%arg5 : memref<24x128xf32, #tpu.memory_space<vmem>>) dst(%dma_wait3A_471 : memref<24x128xf32, #tpu.memory_space<vmem_shared>>)
      tpu.yield
    }) : () -> ()
    %add3A_34 = arith.constant 240 : i32
    %add3A_35 = arith.addi %mul3A_13, %add3A_34 : i32
    "tpu.region"() ({
      %run_scoped3A = tpu.sem_alloc : memref<!tpu.dma_semaphore, #tpu.memory_space<semaphore_mem>>
      %dma_start3A = arith.constant 0 : i32
      %dma_start3A_465 = tpu.memref_slice %arg8[%add3A_35, %dma_start3A] : memref<10000x128xf32, #tpu.memory_space<vmem_shared>> -> memref<24x128xf32, #tpu.memory_space<vmem_shared>>
      %dma_start3A_466 = arith.constant 0 : i32
      %dma_start3A_467 = tpu.memref_slice %arg8[%add3A_35, %dma_start3A_466] : memref<10000x128xf32, #tpu.memory_space<vmem_shared>> -> memref<24x128xf32, #tpu.memory_space<vmem_shared>>
      tpu.enqueue_dma source(%arg5 : memref<24x128xf32, #tpu.memory_space<vmem>>) target(%dma_start3A_467 : memref<24x128xf32, #tpu.memory_space<vmem_shared>>) target_semaphore(%run_scoped3A : memref<!tpu.dma_semaphore, #tpu.memory_space<semaphore_mem>>)
      %dma_wait3A_468 = arith.constant 0 : i32
      %dma_wait3A_469 = tpu.memref_slice %arg8[%add3A_35, %dma_wait3A_468] : memref<10000x128xf32, #tpu.memory_space<vmem_shared>> -> memref<24x128xf32, #tpu.memory_space<vmem_shared>>
      %dma_wait3A_470 = arith.constant 0 : i32
      %dma_wait3A_471 = tpu.memref_slice %arg8[%add3A_35, %dma_wait3A_470] : memref<10000x128xf32, #tpu.memory_space<vmem_shared>> -> memref<24x128xf32, #tpu.memory_space<vmem_shared>>
      tpu.wait_dma2 semaphore(%run_scoped3A : memref<!tpu.dma_semaphore, #tpu.memory_space<semaphore_mem>>) src(%arg5 : memref<24x128xf32, #tpu.memory_space<vmem>>) dst(%dma_wait3A_471 : memref<24x128xf32, #tpu.memory_space<vmem_shared>>)
      tpu.yield
    }) : () -> ()
    %add3A_36 = arith.constant 264 : i32
    %add3A_37 = arith.addi %mul3A_13, %add3A_36 : i32
    "tpu.region"() ({
      %run_scoped3A = tpu.sem_alloc : memref<!tpu.dma_semaphore, #tpu.memory_space<semaphore_mem>>
      %dma_start3A = arith.constant 0 : i32
      %dma_start3A_465 = tpu.memref_slice %arg8[%add3A_37, %dma_start3A] : memref<10000x128xf32, #tpu.memory_space<vmem_shared>> -> memref<24x128xf32, #tpu.memory_space<vmem_shared>>
      %dma_start3A_466 = arith.constant 0 : i32
      %dma_start3A_467 = tpu.memref_slice %arg8[%add3A_37, %dma_start3A_466] : memref<10000x128xf32, #tpu.memory_space<vmem_shared>> -> memref<24x128xf32, #tpu.memory_space<vmem_shared>>
      tpu.enqueue_dma source(%arg5 : memref<24x128xf32, #tpu.memory_space<vmem>>) target(%dma_start3A_467 : memref<24x128xf32, #tpu.memory_space<vmem_shared>>) target_semaphore(%run_scoped3A : memref<!tpu.dma_semaphore, #tpu.memory_space<semaphore_mem>>)
      %dma_wait3A_468 = arith.constant 0 : i32
      %dma_wait3A_469 = tpu.memref_slice %arg8[%add3A_37, %dma_wait3A_468] : memref<10000x128xf32, #tpu.memory_space<vmem_shared>> -> memref<24x128xf32, #tpu.memory_space<vmem_shared>>
      %dma_wait3A_470 = arith.constant 0 : i32
      %dma_wait3A_471 = tpu.memref_slice %arg8[%add3A_37, %dma_wait3A_470] : memref<10000x128xf32, #tpu.memory_space<vmem_shared>> -> memref<24x128xf32, #tpu.memory_space<vmem_shared>>
      tpu.wait_dma2 semaphore(%run_scoped3A : memref<!tpu.dma_semaphore, #tpu.memory_space<semaphore_mem>>) src(%arg5 : memref<24x128xf32, #tpu.memory_space<vmem>>) dst(%dma_wait3A_471 : memref<24x128xf32, #tpu.memory_space<vmem_shared>>)
      tpu.yield
    }) : () -> ()
    %add3A_38 = arith.constant 288 : i32
    %add3A_39 = arith.addi %mul3A_13, %add3A_38 : i32
    "tpu.region"() ({
      %run_scoped3A = tpu.sem_alloc : memref<!tpu.dma_semaphore, #tpu.memory_space<semaphore_mem>>
      %dma_start3A = arith.constant 0 : i32
      %dma_start3A_465 = tpu.memref_slice %arg8[%add3A_39, %dma_start3A] : memref<10000x128xf32, #tpu.memory_space<vmem_shared>> -> memref<24x128xf32, #tpu.memory_space<vmem_shared>>
      %dma_start3A_466 = arith.constant 0 : i32
      %dma_start3A_467 = tpu.memref_slice %arg8[%add3A_39, %dma_start3A_466] : memref<10000x128xf32, #tpu.memory_space<vmem_shared>> -> memref<24x128xf32, #tpu.memory_space<vmem_shared>>
      tpu.enqueue_dma source(%arg5 : memref<24x128xf32, #tpu.memory_space<vmem>>) target(%dma_start3A_467 : memref<24x128xf32, #tpu.memory_space<vmem_shared>>) target_semaphore(%run_scoped3A : memref<!tpu.dma_semaphore, #tpu.memory_space<semaphore_mem>>)
      %dma_wait3A_468 = arith.constant 0 : i32
      %dma_wait3A_469 = tpu.memref_slice %arg8[%add3A_39, %dma_wait3A_468] : memref<10000x128xf32, #tpu.memory_space<vmem_shared>> -> memref<24x128xf32, #tpu.memory_space<vmem_shared>>
      %dma_wait3A_470 = arith.constant 0 : i32
      %dma_wait3A_471 = tpu.memref_slice %arg8[%add3A_39, %dma_wait3A_470] : memref<10000x128xf32, #tpu.memory_space<vmem_shared>> -> memref<24x128xf32, #tpu.memory_space<vmem_shared>>
      tpu.wait_dma2 semaphore(%run_scoped3A : memref<!tpu.dma_semaphore, #tpu.memory_space<semaphore_mem>>) src(%arg5 : memref<24x128xf32, #tpu.memory_space<vmem>>) dst(%dma_wait3A_471 : memref<24x128xf32, #tpu.memory_space<vmem_shared>>)
      tpu.yield
    }) : () -> ()
    %add3A_40 = arith.constant 312 : i32
    %add3A_41 = arith.addi %mul3A_13, %add3A_40 : i32
    "tpu.region"() ({
      %run_scoped3A = tpu.sem_alloc : memref<!tpu.dma_semaphore, #tpu.memory_space<semaphore_mem>>
      %dma_start3A = arith.constant 0 : i32
      %dma_start3A_465 = tpu.memref_slice %arg8[%add3A_41, %dma_start3A] : memref<10000x128xf32, #tpu.memory_space<vmem_shared>> -> memref<24x128xf32, #tpu.memory_space<vmem_shared>>
      %dma_start3A_466 = arith.constant 0 : i32
      %dma_start3A_467 = tpu.memref_slice %arg8[%add3A_41, %dma_start3A_466] : memref<10000x128xf32, #tpu.memory_space<vmem_shared>> -> memref<24x128xf32, #tpu.memory_space<vmem_shared>>
      tpu.enqueue_dma source(%arg5 : memref<24x128xf32, #tpu.memory_space<vmem>>) target(%dma_start3A_467 : memref<24x128xf32, #tpu.memory_space<vmem_shared>>) target_semaphore(%run_scoped3A : memref<!tpu.dma_semaphore, #tpu.memory_space<semaphore_mem>>)
      %dma_wait3A_468 = arith.constant 0 : i32
      %dma_wait3A_469 = tpu.memref_slice %arg8[%add3A_41, %dma_wait3A_468] : memref<10000x128xf32, #tpu.memory_space<vmem_shared>> -> memref<24x128xf32, #tpu.memory_space<vmem_shared>>
      %dma_wait3A_470 = arith.constant 0 : i32
      %dma_wait3A_471 = tpu.memref_slice %arg8[%add3A_41, %dma_wait3A_470] : memref<10000x128xf32, #tpu.memory_space<vmem_shared>> -> memref<24x128xf32, #tpu.memory_space<vmem_shared>>
      tpu.wait_dma2 semaphore(%run_scoped3A : memref<!tpu.dma_semaphore, #tpu.memory_space<semaphore_mem>>) src(%arg5 : memref<24x128xf32, #tpu.memory_space<vmem>>) dst(%dma_wait3A_471 : memref<24x128xf32, #tpu.memory_space<vmem_shared>>)
      tpu.yield
    }) : () -> ()
    %add3A_42 = arith.constant 336 : i32
    %add3A_43 = arith.addi %mul3A_13, %add3A_42 : i32
    "tpu.region"() ({
      %run_scoped3A = tpu.sem_alloc : memref<!tpu.dma_semaphore, #tpu.memory_space<semaphore_mem>>
      %dma_start3A = arith.constant 0 : i32
      %dma_start3A_465 = tpu.memref_slice %arg8[%add3A_43, %dma_start3A] : memref<10000x128xf32, #tpu.memory_space<vmem_shared>> -> memref<24x128xf32, #tpu.memory_space<vmem_shared>>
      %dma_start3A_466 = arith.constant 0 : i32
      %dma_start3A_467 = tpu.memref_slice %arg8[%add3A_43, %dma_start3A_466] : memref<10000x128xf32, #tpu.memory_space<vmem_shared>> -> memref<24x128xf32, #tpu.memory_space<vmem_shared>>
      tpu.enqueue_dma source(%arg5 : memref<24x128xf32, #tpu.memory_space<vmem>>) target(%dma_start3A_467 : memref<24x128xf32, #tpu.memory_space<vmem_shared>>) target_semaphore(%run_scoped3A : memref<!tpu.dma_semaphore, #tpu.memory_space<semaphore_mem>>)
      %dma_wait3A_468 = arith.constant 0 : i32
      %dma_wait3A_469 = tpu.memref_slice %arg8[%add3A_43, %dma_wait3A_468] : memref<10000x128xf32, #tpu.memory_space<vmem_shared>> -> memref<24x128xf32, #tpu.memory_space<vmem_shared>>
      %dma_wait3A_470 = arith.constant 0 : i32
      %dma_wait3A_471 = tpu.memref_slice %arg8[%add3A_43, %dma_wait3A_470] : memref<10000x128xf32, #tpu.memory_space<vmem_shared>> -> memref<24x128xf32, #tpu.memory_space<vmem_shared>>
      tpu.wait_dma2 semaphore(%run_scoped3A : memref<!tpu.dma_semaphore, #tpu.memory_space<semaphore_mem>>) src(%arg5 : memref<24x128xf32, #tpu.memory_space<vmem>>) dst(%dma_wait3A_471 : memref<24x128xf32, #tpu.memory_space<vmem_shared>>)
      tpu.yield
    }) : () -> ()
    %add3A_44 = arith.constant 360 : i32
    %add3A_45 = arith.addi %mul3A_13, %add3A_44 : i32
    "tpu.region"() ({
      %run_scoped3A = tpu.sem_alloc : memref<!tpu.dma_semaphore, #tpu.memory_space<semaphore_mem>>
      %dma_start3A = arith.constant 0 : i32
      %dma_start3A_465 = tpu.memref_slice %arg8[%add3A_45, %dma_start3A] : memref<10000x128xf32, #tpu.memory_space<vmem_shared>> -> memref<24x128xf32, #tpu.memory_space<vmem_shared>>
      %dma_start3A_466 = arith.constant 0 : i32
      %dma_start3A_467 = tpu.memref_slice %arg8[%add3A_45, %dma_start3A_466] : memref<10000x128xf32, #tpu.memory_space<vmem_shared>> -> memref<24x128xf32, #tpu.memory_space<vmem_shared>>
      tpu.enqueue_dma source(%arg5 : memref<24x128xf32, #tpu.memory_space<vmem>>) target(%dma_start3A_467 : memref<24x128xf32, #tpu.memory_space<vmem_shared>>) target_semaphore(%run_scoped3A : memref<!tpu.dma_semaphore, #tpu.memory_space<semaphore_mem>>)
      %dma_wait3A_468 = arith.constant 0 : i32
      %dma_wait3A_469 = tpu.memref_slice %arg8[%add3A_45, %dma_wait3A_468] : memref<10000x128xf32, #tpu.memory_space<vmem_shared>> -> memref<24x128xf32, #tpu.memory_space<vmem_shared>>
      %dma_wait3A_470 = arith.constant 0 : i32
      %dma_wait3A_471 = tpu.memref_slice %arg8[%add3A_45, %dma_wait3A_470] : memref<10000x128xf32, #tpu.memory_space<vmem_shared>> -> memref<24x128xf32, #tpu.memory_space<vmem_shared>>
      tpu.wait_dma2 semaphore(%run_scoped3A : memref<!tpu.dma_semaphore, #tpu.memory_space<semaphore_mem>>) src(%arg5 : memref<24x128xf32, #tpu.memory_space<vmem>>) dst(%dma_wait3A_471 : memref<24x128xf32, #tpu.memory_space<vmem_shared>>)
      tpu.yield
    }) : () -> ()
    %add3A_46 = arith.constant 384 : i32
    %add3A_47 = arith.addi %mul3A_13, %add3A_46 : i32
    "tpu.region"() ({
      %run_scoped3A = tpu.sem_alloc : memref<!tpu.dma_semaphore, #tpu.memory_space<semaphore_mem>>
      %dma_start3A = arith.constant 0 : i32
      %dma_start3A_465 = tpu.memref_slice %arg8[%add3A_47, %dma_start3A] : memref<10000x128xf32, #tpu.memory_space<vmem_shared>> -> memref<24x128xf32, #tpu.memory_space<vmem_shared>>
      %dma_start3A_466 = arith.constant 0 : i32
      %dma_start3A_467 = tpu.memref_slice %arg8[%add3A_47, %dma_start3A_466] : memref<10000x128xf32, #tpu.memory_space<vmem_shared>> -> memref<24x128xf32, #tpu.memory_space<vmem_shared>>
      tpu.enqueue_dma source(%arg5 : memref<24x128xf32, #tpu.memory_space<vmem>>) target(%dma_start3A_467 : memref<24x128xf32, #tpu.memory_space<vmem_shared>>) target_semaphore(%run_scoped3A : memref<!tpu.dma_semaphore, #tpu.memory_space<semaphore_mem>>)
      %dma_wait3A_468 = arith.constant 0 : i32
      %dma_wait3A_469 = tpu.memref_slice %arg8[%add3A_47, %dma_wait3A_468] : memref<10000x128xf32, #tpu.memory_space<vmem_shared>> -> memref<24x128xf32, #tpu.memory_space<vmem_shared>>
      %dma_wait3A_470 = arith.constant 0 : i32
      %dma_wait3A_471 = tpu.memref_slice %arg8[%add3A_47, %dma_wait3A_470] : memref<10000x128xf32, #tpu.memory_space<vmem_shared>> -> memref<24x128xf32, #tpu.memory_space<vmem_shared>>
      tpu.wait_dma2 semaphore(%run_scoped3A : memref<!tpu.dma_semaphore, #tpu.memory_space<semaphore_mem>>) src(%arg5 : memref<24x128xf32, #tpu.memory_space<vmem>>) dst(%dma_wait3A_471 : memref<24x128xf32, #tpu.memory_space<vmem_shared>>)
      tpu.yield
    }) : () -> ()
    %add3A_48 = arith.constant 408 : i32
    %add3A_49 = arith.addi %mul3A_13, %add3A_48 : i32
    "tpu.region"() ({
      %run_scoped3A = tpu.sem_alloc : memref<!tpu.dma_semaphore, #tpu.memory_space<semaphore_mem>>
      %dma_start3A = arith.constant 0 : i32
      %dma_start3A_465 = tpu.memref_slice %arg8[%add3A_49, %dma_start3A] : memref<10000x128xf32, #tpu.memory_space<vmem_shared>> -> memref<24x128xf32, #tpu.memory_space<vmem_shared>>
      %dma_start3A_466 = arith.constant 0 : i32
      %dma_start3A_467 = tpu.memref_slice %arg8[%add3A_49, %dma_start3A_466] : memref<10000x128xf32, #tpu.memory_space<vmem_shared>> -> memref<24x128xf32, #tpu.memory_space<vmem_shared>>
      tpu.enqueue_dma source(%arg5 : memref<24x128xf32, #tpu.memory_space<vmem>>) target(%dma_start3A_467 : memref<24x128xf32, #tpu.memory_space<vmem_shared>>) target_semaphore(%run_scoped3A : memref<!tpu.dma_semaphore, #tpu.memory_space<semaphore_mem>>)
      %dma_wait3A_468 = arith.constant 0 : i32
      %dma_wait3A_469 = tpu.memref_slice %arg8[%add3A_49, %dma_wait3A_468] : memref<10000x128xf32, #tpu.memory_space<vmem_shared>> -> memref<24x128xf32, #tpu.memory_space<vmem_shared>>
      %dma_wait3A_470 = arith.constant 0 : i32
      %dma_wait3A_471 = tpu.memref_slice %arg8[%add3A_49, %dma_wait3A_470] : memref<10000x128xf32, #tpu.memory_space<vmem_shared>> -> memref<24x128xf32, #tpu.memory_space<vmem_shared>>
      tpu.wait_dma2 semaphore(%run_scoped3A : memref<!tpu.dma_semaphore, #tpu.memory_space<semaphore_mem>>) src(%arg5 : memref<24x128xf32, #tpu.memory_space<vmem>>) dst(%dma_wait3A_471 : memref<24x128xf32, #tpu.memory_space<vmem_shared>>)
      tpu.yield
    }) : () -> ()
    %add3A_50 = arith.constant 432 : i32
    %add3A_51 = arith.addi %mul3A_13, %add3A_50 : i32
    "tpu.region"() ({
      %run_scoped3A = tpu.sem_alloc : memref<!tpu.dma_semaphore, #tpu.memory_space<semaphore_mem>>
      %dma_start3A = arith.constant 0 : i32
      %dma_start3A_465 = tpu.memref_slice %arg8[%add3A_51, %dma_start3A] : memref<10000x128xf32, #tpu.memory_space<vmem_shared>> -> memref<24x128xf32, #tpu.memory_space<vmem_shared>>
      %dma_start3A_466 = arith.constant 0 : i32
      %dma_start3A_467 = tpu.memref_slice %arg8[%add3A_51, %dma_start3A_466] : memref<10000x128xf32, #tpu.memory_space<vmem_shared>> -> memref<24x128xf32, #tpu.memory_space<vmem_shared>>
      tpu.enqueue_dma source(%arg5 : memref<24x128xf32, #tpu.memory_space<vmem>>) target(%dma_start3A_467 : memref<24x128xf32, #tpu.memory_space<vmem_shared>>) target_semaphore(%run_scoped3A : memref<!tpu.dma_semaphore, #tpu.memory_space<semaphore_mem>>)
      %dma_wait3A_468 = arith.constant 0 : i32
      %dma_wait3A_469 = tpu.memref_slice %arg8[%add3A_51, %dma_wait3A_468] : memref<10000x128xf32, #tpu.memory_space<vmem_shared>> -> memref<24x128xf32, #tpu.memory_space<vmem_shared>>
      %dma_wait3A_470 = arith.constant 0 : i32
      %dma_wait3A_471 = tpu.memref_slice %arg8[%add3A_51, %dma_wait3A_470] : memref<10000x128xf32, #tpu.memory_space<vmem_shared>> -> memref<24x128xf32, #tpu.memory_space<vmem_shared>>
      tpu.wait_dma2 semaphore(%run_scoped3A : memref<!tpu.dma_semaphore, #tpu.memory_space<semaphore_mem>>) src(%arg5 : memref<24x128xf32, #tpu.memory_space<vmem>>) dst(%dma_wait3A_471 : memref<24x128xf32, #tpu.memory_space<vmem_shared>>)
      tpu.yield
    }) : () -> ()
    %add3A_52 = arith.constant 456 : i32
    %add3A_53 = arith.addi %mul3A_13, %add3A_52 : i32
    "tpu.region"() ({
      %run_scoped3A = tpu.sem_alloc : memref<!tpu.dma_semaphore, #tpu.memory_space<semaphore_mem>>
      %dma_start3A = arith.constant 0 : i32
      %dma_start3A_465 = tpu.memref_slice %arg8[%add3A_53, %dma_start3A] : memref<10000x128xf32, #tpu.memory_space<vmem_shared>> -> memref<24x128xf32, #tpu.memory_space<vmem_shared>>
      %dma_start3A_466 = arith.constant 0 : i32
      %dma_start3A_467 = tpu.memref_slice %arg8[%add3A_53, %dma_start3A_466] : memref<10000x128xf32, #tpu.memory_space<vmem_shared>> -> memref<24x128xf32, #tpu.memory_space<vmem_shared>>
      tpu.enqueue_dma source(%arg5 : memref<24x128xf32, #tpu.memory_space<vmem>>) target(%dma_start3A_467 : memref<24x128xf32, #tpu.memory_space<vmem_shared>>) target_semaphore(%run_scoped3A : memref<!tpu.dma_semaphore, #tpu.memory_space<semaphore_mem>>)
      %dma_wait3A_468 = arith.constant 0 : i32
      %dma_wait3A_469 = tpu.memref_slice %arg8[%add3A_53, %dma_wait3A_468] : memref<10000x128xf32, #tpu.memory_space<vmem_shared>> -> memref<24x128xf32, #tpu.memory_space<vmem_shared>>
      %dma_wait3A_470 = arith.constant 0 : i32
      %dma_wait3A_471 = tpu.memref_slice %arg8[%add3A_53, %dma_wait3A_470] : memref<10000x128xf32, #tpu.memory_space<vmem_shared>> -> memref<24x128xf32, #tpu.memory_space<vmem_shared>>
      tpu.wait_dma2 semaphore(%run_scoped3A : memref<!tpu.dma_semaphore, #tpu.memory_space<semaphore_mem>>) src(%arg5 : memref<24x128xf32, #tpu.memory_space<vmem>>) dst(%dma_wait3A_471 : memref<24x128xf32, #tpu.memory_space<vmem_shared>>)
      tpu.yield
    }) : () -> ()
    %add3A_54 = arith.constant 480 : i32
    %add3A_55 = arith.addi %mul3A_13, %add3A_54 : i32
    "tpu.region"() ({
      %run_scoped3A = tpu.sem_alloc : memref<!tpu.dma_semaphore, #tpu.memory_space<semaphore_mem>>
      %dma_start3A = arith.constant 0 : i32
      %dma_start3A_465 = tpu.memref_slice %arg8[%add3A_55, %dma_start3A] : memref<10000x128xf32, #tpu.memory_space<vmem_shared>> -> memref<24x128xf32, #tpu.memory_space<vmem_shared>>
      %dma_start3A_466 = arith.constant 0 : i32
      %dma_start3A_467 = tpu.memref_slice %arg8[%add3A_55, %dma_start3A_466] : memref<10000x128xf32, #tpu.memory_space<vmem_shared>> -> memref<24x128xf32, #tpu.memory_space<vmem_shared>>
      tpu.enqueue_dma source(%arg5 : memref<24x128xf32, #tpu.memory_space<vmem>>) target(%dma_start3A_467 : memref<24x128xf32, #tpu.memory_space<vmem_shared>>) target_semaphore(%run_scoped3A : memref<!tpu.dma_semaphore, #tpu.memory_space<semaphore_mem>>)
      %dma_wait3A_468 = arith.constant 0 : i32
      %dma_wait3A_469 = tpu.memref_slice %arg8[%add3A_55, %dma_wait3A_468] : memref<10000x128xf32, #tpu.memory_space<vmem_shared>> -> memref<24x128xf32, #tpu.memory_space<vmem_shared>>
      %dma_wait3A_470 = arith.constant 0 : i32
      %dma_wait3A_471 = tpu.memref_slice %arg8[%add3A_55, %dma_wait3A_470] : memref<10000x128xf32, #tpu.memory_space<vmem_shared>> -> memref<24x128xf32, #tpu.memory_space<vmem_shared>>
      tpu.wait_dma2 semaphore(%run_scoped3A : memref<!tpu.dma_semaphore, #tpu.memory_space<semaphore_mem>>) src(%arg5 : memref<24x128xf32, #tpu.memory_space<vmem>>) dst(%dma_wait3A_471 : memref<24x128xf32, #tpu.memory_space<vmem_shared>>)
      tpu.yield
    }) : () -> ()
    %add3A_56 = arith.constant 504 : i32
    %add3A_57 = arith.addi %mul3A_13, %add3A_56 : i32
    "tpu.region"() ({
      %run_scoped3A = tpu.sem_alloc : memref<!tpu.dma_semaphore, #tpu.memory_space<semaphore_mem>>
      %dma_start3A = arith.constant 0 : i32
      %dma_start3A_465 = tpu.memref_slice %arg8[%add3A_57, %dma_start3A] : memref<10000x128xf32, #tpu.memory_space<vmem_shared>> -> memref<24x128xf32, #tpu.memory_space<vmem_shared>>
      %dma_start3A_466 = arith.constant 0 : i32
      %dma_start3A_467 = tpu.memref_slice %arg8[%add3A_57, %dma_start3A_466] : memref<10000x128xf32, #tpu.memory_space<vmem_shared>> -> memref<24x128xf32, #tpu.memory_space<vmem_shared>>
      tpu.enqueue_dma source(%arg5 : memref<24x128xf32, #tpu.memory_space<vmem>>) target(%dma_start3A_467 : memref<24x128xf32, #tpu.memory_space<vmem_shared>>) target_semaphore(%run_scoped3A : memref<!tpu.dma_semaphore, #tpu.memory_space<semaphore_mem>>)
      %dma_wait3A_468 = arith.constant 0 : i32
      %dma_wait3A_469 = tpu.memref_slice %arg8[%add3A_57, %dma_wait3A_468] : memref<10000x128xf32, #tpu.memory_space<vmem_shared>> -> memref<24x128xf32, #tpu.memory_space<vmem_shared>>
      %dma_wait3A_470 = arith.constant 0 : i32
      %dma_wait3A_471 = tpu.memref_slice %arg8[%add3A_57, %dma_wait3A_470] : memref<10000x128xf32, #tpu.memory_space<vmem_shared>> -> memref<24x128xf32, #tpu.memory_space<vmem_shared>>
      tpu.wait_dma2 semaphore(%run_scoped3A : memref<!tpu.dma_semaphore, #tpu.memory_space<semaphore_mem>>) src(%arg5 : memref<24x128xf32, #tpu.memory_space<vmem>>) dst(%dma_wait3A_471 : memref<24x128xf32, #tpu.memory_space<vmem_shared>>)
      tpu.yield
    }) : () -> ()
    %add3A_58 = arith.constant 528 : i32
    %add3A_59 = arith.addi %mul3A_13, %add3A_58 : i32
    "tpu.region"() ({
      %run_scoped3A = tpu.sem_alloc : memref<!tpu.dma_semaphore, #tpu.memory_space<semaphore_mem>>
      %dma_start3A = arith.constant 0 : i32
      %dma_start3A_465 = tpu.memref_slice %arg8[%add3A_59, %dma_start3A] : memref<10000x128xf32, #tpu.memory_space<vmem_shared>> -> memref<24x128xf32, #tpu.memory_space<vmem_shared>>
      %dma_start3A_466 = arith.constant 0 : i32
      %dma_start3A_467 = tpu.memref_slice %arg8[%add3A_59, %dma_start3A_466] : memref<10000x128xf32, #tpu.memory_space<vmem_shared>> -> memref<24x128xf32, #tpu.memory_space<vmem_shared>>
      tpu.enqueue_dma source(%arg5 : memref<24x128xf32, #tpu.memory_space<vmem>>) target(%dma_start3A_467 : memref<24x128xf32, #tpu.memory_space<vmem_shared>>) target_semaphore(%run_scoped3A : memref<!tpu.dma_semaphore, #tpu.memory_space<semaphore_mem>>)
      %dma_wait3A_468 = arith.constant 0 : i32
      %dma_wait3A_469 = tpu.memref_slice %arg8[%add3A_59, %dma_wait3A_468] : memref<10000x128xf32, #tpu.memory_space<vmem_shared>> -> memref<24x128xf32, #tpu.memory_space<vmem_shared>>
      %dma_wait3A_470 = arith.constant 0 : i32
      %dma_wait3A_471 = tpu.memref_slice %arg8[%add3A_59, %dma_wait3A_470] : memref<10000x128xf32, #tpu.memory_space<vmem_shared>> -> memref<24x128xf32, #tpu.memory_space<vmem_shared>>
      tpu.wait_dma2 semaphore(%run_scoped3A : memref<!tpu.dma_semaphore, #tpu.memory_space<semaphore_mem>>) src(%arg5 : memref<24x128xf32, #tpu.memory_space<vmem>>) dst(%dma_wait3A_471 : memref<24x128xf32, #tpu.memory_space<vmem_shared>>)
      tpu.yield
    }) : () -> ()
    %add3A_60 = arith.constant 552 : i32
    %add3A_61 = arith.addi %mul3A_13, %add3A_60 : i32
    "tpu.region"() ({
      %run_scoped3A = tpu.sem_alloc : memref<!tpu.dma_semaphore, #tpu.memory_space<semaphore_mem>>
      %dma_start3A = arith.constant 0 : i32
      %dma_start3A_465 = tpu.memref_slice %arg8[%add3A_61, %dma_start3A] : memref<10000x128xf32, #tpu.memory_space<vmem_shared>> -> memref<24x128xf32, #tpu.memory_space<vmem_shared>>
      %dma_start3A_466 = arith.constant 0 : i32
      %dma_start3A_467 = tpu.memref_slice %arg8[%add3A_61, %dma_start3A_466] : memref<10000x128xf32, #tpu.memory_space<vmem_shared>> -> memref<24x128xf32, #tpu.memory_space<vmem_shared>>
      tpu.enqueue_dma source(%arg5 : memref<24x128xf32, #tpu.memory_space<vmem>>) target(%dma_start3A_467 : memref<24x128xf32, #tpu.memory_space<vmem_shared>>) target_semaphore(%run_scoped3A : memref<!tpu.dma_semaphore, #tpu.memory_space<semaphore_mem>>)
      %dma_wait3A_468 = arith.constant 0 : i32
      %dma_wait3A_469 = tpu.memref_slice %arg8[%add3A_61, %dma_wait3A_468] : memref<10000x128xf32, #tpu.memory_space<vmem_shared>> -> memref<24x128xf32, #tpu.memory_space<vmem_shared>>
      %dma_wait3A_470 = arith.constant 0 : i32
      %dma_wait3A_471 = tpu.memref_slice %arg8[%add3A_61, %dma_wait3A_470] : memref<10000x128xf32, #tpu.memory_space<vmem_shared>> -> memref<24x128xf32, #tpu.memory_space<vmem_shared>>
      tpu.wait_dma2 semaphore(%run_scoped3A : memref<!tpu.dma_semaphore, #tpu.memory_space<semaphore_mem>>) src(%arg5 : memref<24x128xf32, #tpu.memory_space<vmem>>) dst(%dma_wait3A_471 : memref<24x128xf32, #tpu.memory_space<vmem_shared>>)
      tpu.yield
    }) : () -> ()
    %add3A_62 = arith.constant 576 : i32
    %add3A_63 = arith.addi %mul3A_13, %add3A_62 : i32
    "tpu.region"() ({
      %run_scoped3A = tpu.sem_alloc : memref<!tpu.dma_semaphore, #tpu.memory_space<semaphore_mem>>
      %dma_start3A = arith.constant 0 : i32
      %dma_start3A_465 = tpu.memref_slice %arg8[%add3A_63, %dma_start3A] : memref<10000x128xf32, #tpu.memory_space<vmem_shared>> -> memref<24x128xf32, #tpu.memory_space<vmem_shared>>
      %dma_start3A_466 = arith.constant 0 : i32
      %dma_start3A_467 = tpu.memref_slice %arg8[%add3A_63, %dma_start3A_466] : memref<10000x128xf32, #tpu.memory_space<vmem_shared>> -> memref<24x128xf32, #tpu.memory_space<vmem_shared>>
      tpu.enqueue_dma source(%arg5 : memref<24x128xf32, #tpu.memory_space<vmem>>) target(%dma_start3A_467 : memref<24x128xf32, #tpu.memory_space<vmem_shared>>) target_semaphore(%run_scoped3A : memref<!tpu.dma_semaphore, #tpu.memory_space<semaphore_mem>>)
      %dma_wait3A_468 = arith.constant 0 : i32
      %dma_wait3A_469 = tpu.memref_slice %arg8[%add3A_63, %dma_wait3A_468] : memref<10000x128xf32, #tpu.memory_space<vmem_shared>> -> memref<24x128xf32, #tpu.memory_space<vmem_shared>>
      %dma_wait3A_470 = arith.constant 0 : i32
      %dma_wait3A_471 = tpu.memref_slice %arg8[%add3A_63, %dma_wait3A_470] : memref<10000x128xf32, #tpu.memory_space<vmem_shared>> -> memref<24x128xf32, #tpu.memory_space<vmem_shared>>
      tpu.wait_dma2 semaphore(%run_scoped3A : memref<!tpu.dma_semaphore, #tpu.memory_space<semaphore_mem>>) src(%arg5 : memref<24x128xf32, #tpu.memory_space<vmem>>) dst(%dma_wait3A_471 : memref<24x128xf32, #tpu.memory_space<vmem_shared>>)
      tpu.yield
    }) : () -> ()
    %add3A_64 = arith.constant 600 : i32
    %add3A_65 = arith.addi %mul3A_13, %add3A_64 : i32
    "tpu.region"() ({
      %run_scoped3A = tpu.sem_alloc : memref<!tpu.dma_semaphore, #tpu.memory_space<semaphore_mem>>
      %dma_start3A = arith.constant 0 : i32
      %dma_start3A_465 = tpu.memref_slice %arg8[%add3A_65, %dma_start3A] : memref<10000x128xf32, #tpu.memory_space<vmem_shared>> -> memref<24x128xf32, #tpu.memory_space<vmem_shared>>
      %dma_start3A_466 = arith.constant 0 : i32
      %dma_start3A_467 = tpu.memref_slice %arg8[%add3A_65, %dma_start3A_466] : memref<10000x128xf32, #tpu.memory_space<vmem_shared>> -> memref<24x128xf32, #tpu.memory_space<vmem_shared>>
      tpu.enqueue_dma source(%arg5 : memref<24x128xf32, #tpu.memory_space<vmem>>) target(%dma_start3A_467 : memref<24x128xf32, #tpu.memory_space<vmem_shared>>) target_semaphore(%run_scoped3A : memref<!tpu.dma_semaphore, #tpu.memory_space<semaphore_mem>>)
      %dma_wait3A_468 = arith.constant 0 : i32
      %dma_wait3A_469 = tpu.memref_slice %arg8[%add3A_65, %dma_wait3A_468] : memref<10000x128xf32, #tpu.memory_space<vmem_shared>> -> memref<24x128xf32, #tpu.memory_space<vmem_shared>>
      %dma_wait3A_470 = arith.constant 0 : i32
      %dma_wait3A_471 = tpu.memref_slice %arg8[%add3A_65, %dma_wait3A_470] : memref<10000x128xf32, #tpu.memory_space<vmem_shared>> -> memref<24x128xf32, #tpu.memory_space<vmem_shared>>
      tpu.wait_dma2 semaphore(%run_scoped3A : memref<!tpu.dma_semaphore, #tpu.memory_space<semaphore_mem>>) src(%arg5 : memref<24x128xf32, #tpu.memory_space<vmem>>) dst(%dma_wait3A_471 : memref<24x128xf32, #tpu.memory_space<vmem_shared>>)
      tpu.yield
    }) : () -> ()
    %eq3A = arith.constant 15 : i32
    %eq3A_66 = arith.cmpi eq, %arg1, %eq3A : i32
    %convert_element_type3A = arith.extui %eq3A_66 : i1 to i32
    %cond3A = arith.constant 0 : i32
    %cond3A_67 = arith.cmpi ne, %convert_element_type3A, %cond3A : i32
    scf.if %cond3A_67 {
      "tpu.region"() ({
        %run_scoped3A = tpu.sem_alloc : memref<!tpu.dma_semaphore, #tpu.memory_space<semaphore_mem>>
        %dma_start3A = arith.constant 0 : i32
        %dma_start3A_465 = arith.constant 0 : i32
        %dma_start3A_466 = tpu.memref_slice %arg5[%dma_start3A, %dma_start3A_465] : memref<24x128xf32, #tpu.memory_space<vmem>> -> memref<16x128xf32, #tpu.memory_space<vmem>>
        %dma_start3A_467 = arith.constant 9984 : i32
        %dma_start3A_468 = arith.constant 0 : i32
        %dma_start3A_469 = tpu.memref_slice %arg8[%dma_start3A_467, %dma_start3A_468] : memref<10000x128xf32, #tpu.memory_space<vmem_shared>> -> memref<16x128xf32, #tpu.memory_space<vmem_shared>>
        %dma_start3A_470 = arith.constant 9984 : i32
        %dma_start3A_471 = arith.constant 0 : i32
        %dma_start3A_472 = tpu.memref_slice %arg8[%dma_start3A_470, %dma_start3A_471] : memref<10000x128xf32, #tpu.memory_space<vmem_shared>> -> memref<16x128xf32, #tpu.memory_space<vmem_shared>>
        %dma_start3A_473 = arith.constant 0 : i32
        %dma_start3A_474 = arith.constant 0 : i32
        %dma_start3A_475 = tpu.memref_slice %arg5[%dma_start3A_473, %dma_start3A_474] : memref<24x128xf32, #tpu.memory_space<vmem>> -> memref<16x128xf32, #tpu.memory_space<vmem>>
        tpu.enqueue_dma source(%dma_start3A_475 : memref<16x128xf32, #tpu.memory_space<vmem>>) target(%dma_start3A_472 : memref<16x128xf32, #tpu.memory_space<vmem_shared>>) target_semaphore(%run_scoped3A : memref<!tpu.dma_semaphore, #tpu.memory_space<semaphore_mem>>)
        %dma_wait3A_476 = arith.constant 0 : i32
        %dma_wait3A_477 = arith.constant 0 : i32
        %dma_wait3A_478 = tpu.memref_slice %arg5[%dma_wait3A_476, %dma_wait3A_477] : memref<24x128xf32, #tpu.memory_space<vmem>> -> memref<16x128xf32, #tpu.memory_space<vmem>>
        %dma_wait3A_479 = arith.constant 9984 : i32
        %dma_wait3A_480 = arith.constant 0 : i32
        %dma_wait3A_481 = tpu.memref_slice %arg8[%dma_wait3A_479, %dma_wait3A_480] : memref<10000x128xf32, #tpu.memory_space<vmem_shared>> -> memref<16x128xf32, #tpu.memory_space<vmem_shared>>
        %dma_wait3A_482 = arith.constant 9984 : i32
        %dma_wait3A_483 = arith.constant 0 : i32
        %dma_wait3A_484 = tpu.memref_slice %arg8[%dma_wait3A_482, %dma_wait3A_483] : memref<10000x128xf32, #tpu.memory_space<vmem_shared>> -> memref<16x128xf32, #tpu.memory_space<vmem_shared>>
        %dma_wait3A_485 = arith.constant 0 : i32
        %dma_wait3A_486 = arith.constant 0 : i32
        %dma_wait3A_487 = tpu.memref_slice %arg5[%dma_wait3A_485, %dma_wait3A_486] : memref<24x128xf32, #tpu.memory_space<vmem>> -> memref<16x128xf32, #tpu.memory_space<vmem>>
        tpu.wait_dma2 semaphore(%run_scoped3A : memref<!tpu.dma_semaphore, #tpu.memory_space<semaphore_mem>>) src(%dma_wait3A_487 : memref<16x128xf32, #tpu.memory_space<vmem>>) dst(%dma_wait3A_484 : memref<16x128xf32, #tpu.memory_space<vmem_shared>>)
        tpu.yield
      }) : () -> ()
    } else {
    }
    %barrier3A = arith.constant 0 : index
    tpu.barrier barrier_id(%barrier3A)
    %scan3A_68 = arith.constant 0 : i32
    %scan3A_69 = arith.constant 0 : i32
    %scan3A_70 = arith.constant 80 : i32
    %scan3A_71 = arith.addi %scan3A_69, %scan3A_70 : i32
    %scan3A_72 = arith.constant 1 : i32
    scf.for %scan3A_465 = %scan3A_69 to %scan3A_71 step %scan3A_72  : i32 {
      %jit3A = arith.constant 16 : i32
      %eq3A_466 = arith.constant 0 : i32
      %eq3A_467 = arith.cmpi eq, %jit3A, %eq3A_466 : i32
      %jit3A_468 = arith.constant 1 : i32
      %select_n3A = arith.select %eq3A_467, %jit3A_468, %jit3A : i32
      %rem3A = arith.remsi %scan3A_465, %select_n3A : i32
      %ne3A = arith.constant 0 : i32
      %ne3A_469 = arith.cmpi ne, %rem3A, %ne3A : i32
      %lt3A = arith.constant 0 : i32
      %lt3A_470 = arith.cmpi slt, %rem3A, %lt3A : i32
      %lt3A_471 = arith.constant 0 : i32
      %lt3A_472 = arith.cmpi slt, %select_n3A, %lt3A_471 : i32
      %ne3A_473 = arith.xori %lt3A_470, %lt3A_472 : i1
      %and3A = arith.andi %ne3A_473, %ne3A_469 : i1
      %add3A_474 = arith.addi %rem3A, %select_n3A : i32
      %select_n3A_475 = arith.select %and3A, %add3A_474, %rem3A : i32
      %jit3A_476 = arith.constant 16 : i32
      %div3A = arith.divsi %scan3A_465, %jit3A_476 : i32
      %sign3A = arith.constant 0 : i32
      %sign3A_477 = arith.cmpi sgt, %scan3A_465, %sign3A : i32
      %sign3A_478 = arith.extui %sign3A_477 : i1 to i32
      %sign3A_479 = arith.constant 0 : i32
      %sign3A_480 = arith.cmpi slt, %scan3A_465, %sign3A_479 : i32
      %sign3A_481 = arith.extui %sign3A_480 : i1 to i32
      %sign3A_482 = arith.subi %sign3A_478, %sign3A_481 : i32
      %sign3A_483 = arith.constant 0 : i32
      %sign3A_484 = arith.cmpi sgt, %jit3A_476, %sign3A_483 : i32
      %sign3A_485 = arith.extui %sign3A_484 : i1 to i32
      %sign3A_486 = arith.constant 0 : i32
      %sign3A_487 = arith.cmpi slt, %jit3A_476, %sign3A_486 : i32
      %sign3A_488 = arith.extui %sign3A_487 : i1 to i32
      %sign3A_489 = arith.subi %sign3A_485, %sign3A_488 : i32
      %ne3A_490 = arith.cmpi ne, %sign3A_482, %sign3A_489 : i32
      %rem3A_491 = arith.remsi %scan3A_465, %jit3A_476 : i32
      %ne3A_492 = arith.constant 0 : i32
      %ne3A_493 = arith.cmpi ne, %rem3A_491, %ne3A_492 : i32
      %and3A_494 = arith.andi %ne3A_490, %ne3A_493 : i1
      %sub3A = arith.constant 1 : i32
      %sub3A_495 = arith.subi %div3A, %sub3A : i32
      %select_n3A_496 = arith.select %and3A_494, %sub3A_495, %div3A : i32
      %jit3A_497 = arith.constant 2 : i32
      %eq3A_498 = arith.constant 0 : i32
      %eq3A_499 = arith.cmpi eq, %jit3A_497, %eq3A_498 : i32
      %jit3A_500 = arith.constant 1 : i32
      %select_n3A_501 = arith.select %eq3A_499, %jit3A_500, %jit3A_497 : i32
      %rem3A_502 = arith.remsi %select_n3A_496, %select_n3A_501 : i32
      %ne3A_503 = arith.constant 0 : i32
      %ne3A_504 = arith.cmpi ne, %rem3A_502, %ne3A_503 : i32
      %lt3A_505 = arith.constant 0 : i32
      %lt3A_506 = arith.cmpi slt, %rem3A_502, %lt3A_505 : i32
      %lt3A_507 = arith.constant 0 : i32
      %lt3A_508 = arith.cmpi slt, %select_n3A_501, %lt3A_507 : i32
      %ne3A_509 = arith.xori %lt3A_506, %lt3A_508 : i1
      %and3A_510 = arith.andi %ne3A_509, %ne3A_504 : i1
      %add3A_511 = arith.addi %rem3A_502, %select_n3A_501 : i32
      %select_n3A_512 = arith.select %and3A_510, %add3A_511, %rem3A_502 : i32
      %eq3A_513 = arith.constant 0 : i32
      %eq3A_514 = arith.cmpi eq, %select_n3A_475, %eq3A_513 : i32
      %ge3A = arith.constant 32 : i32
      %ge3A_515 = arith.cmpi sge, %scan3A_465, %ge3A : i32
      %and3A_516 = arith.andi %eq3A_514, %ge3A_515 : i1
      %convert_element_type3A_517 = arith.extui %and3A_516 : i1 to i32
      %cond3A_518 = arith.constant 0 : i32
      %cond3A_519 = arith.cmpi ne, %convert_element_type3A_517, %cond3A_518 : i32
      scf.if %cond3A_519 {
        %dma_wait3A_534 = arith.constant 0 : i32
        %dma_wait3A_535 = arith.constant 0 : i32
        %dma_wait3A_536 = arith.constant 0 : i32
        %dma_wait3A_537 = arith.constant 0 : i32
        %dma_wait3A_538 = tpu.memref_slice %arg4[%dma_wait3A_534, %dma_wait3A_536, %dma_wait3A_537] : memref<2x16x125xi32, #tpu.memory_space<vmem>> -> memref<1x16x125xi32, #tpu.memory_space<vmem>>
        %dma_wait3A_539 = tpu.memref_squeeze %dma_wait3A_538 : memref<1x16x125xi32, #tpu.memory_space<vmem>> -> memref<16x125xi32, #tpu.memory_space<vmem>>
        %dma_wait3A_540 = arith.constant 0 : i32
        %dma_wait3A_541 = tpu.memref_slice %dma_wait3A_539[%dma_wait3A_535, %dma_wait3A_540] : memref<16x125xi32, #tpu.memory_space<vmem>> -> memref<1x125xi32, #tpu.memory_space<vmem>>
        %dma_wait3A_542 = tpu.memref_squeeze %dma_wait3A_541 : memref<1x125xi32, #tpu.memory_space<vmem>> -> memref<125xi32, #tpu.memory_space<vmem>>
        %dma_wait3A_543 = arith.constant 0 : i32
        %dma_wait3A_544 = arith.constant 0 : i32
        %dma_wait3A_545 = tpu.memref_slice %arg8[%dma_wait3A_543, %dma_wait3A_544] : memref<10000x128xf32, #tpu.memory_space<vmem_shared>> -> memref<10000x128xf32, #tpu.memory_space<vmem_shared>>
        tpu.wait_indirect_dma semaphore(%arg7 : memref<!tpu.dma_semaphore, #tpu.memory_space<semaphore_mem>>) src(%arg6 : memref<125x128xf32, #tpu.memory_space<vmem>>) dst(%dma_wait3A_545 : memref<10000x128xf32, #tpu.memory_space<vmem_shared>>)
        %dma_wait3A_546 = arith.constant 0 : i32
        %dma_wait3A_547 = arith.constant 0 : i32
        %dma_wait3A_548 = arith.constant 0 : i32
        %dma_wait3A_549 = arith.constant 0 : i32
        %dma_wait3A_550 = tpu.memref_slice %arg4[%dma_wait3A_546, %dma_wait3A_548, %dma_wait3A_549] : memref<2x16x125xi32, #tpu.memory_space<vmem>> -> memref<1x16x125xi32, #tpu.memory_space<vmem>>
        %dma_wait3A_551 = tpu.memref_squeeze %dma_wait3A_550 : memref<1x16x125xi32, #tpu.memory_space<vmem>> -> memref<16x125xi32, #tpu.memory_space<vmem>>
        %dma_wait3A_552 = arith.constant 0 : i32
        %dma_wait3A_553 = tpu.memref_slice %dma_wait3A_551[%dma_wait3A_547, %dma_wait3A_552] : memref<16x125xi32, #tpu.memory_space<vmem>> -> memref<1x125xi32, #tpu.memory_space<vmem>>
        %dma_wait3A_554 = tpu.memref_squeeze %dma_wait3A_553 : memref<1x125xi32, #tpu.memory_space<vmem>> -> memref<125xi32, #tpu.memory_space<vmem>>
        %dma_wait3A_555 = arith.constant 0 : i32
        %dma_wait3A_556 = arith.constant 0 : i32
        %dma_wait3A_557 = tpu.memref_slice %arg8[%dma_wait3A_555, %dma_wait3A_556] : memref<10000x128xf32, #tpu.memory_space<vmem_shared>> -> memref<10000x128xf32, #tpu.memory_space<vmem_shared>>
        tpu.wait_indirect_dma semaphore(%arg7 : memref<!tpu.dma_semaphore, #tpu.memory_space<semaphore_mem>>) src(%arg6 : memref<125x128xf32, #tpu.memory_space<vmem>>) dst(%dma_wait3A_557 : memref<10000x128xf32, #tpu.memory_space<vmem_shared>>)
        %dma_wait3A_558 = arith.constant 0 : i32
        %dma_wait3A_559 = arith.constant 0 : i32
        %dma_wait3A_560 = arith.constant 0 : i32
        %dma_wait3A_561 = arith.constant 0 : i32
        %dma_wait3A_562 = tpu.memref_slice %arg4[%dma_wait3A_558, %dma_wait3A_560, %dma_wait3A_561] : memref<2x16x125xi32, #tpu.memory_space<vmem>> -> memref<1x16x125xi32, #tpu.memory_space<vmem>>
        %dma_wait3A_563 = tpu.memref_squeeze %dma_wait3A_562 : memref<1x16x125xi32, #tpu.memory_space<vmem>> -> memref<16x125xi32, #tpu.memory_space<vmem>>
        %dma_wait3A_564 = arith.constant 0 : i32
        %dma_wait3A_565 = tpu.memref_slice %dma_wait3A_563[%dma_wait3A_559, %dma_wait3A_564] : memref<16x125xi32, #tpu.memory_space<vmem>> -> memref<1x125xi32, #tpu.memory_space<vmem>>
        %dma_wait3A_566 = tpu.memref_squeeze %dma_wait3A_565 : memref<1x125xi32, #tpu.memory_space<vmem>> -> memref<125xi32, #tpu.memory_space<vmem>>
        %dma_wait3A_567 = arith.constant 0 : i32
        %dma_wait3A_568 = arith.constant 0 : i32
        %dma_wait3A_569 = tpu.memref_slice %arg8[%dma_wait3A_567, %dma_wait3A_568] : memref<10000x128xf32, #tpu.memory_space<vmem_shared>> -> memref<10000x128xf32, #tpu.memory_space<vmem_shared>>
        tpu.wait_indirect_dma semaphore(%arg7 : memref<!tpu.dma_semaphore, #tpu.memory_space<semaphore_mem>>) src(%arg6 : memref<125x128xf32, #tpu.memory_space<vmem>>) dst(%dma_wait3A_569 : memref<10000x128xf32, #tpu.memory_space<vmem_shared>>)
        %dma_wait3A_570 = arith.constant 0 : i32
        %dma_wait3A_571 = arith.constant 0 : i32
        %dma_wait3A_572 = arith.constant 0 : i32
        %dma_wait3A_573 = arith.constant 0 : i32
        %dma_wait3A_574 = tpu.memref_slice %arg4[%dma_wait3A_570, %dma_wait3A_572, %dma_wait3A_573] : memref<2x16x125xi32, #tpu.memory_space<vmem>> -> memref<1x16x125xi32, #tpu.memory_space<vmem>>
        %dma_wait3A_575 = tpu.memref_squeeze %dma_wait3A_574 : memref<1x16x125xi32, #tpu.memory_space<vmem>> -> memref<16x125xi32, #tpu.memory_space<vmem>>
        %dma_wait3A_576 = arith.constant 0 : i32
        %dma_wait3A_577 = tpu.memref_slice %dma_wait3A_575[%dma_wait3A_571, %dma_wait3A_576] : memref<16x125xi32, #tpu.memory_space<vmem>> -> memref<1x125xi32, #tpu.memory_space<vmem>>
        %dma_wait3A_578 = tpu.memref_squeeze %dma_wait3A_577 : memref<1x125xi32, #tpu.memory_space<vmem>> -> memref<125xi32, #tpu.memory_space<vmem>>
        %dma_wait3A_579 = arith.constant 0 : i32
        %dma_wait3A_580 = arith.constant 0 : i32
        %dma_wait3A_581 = tpu.memref_slice %arg8[%dma_wait3A_579, %dma_wait3A_580] : memref<10000x128xf32, #tpu.memory_space<vmem_shared>> -> memref<10000x128xf32, #tpu.memory_space<vmem_shared>>
        tpu.wait_indirect_dma semaphore(%arg7 : memref<!tpu.dma_semaphore, #tpu.memory_space<semaphore_mem>>) src(%arg6 : memref<125x128xf32, #tpu.memory_space<vmem>>) dst(%dma_wait3A_581 : memref<10000x128xf32, #tpu.memory_space<vmem_shared>>)
        %dma_wait3A_582 = arith.constant 0 : i32
        %dma_wait3A_583 = arith.constant 0 : i32
        %dma_wait3A_584 = arith.constant 0 : i32
        %dma_wait3A_585 = arith.constant 0 : i32
        %dma_wait3A_586 = tpu.memref_slice %arg4[%dma_wait3A_582, %dma_wait3A_584, %dma_wait3A_585] : memref<2x16x125xi32, #tpu.memory_space<vmem>> -> memref<1x16x125xi32, #tpu.memory_space<vmem>>
        %dma_wait3A_587 = tpu.memref_squeeze %dma_wait3A_586 : memref<1x16x125xi32, #tpu.memory_space<vmem>> -> memref<16x125xi32, #tpu.memory_space<vmem>>
        %dma_wait3A_588 = arith.constant 0 : i32
        %dma_wait3A_589 = tpu.memref_slice %dma_wait3A_587[%dma_wait3A_583, %dma_wait3A_588] : memref<16x125xi32, #tpu.memory_space<vmem>> -> memref<1x125xi32, #tpu.memory_space<vmem>>
        %dma_wait3A_590 = tpu.memref_squeeze %dma_wait3A_589 : memref<1x125xi32, #tpu.memory_space<vmem>> -> memref<125xi32, #tpu.memory_space<vmem>>
        %dma_wait3A_591 = arith.constant 0 : i32
        %dma_wait3A_592 = arith.constant 0 : i32
        %dma_wait3A_593 = tpu.memref_slice %arg8[%dma_wait3A_591, %dma_wait3A_592] : memref<10000x128xf32, #tpu.memory_space<vmem_shared>> -> memref<10000x128xf32, #tpu.memory_space<vmem_shared>>
        tpu.wait_indirect_dma semaphore(%arg7 : memref<!tpu.dma_semaphore, #tpu.memory_space<semaphore_mem>>) src(%arg6 : memref<125x128xf32, #tpu.memory_space<vmem>>) dst(%dma_wait3A_593 : memref<10000x128xf32, #tpu.memory_space<vmem_shared>>)
        %dma_wait3A_594 = arith.constant 0 : i32
        %dma_wait3A_595 = arith.constant 0 : i32
        %dma_wait3A_596 = arith.constant 0 : i32
        %dma_wait3A_597 = arith.constant 0 : i32
        %dma_wait3A_598 = tpu.memref_slice %arg4[%dma_wait3A_594, %dma_wait3A_596, %dma_wait3A_597] : memref<2x16x125xi32, #tpu.memory_space<vmem>> -> memref<1x16x125xi32, #tpu.memory_space<vmem>>
        %dma_wait3A_599 = tpu.memref_squeeze %dma_wait3A_598 : memref<1x16x125xi32, #tpu.memory_space<vmem>> -> memref<16x125xi32, #tpu.memory_space<vmem>>
        %dma_wait3A_600 = arith.constant 0 : i32
        %dma_wait3A_601 = tpu.memref_slice %dma_wait3A_599[%dma_wait3A_595, %dma_wait3A_600] : memref<16x125xi32, #tpu.memory_space<vmem>> -> memref<1x125xi32, #tpu.memory_space<vmem>>
        %dma_wait3A_602 = tpu.memref_squeeze %dma_wait3A_601 : memref<1x125xi32, #tpu.memory_space<vmem>> -> memref<125xi32, #tpu.memory_space<vmem>>
        %dma_wait3A_603 = arith.constant 0 : i32
        %dma_wait3A_604 = arith.constant 0 : i32
        %dma_wait3A_605 = tpu.memref_slice %arg8[%dma_wait3A_603, %dma_wait3A_604] : memref<10000x128xf32, #tpu.memory_space<vmem_shared>> -> memref<10000x128xf32, #tpu.memory_space<vmem_shared>>
        tpu.wait_indirect_dma semaphore(%arg7 : memref<!tpu.dma_semaphore, #tpu.memory_space<semaphore_mem>>) src(%arg6 : memref<125x128xf32, #tpu.memory_space<vmem>>) dst(%dma_wait3A_605 : memref<10000x128xf32, #tpu.memory_space<vmem_shared>>)
        %dma_wait3A_606 = arith.constant 0 : i32
        %dma_wait3A_607 = arith.constant 0 : i32
        %dma_wait3A_608 = arith.constant 0 : i32
        %dma_wait3A_609 = arith.constant 0 : i32
        %dma_wait3A_610 = tpu.memref_slice %arg4[%dma_wait3A_606, %dma_wait3A_608, %dma_wait3A_609] : memref<2x16x125xi32, #tpu.memory_space<vmem>> -> memref<1x16x125xi32, #tpu.memory_space<vmem>>
        %dma_wait3A_611 = tpu.memref_squeeze %dma_wait3A_610 : memref<1x16x125xi32, #tpu.memory_space<vmem>> -> memref<16x125xi32, #tpu.memory_space<vmem>>
        %dma_wait3A_612 = arith.constant 0 : i32
        %dma_wait3A_613 = tpu.memref_slice %dma_wait3A_611[%dma_wait3A_607, %dma_wait3A_612] : memref<16x125xi32, #tpu.memory_space<vmem>> -> memref<1x125xi32, #tpu.memory_space<vmem>>
        %dma_wait3A_614 = tpu.memref_squeeze %dma_wait3A_613 : memref<1x125xi32, #tpu.memory_space<vmem>> -> memref<125xi32, #tpu.memory_space<vmem>>
        %dma_wait3A_615 = arith.constant 0 : i32
        %dma_wait3A_616 = arith.constant 0 : i32
        %dma_wait3A_617 = tpu.memref_slice %arg8[%dma_wait3A_615, %dma_wait3A_616] : memref<10000x128xf32, #tpu.memory_space<vmem_shared>> -> memref<10000x128xf32, #tpu.memory_space<vmem_shared>>
        tpu.wait_indirect_dma semaphore(%arg7 : memref<!tpu.dma_semaphore, #tpu.memory_space<semaphore_mem>>) src(%arg6 : memref<125x128xf32, #tpu.memory_space<vmem>>) dst(%dma_wait3A_617 : memref<10000x128xf32, #tpu.memory_space<vmem_shared>>)
        %dma_wait3A_618 = arith.constant 0 : i32
        %dma_wait3A_619 = arith.constant 0 : i32
        %dma_wait3A_620 = arith.constant 0 : i32
        %dma_wait3A_621 = arith.constant 0 : i32
        %dma_wait3A_622 = tpu.memref_slice %arg4[%dma_wait3A_618, %dma_wait3A_620, %dma_wait3A_621] : memref<2x16x125xi32, #tpu.memory_space<vmem>> -> memref<1x16x125xi32, #tpu.memory_space<vmem>>
        %dma_wait3A_623 = tpu.memref_squeeze %dma_wait3A_622 : memref<1x16x125xi32, #tpu.memory_space<vmem>> -> memref<16x125xi32, #tpu.memory_space<vmem>>
        %dma_wait3A_624 = arith.constant 0 : i32
        %dma_wait3A_625 = tpu.memref_slice %dma_wait3A_623[%dma_wait3A_619, %dma_wait3A_624] : memref<16x125xi32, #tpu.memory_space<vmem>> -> memref<1x125xi32, #tpu.memory_space<vmem>>
        %dma_wait3A_626 = tpu.memref_squeeze %dma_wait3A_625 : memref<1x125xi32, #tpu.memory_space<vmem>> -> memref<125xi32, #tpu.memory_space<vmem>>
        %dma_wait3A_627 = arith.constant 0 : i32
        %dma_wait3A_628 = arith.constant 0 : i32
        %dma_wait3A_629 = tpu.memref_slice %arg8[%dma_wait3A_627, %dma_wait3A_628] : memref<10000x128xf32, #tpu.memory_space<vmem_shared>> -> memref<10000x128xf32, #tpu.memory_space<vmem_shared>>
        tpu.wait_indirect_dma semaphore(%arg7 : memref<!tpu.dma_semaphore, #tpu.memory_space<semaphore_mem>>) src(%arg6 : memref<125x128xf32, #tpu.memory_space<vmem>>) dst(%dma_wait3A_629 : memref<10000x128xf32, #tpu.memory_space<vmem_shared>>)
        %dma_wait3A_630 = arith.constant 0 : i32
        %dma_wait3A_631 = arith.constant 0 : i32
        %dma_wait3A_632 = arith.constant 0 : i32
        %dma_wait3A_633 = arith.constant 0 : i32
        %dma_wait3A_634 = tpu.memref_slice %arg4[%dma_wait3A_630, %dma_wait3A_632, %dma_wait3A_633] : memref<2x16x125xi32, #tpu.memory_space<vmem>> -> memref<1x16x125xi32, #tpu.memory_space<vmem>>
        %dma_wait3A_635 = tpu.memref_squeeze %dma_wait3A_634 : memref<1x16x125xi32, #tpu.memory_space<vmem>> -> memref<16x125xi32, #tpu.memory_space<vmem>>
        %dma_wait3A_636 = arith.constant 0 : i32
        %dma_wait3A_637 = tpu.memref_slice %dma_wait3A_635[%dma_wait3A_631, %dma_wait3A_636] : memref<16x125xi32, #tpu.memory_space<vmem>> -> memref<1x125xi32, #tpu.memory_space<vmem>>
        %dma_wait3A_638 = tpu.memref_squeeze %dma_wait3A_637 : memref<1x125xi32, #tpu.memory_space<vmem>> -> memref<125xi32, #tpu.memory_space<vmem>>
        %dma_wait3A_639 = arith.constant 0 : i32
        %dma_wait3A_640 = arith.constant 0 : i32
        %dma_wait3A_641 = tpu.memref_slice %arg8[%dma_wait3A_639, %dma_wait3A_640] : memref<10000x128xf32, #tpu.memory_space<vmem_shared>> -> memref<10000x128xf32, #tpu.memory_space<vmem_shared>>
        tpu.wait_indirect_dma semaphore(%arg7 : memref<!tpu.dma_semaphore, #tpu.memory_space<semaphore_mem>>) src(%arg6 : memref<125x128xf32, #tpu.memory_space<vmem>>) dst(%dma_wait3A_641 : memref<10000x128xf32, #tpu.memory_space<vmem_shared>>)
        %dma_wait3A_642 = arith.constant 0 : i32
        %dma_wait3A_643 = arith.constant 0 : i32
        %dma_wait3A_644 = arith.constant 0 : i32
        %dma_wait3A_645 = arith.constant 0 : i32
        %dma_wait3A_646 = tpu.memref_slice %arg4[%dma_wait3A_642, %dma_wait3A_644, %dma_wait3A_645] : memref<2x16x125xi32, #tpu.memory_space<vmem>> -> memref<1x16x125xi32, #tpu.memory_space<vmem>>
        %dma_wait3A_647 = tpu.memref_squeeze %dma_wait3A_646 : memref<1x16x125xi32, #tpu.memory_space<vmem>> -> memref<16x125xi32, #tpu.memory_space<vmem>>
        %dma_wait3A_648 = arith.constant 0 : i32
        %dma_wait3A_649 = tpu.memref_slice %dma_wait3A_647[%dma_wait3A_643, %dma_wait3A_648] : memref<16x125xi32, #tpu.memory_space<vmem>> -> memref<1x125xi32, #tpu.memory_space<vmem>>
        %dma_wait3A_650 = tpu.memref_squeeze %dma_wait3A_649 : memref<1x125xi32, #tpu.memory_space<vmem>> -> memref<125xi32, #tpu.memory_space<vmem>>
        %dma_wait3A_651 = arith.constant 0 : i32
        %dma_wait3A_652 = arith.constant 0 : i32
        %dma_wait3A_653 = tpu.memref_slice %arg8[%dma_wait3A_651, %dma_wait3A_652] : memref<10000x128xf32, #tpu.memory_space<vmem_shared>> -> memref<10000x128xf32, #tpu.memory_space<vmem_shared>>
        tpu.wait_indirect_dma semaphore(%arg7 : memref<!tpu.dma_semaphore, #tpu.memory_space<semaphore_mem>>) src(%arg6 : memref<125x128xf32, #tpu.memory_space<vmem>>) dst(%dma_wait3A_653 : memref<10000x128xf32, #tpu.memory_space<vmem_shared>>)
        %dma_wait3A_654 = arith.constant 0 : i32
        %dma_wait3A_655 = arith.constant 0 : i32
        %dma_wait3A_656 = arith.constant 0 : i32
        %dma_wait3A_657 = arith.constant 0 : i32
        %dma_wait3A_658 = tpu.memref_slice %arg4[%dma_wait3A_654, %dma_wait3A_656, %dma_wait3A_657] : memref<2x16x125xi32, #tpu.memory_space<vmem>> -> memref<1x16x125xi32, #tpu.memory_space<vmem>>
        %dma_wait3A_659 = tpu.memref_squeeze %dma_wait3A_658 : memref<1x16x125xi32, #tpu.memory_space<vmem>> -> memref<16x125xi32, #tpu.memory_space<vmem>>
        %dma_wait3A_660 = arith.constant 0 : i32
        %dma_wait3A_661 = tpu.memref_slice %dma_wait3A_659[%dma_wait3A_655, %dma_wait3A_660] : memref<16x125xi32, #tpu.memory_space<vmem>> -> memref<1x125xi32, #tpu.memory_space<vmem>>
        %dma_wait3A_662 = tpu.memref_squeeze %dma_wait3A_661 : memref<1x125xi32, #tpu.memory_space<vmem>> -> memref<125xi32, #tpu.memory_space<vmem>>
        %dma_wait3A_663 = arith.constant 0 : i32
        %dma_wait3A_664 = arith.constant 0 : i32
        %dma_wait3A_665 = tpu.memref_slice %arg8[%dma_wait3A_663, %dma_wait3A_664] : memref<10000x128xf32, #tpu.memory_space<vmem_shared>> -> memref<10000x128xf32, #tpu.memory_space<vmem_shared>>
        tpu.wait_indirect_dma semaphore(%arg7 : memref<!tpu.dma_semaphore, #tpu.memory_space<semaphore_mem>>) src(%arg6 : memref<125x128xf32, #tpu.memory_space<vmem>>) dst(%dma_wait3A_665 : memref<10000x128xf32, #tpu.memory_space<vmem_shared>>)
        %dma_wait3A_666 = arith.constant 0 : i32
        %dma_wait3A_667 = arith.constant 0 : i32
        %dma_wait3A_668 = arith.constant 0 : i32
        %dma_wait3A_669 = arith.constant 0 : i32
        %dma_wait3A_670 = tpu.memref_slice %arg4[%dma_wait3A_666, %dma_wait3A_668, %dma_wait3A_669] : memref<2x16x125xi32, #tpu.memory_space<vmem>> -> memref<1x16x125xi32, #tpu.memory_space<vmem>>
        %dma_wait3A_671 = tpu.memref_squeeze %dma_wait3A_670 : memref<1x16x125xi32, #tpu.memory_space<vmem>> -> memref<16x125xi32, #tpu.memory_space<vmem>>
        %dma_wait3A_672 = arith.constant 0 : i32
        %dma_wait3A_673 = tpu.memref_slice %dma_wait3A_671[%dma_wait3A_667, %dma_wait3A_672] : memref<16x125xi32, #tpu.memory_space<vmem>> -> memref<1x125xi32, #tpu.memory_space<vmem>>
        %dma_wait3A_674 = tpu.memref_squeeze %dma_wait3A_673 : memref<1x125xi32, #tpu.memory_space<vmem>> -> memref<125xi32, #tpu.memory_space<vmem>>
        %dma_wait3A_675 = arith.constant 0 : i32
        %dma_wait3A_676 = arith.constant 0 : i32
        %dma_wait3A_677 = tpu.memref_slice %arg8[%dma_wait3A_675, %dma_wait3A_676] : memref<10000x128xf32, #tpu.memory_space<vmem_shared>> -> memref<10000x128xf32, #tpu.memory_space<vmem_shared>>
        tpu.wait_indirect_dma semaphore(%arg7 : memref<!tpu.dma_semaphore, #tpu.memory_space<semaphore_mem>>) src(%arg6 : memref<125x128xf32, #tpu.memory_space<vmem>>) dst(%dma_wait3A_677 : memref<10000x128xf32, #tpu.memory_space<vmem_shared>>)
        %dma_wait3A_678 = arith.constant 0 : i32
        %dma_wait3A_679 = arith.constant 0 : i32
        %dma_wait3A_680 = arith.constant 0 : i32
        %dma_wait3A_681 = arith.constant 0 : i32
        %dma_wait3A_682 = tpu.memref_slice %arg4[%dma_wait3A_678, %dma_wait3A_680, %dma_wait3A_681] : memref<2x16x125xi32, #tpu.memory_space<vmem>> -> memref<1x16x125xi32, #tpu.memory_space<vmem>>
        %dma_wait3A_683 = tpu.memref_squeeze %dma_wait3A_682 : memref<1x16x125xi32, #tpu.memory_space<vmem>> -> memref<16x125xi32, #tpu.memory_space<vmem>>
        %dma_wait3A_684 = arith.constant 0 : i32
        %dma_wait3A_685 = tpu.memref_slice %dma_wait3A_683[%dma_wait3A_679, %dma_wait3A_684] : memref<16x125xi32, #tpu.memory_space<vmem>> -> memref<1x125xi32, #tpu.memory_space<vmem>>
        %dma_wait3A_686 = tpu.memref_squeeze %dma_wait3A_685 : memref<1x125xi32, #tpu.memory_space<vmem>> -> memref<125xi32, #tpu.memory_space<vmem>>
        %dma_wait3A_687 = arith.constant 0 : i32
        %dma_wait3A_688 = arith.constant 0 : i32
        %dma_wait3A_689 = tpu.memref_slice %arg8[%dma_wait3A_687, %dma_wait3A_688] : memref<10000x128xf32, #tpu.memory_space<vmem_shared>> -> memref<10000x128xf32, #tpu.memory_space<vmem_shared>>
        tpu.wait_indirect_dma semaphore(%arg7 : memref<!tpu.dma_semaphore, #tpu.memory_space<semaphore_mem>>) src(%arg6 : memref<125x128xf32, #tpu.memory_space<vmem>>) dst(%dma_wait3A_689 : memref<10000x128xf32, #tpu.memory_space<vmem_shared>>)
        %dma_wait3A_690 = arith.constant 0 : i32
        %dma_wait3A_691 = arith.constant 0 : i32
        %dma_wait3A_692 = arith.constant 0 : i32
        %dma_wait3A_693 = arith.constant 0 : i32
        %dma_wait3A_694 = tpu.memref_slice %arg4[%dma_wait3A_690, %dma_wait3A_692, %dma_wait3A_693] : memref<2x16x125xi32, #tpu.memory_space<vmem>> -> memref<1x16x125xi32, #tpu.memory_space<vmem>>
        %dma_wait3A_695 = tpu.memref_squeeze %dma_wait3A_694 : memref<1x16x125xi32, #tpu.memory_space<vmem>> -> memref<16x125xi32, #tpu.memory_space<vmem>>
        %dma_wait3A_696 = arith.constant 0 : i32
        %dma_wait3A_697 = tpu.memref_slice %dma_wait3A_695[%dma_wait3A_691, %dma_wait3A_696] : memref<16x125xi32, #tpu.memory_space<vmem>> -> memref<1x125xi32, #tpu.memory_space<vmem>>
        %dma_wait3A_698 = tpu.memref_squeeze %dma_wait3A_697 : memref<1x125xi32, #tpu.memory_space<vmem>> -> memref<125xi32, #tpu.memory_space<vmem>>
        %dma_wait3A_699 = arith.constant 0 : i32
        %dma_wait3A_700 = arith.constant 0 : i32
        %dma_wait3A_701 = tpu.memref_slice %arg8[%dma_wait3A_699, %dma_wait3A_700] : memref<10000x128xf32, #tpu.memory_space<vmem_shared>> -> memref<10000x128xf32, #tpu.memory_space<vmem_shared>>
        tpu.wait_indirect_dma semaphore(%arg7 : memref<!tpu.dma_semaphore, #tpu.memory_space<semaphore_mem>>) src(%arg6 : memref<125x128xf32, #tpu.memory_space<vmem>>) dst(%dma_wait3A_701 : memref<10000x128xf32, #tpu.memory_space<vmem_shared>>)
        %dma_wait3A_702 = arith.constant 0 : i32
        %dma_wait3A_703 = arith.constant 0 : i32
        %dma_wait3A_704 = arith.constant 0 : i32
        %dma_wait3A_705 = arith.constant 0 : i32
        %dma_wait3A_706 = tpu.memref_slice %arg4[%dma_wait3A_702, %dma_wait3A_704, %dma_wait3A_705] : memref<2x16x125xi32, #tpu.memory_space<vmem>> -> memref<1x16x125xi32, #tpu.memory_space<vmem>>
        %dma_wait3A_707 = tpu.memref_squeeze %dma_wait3A_706 : memref<1x16x125xi32, #tpu.memory_space<vmem>> -> memref<16x125xi32, #tpu.memory_space<vmem>>
        %dma_wait3A_708 = arith.constant 0 : i32
        %dma_wait3A_709 = tpu.memref_slice %dma_wait3A_707[%dma_wait3A_703, %dma_wait3A_708] : memref<16x125xi32, #tpu.memory_space<vmem>> -> memref<1x125xi32, #tpu.memory_space<vmem>>
        %dma_wait3A_710 = tpu.memref_squeeze %dma_wait3A_709 : memref<1x125xi32, #tpu.memory_space<vmem>> -> memref<125xi32, #tpu.memory_space<vmem>>
        %dma_wait3A_711 = arith.constant 0 : i32
        %dma_wait3A_712 = arith.constant 0 : i32
        %dma_wait3A_713 = tpu.memref_slice %arg8[%dma_wait3A_711, %dma_wait3A_712] : memref<10000x128xf32, #tpu.memory_space<vmem_shared>> -> memref<10000x128xf32, #tpu.memory_space<vmem_shared>>
        tpu.wait_indirect_dma semaphore(%arg7 : memref<!tpu.dma_semaphore, #tpu.memory_space<semaphore_mem>>) src(%arg6 : memref<125x128xf32, #tpu.memory_space<vmem>>) dst(%dma_wait3A_713 : memref<10000x128xf32, #tpu.memory_space<vmem_shared>>)
        %dma_wait3A_714 = arith.constant 0 : i32
        %dma_wait3A_715 = arith.constant 0 : i32
        %dma_wait3A_716 = arith.constant 0 : i32
        %dma_wait3A_717 = arith.constant 0 : i32
        %dma_wait3A_718 = tpu.memref_slice %arg4[%dma_wait3A_714, %dma_wait3A_716, %dma_wait3A_717] : memref<2x16x125xi32, #tpu.memory_space<vmem>> -> memref<1x16x125xi32, #tpu.memory_space<vmem>>
        %dma_wait3A_719 = tpu.memref_squeeze %dma_wait3A_718 : memref<1x16x125xi32, #tpu.memory_space<vmem>> -> memref<16x125xi32, #tpu.memory_space<vmem>>
        %dma_wait3A_720 = arith.constant 0 : i32
        %dma_wait3A_721 = tpu.memref_slice %dma_wait3A_719[%dma_wait3A_715, %dma_wait3A_720] : memref<16x125xi32, #tpu.memory_space<vmem>> -> memref<1x125xi32, #tpu.memory_space<vmem>>
        %dma_wait3A_722 = tpu.memref_squeeze %dma_wait3A_721 : memref<1x125xi32, #tpu.memory_space<vmem>> -> memref<125xi32, #tpu.memory_space<vmem>>
        %dma_wait3A_723 = arith.constant 0 : i32
        %dma_wait3A_724 = arith.constant 0 : i32
        %dma_wait3A_725 = tpu.memref_slice %arg8[%dma_wait3A_723, %dma_wait3A_724] : memref<10000x128xf32, #tpu.memory_space<vmem_shared>> -> memref<10000x128xf32, #tpu.memory_space<vmem_shared>>
        tpu.wait_indirect_dma semaphore(%arg7 : memref<!tpu.dma_semaphore, #tpu.memory_space<semaphore_mem>>) src(%arg6 : memref<125x128xf32, #tpu.memory_space<vmem>>) dst(%dma_wait3A_725 : memref<10000x128xf32, #tpu.memory_space<vmem_shared>>)
      } else {
      }
      %eq3A_520 = arith.constant 0 : i32
      %eq3A_521 = arith.cmpi eq, %select_n3A_475, %eq3A_520 : i32
      %convert_element_type3A_522 = arith.extui %eq3A_521 : i1 to i32
      %cond3A_523 = arith.constant 0 : i32
      %cond3A_524 = arith.cmpi ne, %convert_element_type3A_522, %cond3A_523 : i32
      scf.if %cond3A_524 {
        %mul3A_534 = arith.constant 80 : i32
        %mul3A_535 = arith.muli %add3A, %mul3A_534 : i32
        %add3A_536 = arith.addi %mul3A_535, %scan3A_465 : i32
        %multiple_of3A = tpu.assume_multiple %add3A_536, 16 : i32
        "tpu.region"() ({
          %run_scoped3A = tpu.sem_alloc : memref<!tpu.dma_semaphore, #tpu.memory_space<semaphore_mem>>
          %dma_start3A_537 = arith.constant 0 : i32
          %dma_start3A_538 = arith.constant 0 : i32
          %dma_start3A_539 = tpu.memref_slice %arg4[%select_n3A_512, %dma_start3A_537, %dma_start3A_538] : memref<2x16x125xi32, #tpu.memory_space<vmem>> -> memref<1x16x125xi32, #tpu.memory_space<vmem>>
          %dma_start3A_540 = tpu.memref_squeeze %dma_start3A_539 : memref<1x16x125xi32, #tpu.memory_space<vmem>> -> memref<16x125xi32, #tpu.memory_space<vmem>>
          %dma_start3A_541 = arith.constant 0 : i32
          %dma_start3A_542 = tpu.memref_slice %arg2[%multiple_of3A, %dma_start3A_541] : memref<2560x125xi32, #tpu.memory_space<hbm>> -> memref<16x125xi32, #tpu.memory_space<hbm>>
          %dma_start3A_543 = arith.constant 0 : i32
          %dma_start3A_544 = arith.constant 0 : i32
          %dma_start3A_545 = tpu.memref_slice %arg4[%select_n3A_512, %dma_start3A_543, %dma_start3A_544] : memref<2x16x125xi32, #tpu.memory_space<vmem>> -> memref<1x16x125xi32, #tpu.memory_space<vmem>>
          %dma_start3A_546 = tpu.memref_squeeze %dma_start3A_545 : memref<1x16x125xi32, #tpu.memory_space<vmem>> -> memref<16x125xi32, #tpu.memory_space<vmem>>
          %dma_start3A_547 = arith.constant 0 : i32
          %dma_start3A_548 = tpu.memref_slice %arg2[%multiple_of3A, %dma_start3A_547] : memref<2560x125xi32, #tpu.memory_space<hbm>> -> memref<16x125xi32, #tpu.memory_space<hbm>>
          tpu.enqueue_dma source(%dma_start3A_548 : memref<16x125xi32, #tpu.memory_space<hbm>>) target(%dma_start3A_546 : memref<16x125xi32, #tpu.memory_space<vmem>>) target_semaphore(%run_scoped3A : memref<!tpu.dma_semaphore, #tpu.memory_space<semaphore_mem>>)
          %dma_wait3A_549 = arith.constant 0 : i32
          %dma_wait3A_550 = arith.constant 0 : i32
          %dma_wait3A_551 = tpu.memref_slice %arg4[%select_n3A_512, %dma_wait3A_549, %dma_wait3A_550] : memref<2x16x125xi32, #tpu.memory_space<vmem>> -> memref<1x16x125xi32, #tpu.memory_space<vmem>>
          %dma_wait3A_552 = tpu.memref_squeeze %dma_wait3A_551 : memref<1x16x125xi32, #tpu.memory_space<vmem>> -> memref<16x125xi32, #tpu.memory_space<vmem>>
          %dma_wait3A_553 = arith.constant 0 : i32
          %dma_wait3A_554 = tpu.memref_slice %arg2[%multiple_of3A, %dma_wait3A_553] : memref<2560x125xi32, #tpu.memory_space<hbm>> -> memref<16x125xi32, #tpu.memory_space<hbm>>
          %dma_wait3A_555 = arith.constant 0 : i32
          %dma_wait3A_556 = arith.constant 0 : i32
          %dma_wait3A_557 = tpu.memref_slice %arg4[%select_n3A_512, %dma_wait3A_555, %dma_wait3A_556] : memref<2x16x125xi32, #tpu.memory_space<vmem>> -> memref<1x16x125xi32, #tpu.memory_space<vmem>>
          %dma_wait3A_558 = tpu.memref_squeeze %dma_wait3A_557 : memref<1x16x125xi32, #tpu.memory_space<vmem>> -> memref<16x125xi32, #tpu.memory_space<vmem>>
          %dma_wait3A_559 = arith.constant 0 : i32
          %dma_wait3A_560 = tpu.memref_slice %arg2[%multiple_of3A, %dma_wait3A_559] : memref<2560x125xi32, #tpu.memory_space<hbm>> -> memref<16x125xi32, #tpu.memory_space<hbm>>
          tpu.wait_dma2 semaphore(%run_scoped3A : memref<!tpu.dma_semaphore, #tpu.memory_space<semaphore_mem>>) src(%dma_wait3A_560 : memref<16x125xi32, #tpu.memory_space<hbm>>) dst(%dma_wait3A_558 : memref<16x125xi32, #tpu.memory_space<vmem>>)
          tpu.yield
        }) : () -> ()
      } else {
      }
      %dma_start3A = arith.constant 0 : i32
      %dma_start3A_525 = arith.constant 0 : i32
      %dma_start3A_526 = tpu.memref_slice %arg4[%select_n3A_512, %dma_start3A, %dma_start3A_525] : memref<2x16x125xi32, #tpu.memory_space<vmem>> -> memref<1x16x125xi32, #tpu.memory_space<vmem>>
      %dma_start3A_527 = tpu.memref_squeeze %dma_start3A_526 : memref<1x16x125xi32, #tpu.memory_space<vmem>> -> memref<16x125xi32, #tpu.memory_space<vmem>>
      %dma_start3A_528 = arith.constant 0 : i32
      %dma_start3A_529 = tpu.memref_slice %dma_start3A_527[%select_n3A_475, %dma_start3A_528] : memref<16x125xi32, #tpu.memory_space<vmem>> -> memref<1x125xi32, #tpu.memory_space<vmem>>
      %dma_start3A_530 = tpu.memref_squeeze %dma_start3A_529 : memref<1x125xi32, #tpu.memory_space<vmem>> -> memref<125xi32, #tpu.memory_space<vmem>>
      %dma_start3A_531 = arith.constant 0 : i32
      %dma_start3A_532 = arith.constant 0 : i32
      %dma_start3A_533 = tpu.memref_slice %arg8[%dma_start3A_531, %dma_start3A_532] : memref<10000x128xf32, #tpu.memory_space<vmem_shared>> -> memref<10000x128xf32, #tpu.memory_space<vmem_shared>>
      tpu.enqueue_indirect_dma source(%arg6 : memref<125x128xf32, #tpu.memory_space<vmem>>) target(%dma_start3A_533 : memref<10000x128xf32, #tpu.memory_space<vmem_shared>>) offsets(%dma_start3A_530 : memref<125xi32, #tpu.memory_space<vmem>>) semaphore(%arg7 : memref<!tpu.dma_semaphore, #tpu.memory_space<semaphore_mem>>) {add = true}
    }
    %scan3A_73 = arith.constant 80 : i32
    %dma_wait3A = arith.constant 0 : i32
    %dma_wait3A_74 = arith.constant 0 : i32
    %dma_wait3A_75 = arith.constant 0 : i32
    %dma_wait3A_76 = arith.constant 0 : i32
    %dma_wait3A_77 = tpu.memref_slice %arg4[%dma_wait3A, %dma_wait3A_75, %dma_wait3A_76] : memref<2x16x125xi32, #tpu.memory_space<vmem>> -> memref<1x16x125xi32, #tpu.memory_space<vmem>>
    %dma_wait3A_78 = tpu.memref_squeeze %dma_wait3A_77 : memref<1x16x125xi32, #tpu.memory_space<vmem>> -> memref<16x125xi32, #tpu.memory_space<vmem>>
    %dma_wait3A_79 = arith.constant 0 : i32
    %dma_wait3A_80 = tpu.memref_slice %dma_wait3A_78[%dma_wait3A_74, %dma_wait3A_79] : memref<16x125xi32, #tpu.memory_space<vmem>> -> memref<1x125xi32, #tpu.memory_space<vmem>>
    %dma_wait3A_81 = tpu.memref_squeeze %dma_wait3A_80 : memref<1x125xi32, #tpu.memory_space<vmem>> -> memref<125xi32, #tpu.memory_space<vmem>>
    %dma_wait3A_82 = arith.constant 0 : i32
    %dma_wait3A_83 = arith.constant 0 : i32
    %dma_wait3A_84 = tpu.memref_slice %arg8[%dma_wait3A_82, %dma_wait3A_83] : memref<10000x128xf32, #tpu.memory_space<vmem_shared>> -> memref<10000x128xf32, #tpu.memory_space<vmem_shared>>
    tpu.wait_indirect_dma semaphore(%arg7 : memref<!tpu.dma_semaphore, #tpu.memory_space<semaphore_mem>>) src(%arg6 : memref<125x128xf32, #tpu.memory_space<vmem>>) dst(%dma_wait3A_84 : memref<10000x128xf32, #tpu.memory_space<vmem_shared>>)
    %dma_wait3A_85 = arith.constant 0 : i32
    %dma_wait3A_86 = arith.constant 0 : i32
    %dma_wait3A_87 = arith.constant 0 : i32
    %dma_wait3A_88 = arith.constant 0 : i32
    %dma_wait3A_89 = tpu.memref_slice %arg4[%dma_wait3A_85, %dma_wait3A_87, %dma_wait3A_88] : memref<2x16x125xi32, #tpu.memory_space<vmem>> -> memref<1x16x125xi32, #tpu.memory_space<vmem>>
    %dma_wait3A_90 = tpu.memref_squeeze %dma_wait3A_89 : memref<1x16x125xi32, #tpu.memory_space<vmem>> -> memref<16x125xi32, #tpu.memory_space<vmem>>
    %dma_wait3A_91 = arith.constant 0 : i32
    %dma_wait3A_92 = tpu.memref_slice %dma_wait3A_90[%dma_wait3A_86, %dma_wait3A_91] : memref<16x125xi32, #tpu.memory_space<vmem>> -> memref<1x125xi32, #tpu.memory_space<vmem>>
    %dma_wait3A_93 = tpu.memref_squeeze %dma_wait3A_92 : memref<1x125xi32, #tpu.memory_space<vmem>> -> memref<125xi32, #tpu.memory_space<vmem>>
    %dma_wait3A_94 = arith.constant 0 : i32
    %dma_wait3A_95 = arith.constant 0 : i32
    %dma_wait3A_96 = tpu.memref_slice %arg8[%dma_wait3A_94, %dma_wait3A_95] : memref<10000x128xf32, #tpu.memory_space<vmem_shared>> -> memref<10000x128xf32, #tpu.memory_space<vmem_shared>>
    tpu.wait_indirect_dma semaphore(%arg7 : memref<!tpu.dma_semaphore, #tpu.memory_space<semaphore_mem>>) src(%arg6 : memref<125x128xf32, #tpu.memory_space<vmem>>) dst(%dma_wait3A_96 : memref<10000x128xf32, #tpu.memory_space<vmem_shared>>)
    %dma_wait3A_97 = arith.constant 0 : i32
    %dma_wait3A_98 = arith.constant 0 : i32
    %dma_wait3A_99 = arith.constant 0 : i32
    %dma_wait3A_100 = arith.constant 0 : i32
    %dma_wait3A_101 = tpu.memref_slice %arg4[%dma_wait3A_97, %dma_wait3A_99, %dma_wait3A_100] : memref<2x16x125xi32, #tpu.memory_space<vmem>> -> memref<1x16x125xi32, #tpu.memory_space<vmem>>
    %dma_wait3A_102 = tpu.memref_squeeze %dma_wait3A_101 : memref<1x16x125xi32, #tpu.memory_space<vmem>> -> memref<16x125xi32, #tpu.memory_space<vmem>>
    %dma_wait3A_103 = arith.constant 0 : i32
    %dma_wait3A_104 = tpu.memref_slice %dma_wait3A_102[%dma_wait3A_98, %dma_wait3A_103] : memref<16x125xi32, #tpu.memory_space<vmem>> -> memref<1x125xi32, #tpu.memory_space<vmem>>
    %dma_wait3A_105 = tpu.memref_squeeze %dma_wait3A_104 : memref<1x125xi32, #tpu.memory_space<vmem>> -> memref<125xi32, #tpu.memory_space<vmem>>
    %dma_wait3A_106 = arith.constant 0 : i32
    %dma_wait3A_107 = arith.constant 0 : i32
    %dma_wait3A_108 = tpu.memref_slice %arg8[%dma_wait3A_106, %dma_wait3A_107] : memref<10000x128xf32, #tpu.memory_space<vmem_shared>> -> memref<10000x128xf32, #tpu.memory_space<vmem_shared>>
    tpu.wait_indirect_dma semaphore(%arg7 : memref<!tpu.dma_semaphore, #tpu.memory_space<semaphore_mem>>) src(%arg6 : memref<125x128xf32, #tpu.memory_space<vmem>>) dst(%dma_wait3A_108 : memref<10000x128xf32, #tpu.memory_space<vmem_shared>>)
    %dma_wait3A_109 = arith.constant 0 : i32
    %dma_wait3A_110 = arith.constant 0 : i32
    %dma_wait3A_111 = arith.constant 0 : i32
    %dma_wait3A_112 = arith.constant 0 : i32
    %dma_wait3A_113 = tpu.memref_slice %arg4[%dma_wait3A_109, %dma_wait3A_111, %dma_wait3A_112] : memref<2x16x125xi32, #tpu.memory_space<vmem>> -> memref<1x16x125xi32, #tpu.memory_space<vmem>>
    %dma_wait3A_114 = tpu.memref_squeeze %dma_wait3A_113 : memref<1x16x125xi32, #tpu.memory_space<vmem>> -> memref<16x125xi32, #tpu.memory_space<vmem>>
    %dma_wait3A_115 = arith.constant 0 : i32
    %dma_wait3A_116 = tpu.memref_slice %dma_wait3A_114[%dma_wait3A_110, %dma_wait3A_115] : memref<16x125xi32, #tpu.memory_space<vmem>> -> memref<1x125xi32, #tpu.memory_space<vmem>>
    %dma_wait3A_117 = tpu.memref_squeeze %dma_wait3A_116 : memref<1x125xi32, #tpu.memory_space<vmem>> -> memref<125xi32, #tpu.memory_space<vmem>>
    %dma_wait3A_118 = arith.constant 0 : i32
    %dma_wait3A_119 = arith.constant 0 : i32
    %dma_wait3A_120 = tpu.memref_slice %arg8[%dma_wait3A_118, %dma_wait3A_119] : memref<10000x128xf32, #tpu.memory_space<vmem_shared>> -> memref<10000x128xf32, #tpu.memory_space<vmem_shared>>
    tpu.wait_indirect_dma semaphore(%arg7 : memref<!tpu.dma_semaphore, #tpu.memory_space<semaphore_mem>>) src(%arg6 : memref<125x128xf32, #tpu.memory_space<vmem>>) dst(%dma_wait3A_120 : memref<10000x128xf32, #tpu.memory_space<vmem_shared>>)
    %dma_wait3A_121 = arith.constant 0 : i32
    %dma_wait3A_122 = arith.constant 0 : i32
    %dma_wait3A_123 = arith.constant 0 : i32
    %dma_wait3A_124 = arith.constant 0 : i32
    %dma_wait3A_125 = tpu.memref_slice %arg4[%dma_wait3A_121, %dma_wait3A_123, %dma_wait3A_124] : memref<2x16x125xi32, #tpu.memory_space<vmem>> -> memref<1x16x125xi32, #tpu.memory_space<vmem>>
    %dma_wait3A_126 = tpu.memref_squeeze %dma_wait3A_125 : memref<1x16x125xi32, #tpu.memory_space<vmem>> -> memref<16x125xi32, #tpu.memory_space<vmem>>
    %dma_wait3A_127 = arith.constant 0 : i32
    %dma_wait3A_128 = tpu.memref_slice %dma_wait3A_126[%dma_wait3A_122, %dma_wait3A_127] : memref<16x125xi32, #tpu.memory_space<vmem>> -> memref<1x125xi32, #tpu.memory_space<vmem>>
    %dma_wait3A_129 = tpu.memref_squeeze %dma_wait3A_128 : memref<1x125xi32, #tpu.memory_space<vmem>> -> memref<125xi32, #tpu.memory_space<vmem>>
    %dma_wait3A_130 = arith.constant 0 : i32
    %dma_wait3A_131 = arith.constant 0 : i32
    %dma_wait3A_132 = tpu.memref_slice %arg8[%dma_wait3A_130, %dma_wait3A_131] : memref<10000x128xf32, #tpu.memory_space<vmem_shared>> -> memref<10000x128xf32, #tpu.memory_space<vmem_shared>>
    tpu.wait_indirect_dma semaphore(%arg7 : memref<!tpu.dma_semaphore, #tpu.memory_space<semaphore_mem>>) src(%arg6 : memref<125x128xf32, #tpu.memory_space<vmem>>) dst(%dma_wait3A_132 : memref<10000x128xf32, #tpu.memory_space<vmem_shared>>)
    %dma_wait3A_133 = arith.constant 0 : i32
    %dma_wait3A_134 = arith.constant 0 : i32
    %dma_wait3A_135 = arith.constant 0 : i32
    %dma_wait3A_136 = arith.constant 0 : i32
    %dma_wait3A_137 = tpu.memref_slice %arg4[%dma_wait3A_133, %dma_wait3A_135, %dma_wait3A_136] : memref<2x16x125xi32, #tpu.memory_space<vmem>> -> memref<1x16x125xi32, #tpu.memory_space<vmem>>
    %dma_wait3A_138 = tpu.memref_squeeze %dma_wait3A_137 : memref<1x16x125xi32, #tpu.memory_space<vmem>> -> memref<16x125xi32, #tpu.memory_space<vmem>>
    %dma_wait3A_139 = arith.constant 0 : i32
    %dma_wait3A_140 = tpu.memref_slice %dma_wait3A_138[%dma_wait3A_134, %dma_wait3A_139] : memref<16x125xi32, #tpu.memory_space<vmem>> -> memref<1x125xi32, #tpu.memory_space<vmem>>
    %dma_wait3A_141 = tpu.memref_squeeze %dma_wait3A_140 : memref<1x125xi32, #tpu.memory_space<vmem>> -> memref<125xi32, #tpu.memory_space<vmem>>
    %dma_wait3A_142 = arith.constant 0 : i32
    %dma_wait3A_143 = arith.constant 0 : i32
    %dma_wait3A_144 = tpu.memref_slice %arg8[%dma_wait3A_142, %dma_wait3A_143] : memref<10000x128xf32, #tpu.memory_space<vmem_shared>> -> memref<10000x128xf32, #tpu.memory_space<vmem_shared>>
    tpu.wait_indirect_dma semaphore(%arg7 : memref<!tpu.dma_semaphore, #tpu.memory_space<semaphore_mem>>) src(%arg6 : memref<125x128xf32, #tpu.memory_space<vmem>>) dst(%dma_wait3A_144 : memref<10000x128xf32, #tpu.memory_space<vmem_shared>>)
    %dma_wait3A_145 = arith.constant 0 : i32
    %dma_wait3A_146 = arith.constant 0 : i32
    %dma_wait3A_147 = arith.constant 0 : i32
    %dma_wait3A_148 = arith.constant 0 : i32
    %dma_wait3A_149 = tpu.memref_slice %arg4[%dma_wait3A_145, %dma_wait3A_147, %dma_wait3A_148] : memref<2x16x125xi32, #tpu.memory_space<vmem>> -> memref<1x16x125xi32, #tpu.memory_space<vmem>>
    %dma_wait3A_150 = tpu.memref_squeeze %dma_wait3A_149 : memref<1x16x125xi32, #tpu.memory_space<vmem>> -> memref<16x125xi32, #tpu.memory_space<vmem>>
    %dma_wait3A_151 = arith.constant 0 : i32
    %dma_wait3A_152 = tpu.memref_slice %dma_wait3A_150[%dma_wait3A_146, %dma_wait3A_151] : memref<16x125xi32, #tpu.memory_space<vmem>> -> memref<1x125xi32, #tpu.memory_space<vmem>>
    %dma_wait3A_153 = tpu.memref_squeeze %dma_wait3A_152 : memref<1x125xi32, #tpu.memory_space<vmem>> -> memref<125xi32, #tpu.memory_space<vmem>>
    %dma_wait3A_154 = arith.constant 0 : i32
    %dma_wait3A_155 = arith.constant 0 : i32
    %dma_wait3A_156 = tpu.memref_slice %arg8[%dma_wait3A_154, %dma_wait3A_155] : memref<10000x128xf32, #tpu.memory_space<vmem_shared>> -> memref<10000x128xf32, #tpu.memory_space<vmem_shared>>
    tpu.wait_indirect_dma semaphore(%arg7 : memref<!tpu.dma_semaphore, #tpu.memory_space<semaphore_mem>>) src(%arg6 : memref<125x128xf32, #tpu.memory_space<vmem>>) dst(%dma_wait3A_156 : memref<10000x128xf32, #tpu.memory_space<vmem_shared>>)
    %dma_wait3A_157 = arith.constant 0 : i32
    %dma_wait3A_158 = arith.constant 0 : i32
    %dma_wait3A_159 = arith.constant 0 : i32
    %dma_wait3A_160 = arith.constant 0 : i32
    %dma_wait3A_161 = tpu.memref_slice %arg4[%dma_wait3A_157, %dma_wait3A_159, %dma_wait3A_160] : memref<2x16x125xi32, #tpu.memory_space<vmem>> -> memref<1x16x125xi32, #tpu.memory_space<vmem>>
    %dma_wait3A_162 = tpu.memref_squeeze %dma_wait3A_161 : memref<1x16x125xi32, #tpu.memory_space<vmem>> -> memref<16x125xi32, #tpu.memory_space<vmem>>
    %dma_wait3A_163 = arith.constant 0 : i32
    %dma_wait3A_164 = tpu.memref_slice %dma_wait3A_162[%dma_wait3A_158, %dma_wait3A_163] : memref<16x125xi32, #tpu.memory_space<vmem>> -> memref<1x125xi32, #tpu.memory_space<vmem>>
    %dma_wait3A_165 = tpu.memref_squeeze %dma_wait3A_164 : memref<1x125xi32, #tpu.memory_space<vmem>> -> memref<125xi32, #tpu.memory_space<vmem>>
    %dma_wait3A_166 = arith.constant 0 : i32
    %dma_wait3A_167 = arith.constant 0 : i32
    %dma_wait3A_168 = tpu.memref_slice %arg8[%dma_wait3A_166, %dma_wait3A_167] : memref<10000x128xf32, #tpu.memory_space<vmem_shared>> -> memref<10000x128xf32, #tpu.memory_space<vmem_shared>>
    tpu.wait_indirect_dma semaphore(%arg7 : memref<!tpu.dma_semaphore, #tpu.memory_space<semaphore_mem>>) src(%arg6 : memref<125x128xf32, #tpu.memory_space<vmem>>) dst(%dma_wait3A_168 : memref<10000x128xf32, #tpu.memory_space<vmem_shared>>)
    %dma_wait3A_169 = arith.constant 0 : i32
    %dma_wait3A_170 = arith.constant 0 : i32
    %dma_wait3A_171 = arith.constant 0 : i32
    %dma_wait3A_172 = arith.constant 0 : i32
    %dma_wait3A_173 = tpu.memref_slice %arg4[%dma_wait3A_169, %dma_wait3A_171, %dma_wait3A_172] : memref<2x16x125xi32, #tpu.memory_space<vmem>> -> memref<1x16x125xi32, #tpu.memory_space<vmem>>
    %dma_wait3A_174 = tpu.memref_squeeze %dma_wait3A_173 : memref<1x16x125xi32, #tpu.memory_space<vmem>> -> memref<16x125xi32, #tpu.memory_space<vmem>>
    %dma_wait3A_175 = arith.constant 0 : i32
    %dma_wait3A_176 = tpu.memref_slice %dma_wait3A_174[%dma_wait3A_170, %dma_wait3A_175] : memref<16x125xi32, #tpu.memory_space<vmem>> -> memref<1x125xi32, #tpu.memory_space<vmem>>
    %dma_wait3A_177 = tpu.memref_squeeze %dma_wait3A_176 : memref<1x125xi32, #tpu.memory_space<vmem>> -> memref<125xi32, #tpu.memory_space<vmem>>
    %dma_wait3A_178 = arith.constant 0 : i32
    %dma_wait3A_179 = arith.constant 0 : i32
    %dma_wait3A_180 = tpu.memref_slice %arg8[%dma_wait3A_178, %dma_wait3A_179] : memref<10000x128xf32, #tpu.memory_space<vmem_shared>> -> memref<10000x128xf32, #tpu.memory_space<vmem_shared>>
    tpu.wait_indirect_dma semaphore(%arg7 : memref<!tpu.dma_semaphore, #tpu.memory_space<semaphore_mem>>) src(%arg6 : memref<125x128xf32, #tpu.memory_space<vmem>>) dst(%dma_wait3A_180 : memref<10000x128xf32, #tpu.memory_space<vmem_shared>>)
    %dma_wait3A_181 = arith.constant 0 : i32
    %dma_wait3A_182 = arith.constant 0 : i32
    %dma_wait3A_183 = arith.constant 0 : i32
    %dma_wait3A_184 = arith.constant 0 : i32
    %dma_wait3A_185 = tpu.memref_slice %arg4[%dma_wait3A_181, %dma_wait3A_183, %dma_wait3A_184] : memref<2x16x125xi32, #tpu.memory_space<vmem>> -> memref<1x16x125xi32, #tpu.memory_space<vmem>>
    %dma_wait3A_186 = tpu.memref_squeeze %dma_wait3A_185 : memref<1x16x125xi32, #tpu.memory_space<vmem>> -> memref<16x125xi32, #tpu.memory_space<vmem>>
    %dma_wait3A_187 = arith.constant 0 : i32
    %dma_wait3A_188 = tpu.memref_slice %dma_wait3A_186[%dma_wait3A_182, %dma_wait3A_187] : memref<16x125xi32, #tpu.memory_space<vmem>> -> memref<1x125xi32, #tpu.memory_space<vmem>>
    %dma_wait3A_189 = tpu.memref_squeeze %dma_wait3A_188 : memref<1x125xi32, #tpu.memory_space<vmem>> -> memref<125xi32, #tpu.memory_space<vmem>>
    %dma_wait3A_190 = arith.constant 0 : i32
    %dma_wait3A_191 = arith.constant 0 : i32
    %dma_wait3A_192 = tpu.memref_slice %arg8[%dma_wait3A_190, %dma_wait3A_191] : memref<10000x128xf32, #tpu.memory_space<vmem_shared>> -> memref<10000x128xf32, #tpu.memory_space<vmem_shared>>
    tpu.wait_indirect_dma semaphore(%arg7 : memref<!tpu.dma_semaphore, #tpu.memory_space<semaphore_mem>>) src(%arg6 : memref<125x128xf32, #tpu.memory_space<vmem>>) dst(%dma_wait3A_192 : memref<10000x128xf32, #tpu.memory_space<vmem_shared>>)
    %dma_wait3A_193 = arith.constant 0 : i32
    %dma_wait3A_194 = arith.constant 0 : i32
    %dma_wait3A_195 = arith.constant 0 : i32
    %dma_wait3A_196 = arith.constant 0 : i32
    %dma_wait3A_197 = tpu.memref_slice %arg4[%dma_wait3A_193, %dma_wait3A_195, %dma_wait3A_196] : memref<2x16x125xi32, #tpu.memory_space<vmem>> -> memref<1x16x125xi32, #tpu.memory_space<vmem>>
    %dma_wait3A_198 = tpu.memref_squeeze %dma_wait3A_197 : memref<1x16x125xi32, #tpu.memory_space<vmem>> -> memref<16x125xi32, #tpu.memory_space<vmem>>
    %dma_wait3A_199 = arith.constant 0 : i32
    %dma_wait3A_200 = tpu.memref_slice %dma_wait3A_198[%dma_wait3A_194, %dma_wait3A_199] : memref<16x125xi32, #tpu.memory_space<vmem>> -> memref<1x125xi32, #tpu.memory_space<vmem>>
    %dma_wait3A_201 = tpu.memref_squeeze %dma_wait3A_200 : memref<1x125xi32, #tpu.memory_space<vmem>> -> memref<125xi32, #tpu.memory_space<vmem>>
    %dma_wait3A_202 = arith.constant 0 : i32
    %dma_wait3A_203 = arith.constant 0 : i32
    %dma_wait3A_204 = tpu.memref_slice %arg8[%dma_wait3A_202, %dma_wait3A_203] : memref<10000x128xf32, #tpu.memory_space<vmem_shared>> -> memref<10000x128xf32, #tpu.memory_space<vmem_shared>>
    tpu.wait_indirect_dma semaphore(%arg7 : memref<!tpu.dma_semaphore, #tpu.memory_space<semaphore_mem>>) src(%arg6 : memref<125x128xf32, #tpu.memory_space<vmem>>) dst(%dma_wait3A_204 : memref<10000x128xf32, #tpu.memory_space<vmem_shared>>)
    %dma_wait3A_205 = arith.constant 0 : i32
    %dma_wait3A_206 = arith.constant 0 : i32
    %dma_wait3A_207 = arith.constant 0 : i32
    %dma_wait3A_208 = arith.constant 0 : i32
    %dma_wait3A_209 = tpu.memref_slice %arg4[%dma_wait3A_205, %dma_wait3A_207, %dma_wait3A_208] : memref<2x16x125xi32, #tpu.memory_space<vmem>> -> memref<1x16x125xi32, #tpu.memory_space<vmem>>
    %dma_wait3A_210 = tpu.memref_squeeze %dma_wait3A_209 : memref<1x16x125xi32, #tpu.memory_space<vmem>> -> memref<16x125xi32, #tpu.memory_space<vmem>>
    %dma_wait3A_211 = arith.constant 0 : i32
    %dma_wait3A_212 = tpu.memref_slice %dma_wait3A_210[%dma_wait3A_206, %dma_wait3A_211] : memref<16x125xi32, #tpu.memory_space<vmem>> -> memref<1x125xi32, #tpu.memory_space<vmem>>
    %dma_wait3A_213 = tpu.memref_squeeze %dma_wait3A_212 : memref<1x125xi32, #tpu.memory_space<vmem>> -> memref<125xi32, #tpu.memory_space<vmem>>
    %dma_wait3A_214 = arith.constant 0 : i32
    %dma_wait3A_215 = arith.constant 0 : i32
    %dma_wait3A_216 = tpu.memref_slice %arg8[%dma_wait3A_214, %dma_wait3A_215] : memref<10000x128xf32, #tpu.memory_space<vmem_shared>> -> memref<10000x128xf32, #tpu.memory_space<vmem_shared>>
    tpu.wait_indirect_dma semaphore(%arg7 : memref<!tpu.dma_semaphore, #tpu.memory_space<semaphore_mem>>) src(%arg6 : memref<125x128xf32, #tpu.memory_space<vmem>>) dst(%dma_wait3A_216 : memref<10000x128xf32, #tpu.memory_space<vmem_shared>>)
    %dma_wait3A_217 = arith.constant 0 : i32
    %dma_wait3A_218 = arith.constant 0 : i32
    %dma_wait3A_219 = arith.constant 0 : i32
    %dma_wait3A_220 = arith.constant 0 : i32
    %dma_wait3A_221 = tpu.memref_slice %arg4[%dma_wait3A_217, %dma_wait3A_219, %dma_wait3A_220] : memref<2x16x125xi32, #tpu.memory_space<vmem>> -> memref<1x16x125xi32, #tpu.memory_space<vmem>>
    %dma_wait3A_222 = tpu.memref_squeeze %dma_wait3A_221 : memref<1x16x125xi32, #tpu.memory_space<vmem>> -> memref<16x125xi32, #tpu.memory_space<vmem>>
    %dma_wait3A_223 = arith.constant 0 : i32
    %dma_wait3A_224 = tpu.memref_slice %dma_wait3A_222[%dma_wait3A_218, %dma_wait3A_223] : memref<16x125xi32, #tpu.memory_space<vmem>> -> memref<1x125xi32, #tpu.memory_space<vmem>>
    %dma_wait3A_225 = tpu.memref_squeeze %dma_wait3A_224 : memref<1x125xi32, #tpu.memory_space<vmem>> -> memref<125xi32, #tpu.memory_space<vmem>>
    %dma_wait3A_226 = arith.constant 0 : i32
    %dma_wait3A_227 = arith.constant 0 : i32
    %dma_wait3A_228 = tpu.memref_slice %arg8[%dma_wait3A_226, %dma_wait3A_227] : memref<10000x128xf32, #tpu.memory_space<vmem_shared>> -> memref<10000x128xf32, #tpu.memory_space<vmem_shared>>
    tpu.wait_indirect_dma semaphore(%arg7 : memref<!tpu.dma_semaphore, #tpu.memory_space<semaphore_mem>>) src(%arg6 : memref<125x128xf32, #tpu.memory_space<vmem>>) dst(%dma_wait3A_228 : memref<10000x128xf32, #tpu.memory_space<vmem_shared>>)
    %dma_wait3A_229 = arith.constant 0 : i32
    %dma_wait3A_230 = arith.constant 0 : i32
    %dma_wait3A_231 = arith.constant 0 : i32
    %dma_wait3A_232 = arith.constant 0 : i32
    %dma_wait3A_233 = tpu.memref_slice %arg4[%dma_wait3A_229, %dma_wait3A_231, %dma_wait3A_232] : memref<2x16x125xi32, #tpu.memory_space<vmem>> -> memref<1x16x125xi32, #tpu.memory_space<vmem>>
    %dma_wait3A_234 = tpu.memref_squeeze %dma_wait3A_233 : memref<1x16x125xi32, #tpu.memory_space<vmem>> -> memref<16x125xi32, #tpu.memory_space<vmem>>
    %dma_wait3A_235 = arith.constant 0 : i32
    %dma_wait3A_236 = tpu.memref_slice %dma_wait3A_234[%dma_wait3A_230, %dma_wait3A_235] : memref<16x125xi32, #tpu.memory_space<vmem>> -> memref<1x125xi32, #tpu.memory_space<vmem>>
    %dma_wait3A_237 = tpu.memref_squeeze %dma_wait3A_236 : memref<1x125xi32, #tpu.memory_space<vmem>> -> memref<125xi32, #tpu.memory_space<vmem>>
    %dma_wait3A_238 = arith.constant 0 : i32
    %dma_wait3A_239 = arith.constant 0 : i32
    %dma_wait3A_240 = tpu.memref_slice %arg8[%dma_wait3A_238, %dma_wait3A_239] : memref<10000x128xf32, #tpu.memory_space<vmem_shared>> -> memref<10000x128xf32, #tpu.memory_space<vmem_shared>>
    tpu.wait_indirect_dma semaphore(%arg7 : memref<!tpu.dma_semaphore, #tpu.memory_space<semaphore_mem>>) src(%arg6 : memref<125x128xf32, #tpu.memory_space<vmem>>) dst(%dma_wait3A_240 : memref<10000x128xf32, #tpu.memory_space<vmem_shared>>)
    %dma_wait3A_241 = arith.constant 0 : i32
    %dma_wait3A_242 = arith.constant 0 : i32
    %dma_wait3A_243 = arith.constant 0 : i32
    %dma_wait3A_244 = arith.constant 0 : i32
    %dma_wait3A_245 = tpu.memref_slice %arg4[%dma_wait3A_241, %dma_wait3A_243, %dma_wait3A_244] : memref<2x16x125xi32, #tpu.memory_space<vmem>> -> memref<1x16x125xi32, #tpu.memory_space<vmem>>
    %dma_wait3A_246 = tpu.memref_squeeze %dma_wait3A_245 : memref<1x16x125xi32, #tpu.memory_space<vmem>> -> memref<16x125xi32, #tpu.memory_space<vmem>>
    %dma_wait3A_247 = arith.constant 0 : i32
    %dma_wait3A_248 = tpu.memref_slice %dma_wait3A_246[%dma_wait3A_242, %dma_wait3A_247] : memref<16x125xi32, #tpu.memory_space<vmem>> -> memref<1x125xi32, #tpu.memory_space<vmem>>
    %dma_wait3A_249 = tpu.memref_squeeze %dma_wait3A_248 : memref<1x125xi32, #tpu.memory_space<vmem>> -> memref<125xi32, #tpu.memory_space<vmem>>
    %dma_wait3A_250 = arith.constant 0 : i32
    %dma_wait3A_251 = arith.constant 0 : i32
    %dma_wait3A_252 = tpu.memref_slice %arg8[%dma_wait3A_250, %dma_wait3A_251] : memref<10000x128xf32, #tpu.memory_space<vmem_shared>> -> memref<10000x128xf32, #tpu.memory_space<vmem_shared>>
    tpu.wait_indirect_dma semaphore(%arg7 : memref<!tpu.dma_semaphore, #tpu.memory_space<semaphore_mem>>) src(%arg6 : memref<125x128xf32, #tpu.memory_space<vmem>>) dst(%dma_wait3A_252 : memref<10000x128xf32, #tpu.memory_space<vmem_shared>>)
    %dma_wait3A_253 = arith.constant 0 : i32
    %dma_wait3A_254 = arith.constant 0 : i32
    %dma_wait3A_255 = arith.constant 0 : i32
    %dma_wait3A_256 = arith.constant 0 : i32
    %dma_wait3A_257 = tpu.memref_slice %arg4[%dma_wait3A_253, %dma_wait3A_255, %dma_wait3A_256] : memref<2x16x125xi32, #tpu.memory_space<vmem>> -> memref<1x16x125xi32, #tpu.memory_space<vmem>>
    %dma_wait3A_258 = tpu.memref_squeeze %dma_wait3A_257 : memref<1x16x125xi32, #tpu.memory_space<vmem>> -> memref<16x125xi32, #tpu.memory_space<vmem>>
    %dma_wait3A_259 = arith.constant 0 : i32
    %dma_wait3A_260 = tpu.memref_slice %dma_wait3A_258[%dma_wait3A_254, %dma_wait3A_259] : memref<16x125xi32, #tpu.memory_space<vmem>> -> memref<1x125xi32, #tpu.memory_space<vmem>>
    %dma_wait3A_261 = tpu.memref_squeeze %dma_wait3A_260 : memref<1x125xi32, #tpu.memory_space<vmem>> -> memref<125xi32, #tpu.memory_space<vmem>>
    %dma_wait3A_262 = arith.constant 0 : i32
    %dma_wait3A_263 = arith.constant 0 : i32
    %dma_wait3A_264 = tpu.memref_slice %arg8[%dma_wait3A_262, %dma_wait3A_263] : memref<10000x128xf32, #tpu.memory_space<vmem_shared>> -> memref<10000x128xf32, #tpu.memory_space<vmem_shared>>
    tpu.wait_indirect_dma semaphore(%arg7 : memref<!tpu.dma_semaphore, #tpu.memory_space<semaphore_mem>>) src(%arg6 : memref<125x128xf32, #tpu.memory_space<vmem>>) dst(%dma_wait3A_264 : memref<10000x128xf32, #tpu.memory_space<vmem_shared>>)
    %dma_wait3A_265 = arith.constant 0 : i32
    %dma_wait3A_266 = arith.constant 0 : i32
    %dma_wait3A_267 = arith.constant 0 : i32
    %dma_wait3A_268 = arith.constant 0 : i32
    %dma_wait3A_269 = tpu.memref_slice %arg4[%dma_wait3A_265, %dma_wait3A_267, %dma_wait3A_268] : memref<2x16x125xi32, #tpu.memory_space<vmem>> -> memref<1x16x125xi32, #tpu.memory_space<vmem>>
    %dma_wait3A_270 = tpu.memref_squeeze %dma_wait3A_269 : memref<1x16x125xi32, #tpu.memory_space<vmem>> -> memref<16x125xi32, #tpu.memory_space<vmem>>
    %dma_wait3A_271 = arith.constant 0 : i32
    %dma_wait3A_272 = tpu.memref_slice %dma_wait3A_270[%dma_wait3A_266, %dma_wait3A_271] : memref<16x125xi32, #tpu.memory_space<vmem>> -> memref<1x125xi32, #tpu.memory_space<vmem>>
    %dma_wait3A_273 = tpu.memref_squeeze %dma_wait3A_272 : memref<1x125xi32, #tpu.memory_space<vmem>> -> memref<125xi32, #tpu.memory_space<vmem>>
    %dma_wait3A_274 = arith.constant 0 : i32
    %dma_wait3A_275 = arith.constant 0 : i32
    %dma_wait3A_276 = tpu.memref_slice %arg8[%dma_wait3A_274, %dma_wait3A_275] : memref<10000x128xf32, #tpu.memory_space<vmem_shared>> -> memref<10000x128xf32, #tpu.memory_space<vmem_shared>>
    tpu.wait_indirect_dma semaphore(%arg7 : memref<!tpu.dma_semaphore, #tpu.memory_space<semaphore_mem>>) src(%arg6 : memref<125x128xf32, #tpu.memory_space<vmem>>) dst(%dma_wait3A_276 : memref<10000x128xf32, #tpu.memory_space<vmem_shared>>)
    %dma_wait3A_277 = arith.constant 0 : i32
    %dma_wait3A_278 = arith.constant 0 : i32
    %dma_wait3A_279 = arith.constant 0 : i32
    %dma_wait3A_280 = arith.constant 0 : i32
    %dma_wait3A_281 = tpu.memref_slice %arg4[%dma_wait3A_277, %dma_wait3A_279, %dma_wait3A_280] : memref<2x16x125xi32, #tpu.memory_space<vmem>> -> memref<1x16x125xi32, #tpu.memory_space<vmem>>
    %dma_wait3A_282 = tpu.memref_squeeze %dma_wait3A_281 : memref<1x16x125xi32, #tpu.memory_space<vmem>> -> memref<16x125xi32, #tpu.memory_space<vmem>>
    %dma_wait3A_283 = arith.constant 0 : i32
    %dma_wait3A_284 = tpu.memref_slice %dma_wait3A_282[%dma_wait3A_278, %dma_wait3A_283] : memref<16x125xi32, #tpu.memory_space<vmem>> -> memref<1x125xi32, #tpu.memory_space<vmem>>
    %dma_wait3A_285 = tpu.memref_squeeze %dma_wait3A_284 : memref<1x125xi32, #tpu.memory_space<vmem>> -> memref<125xi32, #tpu.memory_space<vmem>>
    %dma_wait3A_286 = arith.constant 0 : i32
    %dma_wait3A_287 = arith.constant 0 : i32
    %dma_wait3A_288 = tpu.memref_slice %arg8[%dma_wait3A_286, %dma_wait3A_287] : memref<10000x128xf32, #tpu.memory_space<vmem_shared>> -> memref<10000x128xf32, #tpu.memory_space<vmem_shared>>
    tpu.wait_indirect_dma semaphore(%arg7 : memref<!tpu.dma_semaphore, #tpu.memory_space<semaphore_mem>>) src(%arg6 : memref<125x128xf32, #tpu.memory_space<vmem>>) dst(%dma_wait3A_288 : memref<10000x128xf32, #tpu.memory_space<vmem_shared>>)
    %dma_wait3A_289 = arith.constant 0 : i32
    %dma_wait3A_290 = arith.constant 0 : i32
    %dma_wait3A_291 = arith.constant 0 : i32
    %dma_wait3A_292 = arith.constant 0 : i32
    %dma_wait3A_293 = tpu.memref_slice %arg4[%dma_wait3A_289, %dma_wait3A_291, %dma_wait3A_292] : memref<2x16x125xi32, #tpu.memory_space<vmem>> -> memref<1x16x125xi32, #tpu.memory_space<vmem>>
    %dma_wait3A_294 = tpu.memref_squeeze %dma_wait3A_293 : memref<1x16x125xi32, #tpu.memory_space<vmem>> -> memref<16x125xi32, #tpu.memory_space<vmem>>
    %dma_wait3A_295 = arith.constant 0 : i32
    %dma_wait3A_296 = tpu.memref_slice %dma_wait3A_294[%dma_wait3A_290, %dma_wait3A_295] : memref<16x125xi32, #tpu.memory_space<vmem>> -> memref<1x125xi32, #tpu.memory_space<vmem>>
    %dma_wait3A_297 = tpu.memref_squeeze %dma_wait3A_296 : memref<1x125xi32, #tpu.memory_space<vmem>> -> memref<125xi32, #tpu.memory_space<vmem>>
    %dma_wait3A_298 = arith.constant 0 : i32
    %dma_wait3A_299 = arith.constant 0 : i32
    %dma_wait3A_300 = tpu.memref_slice %arg8[%dma_wait3A_298, %dma_wait3A_299] : memref<10000x128xf32, #tpu.memory_space<vmem_shared>> -> memref<10000x128xf32, #tpu.memory_space<vmem_shared>>
    tpu.wait_indirect_dma semaphore(%arg7 : memref<!tpu.dma_semaphore, #tpu.memory_space<semaphore_mem>>) src(%arg6 : memref<125x128xf32, #tpu.memory_space<vmem>>) dst(%dma_wait3A_300 : memref<10000x128xf32, #tpu.memory_space<vmem_shared>>)
    %dma_wait3A_301 = arith.constant 0 : i32
    %dma_wait3A_302 = arith.constant 0 : i32
    %dma_wait3A_303 = arith.constant 0 : i32
    %dma_wait3A_304 = arith.constant 0 : i32
    %dma_wait3A_305 = tpu.memref_slice %arg4[%dma_wait3A_301, %dma_wait3A_303, %dma_wait3A_304] : memref<2x16x125xi32, #tpu.memory_space<vmem>> -> memref<1x16x125xi32, #tpu.memory_space<vmem>>
    %dma_wait3A_306 = tpu.memref_squeeze %dma_wait3A_305 : memref<1x16x125xi32, #tpu.memory_space<vmem>> -> memref<16x125xi32, #tpu.memory_space<vmem>>
    %dma_wait3A_307 = arith.constant 0 : i32
    %dma_wait3A_308 = tpu.memref_slice %dma_wait3A_306[%dma_wait3A_302, %dma_wait3A_307] : memref<16x125xi32, #tpu.memory_space<vmem>> -> memref<1x125xi32, #tpu.memory_space<vmem>>
    %dma_wait3A_309 = tpu.memref_squeeze %dma_wait3A_308 : memref<1x125xi32, #tpu.memory_space<vmem>> -> memref<125xi32, #tpu.memory_space<vmem>>
    %dma_wait3A_310 = arith.constant 0 : i32
    %dma_wait3A_311 = arith.constant 0 : i32
    %dma_wait3A_312 = tpu.memref_slice %arg8[%dma_wait3A_310, %dma_wait3A_311] : memref<10000x128xf32, #tpu.memory_space<vmem_shared>> -> memref<10000x128xf32, #tpu.memory_space<vmem_shared>>
    tpu.wait_indirect_dma semaphore(%arg7 : memref<!tpu.dma_semaphore, #tpu.memory_space<semaphore_mem>>) src(%arg6 : memref<125x128xf32, #tpu.memory_space<vmem>>) dst(%dma_wait3A_312 : memref<10000x128xf32, #tpu.memory_space<vmem_shared>>)
    %dma_wait3A_313 = arith.constant 0 : i32
    %dma_wait3A_314 = arith.constant 0 : i32
    %dma_wait3A_315 = arith.constant 0 : i32
    %dma_wait3A_316 = arith.constant 0 : i32
    %dma_wait3A_317 = tpu.memref_slice %arg4[%dma_wait3A_313, %dma_wait3A_315, %dma_wait3A_316] : memref<2x16x125xi32, #tpu.memory_space<vmem>> -> memref<1x16x125xi32, #tpu.memory_space<vmem>>
    %dma_wait3A_318 = tpu.memref_squeeze %dma_wait3A_317 : memref<1x16x125xi32, #tpu.memory_space<vmem>> -> memref<16x125xi32, #tpu.memory_space<vmem>>
    %dma_wait3A_319 = arith.constant 0 : i32
    %dma_wait3A_320 = tpu.memref_slice %dma_wait3A_318[%dma_wait3A_314, %dma_wait3A_319] : memref<16x125xi32, #tpu.memory_space<vmem>> -> memref<1x125xi32, #tpu.memory_space<vmem>>
    %dma_wait3A_321 = tpu.memref_squeeze %dma_wait3A_320 : memref<1x125xi32, #tpu.memory_space<vmem>> -> memref<125xi32, #tpu.memory_space<vmem>>
    %dma_wait3A_322 = arith.constant 0 : i32
    %dma_wait3A_323 = arith.constant 0 : i32
    %dma_wait3A_324 = tpu.memref_slice %arg8[%dma_wait3A_322, %dma_wait3A_323] : memref<10000x128xf32, #tpu.memory_space<vmem_shared>> -> memref<10000x128xf32, #tpu.memory_space<vmem_shared>>
    tpu.wait_indirect_dma semaphore(%arg7 : memref<!tpu.dma_semaphore, #tpu.memory_space<semaphore_mem>>) src(%arg6 : memref<125x128xf32, #tpu.memory_space<vmem>>) dst(%dma_wait3A_324 : memref<10000x128xf32, #tpu.memory_space<vmem_shared>>)
    %dma_wait3A_325 = arith.constant 0 : i32
    %dma_wait3A_326 = arith.constant 0 : i32
    %dma_wait3A_327 = arith.constant 0 : i32
    %dma_wait3A_328 = arith.constant 0 : i32
    %dma_wait3A_329 = tpu.memref_slice %arg4[%dma_wait3A_325, %dma_wait3A_327, %dma_wait3A_328] : memref<2x16x125xi32, #tpu.memory_space<vmem>> -> memref<1x16x125xi32, #tpu.memory_space<vmem>>
    %dma_wait3A_330 = tpu.memref_squeeze %dma_wait3A_329 : memref<1x16x125xi32, #tpu.memory_space<vmem>> -> memref<16x125xi32, #tpu.memory_space<vmem>>
    %dma_wait3A_331 = arith.constant 0 : i32
    %dma_wait3A_332 = tpu.memref_slice %dma_wait3A_330[%dma_wait3A_326, %dma_wait3A_331] : memref<16x125xi32, #tpu.memory_space<vmem>> -> memref<1x125xi32, #tpu.memory_space<vmem>>
    %dma_wait3A_333 = tpu.memref_squeeze %dma_wait3A_332 : memref<1x125xi32, #tpu.memory_space<vmem>> -> memref<125xi32, #tpu.memory_space<vmem>>
    %dma_wait3A_334 = arith.constant 0 : i32
    %dma_wait3A_335 = arith.constant 0 : i32
    %dma_wait3A_336 = tpu.memref_slice %arg8[%dma_wait3A_334, %dma_wait3A_335] : memref<10000x128xf32, #tpu.memory_space<vmem_shared>> -> memref<10000x128xf32, #tpu.memory_space<vmem_shared>>
    tpu.wait_indirect_dma semaphore(%arg7 : memref<!tpu.dma_semaphore, #tpu.memory_space<semaphore_mem>>) src(%arg6 : memref<125x128xf32, #tpu.memory_space<vmem>>) dst(%dma_wait3A_336 : memref<10000x128xf32, #tpu.memory_space<vmem_shared>>)
    %dma_wait3A_337 = arith.constant 0 : i32
    %dma_wait3A_338 = arith.constant 0 : i32
    %dma_wait3A_339 = arith.constant 0 : i32
    %dma_wait3A_340 = arith.constant 0 : i32
    %dma_wait3A_341 = tpu.memref_slice %arg4[%dma_wait3A_337, %dma_wait3A_339, %dma_wait3A_340] : memref<2x16x125xi32, #tpu.memory_space<vmem>> -> memref<1x16x125xi32, #tpu.memory_space<vmem>>
    %dma_wait3A_342 = tpu.memref_squeeze %dma_wait3A_341 : memref<1x16x125xi32, #tpu.memory_space<vmem>> -> memref<16x125xi32, #tpu.memory_space<vmem>>
    %dma_wait3A_343 = arith.constant 0 : i32
    %dma_wait3A_344 = tpu.memref_slice %dma_wait3A_342[%dma_wait3A_338, %dma_wait3A_343] : memref<16x125xi32, #tpu.memory_space<vmem>> -> memref<1x125xi32, #tpu.memory_space<vmem>>
    %dma_wait3A_345 = tpu.memref_squeeze %dma_wait3A_344 : memref<1x125xi32, #tpu.memory_space<vmem>> -> memref<125xi32, #tpu.memory_space<vmem>>
    %dma_wait3A_346 = arith.constant 0 : i32
    %dma_wait3A_347 = arith.constant 0 : i32
    %dma_wait3A_348 = tpu.memref_slice %arg8[%dma_wait3A_346, %dma_wait3A_347] : memref<10000x128xf32, #tpu.memory_space<vmem_shared>> -> memref<10000x128xf32, #tpu.memory_space<vmem_shared>>
    tpu.wait_indirect_dma semaphore(%arg7 : memref<!tpu.dma_semaphore, #tpu.memory_space<semaphore_mem>>) src(%arg6 : memref<125x128xf32, #tpu.memory_space<vmem>>) dst(%dma_wait3A_348 : memref<10000x128xf32, #tpu.memory_space<vmem_shared>>)
    %dma_wait3A_349 = arith.constant 0 : i32
    %dma_wait3A_350 = arith.constant 0 : i32
    %dma_wait3A_351 = arith.constant 0 : i32
    %dma_wait3A_352 = arith.constant 0 : i32
    %dma_wait3A_353 = tpu.memref_slice %arg4[%dma_wait3A_349, %dma_wait3A_351, %dma_wait3A_352] : memref<2x16x125xi32, #tpu.memory_space<vmem>> -> memref<1x16x125xi32, #tpu.memory_space<vmem>>
    %dma_wait3A_354 = tpu.memref_squeeze %dma_wait3A_353 : memref<1x16x125xi32, #tpu.memory_space<vmem>> -> memref<16x125xi32, #tpu.memory_space<vmem>>
    %dma_wait3A_355 = arith.constant 0 : i32
    %dma_wait3A_356 = tpu.memref_slice %dma_wait3A_354[%dma_wait3A_350, %dma_wait3A_355] : memref<16x125xi32, #tpu.memory_space<vmem>> -> memref<1x125xi32, #tpu.memory_space<vmem>>
    %dma_wait3A_357 = tpu.memref_squeeze %dma_wait3A_356 : memref<1x125xi32, #tpu.memory_space<vmem>> -> memref<125xi32, #tpu.memory_space<vmem>>
    %dma_wait3A_358 = arith.constant 0 : i32
    %dma_wait3A_359 = arith.constant 0 : i32
    %dma_wait3A_360 = tpu.memref_slice %arg8[%dma_wait3A_358, %dma_wait3A_359] : memref<10000x128xf32, #tpu.memory_space<vmem_shared>> -> memref<10000x128xf32, #tpu.memory_space<vmem_shared>>
    tpu.wait_indirect_dma semaphore(%arg7 : memref<!tpu.dma_semaphore, #tpu.memory_space<semaphore_mem>>) src(%arg6 : memref<125x128xf32, #tpu.memory_space<vmem>>) dst(%dma_wait3A_360 : memref<10000x128xf32, #tpu.memory_space<vmem_shared>>)
    %dma_wait3A_361 = arith.constant 0 : i32
    %dma_wait3A_362 = arith.constant 0 : i32
    %dma_wait3A_363 = arith.constant 0 : i32
    %dma_wait3A_364 = arith.constant 0 : i32
    %dma_wait3A_365 = tpu.memref_slice %arg4[%dma_wait3A_361, %dma_wait3A_363, %dma_wait3A_364] : memref<2x16x125xi32, #tpu.memory_space<vmem>> -> memref<1x16x125xi32, #tpu.memory_space<vmem>>
    %dma_wait3A_366 = tpu.memref_squeeze %dma_wait3A_365 : memref<1x16x125xi32, #tpu.memory_space<vmem>> -> memref<16x125xi32, #tpu.memory_space<vmem>>
    %dma_wait3A_367 = arith.constant 0 : i32
    %dma_wait3A_368 = tpu.memref_slice %dma_wait3A_366[%dma_wait3A_362, %dma_wait3A_367] : memref<16x125xi32, #tpu.memory_space<vmem>> -> memref<1x125xi32, #tpu.memory_space<vmem>>
    %dma_wait3A_369 = tpu.memref_squeeze %dma_wait3A_368 : memref<1x125xi32, #tpu.memory_space<vmem>> -> memref<125xi32, #tpu.memory_space<vmem>>
    %dma_wait3A_370 = arith.constant 0 : i32
    %dma_wait3A_371 = arith.constant 0 : i32
    %dma_wait3A_372 = tpu.memref_slice %arg8[%dma_wait3A_370, %dma_wait3A_371] : memref<10000x128xf32, #tpu.memory_space<vmem_shared>> -> memref<10000x128xf32, #tpu.memory_space<vmem_shared>>
    tpu.wait_indirect_dma semaphore(%arg7 : memref<!tpu.dma_semaphore, #tpu.memory_space<semaphore_mem>>) src(%arg6 : memref<125x128xf32, #tpu.memory_space<vmem>>) dst(%dma_wait3A_372 : memref<10000x128xf32, #tpu.memory_space<vmem_shared>>)
    %dma_wait3A_373 = arith.constant 0 : i32
    %dma_wait3A_374 = arith.constant 0 : i32
    %dma_wait3A_375 = arith.constant 0 : i32
    %dma_wait3A_376 = arith.constant 0 : i32
    %dma_wait3A_377 = tpu.memref_slice %arg4[%dma_wait3A_373, %dma_wait3A_375, %dma_wait3A_376] : memref<2x16x125xi32, #tpu.memory_space<vmem>> -> memref<1x16x125xi32, #tpu.memory_space<vmem>>
    %dma_wait3A_378 = tpu.memref_squeeze %dma_wait3A_377 : memref<1x16x125xi32, #tpu.memory_space<vmem>> -> memref<16x125xi32, #tpu.memory_space<vmem>>
    %dma_wait3A_379 = arith.constant 0 : i32
    %dma_wait3A_380 = tpu.memref_slice %dma_wait3A_378[%dma_wait3A_374, %dma_wait3A_379] : memref<16x125xi32, #tpu.memory_space<vmem>> -> memref<1x125xi32, #tpu.memory_space<vmem>>
    %dma_wait3A_381 = tpu.memref_squeeze %dma_wait3A_380 : memref<1x125xi32, #tpu.memory_space<vmem>> -> memref<125xi32, #tpu.memory_space<vmem>>
    %dma_wait3A_382 = arith.constant 0 : i32
    %dma_wait3A_383 = arith.constant 0 : i32
    %dma_wait3A_384 = tpu.memref_slice %arg8[%dma_wait3A_382, %dma_wait3A_383] : memref<10000x128xf32, #tpu.memory_space<vmem_shared>> -> memref<10000x128xf32, #tpu.memory_space<vmem_shared>>
    tpu.wait_indirect_dma semaphore(%arg7 : memref<!tpu.dma_semaphore, #tpu.memory_space<semaphore_mem>>) src(%arg6 : memref<125x128xf32, #tpu.memory_space<vmem>>) dst(%dma_wait3A_384 : memref<10000x128xf32, #tpu.memory_space<vmem_shared>>)
    %dma_wait3A_385 = arith.constant 0 : i32
    %dma_wait3A_386 = arith.constant 0 : i32
    %dma_wait3A_387 = arith.constant 0 : i32
    %dma_wait3A_388 = arith.constant 0 : i32
    %dma_wait3A_389 = tpu.memref_slice %arg4[%dma_wait3A_385, %dma_wait3A_387, %dma_wait3A_388] : memref<2x16x125xi32, #tpu.memory_space<vmem>> -> memref<1x16x125xi32, #tpu.memory_space<vmem>>
    %dma_wait3A_390 = tpu.memref_squeeze %dma_wait3A_389 : memref<1x16x125xi32, #tpu.memory_space<vmem>> -> memref<16x125xi32, #tpu.memory_space<vmem>>
    %dma_wait3A_391 = arith.constant 0 : i32
    %dma_wait3A_392 = tpu.memref_slice %dma_wait3A_390[%dma_wait3A_386, %dma_wait3A_391] : memref<16x125xi32, #tpu.memory_space<vmem>> -> memref<1x125xi32, #tpu.memory_space<vmem>>
    %dma_wait3A_393 = tpu.memref_squeeze %dma_wait3A_392 : memref<1x125xi32, #tpu.memory_space<vmem>> -> memref<125xi32, #tpu.memory_space<vmem>>
    %dma_wait3A_394 = arith.constant 0 : i32
    %dma_wait3A_395 = arith.constant 0 : i32
    %dma_wait3A_396 = tpu.memref_slice %arg8[%dma_wait3A_394, %dma_wait3A_395] : memref<10000x128xf32, #tpu.memory_space<vmem_shared>> -> memref<10000x128xf32, #tpu.memory_space<vmem_shared>>
    tpu.wait_indirect_dma semaphore(%arg7 : memref<!tpu.dma_semaphore, #tpu.memory_space<semaphore_mem>>) src(%arg6 : memref<125x128xf32, #tpu.memory_space<vmem>>) dst(%dma_wait3A_396 : memref<10000x128xf32, #tpu.memory_space<vmem_shared>>)
    %dma_wait3A_397 = arith.constant 0 : i32
    %dma_wait3A_398 = arith.constant 0 : i32
    %dma_wait3A_399 = arith.constant 0 : i32
    %dma_wait3A_400 = arith.constant 0 : i32
    %dma_wait3A_401 = tpu.memref_slice %arg4[%dma_wait3A_397, %dma_wait3A_399, %dma_wait3A_400] : memref<2x16x125xi32, #tpu.memory_space<vmem>> -> memref<1x16x125xi32, #tpu.memory_space<vmem>>
    %dma_wait3A_402 = tpu.memref_squeeze %dma_wait3A_401 : memref<1x16x125xi32, #tpu.memory_space<vmem>> -> memref<16x125xi32, #tpu.memory_space<vmem>>
    %dma_wait3A_403 = arith.constant 0 : i32
    %dma_wait3A_404 = tpu.memref_slice %dma_wait3A_402[%dma_wait3A_398, %dma_wait3A_403] : memref<16x125xi32, #tpu.memory_space<vmem>> -> memref<1x125xi32, #tpu.memory_space<vmem>>
    %dma_wait3A_405 = tpu.memref_squeeze %dma_wait3A_404 : memref<1x125xi32, #tpu.memory_space<vmem>> -> memref<125xi32, #tpu.memory_space<vmem>>
    %dma_wait3A_406 = arith.constant 0 : i32
    %dma_wait3A_407 = arith.constant 0 : i32
    %dma_wait3A_408 = tpu.memref_slice %arg8[%dma_wait3A_406, %dma_wait3A_407] : memref<10000x128xf32, #tpu.memory_space<vmem_shared>> -> memref<10000x128xf32, #tpu.memory_space<vmem_shared>>
    tpu.wait_indirect_dma semaphore(%arg7 : memref<!tpu.dma_semaphore, #tpu.memory_space<semaphore_mem>>) src(%arg6 : memref<125x128xf32, #tpu.memory_space<vmem>>) dst(%dma_wait3A_408 : memref<10000x128xf32, #tpu.memory_space<vmem_shared>>)
    %dma_wait3A_409 = arith.constant 0 : i32
    %dma_wait3A_410 = arith.constant 0 : i32
    %dma_wait3A_411 = arith.constant 0 : i32
    %dma_wait3A_412 = arith.constant 0 : i32
    %dma_wait3A_413 = tpu.memref_slice %arg4[%dma_wait3A_409, %dma_wait3A_411, %dma_wait3A_412] : memref<2x16x125xi32, #tpu.memory_space<vmem>> -> memref<1x16x125xi32, #tpu.memory_space<vmem>>
    %dma_wait3A_414 = tpu.memref_squeeze %dma_wait3A_413 : memref<1x16x125xi32, #tpu.memory_space<vmem>> -> memref<16x125xi32, #tpu.memory_space<vmem>>
    %dma_wait3A_415 = arith.constant 0 : i32
    %dma_wait3A_416 = tpu.memref_slice %dma_wait3A_414[%dma_wait3A_410, %dma_wait3A_415] : memref<16x125xi32, #tpu.memory_space<vmem>> -> memref<1x125xi32, #tpu.memory_space<vmem>>
    %dma_wait3A_417 = tpu.memref_squeeze %dma_wait3A_416 : memref<1x125xi32, #tpu.memory_space<vmem>> -> memref<125xi32, #tpu.memory_space<vmem>>
    %dma_wait3A_418 = arith.constant 0 : i32
    %dma_wait3A_419 = arith.constant 0 : i32
    %dma_wait3A_420 = tpu.memref_slice %arg8[%dma_wait3A_418, %dma_wait3A_419] : memref<10000x128xf32, #tpu.memory_space<vmem_shared>> -> memref<10000x128xf32, #tpu.memory_space<vmem_shared>>
    tpu.wait_indirect_dma semaphore(%arg7 : memref<!tpu.dma_semaphore, #tpu.memory_space<semaphore_mem>>) src(%arg6 : memref<125x128xf32, #tpu.memory_space<vmem>>) dst(%dma_wait3A_420 : memref<10000x128xf32, #tpu.memory_space<vmem_shared>>)
    %dma_wait3A_421 = arith.constant 0 : i32
    %dma_wait3A_422 = arith.constant 0 : i32
    %dma_wait3A_423 = arith.constant 0 : i32
    %dma_wait3A_424 = arith.constant 0 : i32
    %dma_wait3A_425 = tpu.memref_slice %arg4[%dma_wait3A_421, %dma_wait3A_423, %dma_wait3A_424] : memref<2x16x125xi32, #tpu.memory_space<vmem>> -> memref<1x16x125xi32, #tpu.memory_space<vmem>>
    %dma_wait3A_426 = tpu.memref_squeeze %dma_wait3A_425 : memref<1x16x125xi32, #tpu.memory_space<vmem>> -> memref<16x125xi32, #tpu.memory_space<vmem>>
    %dma_wait3A_427 = arith.constant 0 : i32
    %dma_wait3A_428 = tpu.memref_slice %dma_wait3A_426[%dma_wait3A_422, %dma_wait3A_427] : memref<16x125xi32, #tpu.memory_space<vmem>> -> memref<1x125xi32, #tpu.memory_space<vmem>>
    %dma_wait3A_429 = tpu.memref_squeeze %dma_wait3A_428 : memref<1x125xi32, #tpu.memory_space<vmem>> -> memref<125xi32, #tpu.memory_space<vmem>>
    %dma_wait3A_430 = arith.constant 0 : i32
    %dma_wait3A_431 = arith.constant 0 : i32
    %dma_wait3A_432 = tpu.memref_slice %arg8[%dma_wait3A_430, %dma_wait3A_431] : memref<10000x128xf32, #tpu.memory_space<vmem_shared>> -> memref<10000x128xf32, #tpu.memory_space<vmem_shared>>
    tpu.wait_indirect_dma semaphore(%arg7 : memref<!tpu.dma_semaphore, #tpu.memory_space<semaphore_mem>>) src(%arg6 : memref<125x128xf32, #tpu.memory_space<vmem>>) dst(%dma_wait3A_432 : memref<10000x128xf32, #tpu.memory_space<vmem_shared>>)
    %dma_wait3A_433 = arith.constant 0 : i32
    %dma_wait3A_434 = arith.constant 0 : i32
    %dma_wait3A_435 = arith.constant 0 : i32
    %dma_wait3A_436 = arith.constant 0 : i32
    %dma_wait3A_437 = tpu.memref_slice %arg4[%dma_wait3A_433, %dma_wait3A_435, %dma_wait3A_436] : memref<2x16x125xi32, #tpu.memory_space<vmem>> -> memref<1x16x125xi32, #tpu.memory_space<vmem>>
    %dma_wait3A_438 = tpu.memref_squeeze %dma_wait3A_437 : memref<1x16x125xi32, #tpu.memory_space<vmem>> -> memref<16x125xi32, #tpu.memory_space<vmem>>
    %dma_wait3A_439 = arith.constant 0 : i32
    %dma_wait3A_440 = tpu.memref_slice %dma_wait3A_438[%dma_wait3A_434, %dma_wait3A_439] : memref<16x125xi32, #tpu.memory_space<vmem>> -> memref<1x125xi32, #tpu.memory_space<vmem>>
    %dma_wait3A_441 = tpu.memref_squeeze %dma_wait3A_440 : memref<1x125xi32, #tpu.memory_space<vmem>> -> memref<125xi32, #tpu.memory_space<vmem>>
    %dma_wait3A_442 = arith.constant 0 : i32
    %dma_wait3A_443 = arith.constant 0 : i32
    %dma_wait3A_444 = tpu.memref_slice %arg8[%dma_wait3A_442, %dma_wait3A_443] : memref<10000x128xf32, #tpu.memory_space<vmem_shared>> -> memref<10000x128xf32, #tpu.memory_space<vmem_shared>>
    tpu.wait_indirect_dma semaphore(%arg7 : memref<!tpu.dma_semaphore, #tpu.memory_space<semaphore_mem>>) src(%arg6 : memref<125x128xf32, #tpu.memory_space<vmem>>) dst(%dma_wait3A_444 : memref<10000x128xf32, #tpu.memory_space<vmem_shared>>)
    %dma_wait3A_445 = arith.constant 0 : i32
    %dma_wait3A_446 = arith.constant 0 : i32
    %dma_wait3A_447 = arith.constant 0 : i32
    %dma_wait3A_448 = arith.constant 0 : i32
    %dma_wait3A_449 = tpu.memref_slice %arg4[%dma_wait3A_445, %dma_wait3A_447, %dma_wait3A_448] : memref<2x16x125xi32, #tpu.memory_space<vmem>> -> memref<1x16x125xi32, #tpu.memory_space<vmem>>
    %dma_wait3A_450 = tpu.memref_squeeze %dma_wait3A_449 : memref<1x16x125xi32, #tpu.memory_space<vmem>> -> memref<16x125xi32, #tpu.memory_space<vmem>>
    %dma_wait3A_451 = arith.constant 0 : i32
    %dma_wait3A_452 = tpu.memref_slice %dma_wait3A_450[%dma_wait3A_446, %dma_wait3A_451] : memref<16x125xi32, #tpu.memory_space<vmem>> -> memref<1x125xi32, #tpu.memory_space<vmem>>
    %dma_wait3A_453 = tpu.memref_squeeze %dma_wait3A_452 : memref<1x125xi32, #tpu.memory_space<vmem>> -> memref<125xi32, #tpu.memory_space<vmem>>
    %dma_wait3A_454 = arith.constant 0 : i32
    %dma_wait3A_455 = arith.constant 0 : i32
    %dma_wait3A_456 = tpu.memref_slice %arg8[%dma_wait3A_454, %dma_wait3A_455] : memref<10000x128xf32, #tpu.memory_space<vmem_shared>> -> memref<10000x128xf32, #tpu.memory_space<vmem_shared>>
    tpu.wait_indirect_dma semaphore(%arg7 : memref<!tpu.dma_semaphore, #tpu.memory_space<semaphore_mem>>) src(%arg6 : memref<125x128xf32, #tpu.memory_space<vmem>>) dst(%dma_wait3A_456 : memref<10000x128xf32, #tpu.memory_space<vmem_shared>>)
    %barrier3A_457 = arith.constant 0 : index
    tpu.barrier barrier_id(%barrier3A_457)
    %mul3A_458 = arith.constant 624 : i32
    %mul3A_459 = arith.muli %arg1, %mul3A_458 : i32
    "tpu.region"() ({
      %run_scoped3A = tpu.sem_alloc : memref<!tpu.dma_semaphore, #tpu.memory_space<semaphore_mem>>
      %dma_start3A = arith.constant 0 : i32
      %dma_start3A_465 = arith.constant 0 : i32
      %dma_start3A_466 = tpu.memref_slice %arg3[%arg0, %dma_start3A, %dma_start3A_465] : memref<2x10000x128xf32, #tpu.memory_space<hbm>> -> memref<1x10000x128xf32, #tpu.memory_space<hbm>>
      %dma_start3A_467 = tpu.memref_squeeze %dma_start3A_466 : memref<1x10000x128xf32, #tpu.memory_space<hbm>> -> memref<10000x128xf32, #tpu.memory_space<hbm>>
      %dma_start3A_468 = arith.constant 0 : i32
      %dma_start3A_469 = tpu.memref_slice %dma_start3A_467[%mul3A_459, %dma_start3A_468] : memref<10000x128xf32, #tpu.memory_space<hbm>> -> memref<624x128xf32, #tpu.memory_space<hbm>>
      %dma_start3A_470 = arith.constant 0 : i32
      %dma_start3A_471 = tpu.memref_slice %arg8[%mul3A_459, %dma_start3A_470] : memref<10000x128xf32, #tpu.memory_space<vmem_shared>> -> memref<624x128xf32, #tpu.memory_space<vmem_shared>>
      tpu.enqueue_dma source(%dma_start3A_471 : memref<624x128xf32, #tpu.memory_space<vmem_shared>>) target(%dma_start3A_469 : memref<624x128xf32, #tpu.memory_space<hbm>>) target_semaphore(%run_scoped3A : memref<!tpu.dma_semaphore, #tpu.memory_space<semaphore_mem>>)
      %dma_wait3A_472 = arith.constant 0 : i32
      %dma_wait3A_473 = arith.constant 0 : i32
      %dma_wait3A_474 = tpu.memref_slice %arg3[%arg0, %dma_wait3A_472, %dma_wait3A_473] : memref<2x10000x128xf32, #tpu.memory_space<hbm>> -> memref<1x10000x128xf32, #tpu.memory_space<hbm>>
      %dma_wait3A_475 = tpu.memref_squeeze %dma_wait3A_474 : memref<1x10000x128xf32, #tpu.memory_space<hbm>> -> memref<10000x128xf32, #tpu.memory_space<hbm>>
      %dma_wait3A_476 = arith.constant 0 : i32
      %dma_wait3A_477 = tpu.memref_slice %dma_wait3A_475[%mul3A_459, %dma_wait3A_476] : memref<10000x128xf32, #tpu.memory_space<hbm>> -> memref<624x128xf32, #tpu.memory_space<hbm>>
      %dma_wait3A_478 = arith.constant 0 : i32
      %dma_wait3A_479 = tpu.memref_slice %arg8[%mul3A_459, %dma_wait3A_478] : memref<10000x128xf32, #tpu.memory_space<vmem_shared>> -> memref<624x128xf32, #tpu.memory_space<vmem_shared>>
      tpu.wait_dma2 semaphore(%run_scoped3A : memref<!tpu.dma_semaphore, #tpu.memory_space<semaphore_mem>>) src(%dma_wait3A_479 : memref<624x128xf32, #tpu.memory_space<vmem_shared>>) dst(%dma_wait3A_477 : memref<624x128xf32, #tpu.memory_space<hbm>>)
      tpu.yield
    }) : () -> ()
    %eq3A_460 = arith.constant 15 : i32
    %eq3A_461 = arith.cmpi eq, %arg1, %eq3A_460 : i32
    %convert_element_type3A_462 = arith.extui %eq3A_461 : i1 to i32
    %cond3A_463 = arith.constant 0 : i32
    %cond3A_464 = arith.cmpi ne, %convert_element_type3A_462, %cond3A_463 : i32
    scf.if %cond3A_464 {
      "tpu.region"() ({
        %run_scoped3A = tpu.sem_alloc : memref<!tpu.dma_semaphore, #tpu.memory_space<semaphore_mem>>
        %dma_start3A = arith.constant 0 : i32
        %dma_start3A_465 = arith.constant 0 : i32
        %dma_start3A_466 = tpu.memref_slice %arg3[%arg0, %dma_start3A, %dma_start3A_465] : memref<2x10000x128xf32, #tpu.memory_space<hbm>> -> memref<1x10000x128xf32, #tpu.memory_space<hbm>>
        %dma_start3A_467 = tpu.memref_squeeze %dma_start3A_466 : memref<1x10000x128xf32, #tpu.memory_space<hbm>> -> memref<10000x128xf32, #tpu.memory_space<hbm>>
        %dma_start3A_468 = arith.constant 9984 : i32
        %dma_start3A_469 = arith.constant 0 : i32
        %dma_start3A_470 = tpu.memref_slice %dma_start3A_467[%dma_start3A_468, %dma_start3A_469] : memref<10000x128xf32, #tpu.memory_space<hbm>> -> memref<16x128xf32, #tpu.memory_space<hbm>>
        %dma_start3A_471 = arith.constant 9984 : i32
        %dma_start3A_472 = arith.constant 0 : i32
        %dma_start3A_473 = tpu.memref_slice %arg8[%dma_start3A_471, %dma_start3A_472] : memref<10000x128xf32, #tpu.memory_space<vmem_shared>> -> memref<16x128xf32, #tpu.memory_space<vmem_shared>>
        tpu.enqueue_dma source(%dma_start3A_473 : memref<16x128xf32, #tpu.memory_space<vmem_shared>>) target(%dma_start3A_470 : memref<16x128xf32, #tpu.memory_space<hbm>>) target_semaphore(%run_scoped3A : memref<!tpu.dma_semaphore, #tpu.memory_space<semaphore_mem>>)
        %dma_wait3A_474 = arith.constant 0 : i32
        %dma_wait3A_475 = arith.constant 0 : i32
        %dma_wait3A_476 = tpu.memref_slice %arg3[%arg0, %dma_wait3A_474, %dma_wait3A_475] : memref<2x10000x128xf32, #tpu.memory_space<hbm>> -> memref<1x10000x128xf32, #tpu.memory_space<hbm>>
        %dma_wait3A_477 = tpu.memref_squeeze %dma_wait3A_476 : memref<1x10000x128xf32, #tpu.memory_space<hbm>> -> memref<10000x128xf32, #tpu.memory_space<hbm>>
        %dma_wait3A_478 = arith.constant 9984 : i32
        %dma_wait3A_479 = arith.constant 0 : i32
        %dma_wait3A_480 = tpu.memref_slice %dma_wait3A_477[%dma_wait3A_478, %dma_wait3A_479] : memref<10000x128xf32, #tpu.memory_space<hbm>> -> memref<16x128xf32, #tpu.memory_space<hbm>>
        %dma_wait3A_481 = arith.constant 9984 : i32
        %dma_wait3A_482 = arith.constant 0 : i32
        %dma_wait3A_483 = tpu.memref_slice %arg8[%dma_wait3A_481, %dma_wait3A_482] : memref<10000x128xf32, #tpu.memory_space<vmem_shared>> -> memref<16x128xf32, #tpu.memory_space<vmem_shared>>
        tpu.wait_dma2 semaphore(%run_scoped3A : memref<!tpu.dma_semaphore, #tpu.memory_space<semaphore_mem>>) src(%dma_wait3A_483 : memref<16x128xf32, #tpu.memory_space<vmem_shared>>) dst(%dma_wait3A_480 : memref<16x128xf32, #tpu.memory_space<hbm>>)
        tpu.yield
      }) : () -> ()
    } else {
    }
    return
  }
}

#map = affine_map<(d0, d1) -> (0, 0)>
#map1 = affine_map<(d0, d1) -> (0, 0, 0)>
module attributes {stable_mosaic.version = 14 : i64} {
  func.func @_sc_agg_body(%arg0: i32, %arg1: i32, %arg2: memref<10000x128xf32, #tpu.memory_space<hbm>>, %arg3: memref<5120x64xi32, #tpu.memory_space<hbm>>, %arg4: memref<5120x64xi32, #tpu.memory_space<hbm>>, %arg5: memref<624x128xf32, #tpu.memory_space<hbm>>, %arg6: memref<2x10000x128xf32, #tpu.memory_space<hbm>>, %arg7: memref<2x16x64xi32, #tpu.memory_space<vmem>>, %arg8: memref<2x16x64xi32, #tpu.memory_space<vmem>>, %arg9: memref<5x64x128xf32, #tpu.memory_space<vmem>>, %arg10: memref<5x!tpu.dma_semaphore, #tpu.memory_space<semaphore_mem>>, %arg11: memref<!tpu.dma_semaphore, #tpu.memory_space<semaphore_mem>>, %arg12: memref<10008x128xf32, #tpu.memory_space<vmem_shared>>) attributes {dimension_semantics = [#tpu.dimension_semantics<core_parallel>, #tpu.dimension_semantics<subcore_parallel>], iteration_bounds = array<i64: 2, 16>, scalar_prefetch = 0 : i64, scratch_operands = 6 : i64, tpu.core_type = #tpu.core_type<sc_vector_subcore>, window_params = [{transform_indices = #map}, {transform_indices = #map}, {transform_indices = #map}, {transform_indices = #map}, {transform_indices = #map1}]} {
    %mul3A = arith.constant 16 : i32
    %mul3A_0 = arith.muli %arg0, %mul3A : i32
    %add3A = arith.addi %mul3A_0, %arg1 : i32
    %mul3A_1 = arith.constant 160 : i32
    %mul3A_2 = arith.muli %add3A, %mul3A_1 : i32
    %mul3A_3 = arith.constant 624 : i32
    %mul3A_4 = arith.muli %arg1, %mul3A_3 : i32
    "tpu.region"() ({
      %run_scoped3A_116 = tpu.sem_alloc : memref<!tpu.dma_semaphore, #tpu.memory_space<semaphore_mem>>
      %dma_start3A_117 = arith.constant 0 : i32
      %dma_start3A_118 = tpu.memref_slice %arg12[%mul3A_4, %dma_start3A_117] : memref<10008x128xf32, #tpu.memory_space<vmem_shared>> -> memref<624x128xf32, #tpu.memory_space<vmem_shared>>
      tpu.enqueue_dma source(%arg5 : memref<624x128xf32, #tpu.memory_space<hbm>>) target(%dma_start3A_118 : memref<624x128xf32, #tpu.memory_space<vmem_shared>>) target_semaphore(%run_scoped3A_116 : memref<!tpu.dma_semaphore, #tpu.memory_space<semaphore_mem>>)
      %dma_wait3A_119 = arith.constant 0 : i32
      %dma_wait3A_120 = tpu.memref_slice %arg12[%mul3A_4, %dma_wait3A_119] : memref<10008x128xf32, #tpu.memory_space<vmem_shared>> -> memref<624x128xf32, #tpu.memory_space<vmem_shared>>
      tpu.wait_dma2 semaphore(%run_scoped3A_116 : memref<!tpu.dma_semaphore, #tpu.memory_space<semaphore_mem>>) src(%arg5 : memref<624x128xf32, #tpu.memory_space<hbm>>) dst(%dma_wait3A_120 : memref<624x128xf32, #tpu.memory_space<vmem_shared>>)
      tpu.yield
    }) : () -> ()
    %eq3A = arith.constant 15 : i32
    %eq3A_5 = arith.cmpi eq, %arg1, %eq3A : i32
    %convert_element_type3A = arith.extui %eq3A_5 : i1 to i32
    %cond3A = arith.constant 0 : i32
    %cond3A_6 = arith.cmpi ne, %convert_element_type3A, %cond3A : i32
    scf.if %cond3A_6 {
      "tpu.region"() ({
        %run_scoped3A_116 = tpu.sem_alloc : memref<!tpu.dma_semaphore, #tpu.memory_space<semaphore_mem>>
        %dma_start3A_117 = arith.constant 9984 : i32
        %dma_start3A_118 = arith.constant 0 : i32
        %dma_start3A_119 = tpu.memref_slice %arg12[%dma_start3A_117, %dma_start3A_118] : memref<10008x128xf32, #tpu.memory_space<vmem_shared>> -> memref<16x128xf32, #tpu.memory_space<vmem_shared>>
        %dma_start3A_120 = arith.constant 0 : i32
        %dma_start3A_121 = arith.constant 0 : i32
        %dma_start3A_122 = tpu.memref_slice %arg5[%dma_start3A_120, %dma_start3A_121] : memref<624x128xf32, #tpu.memory_space<hbm>> -> memref<16x128xf32, #tpu.memory_space<hbm>>
        tpu.enqueue_dma source(%dma_start3A_122 : memref<16x128xf32, #tpu.memory_space<hbm>>) target(%dma_start3A_119 : memref<16x128xf32, #tpu.memory_space<vmem_shared>>) target_semaphore(%run_scoped3A_116 : memref<!tpu.dma_semaphore, #tpu.memory_space<semaphore_mem>>)
        %dma_wait3A_123 = arith.constant 9984 : i32
        %dma_wait3A_124 = arith.constant 0 : i32
        %dma_wait3A_125 = tpu.memref_slice %arg12[%dma_wait3A_123, %dma_wait3A_124] : memref<10008x128xf32, #tpu.memory_space<vmem_shared>> -> memref<16x128xf32, #tpu.memory_space<vmem_shared>>
        %dma_wait3A_126 = arith.constant 0 : i32
        %dma_wait3A_127 = arith.constant 0 : i32
        %dma_wait3A_128 = tpu.memref_slice %arg5[%dma_wait3A_126, %dma_wait3A_127] : memref<624x128xf32, #tpu.memory_space<hbm>> -> memref<16x128xf32, #tpu.memory_space<hbm>>
        tpu.wait_dma2 semaphore(%run_scoped3A_116 : memref<!tpu.dma_semaphore, #tpu.memory_space<semaphore_mem>>) src(%dma_wait3A_128 : memref<16x128xf32, #tpu.memory_space<hbm>>) dst(%dma_wait3A_125 : memref<16x128xf32, #tpu.memory_space<vmem_shared>>)
        tpu.yield
      }) : () -> ()
    } else {
    }
    %barrier3A = arith.constant 0 : index
    tpu.barrier barrier_id(%barrier3A)
    %run_scoped3A = arith.constant 0 : i32
    "tpu.region"() ({
      %run_scoped3A_116 = tpu.sem_alloc : memref<!tpu.dma_semaphore, #tpu.memory_space<semaphore_mem>>
      %dma_start3A_117 = arith.constant 0 : i32
      %dma_start3A_118 = arith.constant 0 : i32
      %dma_start3A_119 = tpu.memref_slice %arg7[%run_scoped3A, %dma_start3A_117, %dma_start3A_118] : memref<2x16x64xi32, #tpu.memory_space<vmem>> -> memref<1x16x64xi32, #tpu.memory_space<vmem>>
      %dma_start3A_120 = tpu.memref_squeeze %dma_start3A_119 : memref<1x16x64xi32, #tpu.memory_space<vmem>> -> memref<16x64xi32, #tpu.memory_space<vmem>>
      %dma_start3A_121 = arith.constant 0 : i32
      %dma_start3A_122 = tpu.memref_slice %arg3[%mul3A_2, %dma_start3A_121] : memref<5120x64xi32, #tpu.memory_space<hbm>> -> memref<16x64xi32, #tpu.memory_space<hbm>>
      %dma_start3A_123 = arith.constant 0 : i32
      %dma_start3A_124 = arith.constant 0 : i32
      %dma_start3A_125 = tpu.memref_slice %arg7[%run_scoped3A, %dma_start3A_123, %dma_start3A_124] : memref<2x16x64xi32, #tpu.memory_space<vmem>> -> memref<1x16x64xi32, #tpu.memory_space<vmem>>
      %dma_start3A_126 = tpu.memref_squeeze %dma_start3A_125 : memref<1x16x64xi32, #tpu.memory_space<vmem>> -> memref<16x64xi32, #tpu.memory_space<vmem>>
      %dma_start3A_127 = arith.constant 0 : i32
      %dma_start3A_128 = tpu.memref_slice %arg3[%mul3A_2, %dma_start3A_127] : memref<5120x64xi32, #tpu.memory_space<hbm>> -> memref<16x64xi32, #tpu.memory_space<hbm>>
      tpu.enqueue_dma source(%dma_start3A_128 : memref<16x64xi32, #tpu.memory_space<hbm>>) target(%dma_start3A_126 : memref<16x64xi32, #tpu.memory_space<vmem>>) target_semaphore(%run_scoped3A_116 : memref<!tpu.dma_semaphore, #tpu.memory_space<semaphore_mem>>)
      %dma_wait3A_129 = arith.constant 0 : i32
      %dma_wait3A_130 = arith.constant 0 : i32
      %dma_wait3A_131 = tpu.memref_slice %arg7[%run_scoped3A, %dma_wait3A_129, %dma_wait3A_130] : memref<2x16x64xi32, #tpu.memory_space<vmem>> -> memref<1x16x64xi32, #tpu.memory_space<vmem>>
      %dma_wait3A_132 = tpu.memref_squeeze %dma_wait3A_131 : memref<1x16x64xi32, #tpu.memory_space<vmem>> -> memref<16x64xi32, #tpu.memory_space<vmem>>
      %dma_wait3A_133 = arith.constant 0 : i32
      %dma_wait3A_134 = tpu.memref_slice %arg3[%mul3A_2, %dma_wait3A_133] : memref<5120x64xi32, #tpu.memory_space<hbm>> -> memref<16x64xi32, #tpu.memory_space<hbm>>
      %dma_wait3A_135 = arith.constant 0 : i32
      %dma_wait3A_136 = arith.constant 0 : i32
      %dma_wait3A_137 = tpu.memref_slice %arg7[%run_scoped3A, %dma_wait3A_135, %dma_wait3A_136] : memref<2x16x64xi32, #tpu.memory_space<vmem>> -> memref<1x16x64xi32, #tpu.memory_space<vmem>>
      %dma_wait3A_138 = tpu.memref_squeeze %dma_wait3A_137 : memref<1x16x64xi32, #tpu.memory_space<vmem>> -> memref<16x64xi32, #tpu.memory_space<vmem>>
      %dma_wait3A_139 = arith.constant 0 : i32
      %dma_wait3A_140 = tpu.memref_slice %arg3[%mul3A_2, %dma_wait3A_139] : memref<5120x64xi32, #tpu.memory_space<hbm>> -> memref<16x64xi32, #tpu.memory_space<hbm>>
      tpu.wait_dma2 semaphore(%run_scoped3A_116 : memref<!tpu.dma_semaphore, #tpu.memory_space<semaphore_mem>>) src(%dma_wait3A_140 : memref<16x64xi32, #tpu.memory_space<hbm>>) dst(%dma_wait3A_138 : memref<16x64xi32, #tpu.memory_space<vmem>>)
      tpu.yield
    }) : () -> ()
    %run_scoped3A_7 = arith.constant 0 : i32
    "tpu.region"() ({
      %run_scoped3A_116 = tpu.sem_alloc : memref<!tpu.dma_semaphore, #tpu.memory_space<semaphore_mem>>
      %dma_start3A_117 = arith.constant 0 : i32
      %dma_start3A_118 = arith.constant 0 : i32
      %dma_start3A_119 = tpu.memref_slice %arg8[%run_scoped3A_7, %dma_start3A_117, %dma_start3A_118] : memref<2x16x64xi32, #tpu.memory_space<vmem>> -> memref<1x16x64xi32, #tpu.memory_space<vmem>>
      %dma_start3A_120 = tpu.memref_squeeze %dma_start3A_119 : memref<1x16x64xi32, #tpu.memory_space<vmem>> -> memref<16x64xi32, #tpu.memory_space<vmem>>
      %dma_start3A_121 = arith.constant 0 : i32
      %dma_start3A_122 = tpu.memref_slice %arg4[%mul3A_2, %dma_start3A_121] : memref<5120x64xi32, #tpu.memory_space<hbm>> -> memref<16x64xi32, #tpu.memory_space<hbm>>
      %dma_start3A_123 = arith.constant 0 : i32
      %dma_start3A_124 = arith.constant 0 : i32
      %dma_start3A_125 = tpu.memref_slice %arg8[%run_scoped3A_7, %dma_start3A_123, %dma_start3A_124] : memref<2x16x64xi32, #tpu.memory_space<vmem>> -> memref<1x16x64xi32, #tpu.memory_space<vmem>>
      %dma_start3A_126 = tpu.memref_squeeze %dma_start3A_125 : memref<1x16x64xi32, #tpu.memory_space<vmem>> -> memref<16x64xi32, #tpu.memory_space<vmem>>
      %dma_start3A_127 = arith.constant 0 : i32
      %dma_start3A_128 = tpu.memref_slice %arg4[%mul3A_2, %dma_start3A_127] : memref<5120x64xi32, #tpu.memory_space<hbm>> -> memref<16x64xi32, #tpu.memory_space<hbm>>
      tpu.enqueue_dma source(%dma_start3A_128 : memref<16x64xi32, #tpu.memory_space<hbm>>) target(%dma_start3A_126 : memref<16x64xi32, #tpu.memory_space<vmem>>) target_semaphore(%run_scoped3A_116 : memref<!tpu.dma_semaphore, #tpu.memory_space<semaphore_mem>>)
      %dma_wait3A_129 = arith.constant 0 : i32
      %dma_wait3A_130 = arith.constant 0 : i32
      %dma_wait3A_131 = tpu.memref_slice %arg8[%run_scoped3A_7, %dma_wait3A_129, %dma_wait3A_130] : memref<2x16x64xi32, #tpu.memory_space<vmem>> -> memref<1x16x64xi32, #tpu.memory_space<vmem>>
      %dma_wait3A_132 = tpu.memref_squeeze %dma_wait3A_131 : memref<1x16x64xi32, #tpu.memory_space<vmem>> -> memref<16x64xi32, #tpu.memory_space<vmem>>
      %dma_wait3A_133 = arith.constant 0 : i32
      %dma_wait3A_134 = tpu.memref_slice %arg4[%mul3A_2, %dma_wait3A_133] : memref<5120x64xi32, #tpu.memory_space<hbm>> -> memref<16x64xi32, #tpu.memory_space<hbm>>
      %dma_wait3A_135 = arith.constant 0 : i32
      %dma_wait3A_136 = arith.constant 0 : i32
      %dma_wait3A_137 = tpu.memref_slice %arg8[%run_scoped3A_7, %dma_wait3A_135, %dma_wait3A_136] : memref<2x16x64xi32, #tpu.memory_space<vmem>> -> memref<1x16x64xi32, #tpu.memory_space<vmem>>
      %dma_wait3A_138 = tpu.memref_squeeze %dma_wait3A_137 : memref<1x16x64xi32, #tpu.memory_space<vmem>> -> memref<16x64xi32, #tpu.memory_space<vmem>>
      %dma_wait3A_139 = arith.constant 0 : i32
      %dma_wait3A_140 = tpu.memref_slice %arg4[%mul3A_2, %dma_wait3A_139] : memref<5120x64xi32, #tpu.memory_space<hbm>> -> memref<16x64xi32, #tpu.memory_space<hbm>>
      tpu.wait_dma2 semaphore(%run_scoped3A_116 : memref<!tpu.dma_semaphore, #tpu.memory_space<semaphore_mem>>) src(%dma_wait3A_140 : memref<16x64xi32, #tpu.memory_space<hbm>>) dst(%dma_wait3A_138 : memref<16x64xi32, #tpu.memory_space<vmem>>)
      tpu.yield
    }) : () -> ()
    %dma_start3A = arith.constant 0 : i32
    %dma_start3A_8 = arith.constant 0 : i32
    %dma_start3A_9 = arith.constant 0 : i32
    %dma_start3A_10 = arith.constant 0 : i32
    %dma_start3A_11 = arith.constant 0 : i32
    %dma_start3A_12 = arith.constant 0 : i32
    %dma_start3A_13 = tpu.memref_slice %arg9[%dma_start3A_9, %dma_start3A_11, %dma_start3A_12] : memref<5x64x128xf32, #tpu.memory_space<vmem>> -> memref<1x64x128xf32, #tpu.memory_space<vmem>>
    %dma_start3A_14 = tpu.memref_squeeze %dma_start3A_13 : memref<1x64x128xf32, #tpu.memory_space<vmem>> -> memref<64x128xf32, #tpu.memory_space<vmem>>
    %dma_start3A_15 = arith.constant 0 : i32
    %dma_start3A_16 = arith.constant 0 : i32
    %dma_start3A_17 = tpu.memref_slice %arg7[%dma_start3A, %dma_start3A_15, %dma_start3A_16] : memref<2x16x64xi32, #tpu.memory_space<vmem>> -> memref<1x16x64xi32, #tpu.memory_space<vmem>>
    %dma_start3A_18 = tpu.memref_squeeze %dma_start3A_17 : memref<1x16x64xi32, #tpu.memory_space<vmem>> -> memref<16x64xi32, #tpu.memory_space<vmem>>
    %dma_start3A_19 = arith.constant 0 : i32
    %dma_start3A_20 = tpu.memref_slice %dma_start3A_18[%dma_start3A_8, %dma_start3A_19] : memref<16x64xi32, #tpu.memory_space<vmem>> -> memref<1x64xi32, #tpu.memory_space<vmem>>
    %dma_start3A_21 = tpu.memref_squeeze %dma_start3A_20 : memref<1x64xi32, #tpu.memory_space<vmem>> -> memref<64xi32, #tpu.memory_space<vmem>>
    %dma_start3A_22 = arith.constant 0 : i32
    %dma_start3A_23 = arith.constant 0 : i32
    %dma_start3A_24 = tpu.memref_slice %arg2[%dma_start3A_22, %dma_start3A_23] : memref<10000x128xf32, #tpu.memory_space<hbm>> -> memref<10000x128xf32, #tpu.memory_space<hbm>>
    %dma_start3A_25 = tpu.memref_slice %arg10[%dma_start3A_10] : memref<5x!tpu.dma_semaphore, #tpu.memory_space<semaphore_mem>> -> memref<1x!tpu.dma_semaphore, #tpu.memory_space<semaphore_mem>>
    %dma_start3A_26 = tpu.memref_squeeze %dma_start3A_25 : memref<1x!tpu.dma_semaphore, #tpu.memory_space<semaphore_mem>> -> memref<!tpu.dma_semaphore, #tpu.memory_space<semaphore_mem>>
    tpu.enqueue_indirect_dma source(%dma_start3A_24 : memref<10000x128xf32, #tpu.memory_space<hbm>>) target(%dma_start3A_14 : memref<64x128xf32, #tpu.memory_space<vmem>>) offsets(%dma_start3A_21 : memref<64xi32, #tpu.memory_space<vmem>>) semaphore(%dma_start3A_26 : memref<!tpu.dma_semaphore, #tpu.memory_space<semaphore_mem>>)
    %dma_start3A_27 = arith.constant 0 : i32
    %dma_start3A_28 = arith.constant 1 : i32
    %dma_start3A_29 = arith.constant 1 : i32
    %dma_start3A_30 = arith.constant 1 : i32
    %dma_start3A_31 = arith.constant 0 : i32
    %dma_start3A_32 = arith.constant 0 : i32
    %dma_start3A_33 = tpu.memref_slice %arg9[%dma_start3A_29, %dma_start3A_31, %dma_start3A_32] : memref<5x64x128xf32, #tpu.memory_space<vmem>> -> memref<1x64x128xf32, #tpu.memory_space<vmem>>
    %dma_start3A_34 = tpu.memref_squeeze %dma_start3A_33 : memref<1x64x128xf32, #tpu.memory_space<vmem>> -> memref<64x128xf32, #tpu.memory_space<vmem>>
    %dma_start3A_35 = arith.constant 0 : i32
    %dma_start3A_36 = arith.constant 0 : i32
    %dma_start3A_37 = tpu.memref_slice %arg7[%dma_start3A_27, %dma_start3A_35, %dma_start3A_36] : memref<2x16x64xi32, #tpu.memory_space<vmem>> -> memref<1x16x64xi32, #tpu.memory_space<vmem>>
    %dma_start3A_38 = tpu.memref_squeeze %dma_start3A_37 : memref<1x16x64xi32, #tpu.memory_space<vmem>> -> memref<16x64xi32, #tpu.memory_space<vmem>>
    %dma_start3A_39 = arith.constant 0 : i32
    %dma_start3A_40 = tpu.memref_slice %dma_start3A_38[%dma_start3A_28, %dma_start3A_39] : memref<16x64xi32, #tpu.memory_space<vmem>> -> memref<1x64xi32, #tpu.memory_space<vmem>>
    %dma_start3A_41 = tpu.memref_squeeze %dma_start3A_40 : memref<1x64xi32, #tpu.memory_space<vmem>> -> memref<64xi32, #tpu.memory_space<vmem>>
    %dma_start3A_42 = arith.constant 0 : i32
    %dma_start3A_43 = arith.constant 0 : i32
    %dma_start3A_44 = tpu.memref_slice %arg2[%dma_start3A_42, %dma_start3A_43] : memref<10000x128xf32, #tpu.memory_space<hbm>> -> memref<10000x128xf32, #tpu.memory_space<hbm>>
    %dma_start3A_45 = tpu.memref_slice %arg10[%dma_start3A_30] : memref<5x!tpu.dma_semaphore, #tpu.memory_space<semaphore_mem>> -> memref<1x!tpu.dma_semaphore, #tpu.memory_space<semaphore_mem>>
    %dma_start3A_46 = tpu.memref_squeeze %dma_start3A_45 : memref<1x!tpu.dma_semaphore, #tpu.memory_space<semaphore_mem>> -> memref<!tpu.dma_semaphore, #tpu.memory_space<semaphore_mem>>
    tpu.enqueue_indirect_dma source(%dma_start3A_44 : memref<10000x128xf32, #tpu.memory_space<hbm>>) target(%dma_start3A_34 : memref<64x128xf32, #tpu.memory_space<vmem>>) offsets(%dma_start3A_41 : memref<64xi32, #tpu.memory_space<vmem>>) semaphore(%dma_start3A_46 : memref<!tpu.dma_semaphore, #tpu.memory_space<semaphore_mem>>)
    %dma_start3A_47 = arith.constant 0 : i32
    %dma_start3A_48 = arith.constant 2 : i32
    %dma_start3A_49 = arith.constant 2 : i32
    %dma_start3A_50 = arith.constant 2 : i32
    %dma_start3A_51 = arith.constant 0 : i32
    %dma_start3A_52 = arith.constant 0 : i32
    %dma_start3A_53 = tpu.memref_slice %arg9[%dma_start3A_49, %dma_start3A_51, %dma_start3A_52] : memref<5x64x128xf32, #tpu.memory_space<vmem>> -> memref<1x64x128xf32, #tpu.memory_space<vmem>>
    %dma_start3A_54 = tpu.memref_squeeze %dma_start3A_53 : memref<1x64x128xf32, #tpu.memory_space<vmem>> -> memref<64x128xf32, #tpu.memory_space<vmem>>
    %dma_start3A_55 = arith.constant 0 : i32
    %dma_start3A_56 = arith.constant 0 : i32
    %dma_start3A_57 = tpu.memref_slice %arg7[%dma_start3A_47, %dma_start3A_55, %dma_start3A_56] : memref<2x16x64xi32, #tpu.memory_space<vmem>> -> memref<1x16x64xi32, #tpu.memory_space<vmem>>
    %dma_start3A_58 = tpu.memref_squeeze %dma_start3A_57 : memref<1x16x64xi32, #tpu.memory_space<vmem>> -> memref<16x64xi32, #tpu.memory_space<vmem>>
    %dma_start3A_59 = arith.constant 0 : i32
    %dma_start3A_60 = tpu.memref_slice %dma_start3A_58[%dma_start3A_48, %dma_start3A_59] : memref<16x64xi32, #tpu.memory_space<vmem>> -> memref<1x64xi32, #tpu.memory_space<vmem>>
    %dma_start3A_61 = tpu.memref_squeeze %dma_start3A_60 : memref<1x64xi32, #tpu.memory_space<vmem>> -> memref<64xi32, #tpu.memory_space<vmem>>
    %dma_start3A_62 = arith.constant 0 : i32
    %dma_start3A_63 = arith.constant 0 : i32
    %dma_start3A_64 = tpu.memref_slice %arg2[%dma_start3A_62, %dma_start3A_63] : memref<10000x128xf32, #tpu.memory_space<hbm>> -> memref<10000x128xf32, #tpu.memory_space<hbm>>
    %dma_start3A_65 = tpu.memref_slice %arg10[%dma_start3A_50] : memref<5x!tpu.dma_semaphore, #tpu.memory_space<semaphore_mem>> -> memref<1x!tpu.dma_semaphore, #tpu.memory_space<semaphore_mem>>
    %dma_start3A_66 = tpu.memref_squeeze %dma_start3A_65 : memref<1x!tpu.dma_semaphore, #tpu.memory_space<semaphore_mem>> -> memref<!tpu.dma_semaphore, #tpu.memory_space<semaphore_mem>>
    tpu.enqueue_indirect_dma source(%dma_start3A_64 : memref<10000x128xf32, #tpu.memory_space<hbm>>) target(%dma_start3A_54 : memref<64x128xf32, #tpu.memory_space<vmem>>) offsets(%dma_start3A_61 : memref<64xi32, #tpu.memory_space<vmem>>) semaphore(%dma_start3A_66 : memref<!tpu.dma_semaphore, #tpu.memory_space<semaphore_mem>>)
    %dma_start3A_67 = arith.constant 0 : i32
    %dma_start3A_68 = arith.constant 3 : i32
    %dma_start3A_69 = arith.constant 3 : i32
    %dma_start3A_70 = arith.constant 3 : i32
    %dma_start3A_71 = arith.constant 0 : i32
    %dma_start3A_72 = arith.constant 0 : i32
    %dma_start3A_73 = tpu.memref_slice %arg9[%dma_start3A_69, %dma_start3A_71, %dma_start3A_72] : memref<5x64x128xf32, #tpu.memory_space<vmem>> -> memref<1x64x128xf32, #tpu.memory_space<vmem>>
    %dma_start3A_74 = tpu.memref_squeeze %dma_start3A_73 : memref<1x64x128xf32, #tpu.memory_space<vmem>> -> memref<64x128xf32, #tpu.memory_space<vmem>>
    %dma_start3A_75 = arith.constant 0 : i32
    %dma_start3A_76 = arith.constant 0 : i32
    %dma_start3A_77 = tpu.memref_slice %arg7[%dma_start3A_67, %dma_start3A_75, %dma_start3A_76] : memref<2x16x64xi32, #tpu.memory_space<vmem>> -> memref<1x16x64xi32, #tpu.memory_space<vmem>>
    %dma_start3A_78 = tpu.memref_squeeze %dma_start3A_77 : memref<1x16x64xi32, #tpu.memory_space<vmem>> -> memref<16x64xi32, #tpu.memory_space<vmem>>
    %dma_start3A_79 = arith.constant 0 : i32
    %dma_start3A_80 = tpu.memref_slice %dma_start3A_78[%dma_start3A_68, %dma_start3A_79] : memref<16x64xi32, #tpu.memory_space<vmem>> -> memref<1x64xi32, #tpu.memory_space<vmem>>
    %dma_start3A_81 = tpu.memref_squeeze %dma_start3A_80 : memref<1x64xi32, #tpu.memory_space<vmem>> -> memref<64xi32, #tpu.memory_space<vmem>>
    %dma_start3A_82 = arith.constant 0 : i32
    %dma_start3A_83 = arith.constant 0 : i32
    %dma_start3A_84 = tpu.memref_slice %arg2[%dma_start3A_82, %dma_start3A_83] : memref<10000x128xf32, #tpu.memory_space<hbm>> -> memref<10000x128xf32, #tpu.memory_space<hbm>>
    %dma_start3A_85 = tpu.memref_slice %arg10[%dma_start3A_70] : memref<5x!tpu.dma_semaphore, #tpu.memory_space<semaphore_mem>> -> memref<1x!tpu.dma_semaphore, #tpu.memory_space<semaphore_mem>>
    %dma_start3A_86 = tpu.memref_squeeze %dma_start3A_85 : memref<1x!tpu.dma_semaphore, #tpu.memory_space<semaphore_mem>> -> memref<!tpu.dma_semaphore, #tpu.memory_space<semaphore_mem>>
    tpu.enqueue_indirect_dma source(%dma_start3A_84 : memref<10000x128xf32, #tpu.memory_space<hbm>>) target(%dma_start3A_74 : memref<64x128xf32, #tpu.memory_space<vmem>>) offsets(%dma_start3A_81 : memref<64xi32, #tpu.memory_space<vmem>>) semaphore(%dma_start3A_86 : memref<!tpu.dma_semaphore, #tpu.memory_space<semaphore_mem>>)
    %scan3A = arith.constant 0 : i32
    %scan3A_87 = arith.constant 0 : i32
    %scan3A_88 = arith.constant 160 : i32
    %scan3A_89 = arith.addi %scan3A_87, %scan3A_88 : i32
    %scan3A_90 = arith.constant 1 : i32
    scf.for %scan3A_116 = %scan3A_87 to %scan3A_89 step %scan3A_90  : i32 {
      %jit3A = arith.constant 5 : i32
      %eq3A_117 = arith.constant 0 : i32
      %eq3A_118 = arith.cmpi eq, %jit3A, %eq3A_117 : i32
      %jit3A_119 = arith.constant 1 : i32
      %select_n3A = arith.select %eq3A_118, %jit3A_119, %jit3A : i32
      %rem3A = arith.remsi %scan3A_116, %select_n3A : i32
      %ne3A = arith.constant 0 : i32
      %ne3A_120 = arith.cmpi ne, %rem3A, %ne3A : i32
      %lt3A = arith.constant 0 : i32
      %lt3A_121 = arith.cmpi slt, %rem3A, %lt3A : i32
      %lt3A_122 = arith.constant 0 : i32
      %lt3A_123 = arith.cmpi slt, %select_n3A, %lt3A_122 : i32
      %ne3A_124 = arith.xori %lt3A_121, %lt3A_123 : i1
      %and3A = arith.andi %ne3A_124, %ne3A_120 : i1
      %add3A_125 = arith.addi %rem3A, %select_n3A : i32
      %select_n3A_126 = arith.select %and3A, %add3A_125, %rem3A : i32
      %jit3A_127 = arith.constant 16 : i32
      %eq3A_128 = arith.constant 0 : i32
      %eq3A_129 = arith.cmpi eq, %jit3A_127, %eq3A_128 : i32
      %jit3A_130 = arith.constant 1 : i32
      %select_n3A_131 = arith.select %eq3A_129, %jit3A_130, %jit3A_127 : i32
      %rem3A_132 = arith.remsi %scan3A_116, %select_n3A_131 : i32
      %ne3A_133 = arith.constant 0 : i32
      %ne3A_134 = arith.cmpi ne, %rem3A_132, %ne3A_133 : i32
      %lt3A_135 = arith.constant 0 : i32
      %lt3A_136 = arith.cmpi slt, %rem3A_132, %lt3A_135 : i32
      %lt3A_137 = arith.constant 0 : i32
      %lt3A_138 = arith.cmpi slt, %select_n3A_131, %lt3A_137 : i32
      %ne3A_139 = arith.xori %lt3A_136, %lt3A_138 : i1
      %and3A_140 = arith.andi %ne3A_139, %ne3A_134 : i1
      %add3A_141 = arith.addi %rem3A_132, %select_n3A_131 : i32
      %select_n3A_142 = arith.select %and3A_140, %add3A_141, %rem3A_132 : i32
      %jit3A_143 = arith.constant 16 : i32
      %div3A = arith.divsi %scan3A_116, %jit3A_143 : i32
      %sign3A = arith.constant 0 : i32
      %sign3A_144 = arith.cmpi sgt, %scan3A_116, %sign3A : i32
      %sign3A_145 = arith.extui %sign3A_144 : i1 to i32
      %sign3A_146 = arith.constant 0 : i32
      %sign3A_147 = arith.cmpi slt, %scan3A_116, %sign3A_146 : i32
      %sign3A_148 = arith.extui %sign3A_147 : i1 to i32
      %sign3A_149 = arith.subi %sign3A_145, %sign3A_148 : i32
      %sign3A_150 = arith.constant 0 : i32
      %sign3A_151 = arith.cmpi sgt, %jit3A_143, %sign3A_150 : i32
      %sign3A_152 = arith.extui %sign3A_151 : i1 to i32
      %sign3A_153 = arith.constant 0 : i32
      %sign3A_154 = arith.cmpi slt, %jit3A_143, %sign3A_153 : i32
      %sign3A_155 = arith.extui %sign3A_154 : i1 to i32
      %sign3A_156 = arith.subi %sign3A_152, %sign3A_155 : i32
      %ne3A_157 = arith.cmpi ne, %sign3A_149, %sign3A_156 : i32
      %rem3A_158 = arith.remsi %scan3A_116, %jit3A_143 : i32
      %ne3A_159 = arith.constant 0 : i32
      %ne3A_160 = arith.cmpi ne, %rem3A_158, %ne3A_159 : i32
      %and3A_161 = arith.andi %ne3A_157, %ne3A_160 : i1
      %sub3A = arith.constant 1 : i32
      %sub3A_162 = arith.subi %div3A, %sub3A : i32
      %select_n3A_163 = arith.select %and3A_161, %sub3A_162, %div3A : i32
      %jit3A_164 = arith.constant 2 : i32
      %eq3A_165 = arith.constant 0 : i32
      %eq3A_166 = arith.cmpi eq, %jit3A_164, %eq3A_165 : i32
      %jit3A_167 = arith.constant 1 : i32
      %select_n3A_168 = arith.select %eq3A_166, %jit3A_167, %jit3A_164 : i32
      %rem3A_169 = arith.remsi %select_n3A_163, %select_n3A_168 : i32
      %ne3A_170 = arith.constant 0 : i32
      %ne3A_171 = arith.cmpi ne, %rem3A_169, %ne3A_170 : i32
      %lt3A_172 = arith.constant 0 : i32
      %lt3A_173 = arith.cmpi slt, %rem3A_169, %lt3A_172 : i32
      %lt3A_174 = arith.constant 0 : i32
      %lt3A_175 = arith.cmpi slt, %select_n3A_168, %lt3A_174 : i32
      %ne3A_176 = arith.xori %lt3A_173, %lt3A_175 : i1
      %and3A_177 = arith.andi %ne3A_176, %ne3A_171 : i1
      %add3A_178 = arith.addi %rem3A_169, %select_n3A_168 : i32
      %select_n3A_179 = arith.select %and3A_177, %add3A_178, %rem3A_169 : i32
      %dma_wait3A_180 = arith.constant 0 : i32
      %dma_wait3A_181 = arith.constant 0 : i32
      %dma_wait3A_182 = tpu.memref_slice %arg9[%select_n3A_126, %dma_wait3A_180, %dma_wait3A_181] : memref<5x64x128xf32, #tpu.memory_space<vmem>> -> memref<1x64x128xf32, #tpu.memory_space<vmem>>
      %dma_wait3A_183 = tpu.memref_squeeze %dma_wait3A_182 : memref<1x64x128xf32, #tpu.memory_space<vmem>> -> memref<64x128xf32, #tpu.memory_space<vmem>>
      %dma_wait3A_184 = arith.constant 0 : i32
      %dma_wait3A_185 = arith.constant 0 : i32
      %dma_wait3A_186 = tpu.memref_slice %arg7[%select_n3A_179, %dma_wait3A_184, %dma_wait3A_185] : memref<2x16x64xi32, #tpu.memory_space<vmem>> -> memref<1x16x64xi32, #tpu.memory_space<vmem>>
      %dma_wait3A_187 = tpu.memref_squeeze %dma_wait3A_186 : memref<1x16x64xi32, #tpu.memory_space<vmem>> -> memref<16x64xi32, #tpu.memory_space<vmem>>
      %dma_wait3A_188 = arith.constant 0 : i32
      %dma_wait3A_189 = tpu.memref_slice %dma_wait3A_187[%select_n3A_142, %dma_wait3A_188] : memref<16x64xi32, #tpu.memory_space<vmem>> -> memref<1x64xi32, #tpu.memory_space<vmem>>
      %dma_wait3A_190 = tpu.memref_squeeze %dma_wait3A_189 : memref<1x64xi32, #tpu.memory_space<vmem>> -> memref<64xi32, #tpu.memory_space<vmem>>
      %dma_wait3A_191 = arith.constant 0 : i32
      %dma_wait3A_192 = arith.constant 0 : i32
      %dma_wait3A_193 = tpu.memref_slice %arg2[%dma_wait3A_191, %dma_wait3A_192] : memref<10000x128xf32, #tpu.memory_space<hbm>> -> memref<10000x128xf32, #tpu.memory_space<hbm>>
      %dma_wait3A_194 = tpu.memref_slice %arg10[%select_n3A_126] : memref<5x!tpu.dma_semaphore, #tpu.memory_space<semaphore_mem>> -> memref<1x!tpu.dma_semaphore, #tpu.memory_space<semaphore_mem>>
      %dma_wait3A_195 = tpu.memref_squeeze %dma_wait3A_194 : memref<1x!tpu.dma_semaphore, #tpu.memory_space<semaphore_mem>> -> memref<!tpu.dma_semaphore, #tpu.memory_space<semaphore_mem>>
      tpu.wait_indirect_dma semaphore(%dma_wait3A_195 : memref<!tpu.dma_semaphore, #tpu.memory_space<semaphore_mem>>) src(%dma_wait3A_193 : memref<10000x128xf32, #tpu.memory_space<hbm>>) dst(%dma_wait3A_183 : memref<64x128xf32, #tpu.memory_space<vmem>>)
      %gt3A = arith.constant 0 : i32
      %gt3A_196 = arith.cmpi sgt, %scan3A_116, %gt3A : i32
      %convert_element_type3A_197 = arith.extui %gt3A_196 : i1 to i32
      %cond3A_198 = arith.constant 0 : i32
      %cond3A_199 = arith.cmpi ne, %convert_element_type3A_197, %cond3A_198 : i32
      scf.if %cond3A_199 {
        %sub3A_247 = arith.constant 1 : i32
        %sub3A_248 = arith.subi %scan3A_116, %sub3A_247 : i32
        %jit3A_249 = arith.constant 16 : i32
        %eq3A_250 = arith.constant 0 : i32
        %eq3A_251 = arith.cmpi eq, %jit3A_249, %eq3A_250 : i32
        %jit3A_252 = arith.constant 1 : i32
        %select_n3A_253 = arith.select %eq3A_251, %jit3A_252, %jit3A_249 : i32
        %rem3A_254 = arith.remsi %sub3A_248, %select_n3A_253 : i32
        %ne3A_255 = arith.constant 0 : i32
        %ne3A_256 = arith.cmpi ne, %rem3A_254, %ne3A_255 : i32
        %lt3A_257 = arith.constant 0 : i32
        %lt3A_258 = arith.cmpi slt, %rem3A_254, %lt3A_257 : i32
        %lt3A_259 = arith.constant 0 : i32
        %lt3A_260 = arith.cmpi slt, %select_n3A_253, %lt3A_259 : i32
        %ne3A_261 = arith.xori %lt3A_258, %lt3A_260 : i1
        %and3A_262 = arith.andi %ne3A_261, %ne3A_256 : i1
        %add3A_263 = arith.addi %rem3A_254, %select_n3A_253 : i32
        %select_n3A_264 = arith.select %and3A_262, %add3A_263, %rem3A_254 : i32
        %sub3A_265 = arith.constant 1 : i32
        %sub3A_266 = arith.subi %scan3A_116, %sub3A_265 : i32
        %jit3A_267 = arith.constant 16 : i32
        %div3A_268 = arith.divsi %sub3A_266, %jit3A_267 : i32
        %sign3A_269 = arith.constant 0 : i32
        %sign3A_270 = arith.cmpi sgt, %sub3A_266, %sign3A_269 : i32
        %sign3A_271 = arith.extui %sign3A_270 : i1 to i32
        %sign3A_272 = arith.constant 0 : i32
        %sign3A_273 = arith.cmpi slt, %sub3A_266, %sign3A_272 : i32
        %sign3A_274 = arith.extui %sign3A_273 : i1 to i32
        %sign3A_275 = arith.subi %sign3A_271, %sign3A_274 : i32
        %sign3A_276 = arith.constant 0 : i32
        %sign3A_277 = arith.cmpi sgt, %jit3A_267, %sign3A_276 : i32
        %sign3A_278 = arith.extui %sign3A_277 : i1 to i32
        %sign3A_279 = arith.constant 0 : i32
        %sign3A_280 = arith.cmpi slt, %jit3A_267, %sign3A_279 : i32
        %sign3A_281 = arith.extui %sign3A_280 : i1 to i32
        %sign3A_282 = arith.subi %sign3A_278, %sign3A_281 : i32
        %ne3A_283 = arith.cmpi ne, %sign3A_275, %sign3A_282 : i32
        %rem3A_284 = arith.remsi %sub3A_266, %jit3A_267 : i32
        %ne3A_285 = arith.constant 0 : i32
        %ne3A_286 = arith.cmpi ne, %rem3A_284, %ne3A_285 : i32
        %and3A_287 = arith.andi %ne3A_283, %ne3A_286 : i1
        %sub3A_288 = arith.constant 1 : i32
        %sub3A_289 = arith.subi %div3A_268, %sub3A_288 : i32
        %select_n3A_290 = arith.select %and3A_287, %sub3A_289, %div3A_268 : i32
        %jit3A_291 = arith.constant 2 : i32
        %eq3A_292 = arith.constant 0 : i32
        %eq3A_293 = arith.cmpi eq, %jit3A_291, %eq3A_292 : i32
        %jit3A_294 = arith.constant 1 : i32
        %select_n3A_295 = arith.select %eq3A_293, %jit3A_294, %jit3A_291 : i32
        %rem3A_296 = arith.remsi %select_n3A_290, %select_n3A_295 : i32
        %ne3A_297 = arith.constant 0 : i32
        %ne3A_298 = arith.cmpi ne, %rem3A_296, %ne3A_297 : i32
        %lt3A_299 = arith.constant 0 : i32
        %lt3A_300 = arith.cmpi slt, %rem3A_296, %lt3A_299 : i32
        %lt3A_301 = arith.constant 0 : i32
        %lt3A_302 = arith.cmpi slt, %select_n3A_295, %lt3A_301 : i32
        %ne3A_303 = arith.xori %lt3A_300, %lt3A_302 : i1
        %and3A_304 = arith.andi %ne3A_303, %ne3A_298 : i1
        %add3A_305 = arith.addi %rem3A_296, %select_n3A_295 : i32
        %select_n3A_306 = arith.select %and3A_304, %add3A_305, %rem3A_296 : i32
        %sub3A_307 = arith.constant 1 : i32
        %sub3A_308 = arith.subi %scan3A_116, %sub3A_307 : i32
        %jit3A_309 = arith.constant 5 : i32
        %eq3A_310 = arith.constant 0 : i32
        %eq3A_311 = arith.cmpi eq, %jit3A_309, %eq3A_310 : i32
        %jit3A_312 = arith.constant 1 : i32
        %select_n3A_313 = arith.select %eq3A_311, %jit3A_312, %jit3A_309 : i32
        %rem3A_314 = arith.remsi %sub3A_308, %select_n3A_313 : i32
        %ne3A_315 = arith.constant 0 : i32
        %ne3A_316 = arith.cmpi ne, %rem3A_314, %ne3A_315 : i32
        %lt3A_317 = arith.constant 0 : i32
        %lt3A_318 = arith.cmpi slt, %rem3A_314, %lt3A_317 : i32
        %lt3A_319 = arith.constant 0 : i32
        %lt3A_320 = arith.cmpi slt, %select_n3A_313, %lt3A_319 : i32
        %ne3A_321 = arith.xori %lt3A_318, %lt3A_320 : i1
        %and3A_322 = arith.andi %ne3A_321, %ne3A_316 : i1
        %add3A_323 = arith.addi %rem3A_314, %select_n3A_313 : i32
        %select_n3A_324 = arith.select %and3A_322, %add3A_323, %rem3A_314 : i32
        %dma_wait3A_325 = arith.constant 0 : i32
        %dma_wait3A_326 = arith.constant 0 : i32
        %dma_wait3A_327 = tpu.memref_slice %arg9[%select_n3A_324, %dma_wait3A_325, %dma_wait3A_326] : memref<5x64x128xf32, #tpu.memory_space<vmem>> -> memref<1x64x128xf32, #tpu.memory_space<vmem>>
        %dma_wait3A_328 = tpu.memref_squeeze %dma_wait3A_327 : memref<1x64x128xf32, #tpu.memory_space<vmem>> -> memref<64x128xf32, #tpu.memory_space<vmem>>
        %dma_wait3A_329 = arith.constant 0 : i32
        %dma_wait3A_330 = arith.constant 0 : i32
        %dma_wait3A_331 = tpu.memref_slice %arg8[%select_n3A_306, %dma_wait3A_329, %dma_wait3A_330] : memref<2x16x64xi32, #tpu.memory_space<vmem>> -> memref<1x16x64xi32, #tpu.memory_space<vmem>>
        %dma_wait3A_332 = tpu.memref_squeeze %dma_wait3A_331 : memref<1x16x64xi32, #tpu.memory_space<vmem>> -> memref<16x64xi32, #tpu.memory_space<vmem>>
        %dma_wait3A_333 = arith.constant 0 : i32
        %dma_wait3A_334 = tpu.memref_slice %dma_wait3A_332[%select_n3A_264, %dma_wait3A_333] : memref<16x64xi32, #tpu.memory_space<vmem>> -> memref<1x64xi32, #tpu.memory_space<vmem>>
        %dma_wait3A_335 = tpu.memref_squeeze %dma_wait3A_334 : memref<1x64xi32, #tpu.memory_space<vmem>> -> memref<64xi32, #tpu.memory_space<vmem>>
        %dma_wait3A_336 = arith.constant 0 : i32
        %dma_wait3A_337 = arith.constant 0 : i32
        %dma_wait3A_338 = tpu.memref_slice %arg12[%dma_wait3A_336, %dma_wait3A_337] : memref<10008x128xf32, #tpu.memory_space<vmem_shared>> -> memref<10008x128xf32, #tpu.memory_space<vmem_shared>>
        tpu.wait_indirect_dma semaphore(%arg11 : memref<!tpu.dma_semaphore, #tpu.memory_space<semaphore_mem>>) src(%dma_wait3A_328 : memref<64x128xf32, #tpu.memory_space<vmem>>) dst(%dma_wait3A_338 : memref<10008x128xf32, #tpu.memory_space<vmem_shared>>)
      } else {
      }
      %add3A_200 = arith.constant 5 : i32
      %add3A_201 = arith.addi %scan3A_116, %add3A_200 : i32
      %sub3A_202 = arith.constant 1 : i32
      %sub3A_203 = arith.subi %add3A_201, %sub3A_202 : i32
      %jit3A_204 = arith.constant 16 : i32
      %eq3A_205 = arith.constant 0 : i32
      %eq3A_206 = arith.cmpi eq, %jit3A_204, %eq3A_205 : i32
      %jit3A_207 = arith.constant 1 : i32
      %select_n3A_208 = arith.select %eq3A_206, %jit3A_207, %jit3A_204 : i32
      %rem3A_209 = arith.remsi %sub3A_203, %select_n3A_208 : i32
      %ne3A_210 = arith.constant 0 : i32
      %ne3A_211 = arith.cmpi ne, %rem3A_209, %ne3A_210 : i32
      %lt3A_212 = arith.constant 0 : i32
      %lt3A_213 = arith.cmpi slt, %rem3A_209, %lt3A_212 : i32
      %lt3A_214 = arith.constant 0 : i32
      %lt3A_215 = arith.cmpi slt, %select_n3A_208, %lt3A_214 : i32
      %ne3A_216 = arith.xori %lt3A_213, %lt3A_215 : i1
      %and3A_217 = arith.andi %ne3A_216, %ne3A_211 : i1
      %add3A_218 = arith.addi %rem3A_209, %select_n3A_208 : i32
      %select_n3A_219 = arith.select %and3A_217, %add3A_218, %rem3A_209 : i32
      %eq3A_220 = arith.constant 0 : i32
      %eq3A_221 = arith.cmpi eq, %select_n3A_219, %eq3A_220 : i32
      %lt3A_222 = arith.constant 160 : i32
      %lt3A_223 = arith.cmpi slt, %sub3A_203, %lt3A_222 : i32
      %and3A_224 = arith.andi %eq3A_221, %lt3A_223 : i1
      %convert_element_type3A_225 = arith.extui %and3A_224 : i1 to i32
      %cond3A_226 = arith.constant 0 : i32
      %cond3A_227 = arith.cmpi ne, %convert_element_type3A_225, %cond3A_226 : i32
      scf.if %cond3A_227 {
        %add3A_247 = arith.addi %mul3A_2, %sub3A_203 : i32
        %multiple_of3A = tpu.assume_multiple %add3A_247, 16 : i32
        %jit3A_248 = arith.constant 16 : i32
        %div3A_249 = arith.divsi %sub3A_203, %jit3A_248 : i32
        %sign3A_250 = arith.constant 0 : i32
        %sign3A_251 = arith.cmpi sgt, %sub3A_203, %sign3A_250 : i32
        %sign3A_252 = arith.extui %sign3A_251 : i1 to i32
        %sign3A_253 = arith.constant 0 : i32
        %sign3A_254 = arith.cmpi slt, %sub3A_203, %sign3A_253 : i32
        %sign3A_255 = arith.extui %sign3A_254 : i1 to i32
        %sign3A_256 = arith.subi %sign3A_252, %sign3A_255 : i32
        %sign3A_257 = arith.constant 0 : i32
        %sign3A_258 = arith.cmpi sgt, %jit3A_248, %sign3A_257 : i32
        %sign3A_259 = arith.extui %sign3A_258 : i1 to i32
        %sign3A_260 = arith.constant 0 : i32
        %sign3A_261 = arith.cmpi slt, %jit3A_248, %sign3A_260 : i32
        %sign3A_262 = arith.extui %sign3A_261 : i1 to i32
        %sign3A_263 = arith.subi %sign3A_259, %sign3A_262 : i32
        %ne3A_264 = arith.cmpi ne, %sign3A_256, %sign3A_263 : i32
        %rem3A_265 = arith.remsi %sub3A_203, %jit3A_248 : i32
        %ne3A_266 = arith.constant 0 : i32
        %ne3A_267 = arith.cmpi ne, %rem3A_265, %ne3A_266 : i32
        %and3A_268 = arith.andi %ne3A_264, %ne3A_267 : i1
        %sub3A_269 = arith.constant 1 : i32
        %sub3A_270 = arith.subi %div3A_249, %sub3A_269 : i32
        %select_n3A_271 = arith.select %and3A_268, %sub3A_270, %div3A_249 : i32
        %jit3A_272 = arith.constant 2 : i32
        %eq3A_273 = arith.constant 0 : i32
        %eq3A_274 = arith.cmpi eq, %jit3A_272, %eq3A_273 : i32
        %jit3A_275 = arith.constant 1 : i32
        %select_n3A_276 = arith.select %eq3A_274, %jit3A_275, %jit3A_272 : i32
        %rem3A_277 = arith.remsi %select_n3A_271, %select_n3A_276 : i32
        %ne3A_278 = arith.constant 0 : i32
        %ne3A_279 = arith.cmpi ne, %rem3A_277, %ne3A_278 : i32
        %lt3A_280 = arith.constant 0 : i32
        %lt3A_281 = arith.cmpi slt, %rem3A_277, %lt3A_280 : i32
        %lt3A_282 = arith.constant 0 : i32
        %lt3A_283 = arith.cmpi slt, %select_n3A_276, %lt3A_282 : i32
        %ne3A_284 = arith.xori %lt3A_281, %lt3A_283 : i1
        %and3A_285 = arith.andi %ne3A_284, %ne3A_279 : i1
        %add3A_286 = arith.addi %rem3A_277, %select_n3A_276 : i32
        %select_n3A_287 = arith.select %and3A_285, %add3A_286, %rem3A_277 : i32
        "tpu.region"() ({
          %run_scoped3A_288 = tpu.sem_alloc : memref<!tpu.dma_semaphore, #tpu.memory_space<semaphore_mem>>
          %dma_start3A_289 = arith.constant 0 : i32
          %dma_start3A_290 = arith.constant 0 : i32
          %dma_start3A_291 = tpu.memref_slice %arg7[%select_n3A_287, %dma_start3A_289, %dma_start3A_290] : memref<2x16x64xi32, #tpu.memory_space<vmem>> -> memref<1x16x64xi32, #tpu.memory_space<vmem>>
          %dma_start3A_292 = tpu.memref_squeeze %dma_start3A_291 : memref<1x16x64xi32, #tpu.memory_space<vmem>> -> memref<16x64xi32, #tpu.memory_space<vmem>>
          %dma_start3A_293 = arith.constant 0 : i32
          %dma_start3A_294 = tpu.memref_slice %arg3[%multiple_of3A, %dma_start3A_293] : memref<5120x64xi32, #tpu.memory_space<hbm>> -> memref<16x64xi32, #tpu.memory_space<hbm>>
          %dma_start3A_295 = arith.constant 0 : i32
          %dma_start3A_296 = arith.constant 0 : i32
          %dma_start3A_297 = tpu.memref_slice %arg7[%select_n3A_287, %dma_start3A_295, %dma_start3A_296] : memref<2x16x64xi32, #tpu.memory_space<vmem>> -> memref<1x16x64xi32, #tpu.memory_space<vmem>>
          %dma_start3A_298 = tpu.memref_squeeze %dma_start3A_297 : memref<1x16x64xi32, #tpu.memory_space<vmem>> -> memref<16x64xi32, #tpu.memory_space<vmem>>
          %dma_start3A_299 = arith.constant 0 : i32
          %dma_start3A_300 = tpu.memref_slice %arg3[%multiple_of3A, %dma_start3A_299] : memref<5120x64xi32, #tpu.memory_space<hbm>> -> memref<16x64xi32, #tpu.memory_space<hbm>>
          tpu.enqueue_dma source(%dma_start3A_300 : memref<16x64xi32, #tpu.memory_space<hbm>>) target(%dma_start3A_298 : memref<16x64xi32, #tpu.memory_space<vmem>>) target_semaphore(%run_scoped3A_288 : memref<!tpu.dma_semaphore, #tpu.memory_space<semaphore_mem>>)
          %dma_wait3A_301 = arith.constant 0 : i32
          %dma_wait3A_302 = arith.constant 0 : i32
          %dma_wait3A_303 = tpu.memref_slice %arg7[%select_n3A_287, %dma_wait3A_301, %dma_wait3A_302] : memref<2x16x64xi32, #tpu.memory_space<vmem>> -> memref<1x16x64xi32, #tpu.memory_space<vmem>>
          %dma_wait3A_304 = tpu.memref_squeeze %dma_wait3A_303 : memref<1x16x64xi32, #tpu.memory_space<vmem>> -> memref<16x64xi32, #tpu.memory_space<vmem>>
          %dma_wait3A_305 = arith.constant 0 : i32
          %dma_wait3A_306 = tpu.memref_slice %arg3[%multiple_of3A, %dma_wait3A_305] : memref<5120x64xi32, #tpu.memory_space<hbm>> -> memref<16x64xi32, #tpu.memory_space<hbm>>
          %dma_wait3A_307 = arith.constant 0 : i32
          %dma_wait3A_308 = arith.constant 0 : i32
          %dma_wait3A_309 = tpu.memref_slice %arg7[%select_n3A_287, %dma_wait3A_307, %dma_wait3A_308] : memref<2x16x64xi32, #tpu.memory_space<vmem>> -> memref<1x16x64xi32, #tpu.memory_space<vmem>>
          %dma_wait3A_310 = tpu.memref_squeeze %dma_wait3A_309 : memref<1x16x64xi32, #tpu.memory_space<vmem>> -> memref<16x64xi32, #tpu.memory_space<vmem>>
          %dma_wait3A_311 = arith.constant 0 : i32
          %dma_wait3A_312 = tpu.memref_slice %arg3[%multiple_of3A, %dma_wait3A_311] : memref<5120x64xi32, #tpu.memory_space<hbm>> -> memref<16x64xi32, #tpu.memory_space<hbm>>
          tpu.wait_dma2 semaphore(%run_scoped3A_288 : memref<!tpu.dma_semaphore, #tpu.memory_space<semaphore_mem>>) src(%dma_wait3A_312 : memref<16x64xi32, #tpu.memory_space<hbm>>) dst(%dma_wait3A_310 : memref<16x64xi32, #tpu.memory_space<vmem>>)
          tpu.yield
        }) : () -> ()
        "tpu.region"() ({
          %run_scoped3A_288 = tpu.sem_alloc : memref<!tpu.dma_semaphore, #tpu.memory_space<semaphore_mem>>
          %dma_start3A_289 = arith.constant 0 : i32
          %dma_start3A_290 = arith.constant 0 : i32
          %dma_start3A_291 = tpu.memref_slice %arg8[%select_n3A_287, %dma_start3A_289, %dma_start3A_290] : memref<2x16x64xi32, #tpu.memory_space<vmem>> -> memref<1x16x64xi32, #tpu.memory_space<vmem>>
          %dma_start3A_292 = tpu.memref_squeeze %dma_start3A_291 : memref<1x16x64xi32, #tpu.memory_space<vmem>> -> memref<16x64xi32, #tpu.memory_space<vmem>>
          %dma_start3A_293 = arith.constant 0 : i32
          %dma_start3A_294 = tpu.memref_slice %arg4[%multiple_of3A, %dma_start3A_293] : memref<5120x64xi32, #tpu.memory_space<hbm>> -> memref<16x64xi32, #tpu.memory_space<hbm>>
          %dma_start3A_295 = arith.constant 0 : i32
          %dma_start3A_296 = arith.constant 0 : i32
          %dma_start3A_297 = tpu.memref_slice %arg8[%select_n3A_287, %dma_start3A_295, %dma_start3A_296] : memref<2x16x64xi32, #tpu.memory_space<vmem>> -> memref<1x16x64xi32, #tpu.memory_space<vmem>>
          %dma_start3A_298 = tpu.memref_squeeze %dma_start3A_297 : memref<1x16x64xi32, #tpu.memory_space<vmem>> -> memref<16x64xi32, #tpu.memory_space<vmem>>
          %dma_start3A_299 = arith.constant 0 : i32
          %dma_start3A_300 = tpu.memref_slice %arg4[%multiple_of3A, %dma_start3A_299] : memref<5120x64xi32, #tpu.memory_space<hbm>> -> memref<16x64xi32, #tpu.memory_space<hbm>>
          tpu.enqueue_dma source(%dma_start3A_300 : memref<16x64xi32, #tpu.memory_space<hbm>>) target(%dma_start3A_298 : memref<16x64xi32, #tpu.memory_space<vmem>>) target_semaphore(%run_scoped3A_288 : memref<!tpu.dma_semaphore, #tpu.memory_space<semaphore_mem>>)
          %dma_wait3A_301 = arith.constant 0 : i32
          %dma_wait3A_302 = arith.constant 0 : i32
          %dma_wait3A_303 = tpu.memref_slice %arg8[%select_n3A_287, %dma_wait3A_301, %dma_wait3A_302] : memref<2x16x64xi32, #tpu.memory_space<vmem>> -> memref<1x16x64xi32, #tpu.memory_space<vmem>>
          %dma_wait3A_304 = tpu.memref_squeeze %dma_wait3A_303 : memref<1x16x64xi32, #tpu.memory_space<vmem>> -> memref<16x64xi32, #tpu.memory_space<vmem>>
          %dma_wait3A_305 = arith.constant 0 : i32
          %dma_wait3A_306 = tpu.memref_slice %arg4[%multiple_of3A, %dma_wait3A_305] : memref<5120x64xi32, #tpu.memory_space<hbm>> -> memref<16x64xi32, #tpu.memory_space<hbm>>
          %dma_wait3A_307 = arith.constant 0 : i32
          %dma_wait3A_308 = arith.constant 0 : i32
          %dma_wait3A_309 = tpu.memref_slice %arg8[%select_n3A_287, %dma_wait3A_307, %dma_wait3A_308] : memref<2x16x64xi32, #tpu.memory_space<vmem>> -> memref<1x16x64xi32, #tpu.memory_space<vmem>>
          %dma_wait3A_310 = tpu.memref_squeeze %dma_wait3A_309 : memref<1x16x64xi32, #tpu.memory_space<vmem>> -> memref<16x64xi32, #tpu.memory_space<vmem>>
          %dma_wait3A_311 = arith.constant 0 : i32
          %dma_wait3A_312 = tpu.memref_slice %arg4[%multiple_of3A, %dma_wait3A_311] : memref<5120x64xi32, #tpu.memory_space<hbm>> -> memref<16x64xi32, #tpu.memory_space<hbm>>
          tpu.wait_dma2 semaphore(%run_scoped3A_288 : memref<!tpu.dma_semaphore, #tpu.memory_space<semaphore_mem>>) src(%dma_wait3A_312 : memref<16x64xi32, #tpu.memory_space<hbm>>) dst(%dma_wait3A_310 : memref<16x64xi32, #tpu.memory_space<vmem>>)
          tpu.yield
        }) : () -> ()
      } else {
      }
      %lt3A_228 = arith.constant 160 : i32
      %lt3A_229 = arith.cmpi slt, %sub3A_203, %lt3A_228 : i32
      %convert_element_type3A_230 = arith.extui %lt3A_229 : i1 to i32
      %cond3A_231 = arith.constant 0 : i32
      %cond3A_232 = arith.cmpi ne, %convert_element_type3A_230, %cond3A_231 : i32
      scf.if %cond3A_232 {
        %jit3A_247 = arith.constant 16 : i32
        %eq3A_248 = arith.constant 0 : i32
        %eq3A_249 = arith.cmpi eq, %jit3A_247, %eq3A_248 : i32
        %jit3A_250 = arith.constant 1 : i32
        %select_n3A_251 = arith.select %eq3A_249, %jit3A_250, %jit3A_247 : i32
        %rem3A_252 = arith.remsi %sub3A_203, %select_n3A_251 : i32
        %ne3A_253 = arith.constant 0 : i32
        %ne3A_254 = arith.cmpi ne, %rem3A_252, %ne3A_253 : i32
        %lt3A_255 = arith.constant 0 : i32
        %lt3A_256 = arith.cmpi slt, %rem3A_252, %lt3A_255 : i32
        %lt3A_257 = arith.constant 0 : i32
        %lt3A_258 = arith.cmpi slt, %select_n3A_251, %lt3A_257 : i32
        %ne3A_259 = arith.xori %lt3A_256, %lt3A_258 : i1
        %and3A_260 = arith.andi %ne3A_259, %ne3A_254 : i1
        %add3A_261 = arith.addi %rem3A_252, %select_n3A_251 : i32
        %select_n3A_262 = arith.select %and3A_260, %add3A_261, %rem3A_252 : i32
        %jit3A_263 = arith.constant 16 : i32
        %div3A_264 = arith.divsi %sub3A_203, %jit3A_263 : i32
        %sign3A_265 = arith.constant 0 : i32
        %sign3A_266 = arith.cmpi sgt, %sub3A_203, %sign3A_265 : i32
        %sign3A_267 = arith.extui %sign3A_266 : i1 to i32
        %sign3A_268 = arith.constant 0 : i32
        %sign3A_269 = arith.cmpi slt, %sub3A_203, %sign3A_268 : i32
        %sign3A_270 = arith.extui %sign3A_269 : i1 to i32
        %sign3A_271 = arith.subi %sign3A_267, %sign3A_270 : i32
        %sign3A_272 = arith.constant 0 : i32
        %sign3A_273 = arith.cmpi sgt, %jit3A_263, %sign3A_272 : i32
        %sign3A_274 = arith.extui %sign3A_273 : i1 to i32
        %sign3A_275 = arith.constant 0 : i32
        %sign3A_276 = arith.cmpi slt, %jit3A_263, %sign3A_275 : i32
        %sign3A_277 = arith.extui %sign3A_276 : i1 to i32
        %sign3A_278 = arith.subi %sign3A_274, %sign3A_277 : i32
        %ne3A_279 = arith.cmpi ne, %sign3A_271, %sign3A_278 : i32
        %rem3A_280 = arith.remsi %sub3A_203, %jit3A_263 : i32
        %ne3A_281 = arith.constant 0 : i32
        %ne3A_282 = arith.cmpi ne, %rem3A_280, %ne3A_281 : i32
        %and3A_283 = arith.andi %ne3A_279, %ne3A_282 : i1
        %sub3A_284 = arith.constant 1 : i32
        %sub3A_285 = arith.subi %div3A_264, %sub3A_284 : i32
        %select_n3A_286 = arith.select %and3A_283, %sub3A_285, %div3A_264 : i32
        %jit3A_287 = arith.constant 2 : i32
        %eq3A_288 = arith.constant 0 : i32
        %eq3A_289 = arith.cmpi eq, %jit3A_287, %eq3A_288 : i32
        %jit3A_290 = arith.constant 1 : i32
        %select_n3A_291 = arith.select %eq3A_289, %jit3A_290, %jit3A_287 : i32
        %rem3A_292 = arith.remsi %select_n3A_286, %select_n3A_291 : i32
        %ne3A_293 = arith.constant 0 : i32
        %ne3A_294 = arith.cmpi ne, %rem3A_292, %ne3A_293 : i32
        %lt3A_295 = arith.constant 0 : i32
        %lt3A_296 = arith.cmpi slt, %rem3A_292, %lt3A_295 : i32
        %lt3A_297 = arith.constant 0 : i32
        %lt3A_298 = arith.cmpi slt, %select_n3A_291, %lt3A_297 : i32
        %ne3A_299 = arith.xori %lt3A_296, %lt3A_298 : i1
        %and3A_300 = arith.andi %ne3A_299, %ne3A_294 : i1
        %add3A_301 = arith.addi %rem3A_292, %select_n3A_291 : i32
        %select_n3A_302 = arith.select %and3A_300, %add3A_301, %rem3A_292 : i32
        %jit3A_303 = arith.constant 5 : i32
        %eq3A_304 = arith.constant 0 : i32
        %eq3A_305 = arith.cmpi eq, %jit3A_303, %eq3A_304 : i32
        %jit3A_306 = arith.constant 1 : i32
        %select_n3A_307 = arith.select %eq3A_305, %jit3A_306, %jit3A_303 : i32
        %rem3A_308 = arith.remsi %sub3A_203, %select_n3A_307 : i32
        %ne3A_309 = arith.constant 0 : i32
        %ne3A_310 = arith.cmpi ne, %rem3A_308, %ne3A_309 : i32
        %lt3A_311 = arith.constant 0 : i32
        %lt3A_312 = arith.cmpi slt, %rem3A_308, %lt3A_311 : i32
        %lt3A_313 = arith.constant 0 : i32
        %lt3A_314 = arith.cmpi slt, %select_n3A_307, %lt3A_313 : i32
        %ne3A_315 = arith.xori %lt3A_312, %lt3A_314 : i1
        %and3A_316 = arith.andi %ne3A_315, %ne3A_310 : i1
        %add3A_317 = arith.addi %rem3A_308, %select_n3A_307 : i32
        %select_n3A_318 = arith.select %and3A_316, %add3A_317, %rem3A_308 : i32
        %jit3A_319 = arith.constant 5 : i32
        %eq3A_320 = arith.constant 0 : i32
        %eq3A_321 = arith.cmpi eq, %jit3A_319, %eq3A_320 : i32
        %jit3A_322 = arith.constant 1 : i32
        %select_n3A_323 = arith.select %eq3A_321, %jit3A_322, %jit3A_319 : i32
        %rem3A_324 = arith.remsi %sub3A_203, %select_n3A_323 : i32
        %ne3A_325 = arith.constant 0 : i32
        %ne3A_326 = arith.cmpi ne, %rem3A_324, %ne3A_325 : i32
        %lt3A_327 = arith.constant 0 : i32
        %lt3A_328 = arith.cmpi slt, %rem3A_324, %lt3A_327 : i32
        %lt3A_329 = arith.constant 0 : i32
        %lt3A_330 = arith.cmpi slt, %select_n3A_323, %lt3A_329 : i32
        %ne3A_331 = arith.xori %lt3A_328, %lt3A_330 : i1
        %and3A_332 = arith.andi %ne3A_331, %ne3A_326 : i1
        %add3A_333 = arith.addi %rem3A_324, %select_n3A_323 : i32
        %select_n3A_334 = arith.select %and3A_332, %add3A_333, %rem3A_324 : i32
        %dma_start3A_335 = arith.constant 0 : i32
        %dma_start3A_336 = arith.constant 0 : i32
        %dma_start3A_337 = tpu.memref_slice %arg9[%select_n3A_318, %dma_start3A_335, %dma_start3A_336] : memref<5x64x128xf32, #tpu.memory_space<vmem>> -> memref<1x64x128xf32, #tpu.memory_space<vmem>>
        %dma_start3A_338 = tpu.memref_squeeze %dma_start3A_337 : memref<1x64x128xf32, #tpu.memory_space<vmem>> -> memref<64x128xf32, #tpu.memory_space<vmem>>
        %dma_start3A_339 = arith.constant 0 : i32
        %dma_start3A_340 = arith.constant 0 : i32
        %dma_start3A_341 = tpu.memref_slice %arg7[%select_n3A_302, %dma_start3A_339, %dma_start3A_340] : memref<2x16x64xi32, #tpu.memory_space<vmem>> -> memref<1x16x64xi32, #tpu.memory_space<vmem>>
        %dma_start3A_342 = tpu.memref_squeeze %dma_start3A_341 : memref<1x16x64xi32, #tpu.memory_space<vmem>> -> memref<16x64xi32, #tpu.memory_space<vmem>>
        %dma_start3A_343 = arith.constant 0 : i32
        %dma_start3A_344 = tpu.memref_slice %dma_start3A_342[%select_n3A_262, %dma_start3A_343] : memref<16x64xi32, #tpu.memory_space<vmem>> -> memref<1x64xi32, #tpu.memory_space<vmem>>
        %dma_start3A_345 = tpu.memref_squeeze %dma_start3A_344 : memref<1x64xi32, #tpu.memory_space<vmem>> -> memref<64xi32, #tpu.memory_space<vmem>>
        %dma_start3A_346 = arith.constant 0 : i32
        %dma_start3A_347 = arith.constant 0 : i32
        %dma_start3A_348 = tpu.memref_slice %arg2[%dma_start3A_346, %dma_start3A_347] : memref<10000x128xf32, #tpu.memory_space<hbm>> -> memref<10000x128xf32, #tpu.memory_space<hbm>>
        %dma_start3A_349 = tpu.memref_slice %arg10[%select_n3A_334] : memref<5x!tpu.dma_semaphore, #tpu.memory_space<semaphore_mem>> -> memref<1x!tpu.dma_semaphore, #tpu.memory_space<semaphore_mem>>
        %dma_start3A_350 = tpu.memref_squeeze %dma_start3A_349 : memref<1x!tpu.dma_semaphore, #tpu.memory_space<semaphore_mem>> -> memref<!tpu.dma_semaphore, #tpu.memory_space<semaphore_mem>>
        tpu.enqueue_indirect_dma source(%dma_start3A_348 : memref<10000x128xf32, #tpu.memory_space<hbm>>) target(%dma_start3A_338 : memref<64x128xf32, #tpu.memory_space<vmem>>) offsets(%dma_start3A_345 : memref<64xi32, #tpu.memory_space<vmem>>) semaphore(%dma_start3A_350 : memref<!tpu.dma_semaphore, #tpu.memory_space<semaphore_mem>>)
      } else {
      }
      %dma_start3A_233 = arith.constant 0 : i32
      %dma_start3A_234 = arith.constant 0 : i32
      %dma_start3A_235 = tpu.memref_slice %arg9[%select_n3A_126, %dma_start3A_233, %dma_start3A_234] : memref<5x64x128xf32, #tpu.memory_space<vmem>> -> memref<1x64x128xf32, #tpu.memory_space<vmem>>
      %dma_start3A_236 = tpu.memref_squeeze %dma_start3A_235 : memref<1x64x128xf32, #tpu.memory_space<vmem>> -> memref<64x128xf32, #tpu.memory_space<vmem>>
      %dma_start3A_237 = arith.constant 0 : i32
      %dma_start3A_238 = arith.constant 0 : i32
      %dma_start3A_239 = tpu.memref_slice %arg8[%select_n3A_179, %dma_start3A_237, %dma_start3A_238] : memref<2x16x64xi32, #tpu.memory_space<vmem>> -> memref<1x16x64xi32, #tpu.memory_space<vmem>>
      %dma_start3A_240 = tpu.memref_squeeze %dma_start3A_239 : memref<1x16x64xi32, #tpu.memory_space<vmem>> -> memref<16x64xi32, #tpu.memory_space<vmem>>
      %dma_start3A_241 = arith.constant 0 : i32
      %dma_start3A_242 = tpu.memref_slice %dma_start3A_240[%select_n3A_142, %dma_start3A_241] : memref<16x64xi32, #tpu.memory_space<vmem>> -> memref<1x64xi32, #tpu.memory_space<vmem>>
      %dma_start3A_243 = tpu.memref_squeeze %dma_start3A_242 : memref<1x64xi32, #tpu.memory_space<vmem>> -> memref<64xi32, #tpu.memory_space<vmem>>
      %dma_start3A_244 = arith.constant 0 : i32
      %dma_start3A_245 = arith.constant 0 : i32
      %dma_start3A_246 = tpu.memref_slice %arg12[%dma_start3A_244, %dma_start3A_245] : memref<10008x128xf32, #tpu.memory_space<vmem_shared>> -> memref<10008x128xf32, #tpu.memory_space<vmem_shared>>
      tpu.enqueue_indirect_dma source(%dma_start3A_236 : memref<64x128xf32, #tpu.memory_space<vmem>>) target(%dma_start3A_246 : memref<10008x128xf32, #tpu.memory_space<vmem_shared>>) offsets(%dma_start3A_243 : memref<64xi32, #tpu.memory_space<vmem>>) semaphore(%arg11 : memref<!tpu.dma_semaphore, #tpu.memory_space<semaphore_mem>>) {add = true}
    }
    %scan3A_91 = arith.constant 160 : i32
    %dma_wait3A = arith.constant 4 : i32
    %dma_wait3A_92 = arith.constant 1 : i32
    %dma_wait3A_93 = arith.constant 15 : i32
    %dma_wait3A_94 = arith.constant 0 : i32
    %dma_wait3A_95 = arith.constant 0 : i32
    %dma_wait3A_96 = tpu.memref_slice %arg9[%dma_wait3A, %dma_wait3A_94, %dma_wait3A_95] : memref<5x64x128xf32, #tpu.memory_space<vmem>> -> memref<1x64x128xf32, #tpu.memory_space<vmem>>
    %dma_wait3A_97 = tpu.memref_squeeze %dma_wait3A_96 : memref<1x64x128xf32, #tpu.memory_space<vmem>> -> memref<64x128xf32, #tpu.memory_space<vmem>>
    %dma_wait3A_98 = arith.constant 0 : i32
    %dma_wait3A_99 = arith.constant 0 : i32
    %dma_wait3A_100 = tpu.memref_slice %arg8[%dma_wait3A_92, %dma_wait3A_98, %dma_wait3A_99] : memref<2x16x64xi32, #tpu.memory_space<vmem>> -> memref<1x16x64xi32, #tpu.memory_space<vmem>>
    %dma_wait3A_101 = tpu.memref_squeeze %dma_wait3A_100 : memref<1x16x64xi32, #tpu.memory_space<vmem>> -> memref<16x64xi32, #tpu.memory_space<vmem>>
    %dma_wait3A_102 = arith.constant 0 : i32
    %dma_wait3A_103 = tpu.memref_slice %dma_wait3A_101[%dma_wait3A_93, %dma_wait3A_102] : memref<16x64xi32, #tpu.memory_space<vmem>> -> memref<1x64xi32, #tpu.memory_space<vmem>>
    %dma_wait3A_104 = tpu.memref_squeeze %dma_wait3A_103 : memref<1x64xi32, #tpu.memory_space<vmem>> -> memref<64xi32, #tpu.memory_space<vmem>>
    %dma_wait3A_105 = arith.constant 0 : i32
    %dma_wait3A_106 = arith.constant 0 : i32
    %dma_wait3A_107 = tpu.memref_slice %arg12[%dma_wait3A_105, %dma_wait3A_106] : memref<10008x128xf32, #tpu.memory_space<vmem_shared>> -> memref<10008x128xf32, #tpu.memory_space<vmem_shared>>
    tpu.wait_indirect_dma semaphore(%arg11 : memref<!tpu.dma_semaphore, #tpu.memory_space<semaphore_mem>>) src(%dma_wait3A_97 : memref<64x128xf32, #tpu.memory_space<vmem>>) dst(%dma_wait3A_107 : memref<10008x128xf32, #tpu.memory_space<vmem_shared>>)
    %barrier3A_108 = arith.constant 0 : index
    tpu.barrier barrier_id(%barrier3A_108)
    %mul3A_109 = arith.constant 624 : i32
    %mul3A_110 = arith.muli %arg1, %mul3A_109 : i32
    "tpu.region"() ({
      %run_scoped3A_116 = tpu.sem_alloc : memref<!tpu.dma_semaphore, #tpu.memory_space<semaphore_mem>>
      %dma_start3A_117 = arith.constant 0 : i32
      %dma_start3A_118 = arith.constant 0 : i32
      %dma_start3A_119 = tpu.memref_slice %arg6[%arg0, %dma_start3A_117, %dma_start3A_118] : memref<2x10000x128xf32, #tpu.memory_space<hbm>> -> memref<1x10000x128xf32, #tpu.memory_space<hbm>>
      %dma_start3A_120 = tpu.memref_squeeze %dma_start3A_119 : memref<1x10000x128xf32, #tpu.memory_space<hbm>> -> memref<10000x128xf32, #tpu.memory_space<hbm>>
      %dma_start3A_121 = arith.constant 0 : i32
      %dma_start3A_122 = tpu.memref_slice %dma_start3A_120[%mul3A_110, %dma_start3A_121] : memref<10000x128xf32, #tpu.memory_space<hbm>> -> memref<624x128xf32, #tpu.memory_space<hbm>>
      %dma_start3A_123 = arith.constant 0 : i32
      %dma_start3A_124 = tpu.memref_slice %arg12[%mul3A_110, %dma_start3A_123] : memref<10008x128xf32, #tpu.memory_space<vmem_shared>> -> memref<624x128xf32, #tpu.memory_space<vmem_shared>>
      tpu.enqueue_dma source(%dma_start3A_124 : memref<624x128xf32, #tpu.memory_space<vmem_shared>>) target(%dma_start3A_122 : memref<624x128xf32, #tpu.memory_space<hbm>>) target_semaphore(%run_scoped3A_116 : memref<!tpu.dma_semaphore, #tpu.memory_space<semaphore_mem>>)
      %dma_wait3A_125 = arith.constant 0 : i32
      %dma_wait3A_126 = arith.constant 0 : i32
      %dma_wait3A_127 = tpu.memref_slice %arg6[%arg0, %dma_wait3A_125, %dma_wait3A_126] : memref<2x10000x128xf32, #tpu.memory_space<hbm>> -> memref<1x10000x128xf32, #tpu.memory_space<hbm>>
      %dma_wait3A_128 = tpu.memref_squeeze %dma_wait3A_127 : memref<1x10000x128xf32, #tpu.memory_space<hbm>> -> memref<10000x128xf32, #tpu.memory_space<hbm>>
      %dma_wait3A_129 = arith.constant 0 : i32
      %dma_wait3A_130 = tpu.memref_slice %dma_wait3A_128[%mul3A_110, %dma_wait3A_129] : memref<10000x128xf32, #tpu.memory_space<hbm>> -> memref<624x128xf32, #tpu.memory_space<hbm>>
      %dma_wait3A_131 = arith.constant 0 : i32
      %dma_wait3A_132 = tpu.memref_slice %arg12[%mul3A_110, %dma_wait3A_131] : memref<10008x128xf32, #tpu.memory_space<vmem_shared>> -> memref<624x128xf32, #tpu.memory_space<vmem_shared>>
      tpu.wait_dma2 semaphore(%run_scoped3A_116 : memref<!tpu.dma_semaphore, #tpu.memory_space<semaphore_mem>>) src(%dma_wait3A_132 : memref<624x128xf32, #tpu.memory_space<vmem_shared>>) dst(%dma_wait3A_130 : memref<624x128xf32, #tpu.memory_space<hbm>>)
      tpu.yield
    }) : () -> ()
    %eq3A_111 = arith.constant 15 : i32
    %eq3A_112 = arith.cmpi eq, %arg1, %eq3A_111 : i32
    %convert_element_type3A_113 = arith.extui %eq3A_112 : i1 to i32
    %cond3A_114 = arith.constant 0 : i32
    %cond3A_115 = arith.cmpi ne, %convert_element_type3A_113, %cond3A_114 : i32
    scf.if %cond3A_115 {
      "tpu.region"() ({
        %run_scoped3A_116 = tpu.sem_alloc : memref<!tpu.dma_semaphore, #tpu.memory_space<semaphore_mem>>
        %dma_start3A_117 = arith.constant 0 : i32
        %dma_start3A_118 = arith.constant 0 : i32
        %dma_start3A_119 = tpu.memref_slice %arg6[%arg0, %dma_start3A_117, %dma_start3A_118] : memref<2x10000x128xf32, #tpu.memory_space<hbm>> -> memref<1x10000x128xf32, #tpu.memory_space<hbm>>
        %dma_start3A_120 = tpu.memref_squeeze %dma_start3A_119 : memref<1x10000x128xf32, #tpu.memory_space<hbm>> -> memref<10000x128xf32, #tpu.memory_space<hbm>>
        %dma_start3A_121 = arith.constant 9984 : i32
        %dma_start3A_122 = arith.constant 0 : i32
        %dma_start3A_123 = tpu.memref_slice %dma_start3A_120[%dma_start3A_121, %dma_start3A_122] : memref<10000x128xf32, #tpu.memory_space<hbm>> -> memref<16x128xf32, #tpu.memory_space<hbm>>
        %dma_start3A_124 = arith.constant 9984 : i32
        %dma_start3A_125 = arith.constant 0 : i32
        %dma_start3A_126 = tpu.memref_slice %arg12[%dma_start3A_124, %dma_start3A_125] : memref<10008x128xf32, #tpu.memory_space<vmem_shared>> -> memref<16x128xf32, #tpu.memory_space<vmem_shared>>
        tpu.enqueue_dma source(%dma_start3A_126 : memref<16x128xf32, #tpu.memory_space<vmem_shared>>) target(%dma_start3A_123 : memref<16x128xf32, #tpu.memory_space<hbm>>) target_semaphore(%run_scoped3A_116 : memref<!tpu.dma_semaphore, #tpu.memory_space<semaphore_mem>>)
        %dma_wait3A_127 = arith.constant 0 : i32
        %dma_wait3A_128 = arith.constant 0 : i32
        %dma_wait3A_129 = tpu.memref_slice %arg6[%arg0, %dma_wait3A_127, %dma_wait3A_128] : memref<2x10000x128xf32, #tpu.memory_space<hbm>> -> memref<1x10000x128xf32, #tpu.memory_space<hbm>>
        %dma_wait3A_130 = tpu.memref_squeeze %dma_wait3A_129 : memref<1x10000x128xf32, #tpu.memory_space<hbm>> -> memref<10000x128xf32, #tpu.memory_space<hbm>>
        %dma_wait3A_131 = arith.constant 9984 : i32
        %dma_wait3A_132 = arith.constant 0 : i32
        %dma_wait3A_133 = tpu.memref_slice %dma_wait3A_130[%dma_wait3A_131, %dma_wait3A_132] : memref<10000x128xf32, #tpu.memory_space<hbm>> -> memref<16x128xf32, #tpu.memory_space<hbm>>
        %dma_wait3A_134 = arith.constant 9984 : i32
        %dma_wait3A_135 = arith.constant 0 : i32
        %dma_wait3A_136 = tpu.memref_slice %arg12[%dma_wait3A_134, %dma_wait3A_135] : memref<10008x128xf32, #tpu.memory_space<vmem_shared>> -> memref<16x128xf32, #tpu.memory_space<vmem_shared>>
        tpu.wait_dma2 semaphore(%run_scoped3A_116 : memref<!tpu.dma_semaphore, #tpu.memory_space<semaphore_mem>>) src(%dma_wait3A_136 : memref<16x128xf32, #tpu.memory_space<vmem_shared>>) dst(%dma_wait3A_133 : memref<16x128xf32, #tpu.memory_space<hbm>>)
        tpu.yield
      }) : () -> ()
    } else {
    }
    return
  }
}

#map = affine_map<(d0, d1) -> (0, 0)>
#map1 = affine_map<(d0, d1) -> (0, 0, 0)>
module attributes {stable_mosaic.version = 14 : i64} {
  func.func @_sc_agg_body(%arg0: i32, %arg1: i32, %arg2: memref<10000x128xf32, #tpu.memory_space<hbm>>, %arg3: memref<5120x64xi32, #tpu.memory_space<hbm>>, %arg4: memref<5120x64xi32, #tpu.memory_space<hbm>>, %arg5: memref<624x128xf32, #tpu.memory_space<hbm>>, %arg6: memref<2x10000x128xf32, #tpu.memory_space<hbm>>, %arg7: memref<2x16x64xi32, #tpu.memory_space<vmem>>, %arg8: memref<2x16x64xi32, #tpu.memory_space<vmem>>, %arg9: memref<5x64x128xf32, #tpu.memory_space<vmem>>, %arg10: memref<5x!tpu.dma_semaphore, #tpu.memory_space<semaphore_mem>>, %arg11: memref<!tpu.dma_semaphore, #tpu.memory_space<semaphore_mem>>, %arg12: memref<10008x128xf32, #tpu.memory_space<vmem_shared>>) attributes {dimension_semantics = [#tpu.dimension_semantics<core_parallel>, #tpu.dimension_semantics<subcore_parallel>], iteration_bounds = array<i64: 2, 16>, scalar_prefetch = 0 : i64, scratch_operands = 6 : i64, tpu.core_type = #tpu.core_type<sc_vector_subcore>, window_params = [{transform_indices = #map}, {transform_indices = #map}, {transform_indices = #map}, {transform_indices = #map}, {transform_indices = #map1}]} {
    %mul3A = arith.constant 16 : i32
    %mul3A_0 = arith.muli %arg0, %mul3A : i32
    %add3A = arith.addi %mul3A_0, %arg1 : i32
    %mul3A_1 = arith.constant 160 : i32
    %mul3A_2 = arith.muli %add3A, %mul3A_1 : i32
    %mul3A_3 = arith.constant 624 : i32
    %mul3A_4 = arith.muli %arg1, %mul3A_3 : i32
    "tpu.region"() ({
      %run_scoped3A_116 = tpu.sem_alloc : memref<!tpu.dma_semaphore, #tpu.memory_space<semaphore_mem>>
      %dma_start3A_117 = arith.constant 0 : i32
      %dma_start3A_118 = tpu.memref_slice %arg12[%mul3A_4, %dma_start3A_117] : memref<10008x128xf32, #tpu.memory_space<vmem_shared>> -> memref<624x128xf32, #tpu.memory_space<vmem_shared>>
      tpu.enqueue_dma source(%arg5 : memref<624x128xf32, #tpu.memory_space<hbm>>) target(%dma_start3A_118 : memref<624x128xf32, #tpu.memory_space<vmem_shared>>) target_semaphore(%run_scoped3A_116 : memref<!tpu.dma_semaphore, #tpu.memory_space<semaphore_mem>>)
      %dma_wait3A_119 = arith.constant 0 : i32
      %dma_wait3A_120 = tpu.memref_slice %arg12[%mul3A_4, %dma_wait3A_119] : memref<10008x128xf32, #tpu.memory_space<vmem_shared>> -> memref<624x128xf32, #tpu.memory_space<vmem_shared>>
      tpu.wait_dma2 semaphore(%run_scoped3A_116 : memref<!tpu.dma_semaphore, #tpu.memory_space<semaphore_mem>>) src(%arg5 : memref<624x128xf32, #tpu.memory_space<hbm>>) dst(%dma_wait3A_120 : memref<624x128xf32, #tpu.memory_space<vmem_shared>>)
      tpu.yield
    }) : () -> ()
    %eq3A = arith.constant 15 : i32
    %eq3A_5 = arith.cmpi eq, %arg1, %eq3A : i32
    %convert_element_type3A = arith.extui %eq3A_5 : i1 to i32
    %cond3A = arith.constant 0 : i32
    %cond3A_6 = arith.cmpi ne, %convert_element_type3A, %cond3A : i32
    scf.if %cond3A_6 {
      "tpu.region"() ({
        %run_scoped3A_116 = tpu.sem_alloc : memref<!tpu.dma_semaphore, #tpu.memory_space<semaphore_mem>>
        %dma_start3A_117 = arith.constant 9984 : i32
        %dma_start3A_118 = arith.constant 0 : i32
        %dma_start3A_119 = tpu.memref_slice %arg12[%dma_start3A_117, %dma_start3A_118] : memref<10008x128xf32, #tpu.memory_space<vmem_shared>> -> memref<16x128xf32, #tpu.memory_space<vmem_shared>>
        %dma_start3A_120 = arith.constant 0 : i32
        %dma_start3A_121 = arith.constant 0 : i32
        %dma_start3A_122 = tpu.memref_slice %arg5[%dma_start3A_120, %dma_start3A_121] : memref<624x128xf32, #tpu.memory_space<hbm>> -> memref<16x128xf32, #tpu.memory_space<hbm>>
        tpu.enqueue_dma source(%dma_start3A_122 : memref<16x128xf32, #tpu.memory_space<hbm>>) target(%dma_start3A_119 : memref<16x128xf32, #tpu.memory_space<vmem_shared>>) target_semaphore(%run_scoped3A_116 : memref<!tpu.dma_semaphore, #tpu.memory_space<semaphore_mem>>)
        %dma_wait3A_123 = arith.constant 9984 : i32
        %dma_wait3A_124 = arith.constant 0 : i32
        %dma_wait3A_125 = tpu.memref_slice %arg12[%dma_wait3A_123, %dma_wait3A_124] : memref<10008x128xf32, #tpu.memory_space<vmem_shared>> -> memref<16x128xf32, #tpu.memory_space<vmem_shared>>
        %dma_wait3A_126 = arith.constant 0 : i32
        %dma_wait3A_127 = arith.constant 0 : i32
        %dma_wait3A_128 = tpu.memref_slice %arg5[%dma_wait3A_126, %dma_wait3A_127] : memref<624x128xf32, #tpu.memory_space<hbm>> -> memref<16x128xf32, #tpu.memory_space<hbm>>
        tpu.wait_dma2 semaphore(%run_scoped3A_116 : memref<!tpu.dma_semaphore, #tpu.memory_space<semaphore_mem>>) src(%dma_wait3A_128 : memref<16x128xf32, #tpu.memory_space<hbm>>) dst(%dma_wait3A_125 : memref<16x128xf32, #tpu.memory_space<vmem_shared>>)
        tpu.yield
      }) : () -> ()
    } else {
    }
    %barrier3A = arith.constant 0 : index
    tpu.barrier barrier_id(%barrier3A)
    %run_scoped3A = arith.constant 0 : i32
    "tpu.region"() ({
      %run_scoped3A_116 = tpu.sem_alloc : memref<!tpu.dma_semaphore, #tpu.memory_space<semaphore_mem>>
      %dma_start3A_117 = arith.constant 0 : i32
      %dma_start3A_118 = arith.constant 0 : i32
      %dma_start3A_119 = tpu.memref_slice %arg7[%run_scoped3A, %dma_start3A_117, %dma_start3A_118] : memref<2x16x64xi32, #tpu.memory_space<vmem>> -> memref<1x16x64xi32, #tpu.memory_space<vmem>>
      %dma_start3A_120 = tpu.memref_squeeze %dma_start3A_119 : memref<1x16x64xi32, #tpu.memory_space<vmem>> -> memref<16x64xi32, #tpu.memory_space<vmem>>
      %dma_start3A_121 = arith.constant 0 : i32
      %dma_start3A_122 = tpu.memref_slice %arg3[%mul3A_2, %dma_start3A_121] : memref<5120x64xi32, #tpu.memory_space<hbm>> -> memref<16x64xi32, #tpu.memory_space<hbm>>
      %dma_start3A_123 = arith.constant 0 : i32
      %dma_start3A_124 = arith.constant 0 : i32
      %dma_start3A_125 = tpu.memref_slice %arg7[%run_scoped3A, %dma_start3A_123, %dma_start3A_124] : memref<2x16x64xi32, #tpu.memory_space<vmem>> -> memref<1x16x64xi32, #tpu.memory_space<vmem>>
      %dma_start3A_126 = tpu.memref_squeeze %dma_start3A_125 : memref<1x16x64xi32, #tpu.memory_space<vmem>> -> memref<16x64xi32, #tpu.memory_space<vmem>>
      %dma_start3A_127 = arith.constant 0 : i32
      %dma_start3A_128 = tpu.memref_slice %arg3[%mul3A_2, %dma_start3A_127] : memref<5120x64xi32, #tpu.memory_space<hbm>> -> memref<16x64xi32, #tpu.memory_space<hbm>>
      tpu.enqueue_dma source(%dma_start3A_128 : memref<16x64xi32, #tpu.memory_space<hbm>>) target(%dma_start3A_126 : memref<16x64xi32, #tpu.memory_space<vmem>>) target_semaphore(%run_scoped3A_116 : memref<!tpu.dma_semaphore, #tpu.memory_space<semaphore_mem>>)
      %dma_wait3A_129 = arith.constant 0 : i32
      %dma_wait3A_130 = arith.constant 0 : i32
      %dma_wait3A_131 = tpu.memref_slice %arg7[%run_scoped3A, %dma_wait3A_129, %dma_wait3A_130] : memref<2x16x64xi32, #tpu.memory_space<vmem>> -> memref<1x16x64xi32, #tpu.memory_space<vmem>>
      %dma_wait3A_132 = tpu.memref_squeeze %dma_wait3A_131 : memref<1x16x64xi32, #tpu.memory_space<vmem>> -> memref<16x64xi32, #tpu.memory_space<vmem>>
      %dma_wait3A_133 = arith.constant 0 : i32
      %dma_wait3A_134 = tpu.memref_slice %arg3[%mul3A_2, %dma_wait3A_133] : memref<5120x64xi32, #tpu.memory_space<hbm>> -> memref<16x64xi32, #tpu.memory_space<hbm>>
      %dma_wait3A_135 = arith.constant 0 : i32
      %dma_wait3A_136 = arith.constant 0 : i32
      %dma_wait3A_137 = tpu.memref_slice %arg7[%run_scoped3A, %dma_wait3A_135, %dma_wait3A_136] : memref<2x16x64xi32, #tpu.memory_space<vmem>> -> memref<1x16x64xi32, #tpu.memory_space<vmem>>
      %dma_wait3A_138 = tpu.memref_squeeze %dma_wait3A_137 : memref<1x16x64xi32, #tpu.memory_space<vmem>> -> memref<16x64xi32, #tpu.memory_space<vmem>>
      %dma_wait3A_139 = arith.constant 0 : i32
      %dma_wait3A_140 = tpu.memref_slice %arg3[%mul3A_2, %dma_wait3A_139] : memref<5120x64xi32, #tpu.memory_space<hbm>> -> memref<16x64xi32, #tpu.memory_space<hbm>>
      tpu.wait_dma2 semaphore(%run_scoped3A_116 : memref<!tpu.dma_semaphore, #tpu.memory_space<semaphore_mem>>) src(%dma_wait3A_140 : memref<16x64xi32, #tpu.memory_space<hbm>>) dst(%dma_wait3A_138 : memref<16x64xi32, #tpu.memory_space<vmem>>)
      tpu.yield
    }) : () -> ()
    %run_scoped3A_7 = arith.constant 0 : i32
    "tpu.region"() ({
      %run_scoped3A_116 = tpu.sem_alloc : memref<!tpu.dma_semaphore, #tpu.memory_space<semaphore_mem>>
      %dma_start3A_117 = arith.constant 0 : i32
      %dma_start3A_118 = arith.constant 0 : i32
      %dma_start3A_119 = tpu.memref_slice %arg8[%run_scoped3A_7, %dma_start3A_117, %dma_start3A_118] : memref<2x16x64xi32, #tpu.memory_space<vmem>> -> memref<1x16x64xi32, #tpu.memory_space<vmem>>
      %dma_start3A_120 = tpu.memref_squeeze %dma_start3A_119 : memref<1x16x64xi32, #tpu.memory_space<vmem>> -> memref<16x64xi32, #tpu.memory_space<vmem>>
      %dma_start3A_121 = arith.constant 0 : i32
      %dma_start3A_122 = tpu.memref_slice %arg4[%mul3A_2, %dma_start3A_121] : memref<5120x64xi32, #tpu.memory_space<hbm>> -> memref<16x64xi32, #tpu.memory_space<hbm>>
      %dma_start3A_123 = arith.constant 0 : i32
      %dma_start3A_124 = arith.constant 0 : i32
      %dma_start3A_125 = tpu.memref_slice %arg8[%run_scoped3A_7, %dma_start3A_123, %dma_start3A_124] : memref<2x16x64xi32, #tpu.memory_space<vmem>> -> memref<1x16x64xi32, #tpu.memory_space<vmem>>
      %dma_start3A_126 = tpu.memref_squeeze %dma_start3A_125 : memref<1x16x64xi32, #tpu.memory_space<vmem>> -> memref<16x64xi32, #tpu.memory_space<vmem>>
      %dma_start3A_127 = arith.constant 0 : i32
      %dma_start3A_128 = tpu.memref_slice %arg4[%mul3A_2, %dma_start3A_127] : memref<5120x64xi32, #tpu.memory_space<hbm>> -> memref<16x64xi32, #tpu.memory_space<hbm>>
      tpu.enqueue_dma source(%dma_start3A_128 : memref<16x64xi32, #tpu.memory_space<hbm>>) target(%dma_start3A_126 : memref<16x64xi32, #tpu.memory_space<vmem>>) target_semaphore(%run_scoped3A_116 : memref<!tpu.dma_semaphore, #tpu.memory_space<semaphore_mem>>)
      %dma_wait3A_129 = arith.constant 0 : i32
      %dma_wait3A_130 = arith.constant 0 : i32
      %dma_wait3A_131 = tpu.memref_slice %arg8[%run_scoped3A_7, %dma_wait3A_129, %dma_wait3A_130] : memref<2x16x64xi32, #tpu.memory_space<vmem>> -> memref<1x16x64xi32, #tpu.memory_space<vmem>>
      %dma_wait3A_132 = tpu.memref_squeeze %dma_wait3A_131 : memref<1x16x64xi32, #tpu.memory_space<vmem>> -> memref<16x64xi32, #tpu.memory_space<vmem>>
      %dma_wait3A_133 = arith.constant 0 : i32
      %dma_wait3A_134 = tpu.memref_slice %arg4[%mul3A_2, %dma_wait3A_133] : memref<5120x64xi32, #tpu.memory_space<hbm>> -> memref<16x64xi32, #tpu.memory_space<hbm>>
      %dma_wait3A_135 = arith.constant 0 : i32
      %dma_wait3A_136 = arith.constant 0 : i32
      %dma_wait3A_137 = tpu.memref_slice %arg8[%run_scoped3A_7, %dma_wait3A_135, %dma_wait3A_136] : memref<2x16x64xi32, #tpu.memory_space<vmem>> -> memref<1x16x64xi32, #tpu.memory_space<vmem>>
      %dma_wait3A_138 = tpu.memref_squeeze %dma_wait3A_137 : memref<1x16x64xi32, #tpu.memory_space<vmem>> -> memref<16x64xi32, #tpu.memory_space<vmem>>
      %dma_wait3A_139 = arith.constant 0 : i32
      %dma_wait3A_140 = tpu.memref_slice %arg4[%mul3A_2, %dma_wait3A_139] : memref<5120x64xi32, #tpu.memory_space<hbm>> -> memref<16x64xi32, #tpu.memory_space<hbm>>
      tpu.wait_dma2 semaphore(%run_scoped3A_116 : memref<!tpu.dma_semaphore, #tpu.memory_space<semaphore_mem>>) src(%dma_wait3A_140 : memref<16x64xi32, #tpu.memory_space<hbm>>) dst(%dma_wait3A_138 : memref<16x64xi32, #tpu.memory_space<vmem>>)
      tpu.yield
    }) : () -> ()
    %dma_start3A = arith.constant 0 : i32
    %dma_start3A_8 = arith.constant 0 : i32
    %dma_start3A_9 = arith.constant 0 : i32
    %dma_start3A_10 = arith.constant 0 : i32
    %dma_start3A_11 = arith.constant 0 : i32
    %dma_start3A_12 = arith.constant 0 : i32
    %dma_start3A_13 = tpu.memref_slice %arg9[%dma_start3A_9, %dma_start3A_11, %dma_start3A_12] : memref<5x64x128xf32, #tpu.memory_space<vmem>> -> memref<1x64x128xf32, #tpu.memory_space<vmem>>
    %dma_start3A_14 = tpu.memref_squeeze %dma_start3A_13 : memref<1x64x128xf32, #tpu.memory_space<vmem>> -> memref<64x128xf32, #tpu.memory_space<vmem>>
    %dma_start3A_15 = arith.constant 0 : i32
    %dma_start3A_16 = arith.constant 0 : i32
    %dma_start3A_17 = tpu.memref_slice %arg7[%dma_start3A, %dma_start3A_15, %dma_start3A_16] : memref<2x16x64xi32, #tpu.memory_space<vmem>> -> memref<1x16x64xi32, #tpu.memory_space<vmem>>
    %dma_start3A_18 = tpu.memref_squeeze %dma_start3A_17 : memref<1x16x64xi32, #tpu.memory_space<vmem>> -> memref<16x64xi32, #tpu.memory_space<vmem>>
    %dma_start3A_19 = arith.constant 0 : i32
    %dma_start3A_20 = tpu.memref_slice %dma_start3A_18[%dma_start3A_8, %dma_start3A_19] : memref<16x64xi32, #tpu.memory_space<vmem>> -> memref<1x64xi32, #tpu.memory_space<vmem>>
    %dma_start3A_21 = tpu.memref_squeeze %dma_start3A_20 : memref<1x64xi32, #tpu.memory_space<vmem>> -> memref<64xi32, #tpu.memory_space<vmem>>
    %dma_start3A_22 = arith.constant 0 : i32
    %dma_start3A_23 = arith.constant 0 : i32
    %dma_start3A_24 = tpu.memref_slice %arg2[%dma_start3A_22, %dma_start3A_23] : memref<10000x128xf32, #tpu.memory_space<hbm>> -> memref<10000x128xf32, #tpu.memory_space<hbm>>
    %dma_start3A_25 = tpu.memref_slice %arg10[%dma_start3A_10] : memref<5x!tpu.dma_semaphore, #tpu.memory_space<semaphore_mem>> -> memref<1x!tpu.dma_semaphore, #tpu.memory_space<semaphore_mem>>
    %dma_start3A_26 = tpu.memref_squeeze %dma_start3A_25 : memref<1x!tpu.dma_semaphore, #tpu.memory_space<semaphore_mem>> -> memref<!tpu.dma_semaphore, #tpu.memory_space<semaphore_mem>>
    tpu.enqueue_indirect_dma source(%dma_start3A_24 : memref<10000x128xf32, #tpu.memory_space<hbm>>) target(%dma_start3A_14 : memref<64x128xf32, #tpu.memory_space<vmem>>) offsets(%dma_start3A_21 : memref<64xi32, #tpu.memory_space<vmem>>) semaphore(%dma_start3A_26 : memref<!tpu.dma_semaphore, #tpu.memory_space<semaphore_mem>>)
    %dma_start3A_27 = arith.constant 0 : i32
    %dma_start3A_28 = arith.constant 1 : i32
    %dma_start3A_29 = arith.constant 1 : i32
    %dma_start3A_30 = arith.constant 1 : i32
    %dma_start3A_31 = arith.constant 0 : i32
    %dma_start3A_32 = arith.constant 0 : i32
    %dma_start3A_33 = tpu.memref_slice %arg9[%dma_start3A_29, %dma_start3A_31, %dma_start3A_32] : memref<5x64x128xf32, #tpu.memory_space<vmem>> -> memref<1x64x128xf32, #tpu.memory_space<vmem>>
    %dma_start3A_34 = tpu.memref_squeeze %dma_start3A_33 : memref<1x64x128xf32, #tpu.memory_space<vmem>> -> memref<64x128xf32, #tpu.memory_space<vmem>>
    %dma_start3A_35 = arith.constant 0 : i32
    %dma_start3A_36 = arith.constant 0 : i32
    %dma_start3A_37 = tpu.memref_slice %arg7[%dma_start3A_27, %dma_start3A_35, %dma_start3A_36] : memref<2x16x64xi32, #tpu.memory_space<vmem>> -> memref<1x16x64xi32, #tpu.memory_space<vmem>>
    %dma_start3A_38 = tpu.memref_squeeze %dma_start3A_37 : memref<1x16x64xi32, #tpu.memory_space<vmem>> -> memref<16x64xi32, #tpu.memory_space<vmem>>
    %dma_start3A_39 = arith.constant 0 : i32
    %dma_start3A_40 = tpu.memref_slice %dma_start3A_38[%dma_start3A_28, %dma_start3A_39] : memref<16x64xi32, #tpu.memory_space<vmem>> -> memref<1x64xi32, #tpu.memory_space<vmem>>
    %dma_start3A_41 = tpu.memref_squeeze %dma_start3A_40 : memref<1x64xi32, #tpu.memory_space<vmem>> -> memref<64xi32, #tpu.memory_space<vmem>>
    %dma_start3A_42 = arith.constant 0 : i32
    %dma_start3A_43 = arith.constant 0 : i32
    %dma_start3A_44 = tpu.memref_slice %arg2[%dma_start3A_42, %dma_start3A_43] : memref<10000x128xf32, #tpu.memory_space<hbm>> -> memref<10000x128xf32, #tpu.memory_space<hbm>>
    %dma_start3A_45 = tpu.memref_slice %arg10[%dma_start3A_30] : memref<5x!tpu.dma_semaphore, #tpu.memory_space<semaphore_mem>> -> memref<1x!tpu.dma_semaphore, #tpu.memory_space<semaphore_mem>>
    %dma_start3A_46 = tpu.memref_squeeze %dma_start3A_45 : memref<1x!tpu.dma_semaphore, #tpu.memory_space<semaphore_mem>> -> memref<!tpu.dma_semaphore, #tpu.memory_space<semaphore_mem>>
    tpu.enqueue_indirect_dma source(%dma_start3A_44 : memref<10000x128xf32, #tpu.memory_space<hbm>>) target(%dma_start3A_34 : memref<64x128xf32, #tpu.memory_space<vmem>>) offsets(%dma_start3A_41 : memref<64xi32, #tpu.memory_space<vmem>>) semaphore(%dma_start3A_46 : memref<!tpu.dma_semaphore, #tpu.memory_space<semaphore_mem>>)
    %dma_start3A_47 = arith.constant 0 : i32
    %dma_start3A_48 = arith.constant 2 : i32
    %dma_start3A_49 = arith.constant 2 : i32
    %dma_start3A_50 = arith.constant 2 : i32
    %dma_start3A_51 = arith.constant 0 : i32
    %dma_start3A_52 = arith.constant 0 : i32
    %dma_start3A_53 = tpu.memref_slice %arg9[%dma_start3A_49, %dma_start3A_51, %dma_start3A_52] : memref<5x64x128xf32, #tpu.memory_space<vmem>> -> memref<1x64x128xf32, #tpu.memory_space<vmem>>
    %dma_start3A_54 = tpu.memref_squeeze %dma_start3A_53 : memref<1x64x128xf32, #tpu.memory_space<vmem>> -> memref<64x128xf32, #tpu.memory_space<vmem>>
    %dma_start3A_55 = arith.constant 0 : i32
    %dma_start3A_56 = arith.constant 0 : i32
    %dma_start3A_57 = tpu.memref_slice %arg7[%dma_start3A_47, %dma_start3A_55, %dma_start3A_56] : memref<2x16x64xi32, #tpu.memory_space<vmem>> -> memref<1x16x64xi32, #tpu.memory_space<vmem>>
    %dma_start3A_58 = tpu.memref_squeeze %dma_start3A_57 : memref<1x16x64xi32, #tpu.memory_space<vmem>> -> memref<16x64xi32, #tpu.memory_space<vmem>>
    %dma_start3A_59 = arith.constant 0 : i32
    %dma_start3A_60 = tpu.memref_slice %dma_start3A_58[%dma_start3A_48, %dma_start3A_59] : memref<16x64xi32, #tpu.memory_space<vmem>> -> memref<1x64xi32, #tpu.memory_space<vmem>>
    %dma_start3A_61 = tpu.memref_squeeze %dma_start3A_60 : memref<1x64xi32, #tpu.memory_space<vmem>> -> memref<64xi32, #tpu.memory_space<vmem>>
    %dma_start3A_62 = arith.constant 0 : i32
    %dma_start3A_63 = arith.constant 0 : i32
    %dma_start3A_64 = tpu.memref_slice %arg2[%dma_start3A_62, %dma_start3A_63] : memref<10000x128xf32, #tpu.memory_space<hbm>> -> memref<10000x128xf32, #tpu.memory_space<hbm>>
    %dma_start3A_65 = tpu.memref_slice %arg10[%dma_start3A_50] : memref<5x!tpu.dma_semaphore, #tpu.memory_space<semaphore_mem>> -> memref<1x!tpu.dma_semaphore, #tpu.memory_space<semaphore_mem>>
    %dma_start3A_66 = tpu.memref_squeeze %dma_start3A_65 : memref<1x!tpu.dma_semaphore, #tpu.memory_space<semaphore_mem>> -> memref<!tpu.dma_semaphore, #tpu.memory_space<semaphore_mem>>
    tpu.enqueue_indirect_dma source(%dma_start3A_64 : memref<10000x128xf32, #tpu.memory_space<hbm>>) target(%dma_start3A_54 : memref<64x128xf32, #tpu.memory_space<vmem>>) offsets(%dma_start3A_61 : memref<64xi32, #tpu.memory_space<vmem>>) semaphore(%dma_start3A_66 : memref<!tpu.dma_semaphore, #tpu.memory_space<semaphore_mem>>)
    %dma_start3A_67 = arith.constant 0 : i32
    %dma_start3A_68 = arith.constant 3 : i32
    %dma_start3A_69 = arith.constant 3 : i32
    %dma_start3A_70 = arith.constant 3 : i32
    %dma_start3A_71 = arith.constant 0 : i32
    %dma_start3A_72 = arith.constant 0 : i32
    %dma_start3A_73 = tpu.memref_slice %arg9[%dma_start3A_69, %dma_start3A_71, %dma_start3A_72] : memref<5x64x128xf32, #tpu.memory_space<vmem>> -> memref<1x64x128xf32, #tpu.memory_space<vmem>>
    %dma_start3A_74 = tpu.memref_squeeze %dma_start3A_73 : memref<1x64x128xf32, #tpu.memory_space<vmem>> -> memref<64x128xf32, #tpu.memory_space<vmem>>
    %dma_start3A_75 = arith.constant 0 : i32
    %dma_start3A_76 = arith.constant 0 : i32
    %dma_start3A_77 = tpu.memref_slice %arg7[%dma_start3A_67, %dma_start3A_75, %dma_start3A_76] : memref<2x16x64xi32, #tpu.memory_space<vmem>> -> memref<1x16x64xi32, #tpu.memory_space<vmem>>
    %dma_start3A_78 = tpu.memref_squeeze %dma_start3A_77 : memref<1x16x64xi32, #tpu.memory_space<vmem>> -> memref<16x64xi32, #tpu.memory_space<vmem>>
    %dma_start3A_79 = arith.constant 0 : i32
    %dma_start3A_80 = tpu.memref_slice %dma_start3A_78[%dma_start3A_68, %dma_start3A_79] : memref<16x64xi32, #tpu.memory_space<vmem>> -> memref<1x64xi32, #tpu.memory_space<vmem>>
    %dma_start3A_81 = tpu.memref_squeeze %dma_start3A_80 : memref<1x64xi32, #tpu.memory_space<vmem>> -> memref<64xi32, #tpu.memory_space<vmem>>
    %dma_start3A_82 = arith.constant 0 : i32
    %dma_start3A_83 = arith.constant 0 : i32
    %dma_start3A_84 = tpu.memref_slice %arg2[%dma_start3A_82, %dma_start3A_83] : memref<10000x128xf32, #tpu.memory_space<hbm>> -> memref<10000x128xf32, #tpu.memory_space<hbm>>
    %dma_start3A_85 = tpu.memref_slice %arg10[%dma_start3A_70] : memref<5x!tpu.dma_semaphore, #tpu.memory_space<semaphore_mem>> -> memref<1x!tpu.dma_semaphore, #tpu.memory_space<semaphore_mem>>
    %dma_start3A_86 = tpu.memref_squeeze %dma_start3A_85 : memref<1x!tpu.dma_semaphore, #tpu.memory_space<semaphore_mem>> -> memref<!tpu.dma_semaphore, #tpu.memory_space<semaphore_mem>>
    tpu.enqueue_indirect_dma source(%dma_start3A_84 : memref<10000x128xf32, #tpu.memory_space<hbm>>) target(%dma_start3A_74 : memref<64x128xf32, #tpu.memory_space<vmem>>) offsets(%dma_start3A_81 : memref<64xi32, #tpu.memory_space<vmem>>) semaphore(%dma_start3A_86 : memref<!tpu.dma_semaphore, #tpu.memory_space<semaphore_mem>>)
    %scan3A = arith.constant 0 : i32
    %scan3A_87 = arith.constant 0 : i32
    %scan3A_88 = arith.constant 160 : i32
    %scan3A_89 = arith.addi %scan3A_87, %scan3A_88 : i32
    %scan3A_90 = arith.constant 1 : i32
    scf.for %scan3A_116 = %scan3A_87 to %scan3A_89 step %scan3A_90  : i32 {
      %jit3A = arith.constant 5 : i32
      %eq3A_117 = arith.constant 0 : i32
      %eq3A_118 = arith.cmpi eq, %jit3A, %eq3A_117 : i32
      %jit3A_119 = arith.constant 1 : i32
      %select_n3A = arith.select %eq3A_118, %jit3A_119, %jit3A : i32
      %rem3A = arith.remsi %scan3A_116, %select_n3A : i32
      %ne3A = arith.constant 0 : i32
      %ne3A_120 = arith.cmpi ne, %rem3A, %ne3A : i32
      %lt3A = arith.constant 0 : i32
      %lt3A_121 = arith.cmpi slt, %rem3A, %lt3A : i32
      %lt3A_122 = arith.constant 0 : i32
      %lt3A_123 = arith.cmpi slt, %select_n3A, %lt3A_122 : i32
      %ne3A_124 = arith.xori %lt3A_121, %lt3A_123 : i1
      %and3A = arith.andi %ne3A_124, %ne3A_120 : i1
      %add3A_125 = arith.addi %rem3A, %select_n3A : i32
      %select_n3A_126 = arith.select %and3A, %add3A_125, %rem3A : i32
      %jit3A_127 = arith.constant 16 : i32
      %eq3A_128 = arith.constant 0 : i32
      %eq3A_129 = arith.cmpi eq, %jit3A_127, %eq3A_128 : i32
      %jit3A_130 = arith.constant 1 : i32
      %select_n3A_131 = arith.select %eq3A_129, %jit3A_130, %jit3A_127 : i32
      %rem3A_132 = arith.remsi %scan3A_116, %select_n3A_131 : i32
      %ne3A_133 = arith.constant 0 : i32
      %ne3A_134 = arith.cmpi ne, %rem3A_132, %ne3A_133 : i32
      %lt3A_135 = arith.constant 0 : i32
      %lt3A_136 = arith.cmpi slt, %rem3A_132, %lt3A_135 : i32
      %lt3A_137 = arith.constant 0 : i32
      %lt3A_138 = arith.cmpi slt, %select_n3A_131, %lt3A_137 : i32
      %ne3A_139 = arith.xori %lt3A_136, %lt3A_138 : i1
      %and3A_140 = arith.andi %ne3A_139, %ne3A_134 : i1
      %add3A_141 = arith.addi %rem3A_132, %select_n3A_131 : i32
      %select_n3A_142 = arith.select %and3A_140, %add3A_141, %rem3A_132 : i32
      %jit3A_143 = arith.constant 16 : i32
      %div3A = arith.divsi %scan3A_116, %jit3A_143 : i32
      %sign3A = arith.constant 0 : i32
      %sign3A_144 = arith.cmpi sgt, %scan3A_116, %sign3A : i32
      %sign3A_145 = arith.extui %sign3A_144 : i1 to i32
      %sign3A_146 = arith.constant 0 : i32
      %sign3A_147 = arith.cmpi slt, %scan3A_116, %sign3A_146 : i32
      %sign3A_148 = arith.extui %sign3A_147 : i1 to i32
      %sign3A_149 = arith.subi %sign3A_145, %sign3A_148 : i32
      %sign3A_150 = arith.constant 0 : i32
      %sign3A_151 = arith.cmpi sgt, %jit3A_143, %sign3A_150 : i32
      %sign3A_152 = arith.extui %sign3A_151 : i1 to i32
      %sign3A_153 = arith.constant 0 : i32
      %sign3A_154 = arith.cmpi slt, %jit3A_143, %sign3A_153 : i32
      %sign3A_155 = arith.extui %sign3A_154 : i1 to i32
      %sign3A_156 = arith.subi %sign3A_152, %sign3A_155 : i32
      %ne3A_157 = arith.cmpi ne, %sign3A_149, %sign3A_156 : i32
      %rem3A_158 = arith.remsi %scan3A_116, %jit3A_143 : i32
      %ne3A_159 = arith.constant 0 : i32
      %ne3A_160 = arith.cmpi ne, %rem3A_158, %ne3A_159 : i32
      %and3A_161 = arith.andi %ne3A_157, %ne3A_160 : i1
      %sub3A = arith.constant 1 : i32
      %sub3A_162 = arith.subi %div3A, %sub3A : i32
      %select_n3A_163 = arith.select %and3A_161, %sub3A_162, %div3A : i32
      %jit3A_164 = arith.constant 2 : i32
      %eq3A_165 = arith.constant 0 : i32
      %eq3A_166 = arith.cmpi eq, %jit3A_164, %eq3A_165 : i32
      %jit3A_167 = arith.constant 1 : i32
      %select_n3A_168 = arith.select %eq3A_166, %jit3A_167, %jit3A_164 : i32
      %rem3A_169 = arith.remsi %select_n3A_163, %select_n3A_168 : i32
      %ne3A_170 = arith.constant 0 : i32
      %ne3A_171 = arith.cmpi ne, %rem3A_169, %ne3A_170 : i32
      %lt3A_172 = arith.constant 0 : i32
      %lt3A_173 = arith.cmpi slt, %rem3A_169, %lt3A_172 : i32
      %lt3A_174 = arith.constant 0 : i32
      %lt3A_175 = arith.cmpi slt, %select_n3A_168, %lt3A_174 : i32
      %ne3A_176 = arith.xori %lt3A_173, %lt3A_175 : i1
      %and3A_177 = arith.andi %ne3A_176, %ne3A_171 : i1
      %add3A_178 = arith.addi %rem3A_169, %select_n3A_168 : i32
      %select_n3A_179 = arith.select %and3A_177, %add3A_178, %rem3A_169 : i32
      %dma_wait3A_180 = arith.constant 0 : i32
      %dma_wait3A_181 = arith.constant 0 : i32
      %dma_wait3A_182 = tpu.memref_slice %arg9[%select_n3A_126, %dma_wait3A_180, %dma_wait3A_181] : memref<5x64x128xf32, #tpu.memory_space<vmem>> -> memref<1x64x128xf32, #tpu.memory_space<vmem>>
      %dma_wait3A_183 = tpu.memref_squeeze %dma_wait3A_182 : memref<1x64x128xf32, #tpu.memory_space<vmem>> -> memref<64x128xf32, #tpu.memory_space<vmem>>
      %dma_wait3A_184 = arith.constant 0 : i32
      %dma_wait3A_185 = arith.constant 0 : i32
      %dma_wait3A_186 = tpu.memref_slice %arg7[%select_n3A_179, %dma_wait3A_184, %dma_wait3A_185] : memref<2x16x64xi32, #tpu.memory_space<vmem>> -> memref<1x16x64xi32, #tpu.memory_space<vmem>>
      %dma_wait3A_187 = tpu.memref_squeeze %dma_wait3A_186 : memref<1x16x64xi32, #tpu.memory_space<vmem>> -> memref<16x64xi32, #tpu.memory_space<vmem>>
      %dma_wait3A_188 = arith.constant 0 : i32
      %dma_wait3A_189 = tpu.memref_slice %dma_wait3A_187[%select_n3A_142, %dma_wait3A_188] : memref<16x64xi32, #tpu.memory_space<vmem>> -> memref<1x64xi32, #tpu.memory_space<vmem>>
      %dma_wait3A_190 = tpu.memref_squeeze %dma_wait3A_189 : memref<1x64xi32, #tpu.memory_space<vmem>> -> memref<64xi32, #tpu.memory_space<vmem>>
      %dma_wait3A_191 = arith.constant 0 : i32
      %dma_wait3A_192 = arith.constant 0 : i32
      %dma_wait3A_193 = tpu.memref_slice %arg2[%dma_wait3A_191, %dma_wait3A_192] : memref<10000x128xf32, #tpu.memory_space<hbm>> -> memref<10000x128xf32, #tpu.memory_space<hbm>>
      %dma_wait3A_194 = tpu.memref_slice %arg10[%select_n3A_126] : memref<5x!tpu.dma_semaphore, #tpu.memory_space<semaphore_mem>> -> memref<1x!tpu.dma_semaphore, #tpu.memory_space<semaphore_mem>>
      %dma_wait3A_195 = tpu.memref_squeeze %dma_wait3A_194 : memref<1x!tpu.dma_semaphore, #tpu.memory_space<semaphore_mem>> -> memref<!tpu.dma_semaphore, #tpu.memory_space<semaphore_mem>>
      tpu.wait_indirect_dma semaphore(%dma_wait3A_195 : memref<!tpu.dma_semaphore, #tpu.memory_space<semaphore_mem>>) src(%dma_wait3A_193 : memref<10000x128xf32, #tpu.memory_space<hbm>>) dst(%dma_wait3A_183 : memref<64x128xf32, #tpu.memory_space<vmem>>)
      %gt3A = arith.constant 0 : i32
      %gt3A_196 = arith.cmpi sgt, %scan3A_116, %gt3A : i32
      %convert_element_type3A_197 = arith.extui %gt3A_196 : i1 to i32
      %cond3A_198 = arith.constant 0 : i32
      %cond3A_199 = arith.cmpi ne, %convert_element_type3A_197, %cond3A_198 : i32
      scf.if %cond3A_199 {
        %sub3A_247 = arith.constant 1 : i32
        %sub3A_248 = arith.subi %scan3A_116, %sub3A_247 : i32
        %jit3A_249 = arith.constant 16 : i32
        %eq3A_250 = arith.constant 0 : i32
        %eq3A_251 = arith.cmpi eq, %jit3A_249, %eq3A_250 : i32
        %jit3A_252 = arith.constant 1 : i32
        %select_n3A_253 = arith.select %eq3A_251, %jit3A_252, %jit3A_249 : i32
        %rem3A_254 = arith.remsi %sub3A_248, %select_n3A_253 : i32
        %ne3A_255 = arith.constant 0 : i32
        %ne3A_256 = arith.cmpi ne, %rem3A_254, %ne3A_255 : i32
        %lt3A_257 = arith.constant 0 : i32
        %lt3A_258 = arith.cmpi slt, %rem3A_254, %lt3A_257 : i32
        %lt3A_259 = arith.constant 0 : i32
        %lt3A_260 = arith.cmpi slt, %select_n3A_253, %lt3A_259 : i32
        %ne3A_261 = arith.xori %lt3A_258, %lt3A_260 : i1
        %and3A_262 = arith.andi %ne3A_261, %ne3A_256 : i1
        %add3A_263 = arith.addi %rem3A_254, %select_n3A_253 : i32
        %select_n3A_264 = arith.select %and3A_262, %add3A_263, %rem3A_254 : i32
        %sub3A_265 = arith.constant 1 : i32
        %sub3A_266 = arith.subi %scan3A_116, %sub3A_265 : i32
        %jit3A_267 = arith.constant 16 : i32
        %div3A_268 = arith.divsi %sub3A_266, %jit3A_267 : i32
        %sign3A_269 = arith.constant 0 : i32
        %sign3A_270 = arith.cmpi sgt, %sub3A_266, %sign3A_269 : i32
        %sign3A_271 = arith.extui %sign3A_270 : i1 to i32
        %sign3A_272 = arith.constant 0 : i32
        %sign3A_273 = arith.cmpi slt, %sub3A_266, %sign3A_272 : i32
        %sign3A_274 = arith.extui %sign3A_273 : i1 to i32
        %sign3A_275 = arith.subi %sign3A_271, %sign3A_274 : i32
        %sign3A_276 = arith.constant 0 : i32
        %sign3A_277 = arith.cmpi sgt, %jit3A_267, %sign3A_276 : i32
        %sign3A_278 = arith.extui %sign3A_277 : i1 to i32
        %sign3A_279 = arith.constant 0 : i32
        %sign3A_280 = arith.cmpi slt, %jit3A_267, %sign3A_279 : i32
        %sign3A_281 = arith.extui %sign3A_280 : i1 to i32
        %sign3A_282 = arith.subi %sign3A_278, %sign3A_281 : i32
        %ne3A_283 = arith.cmpi ne, %sign3A_275, %sign3A_282 : i32
        %rem3A_284 = arith.remsi %sub3A_266, %jit3A_267 : i32
        %ne3A_285 = arith.constant 0 : i32
        %ne3A_286 = arith.cmpi ne, %rem3A_284, %ne3A_285 : i32
        %and3A_287 = arith.andi %ne3A_283, %ne3A_286 : i1
        %sub3A_288 = arith.constant 1 : i32
        %sub3A_289 = arith.subi %div3A_268, %sub3A_288 : i32
        %select_n3A_290 = arith.select %and3A_287, %sub3A_289, %div3A_268 : i32
        %jit3A_291 = arith.constant 2 : i32
        %eq3A_292 = arith.constant 0 : i32
        %eq3A_293 = arith.cmpi eq, %jit3A_291, %eq3A_292 : i32
        %jit3A_294 = arith.constant 1 : i32
        %select_n3A_295 = arith.select %eq3A_293, %jit3A_294, %jit3A_291 : i32
        %rem3A_296 = arith.remsi %select_n3A_290, %select_n3A_295 : i32
        %ne3A_297 = arith.constant 0 : i32
        %ne3A_298 = arith.cmpi ne, %rem3A_296, %ne3A_297 : i32
        %lt3A_299 = arith.constant 0 : i32
        %lt3A_300 = arith.cmpi slt, %rem3A_296, %lt3A_299 : i32
        %lt3A_301 = arith.constant 0 : i32
        %lt3A_302 = arith.cmpi slt, %select_n3A_295, %lt3A_301 : i32
        %ne3A_303 = arith.xori %lt3A_300, %lt3A_302 : i1
        %and3A_304 = arith.andi %ne3A_303, %ne3A_298 : i1
        %add3A_305 = arith.addi %rem3A_296, %select_n3A_295 : i32
        %select_n3A_306 = arith.select %and3A_304, %add3A_305, %rem3A_296 : i32
        %sub3A_307 = arith.constant 1 : i32
        %sub3A_308 = arith.subi %scan3A_116, %sub3A_307 : i32
        %jit3A_309 = arith.constant 5 : i32
        %eq3A_310 = arith.constant 0 : i32
        %eq3A_311 = arith.cmpi eq, %jit3A_309, %eq3A_310 : i32
        %jit3A_312 = arith.constant 1 : i32
        %select_n3A_313 = arith.select %eq3A_311, %jit3A_312, %jit3A_309 : i32
        %rem3A_314 = arith.remsi %sub3A_308, %select_n3A_313 : i32
        %ne3A_315 = arith.constant 0 : i32
        %ne3A_316 = arith.cmpi ne, %rem3A_314, %ne3A_315 : i32
        %lt3A_317 = arith.constant 0 : i32
        %lt3A_318 = arith.cmpi slt, %rem3A_314, %lt3A_317 : i32
        %lt3A_319 = arith.constant 0 : i32
        %lt3A_320 = arith.cmpi slt, %select_n3A_313, %lt3A_319 : i32
        %ne3A_321 = arith.xori %lt3A_318, %lt3A_320 : i1
        %and3A_322 = arith.andi %ne3A_321, %ne3A_316 : i1
        %add3A_323 = arith.addi %rem3A_314, %select_n3A_313 : i32
        %select_n3A_324 = arith.select %and3A_322, %add3A_323, %rem3A_314 : i32
        %dma_wait3A_325 = arith.constant 0 : i32
        %dma_wait3A_326 = arith.constant 0 : i32
        %dma_wait3A_327 = tpu.memref_slice %arg9[%select_n3A_324, %dma_wait3A_325, %dma_wait3A_326] : memref<5x64x128xf32, #tpu.memory_space<vmem>> -> memref<1x64x128xf32, #tpu.memory_space<vmem>>
        %dma_wait3A_328 = tpu.memref_squeeze %dma_wait3A_327 : memref<1x64x128xf32, #tpu.memory_space<vmem>> -> memref<64x128xf32, #tpu.memory_space<vmem>>
        %dma_wait3A_329 = arith.constant 0 : i32
        %dma_wait3A_330 = arith.constant 0 : i32
        %dma_wait3A_331 = tpu.memref_slice %arg8[%select_n3A_306, %dma_wait3A_329, %dma_wait3A_330] : memref<2x16x64xi32, #tpu.memory_space<vmem>> -> memref<1x16x64xi32, #tpu.memory_space<vmem>>
        %dma_wait3A_332 = tpu.memref_squeeze %dma_wait3A_331 : memref<1x16x64xi32, #tpu.memory_space<vmem>> -> memref<16x64xi32, #tpu.memory_space<vmem>>
        %dma_wait3A_333 = arith.constant 0 : i32
        %dma_wait3A_334 = tpu.memref_slice %dma_wait3A_332[%select_n3A_264, %dma_wait3A_333] : memref<16x64xi32, #tpu.memory_space<vmem>> -> memref<1x64xi32, #tpu.memory_space<vmem>>
        %dma_wait3A_335 = tpu.memref_squeeze %dma_wait3A_334 : memref<1x64xi32, #tpu.memory_space<vmem>> -> memref<64xi32, #tpu.memory_space<vmem>>
        %dma_wait3A_336 = arith.constant 0 : i32
        %dma_wait3A_337 = arith.constant 0 : i32
        %dma_wait3A_338 = tpu.memref_slice %arg12[%dma_wait3A_336, %dma_wait3A_337] : memref<10008x128xf32, #tpu.memory_space<vmem_shared>> -> memref<10008x128xf32, #tpu.memory_space<vmem_shared>>
        tpu.wait_indirect_dma semaphore(%arg11 : memref<!tpu.dma_semaphore, #tpu.memory_space<semaphore_mem>>) src(%dma_wait3A_328 : memref<64x128xf32, #tpu.memory_space<vmem>>) dst(%dma_wait3A_338 : memref<10008x128xf32, #tpu.memory_space<vmem_shared>>)
      } else {
      }
      %add3A_200 = arith.constant 5 : i32
      %add3A_201 = arith.addi %scan3A_116, %add3A_200 : i32
      %sub3A_202 = arith.constant 1 : i32
      %sub3A_203 = arith.subi %add3A_201, %sub3A_202 : i32
      %jit3A_204 = arith.constant 16 : i32
      %eq3A_205 = arith.constant 0 : i32
      %eq3A_206 = arith.cmpi eq, %jit3A_204, %eq3A_205 : i32
      %jit3A_207 = arith.constant 1 : i32
      %select_n3A_208 = arith.select %eq3A_206, %jit3A_207, %jit3A_204 : i32
      %rem3A_209 = arith.remsi %sub3A_203, %select_n3A_208 : i32
      %ne3A_210 = arith.constant 0 : i32
      %ne3A_211 = arith.cmpi ne, %rem3A_209, %ne3A_210 : i32
      %lt3A_212 = arith.constant 0 : i32
      %lt3A_213 = arith.cmpi slt, %rem3A_209, %lt3A_212 : i32
      %lt3A_214 = arith.constant 0 : i32
      %lt3A_215 = arith.cmpi slt, %select_n3A_208, %lt3A_214 : i32
      %ne3A_216 = arith.xori %lt3A_213, %lt3A_215 : i1
      %and3A_217 = arith.andi %ne3A_216, %ne3A_211 : i1
      %add3A_218 = arith.addi %rem3A_209, %select_n3A_208 : i32
      %select_n3A_219 = arith.select %and3A_217, %add3A_218, %rem3A_209 : i32
      %eq3A_220 = arith.constant 0 : i32
      %eq3A_221 = arith.cmpi eq, %select_n3A_219, %eq3A_220 : i32
      %lt3A_222 = arith.constant 160 : i32
      %lt3A_223 = arith.cmpi slt, %sub3A_203, %lt3A_222 : i32
      %and3A_224 = arith.andi %eq3A_221, %lt3A_223 : i1
      %convert_element_type3A_225 = arith.extui %and3A_224 : i1 to i32
      %cond3A_226 = arith.constant 0 : i32
      %cond3A_227 = arith.cmpi ne, %convert_element_type3A_225, %cond3A_226 : i32
      scf.if %cond3A_227 {
        %add3A_247 = arith.addi %mul3A_2, %sub3A_203 : i32
        %multiple_of3A = tpu.assume_multiple %add3A_247, 16 : i32
        %jit3A_248 = arith.constant 16 : i32
        %div3A_249 = arith.divsi %sub3A_203, %jit3A_248 : i32
        %sign3A_250 = arith.constant 0 : i32
        %sign3A_251 = arith.cmpi sgt, %sub3A_203, %sign3A_250 : i32
        %sign3A_252 = arith.extui %sign3A_251 : i1 to i32
        %sign3A_253 = arith.constant 0 : i32
        %sign3A_254 = arith.cmpi slt, %sub3A_203, %sign3A_253 : i32
        %sign3A_255 = arith.extui %sign3A_254 : i1 to i32
        %sign3A_256 = arith.subi %sign3A_252, %sign3A_255 : i32
        %sign3A_257 = arith.constant 0 : i32
        %sign3A_258 = arith.cmpi sgt, %jit3A_248, %sign3A_257 : i32
        %sign3A_259 = arith.extui %sign3A_258 : i1 to i32
        %sign3A_260 = arith.constant 0 : i32
        %sign3A_261 = arith.cmpi slt, %jit3A_248, %sign3A_260 : i32
        %sign3A_262 = arith.extui %sign3A_261 : i1 to i32
        %sign3A_263 = arith.subi %sign3A_259, %sign3A_262 : i32
        %ne3A_264 = arith.cmpi ne, %sign3A_256, %sign3A_263 : i32
        %rem3A_265 = arith.remsi %sub3A_203, %jit3A_248 : i32
        %ne3A_266 = arith.constant 0 : i32
        %ne3A_267 = arith.cmpi ne, %rem3A_265, %ne3A_266 : i32
        %and3A_268 = arith.andi %ne3A_264, %ne3A_267 : i1
        %sub3A_269 = arith.constant 1 : i32
        %sub3A_270 = arith.subi %div3A_249, %sub3A_269 : i32
        %select_n3A_271 = arith.select %and3A_268, %sub3A_270, %div3A_249 : i32
        %jit3A_272 = arith.constant 2 : i32
        %eq3A_273 = arith.constant 0 : i32
        %eq3A_274 = arith.cmpi eq, %jit3A_272, %eq3A_273 : i32
        %jit3A_275 = arith.constant 1 : i32
        %select_n3A_276 = arith.select %eq3A_274, %jit3A_275, %jit3A_272 : i32
        %rem3A_277 = arith.remsi %select_n3A_271, %select_n3A_276 : i32
        %ne3A_278 = arith.constant 0 : i32
        %ne3A_279 = arith.cmpi ne, %rem3A_277, %ne3A_278 : i32
        %lt3A_280 = arith.constant 0 : i32
        %lt3A_281 = arith.cmpi slt, %rem3A_277, %lt3A_280 : i32
        %lt3A_282 = arith.constant 0 : i32
        %lt3A_283 = arith.cmpi slt, %select_n3A_276, %lt3A_282 : i32
        %ne3A_284 = arith.xori %lt3A_281, %lt3A_283 : i1
        %and3A_285 = arith.andi %ne3A_284, %ne3A_279 : i1
        %add3A_286 = arith.addi %rem3A_277, %select_n3A_276 : i32
        %select_n3A_287 = arith.select %and3A_285, %add3A_286, %rem3A_277 : i32
        "tpu.region"() ({
          %run_scoped3A_288 = tpu.sem_alloc : memref<!tpu.dma_semaphore, #tpu.memory_space<semaphore_mem>>
          %dma_start3A_289 = arith.constant 0 : i32
          %dma_start3A_290 = arith.constant 0 : i32
          %dma_start3A_291 = tpu.memref_slice %arg7[%select_n3A_287, %dma_start3A_289, %dma_start3A_290] : memref<2x16x64xi32, #tpu.memory_space<vmem>> -> memref<1x16x64xi32, #tpu.memory_space<vmem>>
          %dma_start3A_292 = tpu.memref_squeeze %dma_start3A_291 : memref<1x16x64xi32, #tpu.memory_space<vmem>> -> memref<16x64xi32, #tpu.memory_space<vmem>>
          %dma_start3A_293 = arith.constant 0 : i32
          %dma_start3A_294 = tpu.memref_slice %arg3[%multiple_of3A, %dma_start3A_293] : memref<5120x64xi32, #tpu.memory_space<hbm>> -> memref<16x64xi32, #tpu.memory_space<hbm>>
          %dma_start3A_295 = arith.constant 0 : i32
          %dma_start3A_296 = arith.constant 0 : i32
          %dma_start3A_297 = tpu.memref_slice %arg7[%select_n3A_287, %dma_start3A_295, %dma_start3A_296] : memref<2x16x64xi32, #tpu.memory_space<vmem>> -> memref<1x16x64xi32, #tpu.memory_space<vmem>>
          %dma_start3A_298 = tpu.memref_squeeze %dma_start3A_297 : memref<1x16x64xi32, #tpu.memory_space<vmem>> -> memref<16x64xi32, #tpu.memory_space<vmem>>
          %dma_start3A_299 = arith.constant 0 : i32
          %dma_start3A_300 = tpu.memref_slice %arg3[%multiple_of3A, %dma_start3A_299] : memref<5120x64xi32, #tpu.memory_space<hbm>> -> memref<16x64xi32, #tpu.memory_space<hbm>>
          tpu.enqueue_dma source(%dma_start3A_300 : memref<16x64xi32, #tpu.memory_space<hbm>>) target(%dma_start3A_298 : memref<16x64xi32, #tpu.memory_space<vmem>>) target_semaphore(%run_scoped3A_288 : memref<!tpu.dma_semaphore, #tpu.memory_space<semaphore_mem>>)
          %dma_wait3A_301 = arith.constant 0 : i32
          %dma_wait3A_302 = arith.constant 0 : i32
          %dma_wait3A_303 = tpu.memref_slice %arg7[%select_n3A_287, %dma_wait3A_301, %dma_wait3A_302] : memref<2x16x64xi32, #tpu.memory_space<vmem>> -> memref<1x16x64xi32, #tpu.memory_space<vmem>>
          %dma_wait3A_304 = tpu.memref_squeeze %dma_wait3A_303 : memref<1x16x64xi32, #tpu.memory_space<vmem>> -> memref<16x64xi32, #tpu.memory_space<vmem>>
          %dma_wait3A_305 = arith.constant 0 : i32
          %dma_wait3A_306 = tpu.memref_slice %arg3[%multiple_of3A, %dma_wait3A_305] : memref<5120x64xi32, #tpu.memory_space<hbm>> -> memref<16x64xi32, #tpu.memory_space<hbm>>
          %dma_wait3A_307 = arith.constant 0 : i32
          %dma_wait3A_308 = arith.constant 0 : i32
          %dma_wait3A_309 = tpu.memref_slice %arg7[%select_n3A_287, %dma_wait3A_307, %dma_wait3A_308] : memref<2x16x64xi32, #tpu.memory_space<vmem>> -> memref<1x16x64xi32, #tpu.memory_space<vmem>>
          %dma_wait3A_310 = tpu.memref_squeeze %dma_wait3A_309 : memref<1x16x64xi32, #tpu.memory_space<vmem>> -> memref<16x64xi32, #tpu.memory_space<vmem>>
          %dma_wait3A_311 = arith.constant 0 : i32
          %dma_wait3A_312 = tpu.memref_slice %arg3[%multiple_of3A, %dma_wait3A_311] : memref<5120x64xi32, #tpu.memory_space<hbm>> -> memref<16x64xi32, #tpu.memory_space<hbm>>
          tpu.wait_dma2 semaphore(%run_scoped3A_288 : memref<!tpu.dma_semaphore, #tpu.memory_space<semaphore_mem>>) src(%dma_wait3A_312 : memref<16x64xi32, #tpu.memory_space<hbm>>) dst(%dma_wait3A_310 : memref<16x64xi32, #tpu.memory_space<vmem>>)
          tpu.yield
        }) : () -> ()
        "tpu.region"() ({
          %run_scoped3A_288 = tpu.sem_alloc : memref<!tpu.dma_semaphore, #tpu.memory_space<semaphore_mem>>
          %dma_start3A_289 = arith.constant 0 : i32
          %dma_start3A_290 = arith.constant 0 : i32
          %dma_start3A_291 = tpu.memref_slice %arg8[%select_n3A_287, %dma_start3A_289, %dma_start3A_290] : memref<2x16x64xi32, #tpu.memory_space<vmem>> -> memref<1x16x64xi32, #tpu.memory_space<vmem>>
          %dma_start3A_292 = tpu.memref_squeeze %dma_start3A_291 : memref<1x16x64xi32, #tpu.memory_space<vmem>> -> memref<16x64xi32, #tpu.memory_space<vmem>>
          %dma_start3A_293 = arith.constant 0 : i32
          %dma_start3A_294 = tpu.memref_slice %arg4[%multiple_of3A, %dma_start3A_293] : memref<5120x64xi32, #tpu.memory_space<hbm>> -> memref<16x64xi32, #tpu.memory_space<hbm>>
          %dma_start3A_295 = arith.constant 0 : i32
          %dma_start3A_296 = arith.constant 0 : i32
          %dma_start3A_297 = tpu.memref_slice %arg8[%select_n3A_287, %dma_start3A_295, %dma_start3A_296] : memref<2x16x64xi32, #tpu.memory_space<vmem>> -> memref<1x16x64xi32, #tpu.memory_space<vmem>>
          %dma_start3A_298 = tpu.memref_squeeze %dma_start3A_297 : memref<1x16x64xi32, #tpu.memory_space<vmem>> -> memref<16x64xi32, #tpu.memory_space<vmem>>
          %dma_start3A_299 = arith.constant 0 : i32
          %dma_start3A_300 = tpu.memref_slice %arg4[%multiple_of3A, %dma_start3A_299] : memref<5120x64xi32, #tpu.memory_space<hbm>> -> memref<16x64xi32, #tpu.memory_space<hbm>>
          tpu.enqueue_dma source(%dma_start3A_300 : memref<16x64xi32, #tpu.memory_space<hbm>>) target(%dma_start3A_298 : memref<16x64xi32, #tpu.memory_space<vmem>>) target_semaphore(%run_scoped3A_288 : memref<!tpu.dma_semaphore, #tpu.memory_space<semaphore_mem>>)
          %dma_wait3A_301 = arith.constant 0 : i32
          %dma_wait3A_302 = arith.constant 0 : i32
          %dma_wait3A_303 = tpu.memref_slice %arg8[%select_n3A_287, %dma_wait3A_301, %dma_wait3A_302] : memref<2x16x64xi32, #tpu.memory_space<vmem>> -> memref<1x16x64xi32, #tpu.memory_space<vmem>>
          %dma_wait3A_304 = tpu.memref_squeeze %dma_wait3A_303 : memref<1x16x64xi32, #tpu.memory_space<vmem>> -> memref<16x64xi32, #tpu.memory_space<vmem>>
          %dma_wait3A_305 = arith.constant 0 : i32
          %dma_wait3A_306 = tpu.memref_slice %arg4[%multiple_of3A, %dma_wait3A_305] : memref<5120x64xi32, #tpu.memory_space<hbm>> -> memref<16x64xi32, #tpu.memory_space<hbm>>
          %dma_wait3A_307 = arith.constant 0 : i32
          %dma_wait3A_308 = arith.constant 0 : i32
          %dma_wait3A_309 = tpu.memref_slice %arg8[%select_n3A_287, %dma_wait3A_307, %dma_wait3A_308] : memref<2x16x64xi32, #tpu.memory_space<vmem>> -> memref<1x16x64xi32, #tpu.memory_space<vmem>>
          %dma_wait3A_310 = tpu.memref_squeeze %dma_wait3A_309 : memref<1x16x64xi32, #tpu.memory_space<vmem>> -> memref<16x64xi32, #tpu.memory_space<vmem>>
          %dma_wait3A_311 = arith.constant 0 : i32
          %dma_wait3A_312 = tpu.memref_slice %arg4[%multiple_of3A, %dma_wait3A_311] : memref<5120x64xi32, #tpu.memory_space<hbm>> -> memref<16x64xi32, #tpu.memory_space<hbm>>
          tpu.wait_dma2 semaphore(%run_scoped3A_288 : memref<!tpu.dma_semaphore, #tpu.memory_space<semaphore_mem>>) src(%dma_wait3A_312 : memref<16x64xi32, #tpu.memory_space<hbm>>) dst(%dma_wait3A_310 : memref<16x64xi32, #tpu.memory_space<vmem>>)
          tpu.yield
        }) : () -> ()
      } else {
      }
      %lt3A_228 = arith.constant 160 : i32
      %lt3A_229 = arith.cmpi slt, %sub3A_203, %lt3A_228 : i32
      %convert_element_type3A_230 = arith.extui %lt3A_229 : i1 to i32
      %cond3A_231 = arith.constant 0 : i32
      %cond3A_232 = arith.cmpi ne, %convert_element_type3A_230, %cond3A_231 : i32
      scf.if %cond3A_232 {
        %jit3A_247 = arith.constant 16 : i32
        %eq3A_248 = arith.constant 0 : i32
        %eq3A_249 = arith.cmpi eq, %jit3A_247, %eq3A_248 : i32
        %jit3A_250 = arith.constant 1 : i32
        %select_n3A_251 = arith.select %eq3A_249, %jit3A_250, %jit3A_247 : i32
        %rem3A_252 = arith.remsi %sub3A_203, %select_n3A_251 : i32
        %ne3A_253 = arith.constant 0 : i32
        %ne3A_254 = arith.cmpi ne, %rem3A_252, %ne3A_253 : i32
        %lt3A_255 = arith.constant 0 : i32
        %lt3A_256 = arith.cmpi slt, %rem3A_252, %lt3A_255 : i32
        %lt3A_257 = arith.constant 0 : i32
        %lt3A_258 = arith.cmpi slt, %select_n3A_251, %lt3A_257 : i32
        %ne3A_259 = arith.xori %lt3A_256, %lt3A_258 : i1
        %and3A_260 = arith.andi %ne3A_259, %ne3A_254 : i1
        %add3A_261 = arith.addi %rem3A_252, %select_n3A_251 : i32
        %select_n3A_262 = arith.select %and3A_260, %add3A_261, %rem3A_252 : i32
        %jit3A_263 = arith.constant 16 : i32
        %div3A_264 = arith.divsi %sub3A_203, %jit3A_263 : i32
        %sign3A_265 = arith.constant 0 : i32
        %sign3A_266 = arith.cmpi sgt, %sub3A_203, %sign3A_265 : i32
        %sign3A_267 = arith.extui %sign3A_266 : i1 to i32
        %sign3A_268 = arith.constant 0 : i32
        %sign3A_269 = arith.cmpi slt, %sub3A_203, %sign3A_268 : i32
        %sign3A_270 = arith.extui %sign3A_269 : i1 to i32
        %sign3A_271 = arith.subi %sign3A_267, %sign3A_270 : i32
        %sign3A_272 = arith.constant 0 : i32
        %sign3A_273 = arith.cmpi sgt, %jit3A_263, %sign3A_272 : i32
        %sign3A_274 = arith.extui %sign3A_273 : i1 to i32
        %sign3A_275 = arith.constant 0 : i32
        %sign3A_276 = arith.cmpi slt, %jit3A_263, %sign3A_275 : i32
        %sign3A_277 = arith.extui %sign3A_276 : i1 to i32
        %sign3A_278 = arith.subi %sign3A_274, %sign3A_277 : i32
        %ne3A_279 = arith.cmpi ne, %sign3A_271, %sign3A_278 : i32
        %rem3A_280 = arith.remsi %sub3A_203, %jit3A_263 : i32
        %ne3A_281 = arith.constant 0 : i32
        %ne3A_282 = arith.cmpi ne, %rem3A_280, %ne3A_281 : i32
        %and3A_283 = arith.andi %ne3A_279, %ne3A_282 : i1
        %sub3A_284 = arith.constant 1 : i32
        %sub3A_285 = arith.subi %div3A_264, %sub3A_284 : i32
        %select_n3A_286 = arith.select %and3A_283, %sub3A_285, %div3A_264 : i32
        %jit3A_287 = arith.constant 2 : i32
        %eq3A_288 = arith.constant 0 : i32
        %eq3A_289 = arith.cmpi eq, %jit3A_287, %eq3A_288 : i32
        %jit3A_290 = arith.constant 1 : i32
        %select_n3A_291 = arith.select %eq3A_289, %jit3A_290, %jit3A_287 : i32
        %rem3A_292 = arith.remsi %select_n3A_286, %select_n3A_291 : i32
        %ne3A_293 = arith.constant 0 : i32
        %ne3A_294 = arith.cmpi ne, %rem3A_292, %ne3A_293 : i32
        %lt3A_295 = arith.constant 0 : i32
        %lt3A_296 = arith.cmpi slt, %rem3A_292, %lt3A_295 : i32
        %lt3A_297 = arith.constant 0 : i32
        %lt3A_298 = arith.cmpi slt, %select_n3A_291, %lt3A_297 : i32
        %ne3A_299 = arith.xori %lt3A_296, %lt3A_298 : i1
        %and3A_300 = arith.andi %ne3A_299, %ne3A_294 : i1
        %add3A_301 = arith.addi %rem3A_292, %select_n3A_291 : i32
        %select_n3A_302 = arith.select %and3A_300, %add3A_301, %rem3A_292 : i32
        %jit3A_303 = arith.constant 5 : i32
        %eq3A_304 = arith.constant 0 : i32
        %eq3A_305 = arith.cmpi eq, %jit3A_303, %eq3A_304 : i32
        %jit3A_306 = arith.constant 1 : i32
        %select_n3A_307 = arith.select %eq3A_305, %jit3A_306, %jit3A_303 : i32
        %rem3A_308 = arith.remsi %sub3A_203, %select_n3A_307 : i32
        %ne3A_309 = arith.constant 0 : i32
        %ne3A_310 = arith.cmpi ne, %rem3A_308, %ne3A_309 : i32
        %lt3A_311 = arith.constant 0 : i32
        %lt3A_312 = arith.cmpi slt, %rem3A_308, %lt3A_311 : i32
        %lt3A_313 = arith.constant 0 : i32
        %lt3A_314 = arith.cmpi slt, %select_n3A_307, %lt3A_313 : i32
        %ne3A_315 = arith.xori %lt3A_312, %lt3A_314 : i1
        %and3A_316 = arith.andi %ne3A_315, %ne3A_310 : i1
        %add3A_317 = arith.addi %rem3A_308, %select_n3A_307 : i32
        %select_n3A_318 = arith.select %and3A_316, %add3A_317, %rem3A_308 : i32
        %jit3A_319 = arith.constant 5 : i32
        %eq3A_320 = arith.constant 0 : i32
        %eq3A_321 = arith.cmpi eq, %jit3A_319, %eq3A_320 : i32
        %jit3A_322 = arith.constant 1 : i32
        %select_n3A_323 = arith.select %eq3A_321, %jit3A_322, %jit3A_319 : i32
        %rem3A_324 = arith.remsi %sub3A_203, %select_n3A_323 : i32
        %ne3A_325 = arith.constant 0 : i32
        %ne3A_326 = arith.cmpi ne, %rem3A_324, %ne3A_325 : i32
        %lt3A_327 = arith.constant 0 : i32
        %lt3A_328 = arith.cmpi slt, %rem3A_324, %lt3A_327 : i32
        %lt3A_329 = arith.constant 0 : i32
        %lt3A_330 = arith.cmpi slt, %select_n3A_323, %lt3A_329 : i32
        %ne3A_331 = arith.xori %lt3A_328, %lt3A_330 : i1
        %and3A_332 = arith.andi %ne3A_331, %ne3A_326 : i1
        %add3A_333 = arith.addi %rem3A_324, %select_n3A_323 : i32
        %select_n3A_334 = arith.select %and3A_332, %add3A_333, %rem3A_324 : i32
        %dma_start3A_335 = arith.constant 0 : i32
        %dma_start3A_336 = arith.constant 0 : i32
        %dma_start3A_337 = tpu.memref_slice %arg9[%select_n3A_318, %dma_start3A_335, %dma_start3A_336] : memref<5x64x128xf32, #tpu.memory_space<vmem>> -> memref<1x64x128xf32, #tpu.memory_space<vmem>>
        %dma_start3A_338 = tpu.memref_squeeze %dma_start3A_337 : memref<1x64x128xf32, #tpu.memory_space<vmem>> -> memref<64x128xf32, #tpu.memory_space<vmem>>
        %dma_start3A_339 = arith.constant 0 : i32
        %dma_start3A_340 = arith.constant 0 : i32
        %dma_start3A_341 = tpu.memref_slice %arg7[%select_n3A_302, %dma_start3A_339, %dma_start3A_340] : memref<2x16x64xi32, #tpu.memory_space<vmem>> -> memref<1x16x64xi32, #tpu.memory_space<vmem>>
        %dma_start3A_342 = tpu.memref_squeeze %dma_start3A_341 : memref<1x16x64xi32, #tpu.memory_space<vmem>> -> memref<16x64xi32, #tpu.memory_space<vmem>>
        %dma_start3A_343 = arith.constant 0 : i32
        %dma_start3A_344 = tpu.memref_slice %dma_start3A_342[%select_n3A_262, %dma_start3A_343] : memref<16x64xi32, #tpu.memory_space<vmem>> -> memref<1x64xi32, #tpu.memory_space<vmem>>
        %dma_start3A_345 = tpu.memref_squeeze %dma_start3A_344 : memref<1x64xi32, #tpu.memory_space<vmem>> -> memref<64xi32, #tpu.memory_space<vmem>>
        %dma_start3A_346 = arith.constant 0 : i32
        %dma_start3A_347 = arith.constant 0 : i32
        %dma_start3A_348 = tpu.memref_slice %arg2[%dma_start3A_346, %dma_start3A_347] : memref<10000x128xf32, #tpu.memory_space<hbm>> -> memref<10000x128xf32, #tpu.memory_space<hbm>>
        %dma_start3A_349 = tpu.memref_slice %arg10[%select_n3A_334] : memref<5x!tpu.dma_semaphore, #tpu.memory_space<semaphore_mem>> -> memref<1x!tpu.dma_semaphore, #tpu.memory_space<semaphore_mem>>
        %dma_start3A_350 = tpu.memref_squeeze %dma_start3A_349 : memref<1x!tpu.dma_semaphore, #tpu.memory_space<semaphore_mem>> -> memref<!tpu.dma_semaphore, #tpu.memory_space<semaphore_mem>>
        tpu.enqueue_indirect_dma source(%dma_start3A_348 : memref<10000x128xf32, #tpu.memory_space<hbm>>) target(%dma_start3A_338 : memref<64x128xf32, #tpu.memory_space<vmem>>) offsets(%dma_start3A_345 : memref<64xi32, #tpu.memory_space<vmem>>) semaphore(%dma_start3A_350 : memref<!tpu.dma_semaphore, #tpu.memory_space<semaphore_mem>>)
      } else {
      }
      %dma_start3A_233 = arith.constant 0 : i32
      %dma_start3A_234 = arith.constant 0 : i32
      %dma_start3A_235 = tpu.memref_slice %arg9[%select_n3A_126, %dma_start3A_233, %dma_start3A_234] : memref<5x64x128xf32, #tpu.memory_space<vmem>> -> memref<1x64x128xf32, #tpu.memory_space<vmem>>
      %dma_start3A_236 = tpu.memref_squeeze %dma_start3A_235 : memref<1x64x128xf32, #tpu.memory_space<vmem>> -> memref<64x128xf32, #tpu.memory_space<vmem>>
      %dma_start3A_237 = arith.constant 0 : i32
      %dma_start3A_238 = arith.constant 0 : i32
      %dma_start3A_239 = tpu.memref_slice %arg8[%select_n3A_179, %dma_start3A_237, %dma_start3A_238] : memref<2x16x64xi32, #tpu.memory_space<vmem>> -> memref<1x16x64xi32, #tpu.memory_space<vmem>>
      %dma_start3A_240 = tpu.memref_squeeze %dma_start3A_239 : memref<1x16x64xi32, #tpu.memory_space<vmem>> -> memref<16x64xi32, #tpu.memory_space<vmem>>
      %dma_start3A_241 = arith.constant 0 : i32
      %dma_start3A_242 = tpu.memref_slice %dma_start3A_240[%select_n3A_142, %dma_start3A_241] : memref<16x64xi32, #tpu.memory_space<vmem>> -> memref<1x64xi32, #tpu.memory_space<vmem>>
      %dma_start3A_243 = tpu.memref_squeeze %dma_start3A_242 : memref<1x64xi32, #tpu.memory_space<vmem>> -> memref<64xi32, #tpu.memory_space<vmem>>
      %dma_start3A_244 = arith.constant 0 : i32
      %dma_start3A_245 = arith.constant 0 : i32
      %dma_start3A_246 = tpu.memref_slice %arg12[%dma_start3A_244, %dma_start3A_245] : memref<10008x128xf32, #tpu.memory_space<vmem_shared>> -> memref<10008x128xf32, #tpu.memory_space<vmem_shared>>
      tpu.enqueue_indirect_dma source(%dma_start3A_236 : memref<64x128xf32, #tpu.memory_space<vmem>>) target(%dma_start3A_246 : memref<10008x128xf32, #tpu.memory_space<vmem_shared>>) offsets(%dma_start3A_243 : memref<64xi32, #tpu.memory_space<vmem>>) semaphore(%arg11 : memref<!tpu.dma_semaphore, #tpu.memory_space<semaphore_mem>>) {add = true}
    }
    %scan3A_91 = arith.constant 160 : i32
    %dma_wait3A = arith.constant 4 : i32
    %dma_wait3A_92 = arith.constant 1 : i32
    %dma_wait3A_93 = arith.constant 15 : i32
    %dma_wait3A_94 = arith.constant 0 : i32
    %dma_wait3A_95 = arith.constant 0 : i32
    %dma_wait3A_96 = tpu.memref_slice %arg9[%dma_wait3A, %dma_wait3A_94, %dma_wait3A_95] : memref<5x64x128xf32, #tpu.memory_space<vmem>> -> memref<1x64x128xf32, #tpu.memory_space<vmem>>
    %dma_wait3A_97 = tpu.memref_squeeze %dma_wait3A_96 : memref<1x64x128xf32, #tpu.memory_space<vmem>> -> memref<64x128xf32, #tpu.memory_space<vmem>>
    %dma_wait3A_98 = arith.constant 0 : i32
    %dma_wait3A_99 = arith.constant 0 : i32
    %dma_wait3A_100 = tpu.memref_slice %arg8[%dma_wait3A_92, %dma_wait3A_98, %dma_wait3A_99] : memref<2x16x64xi32, #tpu.memory_space<vmem>> -> memref<1x16x64xi32, #tpu.memory_space<vmem>>
    %dma_wait3A_101 = tpu.memref_squeeze %dma_wait3A_100 : memref<1x16x64xi32, #tpu.memory_space<vmem>> -> memref<16x64xi32, #tpu.memory_space<vmem>>
    %dma_wait3A_102 = arith.constant 0 : i32
    %dma_wait3A_103 = tpu.memref_slice %dma_wait3A_101[%dma_wait3A_93, %dma_wait3A_102] : memref<16x64xi32, #tpu.memory_space<vmem>> -> memref<1x64xi32, #tpu.memory_space<vmem>>
    %dma_wait3A_104 = tpu.memref_squeeze %dma_wait3A_103 : memref<1x64xi32, #tpu.memory_space<vmem>> -> memref<64xi32, #tpu.memory_space<vmem>>
    %dma_wait3A_105 = arith.constant 0 : i32
    %dma_wait3A_106 = arith.constant 0 : i32
    %dma_wait3A_107 = tpu.memref_slice %arg12[%dma_wait3A_105, %dma_wait3A_106] : memref<10008x128xf32, #tpu.memory_space<vmem_shared>> -> memref<10008x128xf32, #tpu.memory_space<vmem_shared>>
    tpu.wait_indirect_dma semaphore(%arg11 : memref<!tpu.dma_semaphore, #tpu.memory_space<semaphore_mem>>) src(%dma_wait3A_97 : memref<64x128xf32, #tpu.memory_space<vmem>>) dst(%dma_wait3A_107 : memref<10008x128xf32, #tpu.memory_space<vmem_shared>>)
    %barrier3A_108 = arith.constant 0 : index
    tpu.barrier barrier_id(%barrier3A_108)
    %mul3A_109 = arith.constant 624 : i32
    %mul3A_110 = arith.muli %arg1, %mul3A_109 : i32
    "tpu.region"() ({
      %run_scoped3A_116 = tpu.sem_alloc : memref<!tpu.dma_semaphore, #tpu.memory_space<semaphore_mem>>
      %dma_start3A_117 = arith.constant 0 : i32
      %dma_start3A_118 = arith.constant 0 : i32
      %dma_start3A_119 = tpu.memref_slice %arg6[%arg0, %dma_start3A_117, %dma_start3A_118] : memref<2x10000x128xf32, #tpu.memory_space<hbm>> -> memref<1x10000x128xf32, #tpu.memory_space<hbm>>
      %dma_start3A_120 = tpu.memref_squeeze %dma_start3A_119 : memref<1x10000x128xf32, #tpu.memory_space<hbm>> -> memref<10000x128xf32, #tpu.memory_space<hbm>>
      %dma_start3A_121 = arith.constant 0 : i32
      %dma_start3A_122 = tpu.memref_slice %dma_start3A_120[%mul3A_110, %dma_start3A_121] : memref<10000x128xf32, #tpu.memory_space<hbm>> -> memref<624x128xf32, #tpu.memory_space<hbm>>
      %dma_start3A_123 = arith.constant 0 : i32
      %dma_start3A_124 = tpu.memref_slice %arg12[%mul3A_110, %dma_start3A_123] : memref<10008x128xf32, #tpu.memory_space<vmem_shared>> -> memref<624x128xf32, #tpu.memory_space<vmem_shared>>
      tpu.enqueue_dma source(%dma_start3A_124 : memref<624x128xf32, #tpu.memory_space<vmem_shared>>) target(%dma_start3A_122 : memref<624x128xf32, #tpu.memory_space<hbm>>) target_semaphore(%run_scoped3A_116 : memref<!tpu.dma_semaphore, #tpu.memory_space<semaphore_mem>>)
      %dma_wait3A_125 = arith.constant 0 : i32
      %dma_wait3A_126 = arith.constant 0 : i32
      %dma_wait3A_127 = tpu.memref_slice %arg6[%arg0, %dma_wait3A_125, %dma_wait3A_126] : memref<2x10000x128xf32, #tpu.memory_space<hbm>> -> memref<1x10000x128xf32, #tpu.memory_space<hbm>>
      %dma_wait3A_128 = tpu.memref_squeeze %dma_wait3A_127 : memref<1x10000x128xf32, #tpu.memory_space<hbm>> -> memref<10000x128xf32, #tpu.memory_space<hbm>>
      %dma_wait3A_129 = arith.constant 0 : i32
      %dma_wait3A_130 = tpu.memref_slice %dma_wait3A_128[%mul3A_110, %dma_wait3A_129] : memref<10000x128xf32, #tpu.memory_space<hbm>> -> memref<624x128xf32, #tpu.memory_space<hbm>>
      %dma_wait3A_131 = arith.constant 0 : i32
      %dma_wait3A_132 = tpu.memref_slice %arg12[%mul3A_110, %dma_wait3A_131] : memref<10008x128xf32, #tpu.memory_space<vmem_shared>> -> memref<624x128xf32, #tpu.memory_space<vmem_shared>>
      tpu.wait_dma2 semaphore(%run_scoped3A_116 : memref<!tpu.dma_semaphore, #tpu.memory_space<semaphore_mem>>) src(%dma_wait3A_132 : memref<624x128xf32, #tpu.memory_space<vmem_shared>>) dst(%dma_wait3A_130 : memref<624x128xf32, #tpu.memory_space<hbm>>)
      tpu.yield
    }) : () -> ()
    %eq3A_111 = arith.constant 15 : i32
    %eq3A_112 = arith.cmpi eq, %arg1, %eq3A_111 : i32
    %convert_element_type3A_113 = arith.extui %eq3A_112 : i1 to i32
    %cond3A_114 = arith.constant 0 : i32
    %cond3A_115 = arith.cmpi ne, %convert_element_type3A_113, %cond3A_114 : i32
    scf.if %cond3A_115 {
      "tpu.region"() ({
        %run_scoped3A_116 = tpu.sem_alloc : memref<!tpu.dma_semaphore, #tpu.memory_space<semaphore_mem>>
        %dma_start3A_117 = arith.constant 0 : i32
        %dma_start3A_118 = arith.constant 0 : i32
        %dma_start3A_119 = tpu.memref_slice %arg6[%arg0, %dma_start3A_117, %dma_start3A_118] : memref<2x10000x128xf32, #tpu.memory_space<hbm>> -> memref<1x10000x128xf32, #tpu.memory_space<hbm>>
        %dma_start3A_120 = tpu.memref_squeeze %dma_start3A_119 : memref<1x10000x128xf32, #tpu.memory_space<hbm>> -> memref<10000x128xf32, #tpu.memory_space<hbm>>
        %dma_start3A_121 = arith.constant 9984 : i32
        %dma_start3A_122 = arith.constant 0 : i32
        %dma_start3A_123 = tpu.memref_slice %dma_start3A_120[%dma_start3A_121, %dma_start3A_122] : memref<10000x128xf32, #tpu.memory_space<hbm>> -> memref<16x128xf32, #tpu.memory_space<hbm>>
        %dma_start3A_124 = arith.constant 9984 : i32
        %dma_start3A_125 = arith.constant 0 : i32
        %dma_start3A_126 = tpu.memref_slice %arg12[%dma_start3A_124, %dma_start3A_125] : memref<10008x128xf32, #tpu.memory_space<vmem_shared>> -> memref<16x128xf32, #tpu.memory_space<vmem_shared>>
        tpu.enqueue_dma source(%dma_start3A_126 : memref<16x128xf32, #tpu.memory_space<vmem_shared>>) target(%dma_start3A_123 : memref<16x128xf32, #tpu.memory_space<hbm>>) target_semaphore(%run_scoped3A_116 : memref<!tpu.dma_semaphore, #tpu.memory_space<semaphore_mem>>)
        %dma_wait3A_127 = arith.constant 0 : i32
        %dma_wait3A_128 = arith.constant 0 : i32
        %dma_wait3A_129 = tpu.memref_slice %arg6[%arg0, %dma_wait3A_127, %dma_wait3A_128] : memref<2x10000x128xf32, #tpu.memory_space<hbm>> -> memref<1x10000x128xf32, #tpu.memory_space<hbm>>
        %dma_wait3A_130 = tpu.memref_squeeze %dma_wait3A_129 : memref<1x10000x128xf32, #tpu.memory_space<hbm>> -> memref<10000x128xf32, #tpu.memory_space<hbm>>
        %dma_wait3A_131 = arith.constant 9984 : i32
        %dma_wait3A_132 = arith.constant 0 : i32
        %dma_wait3A_133 = tpu.memref_slice %dma_wait3A_130[%dma_wait3A_131, %dma_wait3A_132] : memref<10000x128xf32, #tpu.memory_space<hbm>> -> memref<16x128xf32, #tpu.memory_space<hbm>>
        %dma_wait3A_134 = arith.constant 9984 : i32
        %dma_wait3A_135 = arith.constant 0 : i32
        %dma_wait3A_136 = tpu.memref_slice %arg12[%dma_wait3A_134, %dma_wait3A_135] : memref<10008x128xf32, #tpu.memory_space<vmem_shared>> -> memref<16x128xf32, #tpu.memory_space<vmem_shared>>
        tpu.wait_dma2 semaphore(%run_scoped3A_116 : memref<!tpu.dma_semaphore, #tpu.memory_space<semaphore_mem>>) src(%dma_wait3A_136 : memref<16x128xf32, #tpu.memory_space<vmem_shared>>) dst(%dma_wait3A_133 : memref<16x128xf32, #tpu.memory_space<hbm>>)
        tpu.yield
      }) : () -> ()
    } else {
    }
    return
  }
}

module attributes {stable_mosaic.version = 14 : i64} {
  func.func @_linear_body(%arg0: i32, %arg1: memref<1000x128xf32, #tpu.memory_space<vmem>>, %arg2: memref<1000x128xf32, #tpu.memory_space<vmem>>, %arg3: memref<1000x128xf32, #tpu.memory_space<vmem>>, %arg4: memref<1000x128xf32, #tpu.memory_space<vmem>>, %arg5: memref<1000x128xf32, #tpu.memory_space<vmem>>, %arg6: memref<128x128xf32, #tpu.memory_space<vmem>>, %arg7: memref<128x128xf32, #tpu.memory_space<vmem>>, %arg8: memref<1x128xf32, #tpu.memory_space<vmem>>, %arg9: memref<1000x128xf32, #tpu.memory_space<vmem>>) attributes {dimension_semantics = [#tpu.dimension_semantics<arbitrary>], iteration_bounds = array<i64: 10>, scalar_prefetch = 0 : i64, scratch_operands = 0 : i64, tpu.core_type = #tpu.core_type<tc>, window_params = [{transform_indices = @transform_0, window_bounds = array<i64: 1000, 128>}, {transform_indices = @transform_1, window_bounds = array<i64: 1000, 128>}, {transform_indices = @transform_2, window_bounds = array<i64: 1000, 128>}, {transform_indices = @transform_3, window_bounds = array<i64: 1000, 128>}, {transform_indices = @transform_4, window_bounds = array<i64: 1000, 128>}, {pipeline_mode = #tpu.pipeline_mode<synchronous>, transform_indices = @transform_5, window_bounds = array<i64: 128, 128>}, {pipeline_mode = #tpu.pipeline_mode<synchronous>, transform_indices = @transform_6, window_bounds = array<i64: 128, 128>}, {pipeline_mode = #tpu.pipeline_mode<synchronous>, transform_indices = @transform_7, window_bounds = array<i64: 1, 128>}, {transform_indices = @transform_8, window_bounds = array<i64: 1000, 128>}]} {
    %get3A = arith.constant 0 : index
    %get3A_0 = arith.constant 0 : index
    %get3A_1 = vector.load %arg4[%get3A, %get3A_0] : memref<1000x128xf32, #tpu.memory_space<vmem>>, vector<1000x1xf32>
    %get3A_2 = arith.constant 0 : index
    %get3A_3 = arith.constant 0 : index
    %get3A_4 = vector.load %arg5[%get3A_2, %get3A_3] : memref<1000x128xf32, #tpu.memory_space<vmem>>, vector<1000x1xf32>
    %add3A = arith.addf %get3A_1, %get3A_4 : vector<1000x1xf32>
    %gt3A = arith.constant 0.000000e+00 : f32
    %gt3A_5 = vector.broadcast %gt3A : f32 to vector<1000x1xf32>
    %gt3A_6 = arith.cmpf ogt, %add3A, %gt3A_5 : vector<1000x1xf32>
    %jit3A = arith.constant 1.000000e+00 : f32
    %broadcast_in_dim3A = vector.broadcast %jit3A : f32 to vector<1000x1xf32>
    %select_n3A = arith.select %gt3A_6, %add3A, %broadcast_in_dim3A : vector<1000x1xi1>, vector<1000x1xf32>
    %gt3A_7 = arith.constant 0.000000e+00 : f32
    %gt3A_8 = vector.broadcast %gt3A_7 : f32 to vector<1000x1xf32>
    %gt3A_9 = arith.cmpf ogt, %add3A, %gt3A_8 : vector<1000x1xf32>
    %div3A = arith.constant 1.000000e+00 : f32
    %div3A_10 = vector.broadcast %div3A : f32 to vector<1000x1xf32>
    %div3A_11 = arith.divf %div3A_10, %select_n3A : vector<1000x1xf32>
    %jit3A_12 = arith.constant 0.000000e+00 : f32
    %broadcast_in_dim3A_13 = vector.broadcast %jit3A_12 : f32 to vector<1000x1xf32>
    %select_n3A_14 = arith.select %gt3A_9, %div3A_11, %broadcast_in_dim3A_13 : vector<1000x1xi1>, vector<1000x1xf32>
    %get3A_15 = arith.constant 0 : index
    %get3A_16 = arith.constant 0 : index
    %get3A_17 = vector.load %arg2[%get3A_15, %get3A_16] : memref<1000x128xf32, #tpu.memory_space<vmem>>, vector<1000x128xf32>
    %get3A_18 = arith.constant 0 : index
    %get3A_19 = arith.constant 0 : index
    %get3A_20 = vector.load %arg3[%get3A_18, %get3A_19] : memref<1000x128xf32, #tpu.memory_space<vmem>>, vector<1000x128xf32>
    %add3A_21 = arith.addf %get3A_17, %get3A_20 : vector<1000x128xf32>
    %mul3A = vector.broadcast %select_n3A_14 : vector<1000x1xf32> to vector<1000x128xf32>
    %mul3A_22 = arith.mulf %add3A_21, %mul3A : vector<1000x128xf32>
    %get3A_23 = arith.constant 0 : index
    %get3A_24 = arith.constant 0 : index
    %get3A_25 = vector.load %arg1[%get3A_23, %get3A_24] : memref<1000x128xf32, #tpu.memory_space<vmem>>, vector<1000x128xf32>
    %get3A_26 = arith.constant 0 : index
    %get3A_27 = arith.constant 0 : index
    %get3A_28 = vector.load %arg6[%get3A_26, %get3A_27] : memref<128x128xf32, #tpu.memory_space<vmem>>, vector<128x128xf32>
    %dot_general3A = arith.constant dense<0.000000e+00> : vector<1000x128xf32>
    %dot_general3A_29 = tpu.matmul %get3A_25, %get3A_28, %dot_general3A {dimension_numbers = #tpu.dot_dimension_numbers<[1], [0], [0], [1], [0, 0, 1, 1], [], []>, transpose_lhs_hint = false} : vector<1000x128xf32>, vector<128x128xf32>, vector<1000x128xf32> -> vector<1000x128xf32>
    %get3A_30 = arith.constant 0 : index
    %get3A_31 = arith.constant 0 : index
    %get3A_32 = vector.load %arg7[%get3A_30, %get3A_31] : memref<128x128xf32, #tpu.memory_space<vmem>>, vector<128x128xf32>
    %dot_general3A_33 = arith.constant dense<0.000000e+00> : vector<1000x128xf32>
    %dot_general3A_34 = tpu.matmul %mul3A_22, %get3A_32, %dot_general3A_33 {dimension_numbers = #tpu.dot_dimension_numbers<[1], [0], [0], [1], [0, 0, 1, 1], [], []>, transpose_lhs_hint = false} : vector<1000x128xf32>, vector<128x128xf32>, vector<1000x128xf32> -> vector<1000x128xf32>
    %add3A_35 = arith.addf %dot_general3A_29, %dot_general3A_34 : vector<1000x128xf32>
    %get3A_36 = arith.constant 0 : index
    %get3A_37 = arith.constant 0 : index
    %get3A_38 = vector.load %arg8[%get3A_36, %get3A_37] : memref<1x128xf32, #tpu.memory_space<vmem>>, vector<1x128xf32>
    %add3A_39 = vector.broadcast %get3A_38 : vector<1x128xf32> to vector<1000x128xf32>
    %add3A_40 = arith.addf %add3A_35, %add3A_39 : vector<1000x128xf32>
    %max3A = arith.constant 0.000000e+00 : f32
    %max3A_41 = vector.broadcast %max3A : f32 to vector<1000x128xf32>
    %max3A_42 = arith.maximumf %add3A_40, %max3A_41 : vector<1000x128xf32>
    %swap3A = arith.constant 0 : index
    %swap3A_43 = arith.constant 0 : index
    %swap3A_44 = vector.load %arg9[%swap3A, %swap3A_43] : memref<1000x128xf32, #tpu.memory_space<vmem>>, vector<1000x128xf32>
    tpu.vector_store %arg9[%swap3A, %swap3A_43], %max3A_42 {strides = array<i32>} : memref<1000x128xf32, #tpu.memory_space<vmem>>, vector<1000x128xf32>,
    return
  }
  func.func @transform_0(%arg0: i32) -> (i32, i32) {
    %c0_i32 = arith.constant 0 : i32
    %c0_i32_0 = arith.constant 0 : i32
    return %arg0, %c0_i32 : i32, i32
  }
  func.func @transform_1(%arg0: i32) -> (i32, i32) {
    %c0_i32 = arith.constant 0 : i32
    %c0_i32_0 = arith.constant 0 : i32
    return %arg0, %c0_i32 : i32, i32
  }
  func.func @transform_2(%arg0: i32) -> (i32, i32) {
    %c0_i32 = arith.constant 0 : i32
    %c0_i32_0 = arith.constant 0 : i32
    return %arg0, %c0_i32 : i32, i32
  }
  func.func @transform_3(%arg0: i32) -> (i32, i32) {
    %c0_i32 = arith.constant 0 : i32
    %c0_i32_0 = arith.constant 0 : i32
    return %arg0, %c0_i32 : i32, i32
  }
  func.func @transform_4(%arg0: i32) -> (i32, i32) {
    %c0_i32 = arith.constant 0 : i32
    %c0_i32_0 = arith.constant 0 : i32
    return %arg0, %c0_i32 : i32, i32
  }
  func.func @transform_5(%arg0: i32) -> (i32, i32) {
    %c0_i32 = arith.constant 0 : i32
    %c0_i32_0 = arith.constant 0 : i32
    %c0_i32_1 = arith.constant 0 : i32
    return %c0_i32, %c0_i32_0 : i32, i32
  }
  func.func @transform_6(%arg0: i32) -> (i32, i32) {
    %c0_i32 = arith.constant 0 : i32
    %c0_i32_0 = arith.constant 0 : i32
    %c0_i32_1 = arith.constant 0 : i32
    return %c0_i32, %c0_i32_0 : i32, i32
  }
  func.func @transform_7(%arg0: i32) -> (i32, i32) {
    %c0_i32 = arith.constant 0 : i32
    %c0_i32_0 = arith.constant 0 : i32
    %c0_i32_1 = arith.constant 0 : i32
    return %c0_i32, %c0_i32_0 : i32, i32
  }
  func.func @transform_8(%arg0: i32) -> (i32, i32) {
    %c0_i32 = arith.constant 0 : i32
    %c0_i32_0 = arith.constant 0 : i32
    return %arg0, %c0_i32 : i32, i32
  }
}

module attributes {stable_mosaic.version = 14 : i64} {
  func.func @_linear_body(%arg0: i32, %arg1: memref<1000x128xf32, #tpu.memory_space<vmem>>, %arg2: memref<1000x128xf32, #tpu.memory_space<vmem>>, %arg3: memref<1000x128xf32, #tpu.memory_space<vmem>>, %arg4: memref<1000x128xf32, #tpu.memory_space<vmem>>, %arg5: memref<1000x128xf32, #tpu.memory_space<vmem>>, %arg6: memref<128x128xf32, #tpu.memory_space<vmem>>, %arg7: memref<128x128xf32, #tpu.memory_space<vmem>>, %arg8: memref<1x128xf32, #tpu.memory_space<vmem>>, %arg9: memref<1000x128xf32, #tpu.memory_space<vmem>>) attributes {dimension_semantics = [#tpu.dimension_semantics<arbitrary>], iteration_bounds = array<i64: 10>, scalar_prefetch = 0 : i64, scratch_operands = 0 : i64, tpu.core_type = #tpu.core_type<tc>, window_params = [{transform_indices = @transform_0, window_bounds = array<i64: 1000, 128>}, {transform_indices = @transform_1, window_bounds = array<i64: 1000, 128>}, {transform_indices = @transform_2, window_bounds = array<i64: 1000, 128>}, {transform_indices = @transform_3, window_bounds = array<i64: 1000, 128>}, {transform_indices = @transform_4, window_bounds = array<i64: 1000, 128>}, {pipeline_mode = #tpu.pipeline_mode<synchronous>, transform_indices = @transform_5, window_bounds = array<i64: 128, 128>}, {pipeline_mode = #tpu.pipeline_mode<synchronous>, transform_indices = @transform_6, window_bounds = array<i64: 128, 128>}, {pipeline_mode = #tpu.pipeline_mode<synchronous>, transform_indices = @transform_7, window_bounds = array<i64: 1, 128>}, {transform_indices = @transform_8, window_bounds = array<i64: 1000, 128>}]} {
    %get3A = arith.constant 0 : index
    %get3A_0 = arith.constant 0 : index
    %get3A_1 = vector.load %arg4[%get3A, %get3A_0] : memref<1000x128xf32, #tpu.memory_space<vmem>>, vector<1000x1xf32>
    %get3A_2 = arith.constant 0 : index
    %get3A_3 = arith.constant 0 : index
    %get3A_4 = vector.load %arg5[%get3A_2, %get3A_3] : memref<1000x128xf32, #tpu.memory_space<vmem>>, vector<1000x1xf32>
    %add3A = arith.addf %get3A_1, %get3A_4 : vector<1000x1xf32>
    %gt3A = arith.constant 0.000000e+00 : f32
    %gt3A_5 = vector.broadcast %gt3A : f32 to vector<1000x1xf32>
    %gt3A_6 = arith.cmpf ogt, %add3A, %gt3A_5 : vector<1000x1xf32>
    %jit3A = arith.constant 1.000000e+00 : f32
    %broadcast_in_dim3A = vector.broadcast %jit3A : f32 to vector<1000x1xf32>
    %select_n3A = arith.select %gt3A_6, %add3A, %broadcast_in_dim3A : vector<1000x1xi1>, vector<1000x1xf32>
    %gt3A_7 = arith.constant 0.000000e+00 : f32
    %gt3A_8 = vector.broadcast %gt3A_7 : f32 to vector<1000x1xf32>
    %gt3A_9 = arith.cmpf ogt, %add3A, %gt3A_8 : vector<1000x1xf32>
    %div3A = arith.constant 1.000000e+00 : f32
    %div3A_10 = vector.broadcast %div3A : f32 to vector<1000x1xf32>
    %div3A_11 = arith.divf %div3A_10, %select_n3A : vector<1000x1xf32>
    %jit3A_12 = arith.constant 0.000000e+00 : f32
    %broadcast_in_dim3A_13 = vector.broadcast %jit3A_12 : f32 to vector<1000x1xf32>
    %select_n3A_14 = arith.select %gt3A_9, %div3A_11, %broadcast_in_dim3A_13 : vector<1000x1xi1>, vector<1000x1xf32>
    %get3A_15 = arith.constant 0 : index
    %get3A_16 = arith.constant 0 : index
    %get3A_17 = vector.load %arg2[%get3A_15, %get3A_16] : memref<1000x128xf32, #tpu.memory_space<vmem>>, vector<1000x128xf32>
    %get3A_18 = arith.constant 0 : index
    %get3A_19 = arith.constant 0 : index
    %get3A_20 = vector.load %arg3[%get3A_18, %get3A_19] : memref<1000x128xf32, #tpu.memory_space<vmem>>, vector<1000x128xf32>
    %add3A_21 = arith.addf %get3A_17, %get3A_20 : vector<1000x128xf32>
    %mul3A = vector.broadcast %select_n3A_14 : vector<1000x1xf32> to vector<1000x128xf32>
    %mul3A_22 = arith.mulf %add3A_21, %mul3A : vector<1000x128xf32>
    %get3A_23 = arith.constant 0 : index
    %get3A_24 = arith.constant 0 : index
    %get3A_25 = vector.load %arg1[%get3A_23, %get3A_24] : memref<1000x128xf32, #tpu.memory_space<vmem>>, vector<1000x128xf32>
    %get3A_26 = arith.constant 0 : index
    %get3A_27 = arith.constant 0 : index
    %get3A_28 = vector.load %arg6[%get3A_26, %get3A_27] : memref<128x128xf32, #tpu.memory_space<vmem>>, vector<128x128xf32>
    %dot_general3A = arith.constant dense<0.000000e+00> : vector<1000x128xf32>
    %dot_general3A_29 = tpu.matmul %get3A_25, %get3A_28, %dot_general3A {dimension_numbers = #tpu.dot_dimension_numbers<[1], [0], [0], [1], [0, 0, 1, 1], [], []>, transpose_lhs_hint = false} : vector<1000x128xf32>, vector<128x128xf32>, vector<1000x128xf32> -> vector<1000x128xf32>
    %get3A_30 = arith.constant 0 : index
    %get3A_31 = arith.constant 0 : index
    %get3A_32 = vector.load %arg7[%get3A_30, %get3A_31] : memref<128x128xf32, #tpu.memory_space<vmem>>, vector<128x128xf32>
    %dot_general3A_33 = arith.constant dense<0.000000e+00> : vector<1000x128xf32>
    %dot_general3A_34 = tpu.matmul %mul3A_22, %get3A_32, %dot_general3A_33 {dimension_numbers = #tpu.dot_dimension_numbers<[1], [0], [0], [1], [0, 0, 1, 1], [], []>, transpose_lhs_hint = false} : vector<1000x128xf32>, vector<128x128xf32>, vector<1000x128xf32> -> vector<1000x128xf32>
    %add3A_35 = arith.addf %dot_general3A_29, %dot_general3A_34 : vector<1000x128xf32>
    %get3A_36 = arith.constant 0 : index
    %get3A_37 = arith.constant 0 : index
    %get3A_38 = vector.load %arg8[%get3A_36, %get3A_37] : memref<1x128xf32, #tpu.memory_space<vmem>>, vector<1x128xf32>
    %add3A_39 = vector.broadcast %get3A_38 : vector<1x128xf32> to vector<1000x128xf32>
    %add3A_40 = arith.addf %add3A_35, %add3A_39 : vector<1000x128xf32>
    %swap3A = arith.constant 0 : index
    %swap3A_41 = arith.constant 0 : index
    %swap3A_42 = vector.load %arg9[%swap3A, %swap3A_41] : memref<1000x128xf32, #tpu.memory_space<vmem>>, vector<1000x128xf32>
    tpu.vector_store %arg9[%swap3A, %swap3A_41], %add3A_40 {strides = array<i32>} : memref<1000x128xf32, #tpu.memory_space<vmem>>, vector<1000x128xf32>,
    return
  }
  func.func @transform_0(%arg0: i32) -> (i32, i32) {
    %c0_i32 = arith.constant 0 : i32
    %c0_i32_0 = arith.constant 0 : i32
    return %arg0, %c0_i32 : i32, i32
  }
  func.func @transform_1(%arg0: i32) -> (i32, i32) {
    %c0_i32 = arith.constant 0 : i32
    %c0_i32_0 = arith.constant 0 : i32
    return %arg0, %c0_i32 : i32, i32
  }
  func.func @transform_2(%arg0: i32) -> (i32, i32) {
    %c0_i32 = arith.constant 0 : i32
    %c0_i32_0 = arith.constant 0 : i32
    return %arg0, %c0_i32 : i32, i32
  }
  func.func @transform_3(%arg0: i32) -> (i32, i32) {
    %c0_i32 = arith.constant 0 : i32
    %c0_i32_0 = arith.constant 0 : i32
    return %arg0, %c0_i32 : i32, i32
  }
  func.func @transform_4(%arg0: i32) -> (i32, i32) {
    %c0_i32 = arith.constant 0 : i32
    %c0_i32_0 = arith.constant 0 : i32
    return %arg0, %c0_i32 : i32, i32
  }
  func.func @transform_5(%arg0: i32) -> (i32, i32) {
    %c0_i32 = arith.constant 0 : i32
    %c0_i32_0 = arith.constant 0 : i32
    %c0_i32_1 = arith.constant 0 : i32
    return %c0_i32, %c0_i32_0 : i32, i32
  }
  func.func @transform_6(%arg0: i32) -> (i32, i32) {
    %c0_i32 = arith.constant 0 : i32
    %c0_i32_0 = arith.constant 0 : i32
    %c0_i32_1 = arith.constant 0 : i32
    return %c0_i32, %c0_i32_0 : i32, i32
  }
  func.func @transform_7(%arg0: i32) -> (i32, i32) {
    %c0_i32 = arith.constant 0 : i32
    %c0_i32_0 = arith.constant 0 : i32
    %c0_i32_1 = arith.constant 0 : i32
    return %c0_i32, %c0_i32_0 : i32, i32
  }
  func.func @transform_8(%arg0: i32) -> (i32, i32) {
    %c0_i32 = arith.constant 0 : i32
    %c0_i32_0 = arith.constant 0 : i32
    return %arg0, %c0_i32 : i32, i32
  }
}

</mosaic_0001>

<sc_bundles>
// kernel: kernel.12.cloned.1.call-start
scs
__scs_entry_jumppad:
0x0: {  	(pc) =	sbr.rel $0x88, $3  }
0x1: {  	(tag) =	ssettag $0x0;
	lr =	simm.s32 $0x1  }
0x2: {  	[smem:$0x3F99] =	sst lr;
	_ =	strace $0xD0000000  }
0x3: {  	_ = 	snop  }
0x4: {  	_ = 	snop  }
0x5: {  	_ = 	snop  }
0x6: {  	_ = 	snop  }
0x7: {  	_ = 	snop  }
__scs_overlays_trampoline_lowered:
0x8: {  	[smem:$0x3FA8] =	sst s0  }
0x9: {  	[smem:$0x3FA9] =	sst s1  }
0xa: {  	[smem:$0x3FAA] =	sst s2  }
0xb: {  	[smem:$0x3FAB] =	sst s3  }
0xc: {  	[smem:$0x3FAC] =	sst s4  }
0xd: {  	[smem:$0x3FAD] =	sst s5  }
0xe: {  	[smem:$0x3FAE] =	sst s6  }
0xf: {  	[smem:$0x3FAF] =	sst s7  }
0x10: {  	[smem:$0x3FB0] =	sst s8  }
0x11: {  	[smem:$0x3FB1] =	sst s9;
	s0 =	simm.s32 @!p0 $0x0  }
0x12: {  	s1 =	sld [smem:$0x3F97];
	s0 =	simm.s32 @p0 $0x1  }
0x13: {  	[smem:$0x3FB2] =	sst s0;
	s0 =	simm.s32 @!p1 $0x0  }
0x14: {  	s2 =	sld [smem:$0x3F96];
	s0 =	simm.s32 @p1 $0x1  }
0x15: {  	[smem:$0x3FB3] =	sst s0;
	s0 =	simm.s32 @!p2 $0x0  }
0x16: {  	s3 =	sld [smem:$0x3FDB];
	s0 =	simm.s32 @p2 $0x1  }
0x17: {  	s4 =	simm.s32 $0x1BF5;
	[smem:$0x3FB5] =	sst s0  }
0x18: {  	s0 =	sld [smem:$0x3F98];
	_ =	swait.ge [sflag:s4], $0x0  }
0x19: {  	s7 =	sld [smem:$0x3F99]  }
0x1a: {  	s8 =	sadd.s32 $0xFFFFE003, lr  }
0x1b: {  	s9 =	sadd.s32 $0xFFFFFEF7, lr;
	s5 =	simm.s32 $0xFFFFFFFF;
	p2 =	slt.u32 s8, $0xFFFFF086  }
0x1c: {  	p1 =	slt.u32 s9, $0xF7A;
	s5 =	simm.s32 @!p2 $0x0  }
0x1d: {  	s5 =	simm.s32 @p1 $0x1;
	p0 =	seq.s32 s7, s2  }
0x1e: {  	s7 =	smul.u32 @!p0 $0xF7A, s2;
	p2 =	seq.s32 @!p0 s5, $0x0  }
0x1f: {  	s9 =	smul.u32 $0xF7A, s1;
	s8 =	simm.s32 @!p0 $0x1BF5;
	p2 =	por !p2, p0  }
0x20: {  	[sflag:s8] =	ssyncset.s32 @!p0 $0xFFFFF086;
	s6 =	sadd.s32 @!p0 s3, s7;
	s7 =	simm.s32 @!p0 $0x108  }
0x21: {  	s3 =	sadd.s32 s3, s9;
	s6 =	sadd.s32 @!p0 $0x88, s6;
	s7 =	simm.s32 @p2 $0x1082  }
0x22: {  	[simem:s7], [sflag:s8] =	dma.local @!p0 [hbm:s6], $0xF7A  }
0x23: {  	s9 =	sor.u32 $0xD0000000, s2;
	s6 =	simm.s32 $0x108;
	_ =	swait.ge @!p0 [sflag:s8], $0x0  }
0x24: {  	s3 =	sadd.s32 $0x88, s3;
	s6 =	simm.s32 @!p1 $0x1082;
	[sflag:s4] =	ssyncset.s32 $0xFFFFF086  }
0x25: {  	[simem:s6], [sflag:s4] =	dma.local [hbm:s3], $0xF7A  }
0x26: {  	[smem:$0x3F99] =	sst s1;
	(tag) =	ssettag s2;
	_ =	strace s9  }
0x27: {  	s1 =	sld [smem:$0x3FA9]  }
0x28: {  	s2 =	sld [smem:$0x3FAA]  }
0x29: {  	s4 =	sld [smem:$0x3FAC]  }
0x2a: {  	p0 =	seq.s32 s5, $0x0;
	s5 =	sld [smem:$0x3FAD]  }
0x2b: {  	s6 =	sld [smem:$0x3FAE]  }
0x2c: {  	s7 =	sld [smem:$0x3FAF]  }
0x2d: {  	s3 =	simm.s32 $0x108;
	s8 =	sld [smem:$0x3FB0]  }
0x2e: {  	s3 =	simm.s32 @!p0 $0x1082;
	s9 =	sld [smem:$0x3FB1]  }
0x2f: {  	lr =	sadd.s32 s0, s3;
	s0 =	sld [smem:$0x3FA8]  }
0x30: {  	s3 =	sld [smem:$0x3FAB]  }
0x31: {  	[smem:$0x3FB4] =	sst s10  }
0x32: {  	s10 =	sld [smem:$0x3FB2];
	_ =	sdelay $0x3  }
0x33: {  	p0 =	seq.s32 s10, $0x1;
	s10 =	sld [smem:$0x3FB4];
	_ =	sdelay $0x3  }
0x34: {  	[smem:$0x3FB4] =	sst s10  }
0x35: {  	s10 =	sld [smem:$0x3FB3];
	_ =	sdelay $0x3  }
0x36: {  	p1 =	seq.s32 s10, $0x1;
	s10 =	sld [smem:$0x3FB4];
	_ =	sdelay $0x3  }
0x37: {  	[smem:$0x3FB4] =	sst s10  }
0x38: {  	s10 =	sld [smem:$0x3FB5]  }
0x39: {  	_ = 	snop;
	(pc) =	sbr.ind lr, $3  }
0x3a: {  	_ = 	snop  }
0x3b: {  	_ = 	snop  }
0x3c: {  	p2 =	seq.s32 s10, $0x1;
	s10 =	sld [smem:$0x3FB4]  }
0x3d: {  	_ =	shalt  }
0x3e: {  	_ =	shalt  }
0x3f: {  	_ =	shalt  }
0x40: {  	_ =	shalt  }
0x41: {  	_ =	shalt  }
0x42: {  	_ =	shalt  }
0x43: {  	_ =	shalt  }
0x44: {  	_ =	shalt  }
0x45: {  	_ =	shalt  }
0x46: {  	_ =	shalt  }
0x47: {  	_ =	shalt  }
0x48: {  	_ =	shalt  }
0x49: {  	_ =	shalt  }
0x4a: {  	_ =	shalt  }
0x4b: {  	_ =	shalt  }
0x4c: {  	_ =	shalt  }
0x4d: {  	_ =	shalt  }
0x4e: {  	_ =	shalt  }
0x4f: {  	_ =	shalt  }
0x50: {  	_ =	shalt  }
0x51: {  	_ =	shalt  }
0x52: {  	_ =	shalt  }
0x53: {  	_ =	shalt  }
0x54: {  	_ =	shalt  }
0x55: {  	_ =	shalt  }
0x56: {  	_ =	shalt  }
0x57: {  	_ =	shalt  }
0x58: {  	_ =	shalt  }
0x59: {  	_ =	shalt  }
0x5a: {  	_ =	shalt  }
0x5b: {  	_ =	shalt  }
0x5c: {  	_ =	shalt  }
0x5d: {  	_ =	shalt  }
0x5e: {  	_ =	shalt  }
0x5f: {  	_ =	shalt  }
0x60: {  	_ =	shalt  }
0x61: {  	_ =	shalt  }
0x62: {  	_ =	shalt  }
0x63: {  	_ =	shalt  }
0x64: {  	_ =	shalt  }
0x65: {  	_ =	shalt  }
0x66: {  	_ =	shalt  }
0x67: {  	_ =	shalt  }
0x68: {  	_ =	shalt  }
0x69: {  	_ =	shalt  }
0x6a: {  	_ =	shalt  }
0x6b: {  	_ =	shalt  }
0x6c: {  	_ =	shalt  }
0x6d: {  	_ =	shalt  }
0x6e: {  	_ =	shalt  }
0x6f: {  	_ =	shalt  }
0x70: {  	_ =	shalt  }
0x71: {  	_ =	shalt  }
0x72: {  	_ =	shalt  }
0x73: {  	_ =	shalt  }
0x74: {  	_ =	shalt  }
0x75: {  	_ =	shalt  }
0x76: {  	_ =	shalt  }
0x77: {  	_ =	shalt  }
0x78: {  	_ =	shalt  }
0x79: {  	_ =	shalt  }
0x7a: {  	_ =	shalt  }
0x7b: {  	_ =	shalt  }
0x7c: {  	_ =	shalt  }
0x7d: {  	_ =	shalt  }
0x7e: {  	_ =	shalt  }
0x7f: {  	_ =	shalt  }
0x80: {  	_ =	shalt  }
0x81: {  	_ =	shalt  }
0x82: {  	_ =	shalt  }
0x83: {  	_ =	shalt  }
0x84: {  	_ =	shalt  }
0x85: {  	_ =	shalt  }
0x86: {  	_ =	shalt  }
0x87: {  	_ =	shalt  }
.Lfunc_end0:
.L_simem_size_0:
called_computation.1_lowered:
.L_overlay_start_0:
0x88: {  	s2 =	sld [smem:$0x3FD9]  }
0x89: {  	s3 =	sld [smem:$0x3FFE];
	_ =	sdelay $0x1  }
0x8a: {  	s1 =	srdreg.scid  }
0x8b: {  	s0 =	sand.u32 $0x1, s1  }
0x8c: {  	s17 =	sshll.u32 s0, $0xA;
	s2 =	sadd.s32 s3, s2  }
0x8d: {  	s2 =	sadd.s32 s2, s17  }
0x8e: {  	[smem:$0x3FC0] =	sst s2  }
0x8f: {  	_ = 	snop  }
0x90: {  	s2 =	sld [smem:$0x3FC9];
	(tm) =	ssettm $0x1  }
0x91: {  	s18 =	sld [smem:$0x3FFB];
	_ =	sdelay $0x3  }
0x92: {  	_ =	strace s18  }
0x93: {  	s3 =	sld [smem:$0x3FFC];
	_ =	sdelay $0x3  }
0x94: {  	_ =	strace s3  }
0x95: {  	s3 =	sld [smem:$0x3FFD];
	_ =	sdelay $0x3  }
0x96: {  	_ =	strace s3  }
0x97: {  	_ =	strace $0x8FFFFFFF  }
0x98: {  	s19 =	sld [smem:$0x3FDB];
	_ =	sdelay $0x1  }
0x99: {  	s4 =	simm.s32 $_scs_section_size  }
0x9a: {  	s5 =	simm.s32 $_size__tile_overlayer_lowered;
	s6 =	simm.s32 $_tile_overlayer_lowered  }
0x9b: {  	s22 =	simm.s32 $0x1BFF;
	s21 =	sshll.u32 s6, $0x1;
	s3 =	sadd.s32 s4, s19  }
0x9c: {  	s7 =	simm.s32 $0x0;
	s20 =	sshll.u32 s5, $0x1;
	s5 =	sadd.s32 s21, s3  }
0x9d: {  	[timem:s7], [sflag:s22] =	dma.local [hbm:s5], s20  }
0x9e: {  	_ =	swait.ge [sflag:s22], s20  }
0x9f: {  	s4 =	ssub.s32 $0x0, s20;
	[sflag:s22] =	ssyncset.done $0x0  }
0xa0: {  	[sflag:s22] =	ssyncadd.s32 s4;
	_ =	sdelay $0x1  }
0xa1: {  	s23 =	simm.s32 $0x1B8B  }
0xa2: {  	_ =	swait.ge [sflag:s23], $0x1  }
0xa3: {  	[sflag:s23] =	ssyncset.done $0x0  }
0xa4: {  	s25 =	simm.s32 $0x1B8E;
	s24 =	sld [smem:$0x3FFE];
	[sflag:s23] =	ssyncadd.s32 $0xFFFFFFFF  }
0xa5: {  	s26 =	simm.s32 $execute0_lowered;
	[smem:$0x3FD2] =	sst s25  }
0xa6: {  	s5 =	sshll.u32 s26, $0x1;
	_ =	strace $0x80000046;
	[dreg:$0x1] =	wrdreg $0xFFFFFFFF  }
0xa7: {  	s28 =	simm.s32 $_size_execute0_lowered;
	s3 =	sadd.s32 s3, s5;
	[dreg:$0x0] =	wrdreg $0x0  }
0xa8: {  	s5 =	sshll.u32 s28, $0x1;
	[dreg:$0x2] =	wrdreg s3  }
0xa9: {  	[dreg:$0x3] =	wrdreg s5  }
0xaa: {  	[dreg:$0x4] =	wrdreg $0xC0  }
0xab: {  	_ =	task [dreg:s7], $0x5FFFF  }
0xac: {  	[dreg:$0x1] =	wrdreg $0xFFFFFFFF  }
0xad: {  	[dreg:$0x0] =	wrdreg $0x60  }
0xae: {  	[dreg:$0x2] =	wrdreg s2  }
0xaf: {  	[dreg:$0x3] =	wrdreg s24  }
0xb0: {  	[dreg:$0x4] =	wrdreg $0xC0000  }
0xb1: {  	[dreg:$0x5] =	wrdreg $0xA  }
0xb2: {  	_ =	task.clear_ibuf [dreg:s7], $0x6FFFF;
	_ =	strace $0x90000046  }
0xb3: {  	s29 =	simm.s32 $0xA;
	_ =	strace $0x80000048  }
0xb4: {  	_ =	swait.ge [sflag:s29], $0x1  }
0xb5: {  	[sflag:s29] =	ssyncadd.s32 $0xFFFFFFFF  }
0xb6: {  	_ =	strace $0x90000048  }
0xb7: {  	_ =	sfence  }
0xb8: {  	s30 =	sld [smem:$0x0];
	_ =	sdelay $0x2  }
0xb9: {  	s31 =	sshll.u32 s1, $0xD;
	s1 =	sshrl.u32 s1, $0x2  }
0xba: {  	s3 =	sand.u32 $0x4000, s31;
	s1 =	sadd.s32 s1, s30  }
0xbb: {  	s0 =	sor.u32 s3, s0;
	s1 =	sshll.u32 s1, $0x11  }
0xbc: {  	s0 =	sor.u32 s1, s0  }
0xbd: {  	s0 =	sadd.s32 $0x8F2B, s0  }
0xbe: {  	[sflag:s0] =	ssyncadd.remote.s32 $0x1  }
0xbf: {  	_ =	sfence.sel $0xFFFF  }
0xc0: {  	[dreg:$0x0] =	wrdreg $0xFFFFFFFF;
	(pc) =	sbr.abs _section_cstart, $3  }
0xc1: {  	[dreg:$0x1] =	wrdreg $0xFFFFFFFF  }
0xc2: {  	_ =	task.clear_ibuf [dreg:s7], $0x2FFFF;
	_ =	strace $0x9FFFFFFF  }
0xc3: {  	(tm) =	ssettm $0x7FFFFFFF  }
tec
execute0_lowered:
.L_overlay_start_1:
0x0: {  	(tag) =	ssettag $0x1  }
0x1: {  	s1 =	rddreg [dreg:$0x0]  }
0x2: {  	s0 =	rddreg [dreg:$0x1]  }
0x3: {  	s2 =	rddreg [dreg:$0x2];
	s3 =	simm.s32 $0x0  }
0x4: {  	s4 =	srdreg.scid;
	s17 =	stileid.u32;
	s21 =	simm.s32 $0x100  }
0x5: {  	s22 =	simm.s32 $0x6000;
	s23 =	simm.s32 $0x180;
	s24 =	simm.s32 $0x8000  }
0x6: {  	s28 =	simm.s32 $0x0;
	[smem:$0x7FF] =	sst s3;
	s10 =	sadd.s32 $0x4800, s0  }
0x7: {  	s11 =	sadd.s32 $0x18800, s0;
	s4 =	sand.u32 $0x1, s4;
	s9 =	smul.u32 $0x4E000, s17  }
0x8: {  	s5 =	sadd.s32 $0x2C800, s0;
	s12 =	sshll.u32 s17, $0x6;
	s29 =	smul.u32 $0xA00, s17  }
0x9: {  	s15 =	sadd.s32 $0x138000, s2;
	s16 =	smul.u32 $0x2700, s17;
	p0 =	sne.s32 s17, $0xF  }
0xa: {  	_ =	strace $0x80000047;
	s6 =	smul.u32 $0x27100, s4;
	s7 =	ssub.s32 $0x2, s4  }
0xb: {  	s8 =	sshll.u32 s4, $0x4;
	s4 =	smul.u32 $0xA000, s4;
	s15 =	sshrl.u32 @!p0 s15, $0x3  }
0xc: {  	s26 =	sshrl.u32 s7, $0x1;
	s8 =	sor.u32 s17, s8;
	s9 =	sshrl.u32 s9, $0x2  }
0xd: {  	s17 =	simm.s32 $0x40;
	s0 =	sadd.s32 s6, s0;
	s8 =	smul.u32 $0xA00, s8  }
0xe: {  	s13 =	ssub.s32 s7, s26;
	s14 =	sadd.s32 s9, s2;
	s6 =	sor.u32 $0x1C07, s12  }
.Ltmp0:
0xf: {  	s30 =	sadd.s32 s4, s10;
	s4 =	sadd.s32 s4, s11;
	(pc) =	sbr.rel .LBB2_1-.Ltmp0, $4  }
0x10: {  	s26 =	simm.s32 $0x6;
	s9 =	sadd.s32 $0x2F000, s0;
	s31 =	sadd.s32 s29, s30  }
0x11: {  	s4 =	sadd.s32 s29, s4;
	s7 =	sadd.s32 s10, s8;
	s8 =	sadd.s32 s11, s8  }
0x12: {  	s10 =	smax.u32 s13, $0x1;
	s0 =	sadd.s32 $0x40, s31;
	s12 =	sadd.s32 $0x40, s4  }
0x13: {  	s13 =	sshrl.u32 s14, $0x3;
	s14 =	simm.s32 $0x7;
	s25 =	sadd.s32 s16, s9  }
.LBB2_8:
0x14: {  	_ =	swait.ge [sflag:s26], $0x2000  }
0x15: {  	[sflag:s26] =	ssyncset.done $0x0  }
0x16: {  	[sflag:s26] =	ssyncadd.s32 $0xFFFFE000  }
0x17: {  	[bflag:$0x0] =	sbarrier.arrive $0xFFFF  }
0x18: {  	[hbm:s25], [sflag:s6] =	dma.local [spmem:s13], $0x2700  }
0x19: {  	_ =	swait.ge [sflag:s14], $0x2700  }
0x1a: {  	s28 =	sadd.s32 $0x1, s28;
	[sflag:s14] =	ssyncset.done $0x0  }
0x1b: {  	s4 =	sadd.s32 @!p0 $0x27000, s9;
	p1 =	sne.s32 s28, s10;
	[sflag:s14] =	ssyncadd.s32 $0xFFFFD900  }
0x1c: {  	[hbm:s4], [sflag:s6] =	dma.local @!p0 [spmem:s15], $0x100  }
.Ltmp1:
0x1d: {  	_ = 	snop;
	(pc) =	sbr.rel @!p1 .LBB2_9-.Ltmp1, $4  }
0x1e: {  	s4 =	simm.s32 @!p0 $0x7  }
0x1f: {  	_ =	swait.ge @!p0 [sflag:s4], $0x100  }
0x20: {  	[sflag:s4] =	ssyncset.done @!p0 $0x0  }
0x21: {  	[sflag:s4] =	ssyncadd.s32 @!p0 $0xFFFFFF00  }
.LBB2_1:
0x22: {  	[spmem:s13], [sflag:s6] =	dma.local [hbm:s5], $0x2700  }
0x23: {  	_ =	swait.ge [sflag:s14], $0x2700  }
0x24: {  	[sflag:s14] =	ssyncset.done $0x0  }
0x25: {  	s4 =	simm.s32 @!p0 $0x7;
	[sflag:s14] =	ssyncadd.s32 $0xFFFFD900  }
0x26: {  	[spmem:s15], [sflag:s6] =	dma.local @!p0 [hbm:s5], $0x100  }
0x27: {  	_ =	swait.ge @!p0 [sflag:s4], $0x100  }
0x28: {  	[sflag:s4] =	ssyncset.done @!p0 $0x0  }
0x29: {  	[sflag:s4] =	ssyncadd.s32 @!p0 $0xFFFFFF00  }
0x2a: {  	[bflag:$0x0] =	sbarrier.arrive $0xFFFF  }
0x2b: {  	[tilespmem:s3], [sflag:$0x7] =	stream.linear.gather [hbm4b:s7+s3], $0x800, $0x38;
	[tilespmem:$0x1F8C0] =	vst v63  }
0x2c: {  	_ =	swait.ge [sflag:s14], $0x800  }
0x2d: {  	[sflag:s14] =	ssyncset.done $0x0  }
0x2e: {  	s19 =	simm.s32 $0x1000;
	[sflag:s14] =	ssyncadd.s32 $0xFFFFF800  }
0x2f: {  	[tilespmem:s19], [sflag:$0x7] =	stream.linear.gather [hbm4b:s8+s3], $0x800, $0x38;
	[tilespmem:$0x1F8C0] =	vst v63  }
0x30: {  	_ =	swait.ge [sflag:s14], $0x800  }
0x31: {  	[sflag:s14] =	ssyncset.done $0x0  }
0x32: {  	s20 =	simm.s32 $0x2000;
	[sflag:s14] =	ssyncadd.s32 $0xFFFFF800  }
0x33: {  	[tilespmem:s20], [sflag:$0x1] =	stream.indirect.gather [hbm4b:s1+s17], $0x80, s3, s17, $0xb8;
	[tilespmem:$0x1F8C0] =	vst v63  }
0x34: {  	s29 =	simm.s32 $0x80;
	s11 =	simm.s32 $0x4000  }
0x35: {  	[tilespmem:s11], [sflag:$0x2] =	stream.indirect.gather [hbm4b:s1+s17], $0x80, s29, s17, $0xb8;
	[tilespmem:$0x1F8C0] =	vst v63  }
0x36: {  	s30 =	simm.s32 $0x200  }
0x37: {  	[tilespmem:s22], [sflag:$0x3] =	stream.indirect.gather [hbm4b:s1+s17], $0x80, s21, s17, $0xb8;
	[tilespmem:$0x1F8C0] =	vst v63  }
0x38: {  	s31 =	smov.u32 s12;
	s19 =	simm.s32 $0x4;
	s11 =	smov.u32 s0  }
0x39: {  	[tilespmem:s24], [sflag:$0x4] =	stream.indirect.gather [hbm4b:s1+s17], $0x80, s23, s17, $0xb8;
	[tilespmem:$0x1F8C0] =	vst v63  }
.LBB2_2:
0x3a: {  	s18 =	sadd.s32 $0xFFFFFFFC, s19  }
0x3b: {  	s4 =	smul.u32 $0xCD, s18;
	_ =	sdelay $0x1  }
0x3c: {  	s4 =	sshrl.u32 s4, $0xA  }
0x3d: {  	s4 =	sand.u32 $0x3F, s4  }
0x3e: {  	s4 =	smul.u32 $0x5, s4;
	_ =	sdelay $0x1  }
0x3f: {  	p1 =	seq.s32 s19, $0x4;
	s4 =	ssub.s32 s18, s4  }
.Ltmp2:
0x40: {  	s4 =	sand.u32 $0xFF, s4;
	(pc) =	sbr.rel @p1 .LBB2_6-.Ltmp2, $4  }
0x41: {  	s16 =	sadd.s32 $0x1, s4  }
0x42: {  	_ =	swait.ge [sflag:s16], $0x2000  }
0x43: {  	[sflag:s16] =	ssyncset.done $0x0  }
0x44: {  	s29 =	simm.s32 $0x4;
	[sflag:s16] =	ssyncadd.s32 $0xFFFFE000;
	s16 =	simm.s32 $0x4  }
0x45: {  	s16 =	sand.u32 $0xF, s19;
	p1 =	sgt.u32 s18, $0x9B  }
0x46: {  	p2 =	sne.s32 @!p1 s16, $0x0  }
0x47: {  	p2 =	por p1, p2  }
.Ltmp3:
0x48: {  	_ = 	snop;
	(pc) =	sbr.rel @p2 .LBB2_5-.Ltmp3, $4  }
0x49: {  	_ = 	snop  }
0x4a: {  	_ =	swait.ge [sflag:s26], $0x2000  }
0x4b: {  	[sflag:s26] =	ssyncset.done $0x0  }
0x4c: {  	[sflag:s26] =	ssyncadd.s32 $0xFFFFE000  }
0x4d: {  	s18 =	sand.u32 $0x800, s30;
	s16 =	simm.s32 $0x0  }
0x4e: {  	[tilespmem:s18], [sflag:$0x7] =	stream.linear.gather [hbm4b:s11+s16], $0x800, $0x38;
	[tilespmem:$0x1F8C0] =	vst v63  }
0x4f: {  	_ =	swait.ge [sflag:s14], $0x800  }
0x50: {  	[sflag:s14] =	ssyncset.done $0x0  }
0x51: {  	s18 =	sor.u32 $0x1000, s18;
	[sflag:s14] =	ssyncadd.s32 $0xFFFFF800  }
0x52: {  	[tilespmem:s18], [sflag:$0x7] =	stream.linear.gather [hbm4b:s31+s16], $0x800, $0x38;
	[tilespmem:$0x1F8C0] =	vst v63  }
0x53: {  	_ =	swait.ge [sflag:s14], $0x800  }
0x54: {  	[sflag:s14] =	ssyncset.done $0x0  }
0x55: {  	s29 =	smov.u32 s19;
	[sflag:s14] =	ssyncadd.s32 $0xFFFFF800  }
.LBB2_6:
0x56: {  	s18 =	smul.u32 $0xCD, s29;
	_ =	sdelay $0x1  }
0x57: {  	s18 =	sshrl.u32 s18, $0xA  }
0x58: {  	s18 =	sand.u32 $0x3F, s18  }
0x59: {  	s18 =	smul.u32 $0x5, s18;
	_ =	sdelay $0x1  }
0x5a: {  	s18 =	ssub.s32 s29, s18  }
0x5b: {  	s29 =	sshll.u32 s29, $0x7;
	s18 =	sand.u32 $0xFF, s18  }
0x5c: {  	s16 =	sshll.u32 s16, $0x7;
	s29 =	sand.u32 $0x800, s29;
	s20 =	sshll.u32 s18, $0xD  }
0x5d: {  	s16 =	sor.u32 s16, s29;
	s18 =	sadd.s32 $0x1, s18;
	s20 =	sadd.s32 $0x2000, s20  }
0x5e: {  	[tilespmem:s20], [sflag:s18] =	stream.indirect.gather [hbm4b:s1+s17], $0x80, s16, s17, $0xb8;
	[tilespmem:$0x1F8C0] =	vst v63  }
.LBB2_7:
0x5f: {  	s19 =	sadd.s32 $0x1, s19  }
0x60: {  	p1 =	sne.s32 s19, $0xA4  }
.Ltmp4:
0x61: {  	_ = 	snop;
	(pc) =	sbr.rel @p1 .LBB2_2-.Ltmp4, $4  }
.Ltmp5:
0x62: {  	s16 =	sadd.s32 $0xFFFFFE00, s30;
	s4 =	sshll.u32 s4, $0xD;
	(pc) =	sbr.rel @!p1 .LBB2_8-.Ltmp5, $4  }
0x63: {  	s30 =	sadd.s32 $0x80, s30;
	s11 =	sadd.s32 $0x10, s11;
	s16 =	sand.u32 $0xF80, s16  }
0x64: {  	s31 =	sadd.s32 $0x10, s31;
	s4 =	sadd.s32 $0x2000, s4;
	s16 =	sor.u32 $0x1000, s16  }
0x65: {  	[spmem:s2] =	stream.indirect.scatter.add.f32 [tilespmem:s4], [sflag:$0x6], $0x80, s16, s17, $0xb8;
	[tilespmem:$0x1F8C0] =	vst v63  }
0x66: {  	_ = 	snop  }
.LBB2_5:
.Ltmp6:
0x67: {  	(pc) =	sbr.rel @p1 .LBB2_7-.Ltmp6, $4  }
.Ltmp7:
0x68: {  	(pc) =	sbr.rel @!p1 .LBB2_6-.Ltmp7, $4  }
0x69: {  	_ = 	snop  }
0x6a: {  	_ = 	snop  }
0x6b: {  	s29 =	smov.u32 s19  }
0x6c: {  	_ = 	snop  }
.LBB2_9:
0x6d: {  	_ =	sfence.sel $0x180000  }
0x6e: {  	[bflag:$0x0] =	sbarrier.arrive $0xFFFF  }
0x6f: {  	_ =	strace $0x90000047  }
0x70: {  	s0 =	stileid.u32;
	[bflag:$0x2] =	sbarrier.arrive $0xFFFF  }
0x71: {  	p0 =	sne.s32 s0, $0x0;
	s0 =	rddreg [dreg:$0x3]  }
0x72: {  	s0 =	sadd.s32 @!p0 $0x100000, s0  }
0x73: {  	[sflag:s0] =	ssyncadd.tile.s32 @!p0 $0x1;
	_ =	shalt  }
.Lfunc_end2:
_tile_overlayer_lowered:
.L_overlay_start_2:
0x74: {  	(tag) =	ssettag $0x2  }
0x75: {  	s0 =	rddreg [dreg:$0x0];
	s2 =	stileid.u32  }
0x76: {  	s1 =	rddreg [dreg:$0x1];
	p0 =	sne.s32 s2, $0x0  }
0x77: {  	s3 =	rddreg [dreg:$0x2];
	[bflag:$0x3] =	sbarrier.arrive $0xFFFF;
	s2 =	simm.s32 @!p0 $0x1C07  }
0x78: {  	[timem:s3], [sflag:s2] =	dma.local @!p0 [hbm:s0], s1  }
0x79: {  	s0 =	simm.s32 @!p0 $0x7  }
0x7a: {  	_ =	swait.ge @!p0 [sflag:s0], s1  }
0x7b: {  	s1 =	ssub.s32 @!p0 $0x0, s1;
	[sflag:s0] =	ssyncset.done @!p0 $0x0  }
0x7c: {  	[sflag:s0] =	ssyncadd.s32 @!p0 s1  }
0x7d: {  	[bflag:$0x3] =	sbarrier.arrive $0xFFFF  }
0x7e: {  	_ =	shalt  }

// kernel: kernel.15.cloned.1.call-start
scs
__scs_entry_jumppad:
0x0: {  	(pc) =	sbr.rel $0x88, $3  }
0x1: {  	(tag) =	ssettag $0x0;
	lr =	simm.s32 $0x1  }
0x2: {  	[smem:$0x3F99] =	sst lr;
	_ =	strace $0xD0000000  }
0x3: {  	_ = 	snop  }
0x4: {  	_ = 	snop  }
0x5: {  	_ = 	snop  }
0x6: {  	_ = 	snop  }
0x7: {  	_ = 	snop  }
__scs_overlays_trampoline_lowered:
0x8: {  	[smem:$0x3FA8] =	sst s0  }
0x9: {  	[smem:$0x3FA9] =	sst s1  }
0xa: {  	[smem:$0x3FAA] =	sst s2  }
0xb: {  	[smem:$0x3FAB] =	sst s3  }
0xc: {  	[smem:$0x3FAC] =	sst s4  }
0xd: {  	[smem:$0x3FAD] =	sst s5  }
0xe: {  	[smem:$0x3FAE] =	sst s6  }
0xf: {  	[smem:$0x3FAF] =	sst s7  }
0x10: {  	[smem:$0x3FB0] =	sst s8  }
0x11: {  	[smem:$0x3FB1] =	sst s9;
	s0 =	simm.s32 @!p0 $0x0  }
0x12: {  	s1 =	sld [smem:$0x3F97];
	s0 =	simm.s32 @p0 $0x1  }
0x13: {  	[smem:$0x3FB2] =	sst s0;
	s0 =	simm.s32 @!p1 $0x0  }
0x14: {  	s2 =	sld [smem:$0x3F96];
	s0 =	simm.s32 @p1 $0x1  }
0x15: {  	[smem:$0x3FB3] =	sst s0;
	s0 =	simm.s32 @!p2 $0x0  }
0x16: {  	s3 =	sld [smem:$0x3FDB];
	s0 =	simm.s32 @p2 $0x1  }
0x17: {  	s4 =	simm.s32 $0x1BF5;
	[smem:$0x3FB5] =	sst s0  }
0x18: {  	s0 =	sld [smem:$0x3F98];
	_ =	swait.ge [sflag:s4], $0x0  }
0x19: {  	s7 =	sld [smem:$0x3F99]  }
0x1a: {  	s8 =	sadd.s32 $0xFFFFE003, lr  }
0x1b: {  	s9 =	sadd.s32 $0xFFFFFEF7, lr;
	s5 =	simm.s32 $0xFFFFFFFF;
	p2 =	slt.u32 s8, $0xFFFFF086  }
0x1c: {  	p1 =	slt.u32 s9, $0xF7A;
	s5 =	simm.s32 @!p2 $0x0  }
0x1d: {  	s5 =	simm.s32 @p1 $0x1;
	p0 =	seq.s32 s7, s2  }
0x1e: {  	s7 =	smul.u32 @!p0 $0xF7A, s2;
	p2 =	seq.s32 @!p0 s5, $0x0  }
0x1f: {  	s9 =	smul.u32 $0xF7A, s1;
	s8 =	simm.s32 @!p0 $0x1BF5;
	p2 =	por !p2, p0  }
0x20: {  	[sflag:s8] =	ssyncset.s32 @!p0 $0xFFFFF086;
	s6 =	sadd.s32 @!p0 s3, s7;
	s7 =	simm.s32 @!p0 $0x108  }
0x21: {  	s3 =	sadd.s32 s3, s9;
	s6 =	sadd.s32 @!p0 $0x88, s6;
	s7 =	simm.s32 @p2 $0x1082  }
0x22: {  	[simem:s7], [sflag:s8] =	dma.local @!p0 [hbm:s6], $0xF7A  }
0x23: {  	s9 =	sor.u32 $0xD0000000, s2;
	s6 =	simm.s32 $0x108;
	_ =	swait.ge @!p0 [sflag:s8], $0x0  }
0x24: {  	s3 =	sadd.s32 $0x88, s3;
	s6 =	simm.s32 @!p1 $0x1082;
	[sflag:s4] =	ssyncset.s32 $0xFFFFF086  }
0x25: {  	[simem:s6], [sflag:s4] =	dma.local [hbm:s3], $0xF7A  }
0x26: {  	[smem:$0x3F99] =	sst s1;
	(tag) =	ssettag s2;
	_ =	strace s9  }
0x27: {  	s1 =	sld [smem:$0x3FA9]  }
0x28: {  	s2 =	sld [smem:$0x3FAA]  }
0x29: {  	s4 =	sld [smem:$0x3FAC]  }
0x2a: {  	p0 =	seq.s32 s5, $0x0;
	s5 =	sld [smem:$0x3FAD]  }
0x2b: {  	s6 =	sld [smem:$0x3FAE]  }
0x2c: {  	s7 =	sld [smem:$0x3FAF]  }
0x2d: {  	s3 =	simm.s32 $0x108;
	s8 =	sld [smem:$0x3FB0]  }
0x2e: {  	s3 =	simm.s32 @!p0 $0x1082;
	s9 =	sld [smem:$0x3FB1]  }
0x2f: {  	lr =	sadd.s32 s0, s3;
	s0 =	sld [smem:$0x3FA8]  }
0x30: {  	s3 =	sld [smem:$0x3FAB]  }
0x31: {  	[smem:$0x3FB4] =	sst s10  }
0x32: {  	s10 =	sld [smem:$0x3FB2];
	_ =	sdelay $0x3  }
0x33: {  	p0 =	seq.s32 s10, $0x1;
	s10 =	sld [smem:$0x3FB4];
	_ =	sdelay $0x3  }
0x34: {  	[smem:$0x3FB4] =	sst s10  }
0x35: {  	s10 =	sld [smem:$0x3FB3];
	_ =	sdelay $0x3  }
0x36: {  	p1 =	seq.s32 s10, $0x1;
	s10 =	sld [smem:$0x3FB4];
	_ =	sdelay $0x3  }
0x37: {  	[smem:$0x3FB4] =	sst s10  }
0x38: {  	s10 =	sld [smem:$0x3FB5]  }
0x39: {  	_ = 	snop;
	(pc) =	sbr.ind lr, $3  }
0x3a: {  	_ = 	snop  }
0x3b: {  	_ = 	snop  }
0x3c: {  	p2 =	seq.s32 s10, $0x1;
	s10 =	sld [smem:$0x3FB4]  }
0x3d: {  	_ =	shalt  }
0x3e: {  	_ =	shalt  }
0x3f: {  	_ =	shalt  }
0x40: {  	_ =	shalt  }
0x41: {  	_ =	shalt  }
0x42: {  	_ =	shalt  }
0x43: {  	_ =	shalt  }
0x44: {  	_ =	shalt  }
0x45: {  	_ =	shalt  }
0x46: {  	_ =	shalt  }
0x47: {  	_ =	shalt  }
0x48: {  	_ =	shalt  }
0x49: {  	_ =	shalt  }
0x4a: {  	_ =	shalt  }
0x4b: {  	_ =	shalt  }
0x4c: {  	_ =	shalt  }
0x4d: {  	_ =	shalt  }
0x4e: {  	_ =	shalt  }
0x4f: {  	_ =	shalt  }
0x50: {  	_ =	shalt  }
0x51: {  	_ =	shalt  }
0x52: {  	_ =	shalt  }
0x53: {  	_ =	shalt  }
0x54: {  	_ =	shalt  }
0x55: {  	_ =	shalt  }
0x56: {  	_ =	shalt  }
0x57: {  	_ =	shalt  }
0x58: {  	_ =	shalt  }
0x59: {  	_ =	shalt  }
0x5a: {  	_ =	shalt  }
0x5b: {  	_ =	shalt  }
0x5c: {  	_ =	shalt  }
0x5d: {  	_ =	shalt  }
0x5e: {  	_ =	shalt  }
0x5f: {  	_ =	shalt  }
0x60: {  	_ =	shalt  }
0x61: {  	_ =	shalt  }
0x62: {  	_ =	shalt  }
0x63: {  	_ =	shalt  }
0x64: {  	_ =	shalt  }
0x65: {  	_ =	shalt  }
0x66: {  	_ =	shalt  }
0x67: {  	_ =	shalt  }
0x68: {  	_ =	shalt  }
0x69: {  	_ =	shalt  }
0x6a: {  	_ =	shalt  }
0x6b: {  	_ =	shalt  }
0x6c: {  	_ =	shalt  }
0x6d: {  	_ =	shalt  }
0x6e: {  	_ =	shalt  }
0x6f: {  	_ =	shalt  }
0x70: {  	_ =	shalt  }
0x71: {  	_ =	shalt  }
0x72: {  	_ =	shalt  }
0x73: {  	_ =	shalt  }
0x74: {  	_ =	shalt  }
0x75: {  	_ =	shalt  }
0x76: {  	_ =	shalt  }
0x77: {  	_ =	shalt  }
0x78: {  	_ =	shalt  }
0x79: {  	_ =	shalt  }
0x7a: {  	_ =	shalt  }
0x7b: {  	_ =	shalt  }
0x7c: {  	_ =	shalt  }
0x7d: {  	_ =	shalt  }
0x7e: {  	_ =	shalt  }
0x7f: {  	_ =	shalt  }
0x80: {  	_ =	shalt  }
0x81: {  	_ =	shalt  }
0x82: {  	_ =	shalt  }
0x83: {  	_ =	shalt  }
0x84: {  	_ =	shalt  }
0x85: {  	_ =	shalt  }
0x86: {  	_ =	shalt  }
0x87: {  	_ =	shalt  }
.Lfunc_end0:
.L_simem_size_0:
called_computation.2_lowered:
.L_overlay_start_0:
0x88: {  	s2 =	sld [smem:$0x3FD9]  }
0x89: {  	s3 =	sld [smem:$0x3FFE];
	_ =	sdelay $0x1  }
0x8a: {  	s1 =	srdreg.scid  }
0x8b: {  	s0 =	sand.u32 $0x1, s1  }
0x8c: {  	s16 =	sshll.u32 s0, $0xA;
	s2 =	sadd.s32 s3, s2  }
0x8d: {  	s2 =	sadd.s32 s2, s16  }
0x8e: {  	[smem:$0x3FC0] =	sst s2  }
0x8f: {  	_ = 	snop  }
0x90: {  	(tm) =	ssettm $0x1  }
0x91: {  	s17 =	sld [smem:$0x3FFB];
	_ =	sdelay $0x3  }
0x92: {  	_ =	strace s17  }
0x93: {  	s2 =	sld [smem:$0x3FFC];
	_ =	sdelay $0x3  }
0x94: {  	_ =	strace s2  }
0x95: {  	s2 =	sld [smem:$0x3FFD];
	_ =	sdelay $0x3  }
0x96: {  	_ =	strace s2  }
0x97: {  	_ =	strace $0x8FFFFFFF  }
0x98: {  	s18 =	sld [smem:$0x3FDB];
	_ =	sdelay $0x1  }
0x99: {  	s19 =	simm.s32 $_scs_section_size  }
0x9a: {  	s4 =	simm.s32 $_size__tile_overlayer_lowered;
	s5 =	simm.s32 $_tile_overlayer_lowered  }
0x9b: {  	s22 =	simm.s32 $0x1BFF;
	s21 =	sshll.u32 s5, $0x1;
	s2 =	sadd.s32 s19, s18  }
0x9c: {  	s6 =	simm.s32 $0x0;
	s20 =	sshll.u32 s4, $0x1;
	s4 =	sadd.s32 s21, s2  }
0x9d: {  	[timem:s6], [sflag:s22] =	dma.local [hbm:s4], s20  }
0x9e: {  	_ =	swait.ge [sflag:s22], s20  }
0x9f: {  	s3 =	ssub.s32 $0x0, s20;
	[sflag:s22] =	ssyncset.done $0x0  }
0xa0: {  	[sflag:s22] =	ssyncadd.s32 s3;
	_ =	sdelay $0x1  }
0xa1: {  	s23 =	simm.s32 $0x1B8B  }
0xa2: {  	_ =	swait.ge [sflag:s23], $0x1  }
0xa3: {  	[sflag:s23] =	ssyncset.done $0x0  }
0xa4: {  	s25 =	simm.s32 $0x1B8E;
	s24 =	sld [smem:$0x3FFE];
	[sflag:s23] =	ssyncadd.s32 $0xFFFFFFFF  }
0xa5: {  	s26 =	simm.s32 $execute0_lowered;
	[smem:$0x3FD2] =	sst s25  }
0xa6: {  	s4 =	sshll.u32 s26, $0x1;
	_ =	strace $0x8000004C;
	[dreg:$0x1] =	wrdreg $0xFFFFFFFF  }
0xa7: {  	s28 =	simm.s32 $_size_execute0_lowered;
	s2 =	sadd.s32 s2, s4;
	[dreg:$0x0] =	wrdreg $0x0  }
0xa8: {  	s4 =	sshll.u32 s28, $0x1;
	[dreg:$0x2] =	wrdreg s2  }
0xa9: {  	[dreg:$0x3] =	wrdreg s4  }
0xaa: {  	[dreg:$0x4] =	wrdreg $0xC0  }
0xab: {  	_ =	task [dreg:s6], $0x5FFFF  }
0xac: {  	[dreg:$0x1] =	wrdreg $0xFFFFFFFF  }
0xad: {  	[dreg:$0x0] =	wrdreg $0x60  }
0xae: {  	[dreg:$0x2] =	wrdreg s24  }
0xaf: {  	[dreg:$0x3] =	wrdreg $0xC0000  }
0xb0: {  	[dreg:$0x4] =	wrdreg $0x9  }
0xb1: {  	_ =	task.clear_ibuf [dreg:s6], $0x5FFFF;
	_ =	strace $0x9000004C  }
0xb2: {  	s29 =	simm.s32 $0x9;
	_ =	strace $0x8000004E  }
0xb3: {  	_ =	swait.ge [sflag:s29], $0x1  }
0xb4: {  	[sflag:s29] =	ssyncadd.s32 $0xFFFFFFFF  }
0xb5: {  	_ =	strace $0x9000004E  }
0xb6: {  	_ =	sfence  }
0xb7: {  	s30 =	sld [smem:$0x0];
	_ =	sdelay $0x2  }
0xb8: {  	s31 =	sshll.u32 s1, $0xD;
	s1 =	sshrl.u32 s1, $0x2  }
0xb9: {  	s3 =	sand.u32 $0x4000, s31;
	s1 =	sadd.s32 s1, s30  }
0xba: {  	s0 =	sor.u32 s3, s0;
	s1 =	sshll.u32 s1, $0x11  }
0xbb: {  	s0 =	sor.u32 s1, s0  }
0xbc: {  	s0 =	sadd.s32 $0x8F2B, s0  }
0xbd: {  	[sflag:s0] =	ssyncadd.remote.s32 $0x1  }
0xbe: {  	_ =	sfence.sel $0xFFFF  }
0xbf: {  	[dreg:$0x0] =	wrdreg $0xFFFFFFFF;
	(pc) =	sbr.abs _section_cstart, $3  }
0xc0: {  	[dreg:$0x1] =	wrdreg $0xFFFFFFFF  }
0xc1: {  	_ =	task.clear_ibuf [dreg:s6], $0x2FFFF;
	_ =	strace $0x9FFFFFFF  }
0xc2: {  	(tm) =	ssettm $0x7FFFFFFF  }
0xc3: {  	_ =	shalt  }
tec
execute0_lowered:
.L_overlay_start_1:
0x0: {  	(tag) =	ssettag $0x1  }
0x1: {  	s0 =	rddreg [dreg:$0x0]  }
0x2: {  	s1 =	rddreg [dreg:$0x1];
	s2 =	simm.s32 $0x0;
	s4 =	srdreg.scid  }
0x3: {  	s17 =	stileid.u32;
	s21 =	simm.s32 $0x100;
	s22 =	simm.s32 $0x6000  }
0x4: {  	s23 =	simm.s32 $0x180;
	s24 =	simm.s32 $0x8000;
	s28 =	simm.s32 $0x0  }
0x5: {  	[smem:$0x7FF] =	sst s2;
	s3 =	sadd.s32 $0x56200, s0;
	s10 =	sadd.s32 $0x4800, s0  }
0x6: {  	s11 =	sadd.s32 $0x18800, s0;
	s4 =	sand.u32 $0x1, s4;
	s9 =	smul.u32 $0x4E000, s17  }
0x7: {  	s5 =	sadd.s32 $0x2C800, s0;
	s12 =	sshll.u32 s17, $0x6;
	s29 =	smul.u32 $0xA00, s17  }
0x8: {  	s15 =	sadd.s32 $0x138000, s1;
	s16 =	smul.u32 $0x2700, s17;
	p0 =	sne.s32 s17, $0xF  }
0x9: {  	_ =	strace $0x8000004D;
	s6 =	smul.u32 $0x27100, s4;
	s7 =	ssub.s32 $0x2, s4  }
0xa: {  	s8 =	sshll.u32 s4, $0x4;
	s4 =	smul.u32 $0xA000, s4;
	s15 =	sshrl.u32 @!p0 s15, $0x3  }
0xb: {  	s26 =	sshrl.u32 s7, $0x1;
	s8 =	sor.u32 s17, s8;
	s9 =	sshrl.u32 s9, $0x2  }
0xc: {  	s17 =	simm.s32 $0x40;
	s0 =	sadd.s32 s6, s0;
	s8 =	smul.u32 $0xA00, s8  }
0xd: {  	s13 =	ssub.s32 s7, s26;
	s14 =	sadd.s32 s9, s1;
	s6 =	sor.u32 $0x1C07, s12  }
.Ltmp0:
0xe: {  	s30 =	sadd.s32 s4, s10;
	s4 =	sadd.s32 s4, s11;
	(pc) =	sbr.rel .LBB2_1-.Ltmp0, $4  }
0xf: {  	s26 =	simm.s32 $0x6;
	s9 =	sadd.s32 $0x7D400, s0;
	s31 =	sadd.s32 s29, s30  }
0x10: {  	s4 =	sadd.s32 s29, s4;
	s7 =	sadd.s32 s10, s8;
	s8 =	sadd.s32 s11, s8  }
0x11: {  	s10 =	smax.u32 s13, $0x1;
	s0 =	sadd.s32 $0x40, s31;
	s12 =	sadd.s32 $0x40, s4  }
0x12: {  	s13 =	sshrl.u32 s14, $0x3;
	s14 =	simm.s32 $0x7;
	s25 =	sadd.s32 s16, s9  }
.LBB2_8:
0x13: {  	_ =	swait.ge [sflag:s26], $0x2000  }
0x14: {  	[sflag:s26] =	ssyncset.done $0x0  }
0x15: {  	[sflag:s26] =	ssyncadd.s32 $0xFFFFE000  }
0x16: {  	[bflag:$0x0] =	sbarrier.arrive $0xFFFF  }
0x17: {  	[hbm:s25], [sflag:s6] =	dma.local [spmem:s13], $0x2700  }
0x18: {  	_ =	swait.ge [sflag:s14], $0x2700  }
0x19: {  	s28 =	sadd.s32 $0x1, s28;
	[sflag:s14] =	ssyncset.done $0x0  }
0x1a: {  	s4 =	sadd.s32 @!p0 $0x27000, s9;
	p1 =	sne.s32 s28, s10;
	[sflag:s14] =	ssyncadd.s32 $0xFFFFD900  }
0x1b: {  	[hbm:s4], [sflag:s6] =	dma.local @!p0 [spmem:s15], $0x100  }
.Ltmp1:
0x1c: {  	_ = 	snop;
	(pc) =	sbr.rel @!p1 .LBB2_9-.Ltmp1, $4  }
0x1d: {  	s4 =	simm.s32 @!p0 $0x7  }
0x1e: {  	_ =	swait.ge @!p0 [sflag:s4], $0x100  }
0x1f: {  	[sflag:s4] =	ssyncset.done @!p0 $0x0  }
0x20: {  	[sflag:s4] =	ssyncadd.s32 @!p0 $0xFFFFFF00  }
.LBB2_1:
0x21: {  	[spmem:s13], [sflag:s6] =	dma.local [hbm:s5], $0x2700  }
0x22: {  	_ =	swait.ge [sflag:s14], $0x2700  }
0x23: {  	[sflag:s14] =	ssyncset.done $0x0  }
0x24: {  	s4 =	simm.s32 @!p0 $0x7;
	[sflag:s14] =	ssyncadd.s32 $0xFFFFD900  }
0x25: {  	[spmem:s15], [sflag:s6] =	dma.local @!p0 [hbm:s5], $0x100  }
0x26: {  	_ =	swait.ge @!p0 [sflag:s4], $0x100  }
0x27: {  	[sflag:s4] =	ssyncset.done @!p0 $0x0  }
0x28: {  	[sflag:s4] =	ssyncadd.s32 @!p0 $0xFFFFFF00  }
0x29: {  	[bflag:$0x0] =	sbarrier.arrive $0xFFFF  }
0x2a: {  	[tilespmem:s2], [sflag:$0x7] =	stream.linear.gather [hbm4b:s7+s2], $0x800, $0x38;
	[tilespmem:$0x1F8C0] =	vst v63  }
0x2b: {  	_ =	swait.ge [sflag:s14], $0x800  }
0x2c: {  	[sflag:s14] =	ssyncset.done $0x0  }
0x2d: {  	s19 =	simm.s32 $0x1000;
	[sflag:s14] =	ssyncadd.s32 $0xFFFFF800  }
0x2e: {  	[tilespmem:s19], [sflag:$0x7] =	stream.linear.gather [hbm4b:s8+s2], $0x800, $0x38;
	[tilespmem:$0x1F8C0] =	vst v63  }
0x2f: {  	_ =	swait.ge [sflag:s14], $0x800  }
0x30: {  	[sflag:s14] =	ssyncset.done $0x0  }
0x31: {  	s20 =	simm.s32 $0x2000;
	[sflag:s14] =	ssyncadd.s32 $0xFFFFF800  }
0x32: {  	[tilespmem:s20], [sflag:$0x1] =	stream.indirect.gather [hbm4b:s3+s17], $0x80, s2, s17, $0xb8;
	[tilespmem:$0x1F8C0] =	vst v63  }
0x33: {  	s29 =	simm.s32 $0x80;
	s11 =	simm.s32 $0x4000  }
0x34: {  	[tilespmem:s11], [sflag:$0x2] =	stream.indirect.gather [hbm4b:s3+s17], $0x80, s29, s17, $0xb8;
	[tilespmem:$0x1F8C0] =	vst v63  }
0x35: {  	s30 =	simm.s32 $0x200  }
0x36: {  	[tilespmem:s22], [sflag:$0x3] =	stream.indirect.gather [hbm4b:s3+s17], $0x80, s21, s17, $0xb8;
	[tilespmem:$0x1F8C0] =	vst v63  }
0x37: {  	s31 =	smov.u32 s12;
	s19 =	simm.s32 $0x4;
	s11 =	smov.u32 s0  }
0x38: {  	[tilespmem:s24], [sflag:$0x4] =	stream.indirect.gather [hbm4b:s3+s17], $0x80, s23, s17, $0xb8;
	[tilespmem:$0x1F8C0] =	vst v63  }
.LBB2_2:
0x39: {  	s18 =	sadd.s32 $0xFFFFFFFC, s19  }
0x3a: {  	s4 =	smul.u32 $0xCD, s18;
	_ =	sdelay $0x1  }
0x3b: {  	s4 =	sshrl.u32 s4, $0xA  }
0x3c: {  	s4 =	sand.u32 $0x3F, s4  }
0x3d: {  	s4 =	smul.u32 $0x5, s4;
	_ =	sdelay $0x1  }
0x3e: {  	p1 =	seq.s32 s19, $0x4;
	s4 =	ssub.s32 s18, s4  }
.Ltmp2:
0x3f: {  	s4 =	sand.u32 $0xFF, s4;
	(pc) =	sbr.rel @p1 .LBB2_6-.Ltmp2, $4  }
0x40: {  	s16 =	sadd.s32 $0x1, s4  }
0x41: {  	_ =	swait.ge [sflag:s16], $0x2000  }
0x42: {  	[sflag:s16] =	ssyncset.done $0x0  }
0x43: {  	s29 =	simm.s32 $0x4;
	[sflag:s16] =	ssyncadd.s32 $0xFFFFE000;
	s16 =	simm.s32 $0x4  }
0x44: {  	s16 =	sand.u32 $0xF, s19;
	p1 =	sgt.u32 s18, $0x9B  }
0x45: {  	p2 =	sne.s32 @!p1 s16, $0x0  }
0x46: {  	p2 =	por p1, p2  }
.Ltmp3:
0x47: {  	_ = 	snop;
	(pc) =	sbr.rel @p2 .LBB2_5-.Ltmp3, $4  }
0x48: {  	_ = 	snop  }
0x49: {  	_ =	swait.ge [sflag:s26], $0x2000  }
0x4a: {  	[sflag:s26] =	ssyncset.done $0x0  }
0x4b: {  	[sflag:s26] =	ssyncadd.s32 $0xFFFFE000  }
0x4c: {  	s18 =	sand.u32 $0x800, s30;
	s16 =	simm.s32 $0x0  }
0x4d: {  	[tilespmem:s18], [sflag:$0x7] =	stream.linear.gather [hbm4b:s11+s16], $0x800, $0x38;
	[tilespmem:$0x1F8C0] =	vst v63  }
0x4e: {  	_ =	swait.ge [sflag:s14], $0x800  }
0x4f: {  	[sflag:s14] =	ssyncset.done $0x0  }
0x50: {  	s18 =	sor.u32 $0x1000, s18;
	[sflag:s14] =	ssyncadd.s32 $0xFFFFF800  }
0x51: {  	[tilespmem:s18], [sflag:$0x7] =	stream.linear.gather [hbm4b:s31+s16], $0x800, $0x38;
	[tilespmem:$0x1F8C0] =	vst v63  }
0x52: {  	_ =	swait.ge [sflag:s14], $0x800  }
0x53: {  	[sflag:s14] =	ssyncset.done $0x0  }
0x54: {  	s29 =	smov.u32 s19;
	[sflag:s14] =	ssyncadd.s32 $0xFFFFF800  }
.LBB2_6:
0x55: {  	s18 =	smul.u32 $0xCD, s29;
	_ =	sdelay $0x1  }
0x56: {  	s18 =	sshrl.u32 s18, $0xA  }
0x57: {  	s18 =	sand.u32 $0x3F, s18  }
0x58: {  	s18 =	smul.u32 $0x5, s18;
	_ =	sdelay $0x1  }
0x59: {  	s18 =	ssub.s32 s29, s18  }
0x5a: {  	s29 =	sshll.u32 s29, $0x7;
	s18 =	sand.u32 $0xFF, s18  }
0x5b: {  	s16 =	sshll.u32 s16, $0x7;
	s29 =	sand.u32 $0x800, s29;
	s20 =	sshll.u32 s18, $0xD  }
0x5c: {  	s16 =	sor.u32 s16, s29;
	s18 =	sadd.s32 $0x1, s18;
	s20 =	sadd.s32 $0x2000, s20  }
0x5d: {  	[tilespmem:s20], [sflag:s18] =	stream.indirect.gather [hbm4b:s3+s17], $0x80, s16, s17, $0xb8;
	[tilespmem:$0x1F8C0] =	vst v63  }
.LBB2_7:
0x5e: {  	s19 =	sadd.s32 $0x1, s19  }
0x5f: {  	p1 =	sne.s32 s19, $0xA4  }
.Ltmp4:
0x60: {  	_ = 	snop;
	(pc) =	sbr.rel @p1 .LBB2_2-.Ltmp4, $4  }
.Ltmp5:
0x61: {  	s16 =	sadd.s32 $0xFFFFFE00, s30;
	s4 =	sshll.u32 s4, $0xD;
	(pc) =	sbr.rel @!p1 .LBB2_8-.Ltmp5, $4  }
0x62: {  	s30 =	sadd.s32 $0x80, s30;
	s11 =	sadd.s32 $0x10, s11;
	s16 =	sand.u32 $0xF80, s16  }
0x63: {  	s31 =	sadd.s32 $0x10, s31;
	s4 =	sadd.s32 $0x2000, s4;
	s16 =	sor.u32 $0x1000, s16  }
0x64: {  	[spmem:s1] =	stream.indirect.scatter.add.f32 [tilespmem:s4], [sflag:$0x6], $0x80, s16, s17, $0xb8;
	[tilespmem:$0x1F8C0] =	vst v63  }
0x65: {  	_ = 	snop  }
.LBB2_5:
.Ltmp6:
0x66: {  	(pc) =	sbr.rel @p1 .LBB2_7-.Ltmp6, $4  }
.Ltmp7:
0x67: {  	(pc) =	sbr.rel @!p1 .LBB2_6-.Ltmp7, $4  }
0x68: {  	_ = 	snop  }
0x69: {  	_ = 	snop  }
0x6a: {  	s29 =	smov.u32 s19  }
0x6b: {  	_ = 	snop  }
.LBB2_9:
0x6c: {  	_ =	sfence.sel $0x180000  }
0x6d: {  	[bflag:$0x0] =	sbarrier.arrive $0xFFFF  }
0x6e: {  	_ =	strace $0x9000004D  }
0x6f: {  	s0 =	stileid.u32;
	[bflag:$0x2] =	sbarrier.arrive $0xFFFF  }
0x70: {  	p0 =	sne.s32 s0, $0x0;
	s0 =	rddreg [dreg:$0x2]  }
0x71: {  	s0 =	sadd.s32 @!p0 $0x100000, s0  }
0x72: {  	[sflag:s0] =	ssyncadd.tile.s32 @!p0 $0x1;
	_ =	shalt  }
.Lfunc_end2:
_tile_overlayer_lowered:
.L_overlay_start_2:
0x73: {  	(tag) =	ssettag $0x2  }
0x74: {  	s0 =	rddreg [dreg:$0x0];
	s2 =	stileid.u32  }
0x75: {  	s1 =	rddreg [dreg:$0x1];
	p0 =	sne.s32 s2, $0x0  }
0x76: {  	s3 =	rddreg [dreg:$0x2];
	[bflag:$0x3] =	sbarrier.arrive $0xFFFF;
	s2 =	simm.s32 @!p0 $0x1C07  }
0x77: {  	[timem:s3], [sflag:s2] =	dma.local @!p0 [hbm:s0], s1  }
0x78: {  	s0 =	simm.s32 @!p0 $0x7  }
0x79: {  	_ =	swait.ge @!p0 [sflag:s0], s1  }
0x7a: {  	s1 =	ssub.s32 @!p0 $0x0, s1;
	[sflag:s0] =	ssyncset.done @!p0 $0x0  }
0x7b: {  	[sflag:s0] =	ssyncadd.s32 @!p0 s1  }
0x7c: {  	[bflag:$0x3] =	sbarrier.arrive $0xFFFF  }
0x7d: {  	_ =	shalt  }

// kernel: kernel.18.cloned.1.call-start
scs
__scs_entry_jumppad:
0x0: {  	(pc) =	sbr.rel $0x88, $3  }
0x1: {  	(tag) =	ssettag $0x0;
	lr =	simm.s32 $0x1  }
0x2: {  	[smem:$0x3F99] =	sst lr;
	_ =	strace $0xD0000000  }
0x3: {  	_ = 	snop  }
0x4: {  	_ = 	snop  }
0x5: {  	_ = 	snop  }
0x6: {  	_ = 	snop  }
0x7: {  	_ = 	snop  }
__scs_overlays_trampoline_lowered:
0x8: {  	[smem:$0x3FA8] =	sst s0  }
0x9: {  	[smem:$0x3FA9] =	sst s1  }
0xa: {  	[smem:$0x3FAA] =	sst s2  }
0xb: {  	[smem:$0x3FAB] =	sst s3  }
0xc: {  	[smem:$0x3FAC] =	sst s4  }
0xd: {  	[smem:$0x3FAD] =	sst s5  }
0xe: {  	[smem:$0x3FAE] =	sst s6  }
0xf: {  	[smem:$0x3FAF] =	sst s7  }
0x10: {  	[smem:$0x3FB0] =	sst s8  }
0x11: {  	[smem:$0x3FB1] =	sst s9;
	s0 =	simm.s32 @!p0 $0x0  }
0x12: {  	s1 =	sld [smem:$0x3F97];
	s0 =	simm.s32 @p0 $0x1  }
0x13: {  	[smem:$0x3FB2] =	sst s0;
	s0 =	simm.s32 @!p1 $0x0  }
0x14: {  	s2 =	sld [smem:$0x3F96];
	s0 =	simm.s32 @p1 $0x1  }
0x15: {  	[smem:$0x3FB3] =	sst s0;
	s0 =	simm.s32 @!p2 $0x0  }
0x16: {  	s3 =	sld [smem:$0x3FDB];
	s0 =	simm.s32 @p2 $0x1  }
0x17: {  	s4 =	simm.s32 $0x1BF5;
	[smem:$0x3FB5] =	sst s0  }
0x18: {  	s0 =	sld [smem:$0x3F98];
	_ =	swait.ge [sflag:s4], $0x0  }
0x19: {  	s7 =	sld [smem:$0x3F99]  }
0x1a: {  	s8 =	sadd.s32 $0xFFFFE003, lr  }
0x1b: {  	s9 =	sadd.s32 $0xFFFFFEF7, lr;
	s5 =	simm.s32 $0xFFFFFFFF;
	p2 =	slt.u32 s8, $0xFFFFF086  }
0x1c: {  	p1 =	slt.u32 s9, $0xF7A;
	s5 =	simm.s32 @!p2 $0x0  }
0x1d: {  	s5 =	simm.s32 @p1 $0x1;
	p0 =	seq.s32 s7, s2  }
0x1e: {  	s7 =	smul.u32 @!p0 $0xF7A, s2;
	p2 =	seq.s32 @!p0 s5, $0x0  }
0x1f: {  	s9 =	smul.u32 $0xF7A, s1;
	s8 =	simm.s32 @!p0 $0x1BF5;
	p2 =	por !p2, p0  }
0x20: {  	[sflag:s8] =	ssyncset.s32 @!p0 $0xFFFFF086;
	s6 =	sadd.s32 @!p0 s3, s7;
	s7 =	simm.s32 @!p0 $0x108  }
0x21: {  	s3 =	sadd.s32 s3, s9;
	s6 =	sadd.s32 @!p0 $0x88, s6;
	s7 =	simm.s32 @p2 $0x1082  }
0x22: {  	[simem:s7], [sflag:s8] =	dma.local @!p0 [hbm:s6], $0xF7A  }
0x23: {  	s9 =	sor.u32 $0xD0000000, s2;
	s6 =	simm.s32 $0x108;
	_ =	swait.ge @!p0 [sflag:s8], $0x0  }
0x24: {  	s3 =	sadd.s32 $0x88, s3;
	s6 =	simm.s32 @!p1 $0x1082;
	[sflag:s4] =	ssyncset.s32 $0xFFFFF086  }
0x25: {  	[simem:s6], [sflag:s4] =	dma.local [hbm:s3], $0xF7A  }
0x26: {  	[smem:$0x3F99] =	sst s1;
	(tag) =	ssettag s2;
	_ =	strace s9  }
0x27: {  	s1 =	sld [smem:$0x3FA9]  }
0x28: {  	s2 =	sld [smem:$0x3FAA]  }
0x29: {  	s4 =	sld [smem:$0x3FAC]  }
0x2a: {  	p0 =	seq.s32 s5, $0x0;
	s5 =	sld [smem:$0x3FAD]  }
0x2b: {  	s6 =	sld [smem:$0x3FAE]  }
0x2c: {  	s7 =	sld [smem:$0x3FAF]  }
0x2d: {  	s3 =	simm.s32 $0x108;
	s8 =	sld [smem:$0x3FB0]  }
0x2e: {  	s3 =	simm.s32 @!p0 $0x1082;
	s9 =	sld [smem:$0x3FB1]  }
0x2f: {  	lr =	sadd.s32 s0, s3;
	s0 =	sld [smem:$0x3FA8]  }
0x30: {  	s3 =	sld [smem:$0x3FAB]  }
0x31: {  	[smem:$0x3FB4] =	sst s10  }
0x32: {  	s10 =	sld [smem:$0x3FB2];
	_ =	sdelay $0x3  }
0x33: {  	p0 =	seq.s32 s10, $0x1;
	s10 =	sld [smem:$0x3FB4];
	_ =	sdelay $0x3  }
0x34: {  	[smem:$0x3FB4] =	sst s10  }
0x35: {  	s10 =	sld [smem:$0x3FB3];
	_ =	sdelay $0x3  }
0x36: {  	p1 =	seq.s32 s10, $0x1;
	s10 =	sld [smem:$0x3FB4];
	_ =	sdelay $0x3  }
0x37: {  	[smem:$0x3FB4] =	sst s10  }
0x38: {  	s10 =	sld [smem:$0x3FB5]  }
0x39: {  	_ = 	snop;
	(pc) =	sbr.ind lr, $3  }
0x3a: {  	_ = 	snop  }
0x3b: {  	_ = 	snop  }
0x3c: {  	p2 =	seq.s32 s10, $0x1;
	s10 =	sld [smem:$0x3FB4]  }
0x3d: {  	_ =	shalt  }
0x3e: {  	_ =	shalt  }
0x3f: {  	_ =	shalt  }
0x40: {  	_ =	shalt  }
0x41: {  	_ =	shalt  }
0x42: {  	_ =	shalt  }
0x43: {  	_ =	shalt  }
0x44: {  	_ =	shalt  }
0x45: {  	_ =	shalt  }
0x46: {  	_ =	shalt  }
0x47: {  	_ =	shalt  }
0x48: {  	_ =	shalt  }
0x49: {  	_ =	shalt  }
0x4a: {  	_ =	shalt  }
0x4b: {  	_ =	shalt  }
0x4c: {  	_ =	shalt  }
0x4d: {  	_ =	shalt  }
0x4e: {  	_ =	shalt  }
0x4f: {  	_ =	shalt  }
0x50: {  	_ =	shalt  }
0x51: {  	_ =	shalt  }
0x52: {  	_ =	shalt  }
0x53: {  	_ =	shalt  }
0x54: {  	_ =	shalt  }
0x55: {  	_ =	shalt  }
0x56: {  	_ =	shalt  }
0x57: {  	_ =	shalt  }
0x58: {  	_ =	shalt  }
0x59: {  	_ =	shalt  }
0x5a: {  	_ =	shalt  }
0x5b: {  	_ =	shalt  }
0x5c: {  	_ =	shalt  }
0x5d: {  	_ =	shalt  }
0x5e: {  	_ =	shalt  }
0x5f: {  	_ =	shalt  }
0x60: {  	_ =	shalt  }
0x61: {  	_ =	shalt  }
0x62: {  	_ =	shalt  }
0x63: {  	_ =	shalt  }
0x64: {  	_ =	shalt  }
0x65: {  	_ =	shalt  }
0x66: {  	_ =	shalt  }
0x67: {  	_ =	shalt  }
0x68: {  	_ =	shalt  }
0x69: {  	_ =	shalt  }
0x6a: {  	_ =	shalt  }
0x6b: {  	_ =	shalt  }
0x6c: {  	_ =	shalt  }
0x6d: {  	_ =	shalt  }
0x6e: {  	_ =	shalt  }
0x6f: {  	_ =	shalt  }
0x70: {  	_ =	shalt  }
0x71: {  	_ =	shalt  }
0x72: {  	_ =	shalt  }
0x73: {  	_ =	shalt  }
0x74: {  	_ =	shalt  }
0x75: {  	_ =	shalt  }
0x76: {  	_ =	shalt  }
0x77: {  	_ =	shalt  }
0x78: {  	_ =	shalt  }
0x79: {  	_ =	shalt  }
0x7a: {  	_ =	shalt  }
0x7b: {  	_ =	shalt  }
0x7c: {  	_ =	shalt  }
0x7d: {  	_ =	shalt  }
0x7e: {  	_ =	shalt  }
0x7f: {  	_ =	shalt  }
0x80: {  	_ =	shalt  }
0x81: {  	_ =	shalt  }
0x82: {  	_ =	shalt  }
0x83: {  	_ =	shalt  }
0x84: {  	_ =	shalt  }
0x85: {  	_ =	shalt  }
0x86: {  	_ =	shalt  }
0x87: {  	_ =	shalt  }
.Lfunc_end0:
.L_simem_size_0:
called_computation.3_lowered:
.L_overlay_start_0:
0x88: {  	s2 =	sld [smem:$0x3FD9]  }
0x89: {  	s3 =	sld [smem:$0x3FFE];
	_ =	sdelay $0x1  }
0x8a: {  	s1 =	srdreg.scid  }
0x8b: {  	s0 =	sand.u32 $0x1, s1  }
0x8c: {  	s16 =	sshll.u32 s0, $0xA;
	s2 =	sadd.s32 s3, s2  }
0x8d: {  	s2 =	sadd.s32 s2, s16  }
0x8e: {  	[smem:$0x3FC0] =	sst s2  }
0x8f: {  	_ = 	snop  }
0x90: {  	(tm) =	ssettm $0x1  }
0x91: {  	s17 =	sld [smem:$0x3FFB];
	_ =	sdelay $0x3  }
0x92: {  	_ =	strace s17  }
0x93: {  	s2 =	sld [smem:$0x3FFC];
	_ =	sdelay $0x3  }
0x94: {  	_ =	strace s2  }
0x95: {  	s2 =	sld [smem:$0x3FFD];
	_ =	sdelay $0x3  }
0x96: {  	_ =	strace s2  }
0x97: {  	_ =	strace $0x8FFFFFFF  }
0x98: {  	s18 =	sld [smem:$0x3FDB];
	_ =	sdelay $0x1  }
0x99: {  	s19 =	simm.s32 $_scs_section_size  }
0x9a: {  	s4 =	simm.s32 $_size__tile_overlayer_lowered;
	s5 =	simm.s32 $_tile_overlayer_lowered  }
0x9b: {  	s22 =	simm.s32 $0x1BFF;
	s21 =	sshll.u32 s5, $0x1;
	s2 =	sadd.s32 s19, s18  }
0x9c: {  	s6 =	simm.s32 $0x0;
	s20 =	sshll.u32 s4, $0x1;
	s4 =	sadd.s32 s21, s2  }
0x9d: {  	[timem:s6], [sflag:s22] =	dma.local [hbm:s4], s20  }
0x9e: {  	_ =	swait.ge [sflag:s22], s20  }
0x9f: {  	s3 =	ssub.s32 $0x0, s20;
	[sflag:s22] =	ssyncset.done $0x0  }
0xa0: {  	[sflag:s22] =	ssyncadd.s32 s3;
	_ =	sdelay $0x1  }
0xa1: {  	s23 =	simm.s32 $0x1B8B  }
0xa2: {  	_ =	swait.ge [sflag:s23], $0x1  }
0xa3: {  	[sflag:s23] =	ssyncset.done $0x0  }
0xa4: {  	s25 =	simm.s32 $0x1B8E;
	s24 =	sld [smem:$0x3FFE];
	[sflag:s23] =	ssyncadd.s32 $0xFFFFFFFF  }
0xa5: {  	s26 =	simm.s32 $execute0_lowered;
	[smem:$0x3FD2] =	sst s25  }
0xa6: {  	s4 =	sshll.u32 s26, $0x1;
	_ =	strace $0x8000004F;
	[dreg:$0x1] =	wrdreg $0xFFFFFFFF  }
0xa7: {  	s28 =	simm.s32 $_size_execute0_lowered;
	s2 =	sadd.s32 s2, s4;
	[dreg:$0x0] =	wrdreg $0x0  }
0xa8: {  	s4 =	sshll.u32 s28, $0x1;
	[dreg:$0x2] =	wrdreg s2  }
0xa9: {  	[dreg:$0x3] =	wrdreg s4  }
0xaa: {  	[dreg:$0x4] =	wrdreg $0xC0  }
0xab: {  	_ =	task [dreg:s6], $0x5FFFF  }
0xac: {  	[dreg:$0x1] =	wrdreg $0xFFFFFFFF  }
0xad: {  	[dreg:$0x0] =	wrdreg $0x60  }
0xae: {  	[dreg:$0x2] =	wrdreg s24  }
0xaf: {  	[dreg:$0x3] =	wrdreg $0xC0000  }
0xb0: {  	[dreg:$0x4] =	wrdreg $0x9  }
0xb1: {  	_ =	task.clear_ibuf [dreg:s6], $0x5FFFF;
	_ =	strace $0x9000004F  }
0xb2: {  	s29 =	simm.s32 $0x9;
	_ =	strace $0x80000051  }
0xb3: {  	_ =	swait.ge [sflag:s29], $0x1  }
0xb4: {  	[sflag:s29] =	ssyncadd.s32 $0xFFFFFFFF  }
0xb5: {  	_ =	strace $0x90000051  }
0xb6: {  	_ =	sfence  }
0xb7: {  	s30 =	sld [smem:$0x0];
	_ =	sdelay $0x2  }
0xb8: {  	s31 =	sshll.u32 s1, $0xD;
	s1 =	sshrl.u32 s1, $0x2  }
0xb9: {  	s3 =	sand.u32 $0x4000, s31;
	s1 =	sadd.s32 s1, s30  }
0xba: {  	s0 =	sor.u32 s3, s0;
	s1 =	sshll.u32 s1, $0x11  }
0xbb: {  	s0 =	sor.u32 s1, s0  }
0xbc: {  	s0 =	sadd.s32 $0x8F2B, s0  }
0xbd: {  	[sflag:s0] =	ssyncadd.remote.s32 $0x1  }
0xbe: {  	_ =	sfence.sel $0xFFFF  }
0xbf: {  	[dreg:$0x0] =	wrdreg $0xFFFFFFFF;
	(pc) =	sbr.abs _section_cstart, $3  }
0xc0: {  	[dreg:$0x1] =	wrdreg $0xFFFFFFFF  }
0xc1: {  	_ =	task.clear_ibuf [dreg:s6], $0x2FFFF;
	_ =	strace $0x9FFFFFFF  }
0xc2: {  	(tm) =	ssettm $0x7FFFFFFF  }
0xc3: {  	_ =	shalt  }
tec
execute0_lowered:
.L_overlay_start_1:
0x0: {  	(tag) =	ssettag $0x1  }
0x1: {  	s0 =	rddreg [dreg:$0x0]  }
0x2: {  	s1 =	rddreg [dreg:$0x1];
	s2 =	simm.s32 $0x0;
	s4 =	srdreg.scid  }
0x3: {  	s17 =	stileid.u32;
	s21 =	simm.s32 $0x100;
	s22 =	simm.s32 $0x6000  }
0x4: {  	s23 =	simm.s32 $0x180;
	s24 =	simm.s32 $0x8000;
	s28 =	simm.s32 $0x0  }
0x5: {  	[smem:$0x7FF] =	sst s2;
	s3 =	sadd.s32 $0x56200, s0;
	s10 =	sadd.s32 $0x4800, s0  }
0x6: {  	s11 =	sadd.s32 $0x18800, s0;
	s4 =	sand.u32 $0x1, s4;
	s9 =	smul.u32 $0x4E000, s17  }
0x7: {  	s5 =	sadd.s32 $0x2C800, s0;
	s12 =	sshll.u32 s17, $0x6;
	s29 =	smul.u32 $0xA00, s17  }
0x8: {  	s15 =	sadd.s32 $0x138000, s1;
	s16 =	smul.u32 $0x2700, s17;
	p0 =	sne.s32 s17, $0xF  }
0x9: {  	_ =	strace $0x80000050;
	s6 =	smul.u32 $0x27100, s4;
	s7 =	ssub.s32 $0x2, s4  }
0xa: {  	s8 =	sshll.u32 s4, $0x4;
	s4 =	smul.u32 $0xA000, s4;
	s15 =	sshrl.u32 @!p0 s15, $0x3  }
0xb: {  	s26 =	sshrl.u32 s7, $0x1;
	s8 =	sor.u32 s17, s8;
	s9 =	sshrl.u32 s9, $0x2  }
0xc: {  	s17 =	simm.s32 $0x40;
	s0 =	sadd.s32 s6, s0;
	s8 =	smul.u32 $0xA00, s8  }
0xd: {  	s13 =	ssub.s32 s7, s26;
	s14 =	sadd.s32 s9, s1;
	s6 =	sor.u32 $0x1C07, s12  }
.Ltmp0:
0xe: {  	s30 =	sadd.s32 s4, s10;
	s4 =	sadd.s32 s4, s11;
	(pc) =	sbr.rel .LBB2_1-.Ltmp0, $4  }
0xf: {  	s26 =	simm.s32 $0x6;
	s9 =	sadd.s32 $0x7D400, s0;
	s31 =	sadd.s32 s29, s30  }
0x10: {  	s4 =	sadd.s32 s29, s4;
	s7 =	sadd.s32 s10, s8;
	s8 =	sadd.s32 s11, s8  }
0x11: {  	s10 =	smax.u32 s13, $0x1;
	s0 =	sadd.s32 $0x40, s31;
	s12 =	sadd.s32 $0x40, s4  }
0x12: {  	s13 =	sshrl.u32 s14, $0x3;
	s14 =	simm.s32 $0x7;
	s25 =	sadd.s32 s16, s9  }
.LBB2_8:
0x13: {  	_ =	swait.ge [sflag:s26], $0x2000  }
0x14: {  	[sflag:s26] =	ssyncset.done $0x0  }
0x15: {  	[sflag:s26] =	ssyncadd.s32 $0xFFFFE000  }
0x16: {  	[bflag:$0x0] =	sbarrier.arrive $0xFFFF  }
0x17: {  	[hbm:s25], [sflag:s6] =	dma.local [spmem:s13], $0x2700  }
0x18: {  	_ =	swait.ge [sflag:s14], $0x2700  }
0x19: {  	s28 =	sadd.s32 $0x1, s28;
	[sflag:s14] =	ssyncset.done $0x0  }
0x1a: {  	s4 =	sadd.s32 @!p0 $0x27000, s9;
	p1 =	sne.s32 s28, s10;
	[sflag:s14] =	ssyncadd.s32 $0xFFFFD900  }
0x1b: {  	[hbm:s4], [sflag:s6] =	dma.local @!p0 [spmem:s15], $0x100  }
.Ltmp1:
0x1c: {  	_ = 	snop;
	(pc) =	sbr.rel @!p1 .LBB2_9-.Ltmp1, $4  }
0x1d: {  	s4 =	simm.s32 @!p0 $0x7  }
0x1e: {  	_ =	swait.ge @!p0 [sflag:s4], $0x100  }
0x1f: {  	[sflag:s4] =	ssyncset.done @!p0 $0x0  }
0x20: {  	[sflag:s4] =	ssyncadd.s32 @!p0 $0xFFFFFF00  }
.LBB2_1:
0x21: {  	[spmem:s13], [sflag:s6] =	dma.local [hbm:s5], $0x2700  }
0x22: {  	_ =	swait.ge [sflag:s14], $0x2700  }
0x23: {  	[sflag:s14] =	ssyncset.done $0x0  }
0x24: {  	s4 =	simm.s32 @!p0 $0x7;
	[sflag:s14] =	ssyncadd.s32 $0xFFFFD900  }
0x25: {  	[spmem:s15], [sflag:s6] =	dma.local @!p0 [hbm:s5], $0x100  }
0x26: {  	_ =	swait.ge @!p0 [sflag:s4], $0x100  }
0x27: {  	[sflag:s4] =	ssyncset.done @!p0 $0x0  }
0x28: {  	[sflag:s4] =	ssyncadd.s32 @!p0 $0xFFFFFF00  }
0x29: {  	[bflag:$0x0] =	sbarrier.arrive $0xFFFF  }
0x2a: {  	[tilespmem:s2], [sflag:$0x7] =	stream.linear.gather [hbm4b:s7+s2], $0x800, $0x38;
	[tilespmem:$0x1F8C0] =	vst v63  }
0x2b: {  	_ =	swait.ge [sflag:s14], $0x800  }
0x2c: {  	[sflag:s14] =	ssyncset.done $0x0  }
0x2d: {  	s19 =	simm.s32 $0x1000;
	[sflag:s14] =	ssyncadd.s32 $0xFFFFF800  }
0x2e: {  	[tilespmem:s19], [sflag:$0x7] =	stream.linear.gather [hbm4b:s8+s2], $0x800, $0x38;
	[tilespmem:$0x1F8C0] =	vst v63  }
0x2f: {  	_ =	swait.ge [sflag:s14], $0x800  }
0x30: {  	[sflag:s14] =	ssyncset.done $0x0  }
0x31: {  	s20 =	simm.s32 $0x2000;
	[sflag:s14] =	ssyncadd.s32 $0xFFFFF800  }
0x32: {  	[tilespmem:s20], [sflag:$0x1] =	stream.indirect.gather [hbm4b:s3+s17], $0x80, s2, s17, $0xb8;
	[tilespmem:$0x1F8C0] =	vst v63  }
0x33: {  	s29 =	simm.s32 $0x80;
	s11 =	simm.s32 $0x4000  }
0x34: {  	[tilespmem:s11], [sflag:$0x2] =	stream.indirect.gather [hbm4b:s3+s17], $0x80, s29, s17, $0xb8;
	[tilespmem:$0x1F8C0] =	vst v63  }
0x35: {  	s30 =	simm.s32 $0x200  }
0x36: {  	[tilespmem:s22], [sflag:$0x3] =	stream.indirect.gather [hbm4b:s3+s17], $0x80, s21, s17, $0xb8;
	[tilespmem:$0x1F8C0] =	vst v63  }
0x37: {  	s31 =	smov.u32 s12;
	s19 =	simm.s32 $0x4;
	s11 =	smov.u32 s0  }
0x38: {  	[tilespmem:s24], [sflag:$0x4] =	stream.indirect.gather [hbm4b:s3+s17], $0x80, s23, s17, $0xb8;
	[tilespmem:$0x1F8C0] =	vst v63  }
.LBB2_2:
0x39: {  	s18 =	sadd.s32 $0xFFFFFFFC, s19  }
0x3a: {  	s4 =	smul.u32 $0xCD, s18;
	_ =	sdelay $0x1  }
0x3b: {  	s4 =	sshrl.u32 s4, $0xA  }
0x3c: {  	s4 =	sand.u32 $0x3F, s4  }
0x3d: {  	s4 =	smul.u32 $0x5, s4;
	_ =	sdelay $0x1  }
0x3e: {  	p1 =	seq.s32 s19, $0x4;
	s4 =	ssub.s32 s18, s4  }
.Ltmp2:
0x3f: {  	s4 =	sand.u32 $0xFF, s4;
	(pc) =	sbr.rel @p1 .LBB2_6-.Ltmp2, $4  }
0x40: {  	s16 =	sadd.s32 $0x1, s4  }
0x41: {  	_ =	swait.ge [sflag:s16], $0x2000  }
0x42: {  	[sflag:s16] =	ssyncset.done $0x0  }
0x43: {  	s29 =	simm.s32 $0x4;
	[sflag:s16] =	ssyncadd.s32 $0xFFFFE000;
	s16 =	simm.s32 $0x4  }
0x44: {  	s16 =	sand.u32 $0xF, s19;
	p1 =	sgt.u32 s18, $0x9B  }
0x45: {  	p2 =	sne.s32 @!p1 s16, $0x0  }
0x46: {  	p2 =	por p1, p2  }
.Ltmp3:
0x47: {  	_ = 	snop;
	(pc) =	sbr.rel @p2 .LBB2_5-.Ltmp3, $4  }
0x48: {  	_ = 	snop  }
0x49: {  	_ =	swait.ge [sflag:s26], $0x2000  }
0x4a: {  	[sflag:s26] =	ssyncset.done $0x0  }
0x4b: {  	[sflag:s26] =	ssyncadd.s32 $0xFFFFE000  }
0x4c: {  	s18 =	sand.u32 $0x800, s30;
	s16 =	simm.s32 $0x0  }
0x4d: {  	[tilespmem:s18], [sflag:$0x7] =	stream.linear.gather [hbm4b:s11+s16], $0x800, $0x38;
	[tilespmem:$0x1F8C0] =	vst v63  }
0x4e: {  	_ =	swait.ge [sflag:s14], $0x800  }
0x4f: {  	[sflag:s14] =	ssyncset.done $0x0  }
0x50: {  	s18 =	sor.u32 $0x1000, s18;
	[sflag:s14] =	ssyncadd.s32 $0xFFFFF800  }
0x51: {  	[tilespmem:s18], [sflag:$0x7] =	stream.linear.gather [hbm4b:s31+s16], $0x800, $0x38;
	[tilespmem:$0x1F8C0] =	vst v63  }
0x52: {  	_ =	swait.ge [sflag:s14], $0x800  }
0x53: {  	[sflag:s14] =	ssyncset.done $0x0  }
0x54: {  	s29 =	smov.u32 s19;
	[sflag:s14] =	ssyncadd.s32 $0xFFFFF800  }
.LBB2_6:
0x55: {  	s18 =	smul.u32 $0xCD, s29;
	_ =	sdelay $0x1  }
0x56: {  	s18 =	sshrl.u32 s18, $0xA  }
0x57: {  	s18 =	sand.u32 $0x3F, s18  }
0x58: {  	s18 =	smul.u32 $0x5, s18;
	_ =	sdelay $0x1  }
0x59: {  	s18 =	ssub.s32 s29, s18  }
0x5a: {  	s29 =	sshll.u32 s29, $0x7;
	s18 =	sand.u32 $0xFF, s18  }
0x5b: {  	s16 =	sshll.u32 s16, $0x7;
	s29 =	sand.u32 $0x800, s29;
	s20 =	sshll.u32 s18, $0xD  }
0x5c: {  	s16 =	sor.u32 s16, s29;
	s18 =	sadd.s32 $0x1, s18;
	s20 =	sadd.s32 $0x2000, s20  }
0x5d: {  	[tilespmem:s20], [sflag:s18] =	stream.indirect.gather [hbm4b:s3+s17], $0x80, s16, s17, $0xb8;
	[tilespmem:$0x1F8C0] =	vst v63  }
.LBB2_7:
0x5e: {  	s19 =	sadd.s32 $0x1, s19  }
0x5f: {  	p1 =	sne.s32 s19, $0xA4  }
.Ltmp4:
0x60: {  	_ = 	snop;
	(pc) =	sbr.rel @p1 .LBB2_2-.Ltmp4, $4  }
.Ltmp5:
0x61: {  	s16 =	sadd.s32 $0xFFFFFE00, s30;
	s4 =	sshll.u32 s4, $0xD;
	(pc) =	sbr.rel @!p1 .LBB2_8-.Ltmp5, $4  }
0x62: {  	s30 =	sadd.s32 $0x80, s30;
	s11 =	sadd.s32 $0x10, s11;
	s16 =	sand.u32 $0xF80, s16  }
0x63: {  	s31 =	sadd.s32 $0x10, s31;
	s4 =	sadd.s32 $0x2000, s4;
	s16 =	sor.u32 $0x1000, s16  }
0x64: {  	[spmem:s1] =	stream.indirect.scatter.add.f32 [tilespmem:s4], [sflag:$0x6], $0x80, s16, s17, $0xb8;
	[tilespmem:$0x1F8C0] =	vst v63  }
0x65: {  	_ = 	snop  }
.LBB2_5:
.Ltmp6:
0x66: {  	(pc) =	sbr.rel @p1 .LBB2_7-.Ltmp6, $4  }
.Ltmp7:
0x67: {  	(pc) =	sbr.rel @!p1 .LBB2_6-.Ltmp7, $4  }
0x68: {  	_ = 	snop  }
0x69: {  	_ = 	snop  }
0x6a: {  	s29 =	smov.u32 s19  }
0x6b: {  	_ = 	snop  }
.LBB2_9:
0x6c: {  	_ =	sfence.sel $0x180000  }
0x6d: {  	[bflag:$0x0] =	sbarrier.arrive $0xFFFF  }
0x6e: {  	_ =	strace $0x90000050  }
0x6f: {  	s0 =	stileid.u32;
	[bflag:$0x2] =	sbarrier.arrive $0xFFFF  }
0x70: {  	p0 =	sne.s32 s0, $0x0;
	s0 =	rddreg [dreg:$0x2]  }
0x71: {  	s0 =	sadd.s32 @!p0 $0x100000, s0  }
0x72: {  	[sflag:s0] =	ssyncadd.tile.s32 @!p0 $0x1;
	_ =	shalt  }
.Lfunc_end2:
_tile_overlayer_lowered:
.L_overlay_start_2:
0x73: {  	(tag) =	ssettag $0x2  }
0x74: {  	s0 =	rddreg [dreg:$0x0];
	s2 =	stileid.u32  }
0x75: {  	s1 =	rddreg [dreg:$0x1];
	p0 =	sne.s32 s2, $0x0  }
0x76: {  	s3 =	rddreg [dreg:$0x2];
	[bflag:$0x3] =	sbarrier.arrive $0xFFFF;
	s2 =	simm.s32 @!p0 $0x1C07  }
0x77: {  	[timem:s3], [sflag:s2] =	dma.local @!p0 [hbm:s0], s1  }
0x78: {  	s0 =	simm.s32 @!p0 $0x7  }
0x79: {  	_ =	swait.ge @!p0 [sflag:s0], s1  }
0x7a: {  	s1 =	ssub.s32 @!p0 $0x0, s1;
	[sflag:s0] =	ssyncset.done @!p0 $0x0  }
0x7b: {  	[sflag:s0] =	ssyncadd.s32 @!p0 s1  }
0x7c: {  	[bflag:$0x3] =	sbarrier.arrive $0xFFFF  }
0x7d: {  	_ =	shalt  }

// kernel: kernel.9.cloned.1.call-start
scs
__scs_entry_jumppad:
0x0: {  	(pc) =	sbr.rel $0x88, $3  }
0x1: {  	(tag) =	ssettag $0x0;
	lr =	simm.s32 $0x1  }
0x2: {  	[smem:$0x3F99] =	sst lr;
	_ =	strace $0xD0000000  }
0x3: {  	_ = 	snop  }
0x4: {  	_ = 	snop  }
0x5: {  	_ = 	snop  }
0x6: {  	_ = 	snop  }
0x7: {  	_ = 	snop  }
__scs_overlays_trampoline_lowered:
0x8: {  	[smem:$0x3FA8] =	sst s0  }
0x9: {  	[smem:$0x3FA9] =	sst s1  }
0xa: {  	[smem:$0x3FAA] =	sst s2  }
0xb: {  	[smem:$0x3FAB] =	sst s3  }
0xc: {  	[smem:$0x3FAC] =	sst s4  }
0xd: {  	[smem:$0x3FAD] =	sst s5  }
0xe: {  	[smem:$0x3FAE] =	sst s6  }
0xf: {  	[smem:$0x3FAF] =	sst s7  }
0x10: {  	[smem:$0x3FB0] =	sst s8  }
0x11: {  	[smem:$0x3FB1] =	sst s9;
	s0 =	simm.s32 @!p0 $0x0  }
0x12: {  	s1 =	sld [smem:$0x3F97];
	s0 =	simm.s32 @p0 $0x1  }
0x13: {  	[smem:$0x3FB2] =	sst s0;
	s0 =	simm.s32 @!p1 $0x0  }
0x14: {  	s2 =	sld [smem:$0x3F96];
	s0 =	simm.s32 @p1 $0x1  }
0x15: {  	[smem:$0x3FB3] =	sst s0;
	s0 =	simm.s32 @!p2 $0x0  }
0x16: {  	s3 =	sld [smem:$0x3FDB];
	s0 =	simm.s32 @p2 $0x1  }
0x17: {  	s4 =	simm.s32 $0x1BF5;
	[smem:$0x3FB5] =	sst s0  }
0x18: {  	s0 =	sld [smem:$0x3F98];
	_ =	swait.ge [sflag:s4], $0x0  }
0x19: {  	s7 =	sld [smem:$0x3F99]  }
0x1a: {  	s8 =	sadd.s32 $0xFFFFE003, lr  }
0x1b: {  	s9 =	sadd.s32 $0xFFFFFEF7, lr;
	s5 =	simm.s32 $0xFFFFFFFF;
	p2 =	slt.u32 s8, $0xFFFFF086  }
0x1c: {  	p1 =	slt.u32 s9, $0xF7A;
	s5 =	simm.s32 @!p2 $0x0  }
0x1d: {  	s5 =	simm.s32 @p1 $0x1;
	p0 =	seq.s32 s7, s2  }
0x1e: {  	s7 =	smul.u32 @!p0 $0xF7A, s2;
	p2 =	seq.s32 @!p0 s5, $0x0  }
0x1f: {  	s9 =	smul.u32 $0xF7A, s1;
	s8 =	simm.s32 @!p0 $0x1BF5;
	p2 =	por !p2, p0  }
0x20: {  	[sflag:s8] =	ssyncset.s32 @!p0 $0xFFFFF086;
	s6 =	sadd.s32 @!p0 s3, s7;
	s7 =	simm.s32 @!p0 $0x108  }
0x21: {  	s3 =	sadd.s32 s3, s9;
	s6 =	sadd.s32 @!p0 $0x88, s6;
	s7 =	simm.s32 @p2 $0x1082  }
0x22: {  	[simem:s7], [sflag:s8] =	dma.local @!p0 [hbm:s6], $0xF7A  }
0x23: {  	s9 =	sor.u32 $0xD0000000, s2;
	s6 =	simm.s32 $0x108;
	_ =	swait.ge @!p0 [sflag:s8], $0x0  }
0x24: {  	s3 =	sadd.s32 $0x88, s3;
	s6 =	simm.s32 @!p1 $0x1082;
	[sflag:s4] =	ssyncset.s32 $0xFFFFF086  }
0x25: {  	[simem:s6], [sflag:s4] =	dma.local [hbm:s3], $0xF7A  }
0x26: {  	[smem:$0x3F99] =	sst s1;
	(tag) =	ssettag s2;
	_ =	strace s9  }
0x27: {  	s1 =	sld [smem:$0x3FA9]  }
0x28: {  	s2 =	sld [smem:$0x3FAA]  }
0x29: {  	s4 =	sld [smem:$0x3FAC]  }
0x2a: {  	p0 =	seq.s32 s5, $0x0;
	s5 =	sld [smem:$0x3FAD]  }
0x2b: {  	s6 =	sld [smem:$0x3FAE]  }
0x2c: {  	s7 =	sld [smem:$0x3FAF]  }
0x2d: {  	s3 =	simm.s32 $0x108;
	s8 =	sld [smem:$0x3FB0]  }
0x2e: {  	s3 =	simm.s32 @!p0 $0x1082;
	s9 =	sld [smem:$0x3FB1]  }
0x2f: {  	lr =	sadd.s32 s0, s3;
	s0 =	sld [smem:$0x3FA8]  }
0x30: {  	s3 =	sld [smem:$0x3FAB]  }
0x31: {  	[smem:$0x3FB4] =	sst s10  }
0x32: {  	s10 =	sld [smem:$0x3FB2];
	_ =	sdelay $0x3  }
0x33: {  	p0 =	seq.s32 s10, $0x1;
	s10 =	sld [smem:$0x3FB4];
	_ =	sdelay $0x3  }
0x34: {  	[smem:$0x3FB4] =	sst s10  }
0x35: {  	s10 =	sld [smem:$0x3FB3];
	_ =	sdelay $0x3  }
0x36: {  	p1 =	seq.s32 s10, $0x1;
	s10 =	sld [smem:$0x3FB4];
	_ =	sdelay $0x3  }
0x37: {  	[smem:$0x3FB4] =	sst s10  }
0x38: {  	s10 =	sld [smem:$0x3FB5]  }
0x39: {  	_ = 	snop;
	(pc) =	sbr.ind lr, $3  }
0x3a: {  	_ = 	snop  }
0x3b: {  	_ = 	snop  }
0x3c: {  	p2 =	seq.s32 s10, $0x1;
	s10 =	sld [smem:$0x3FB4]  }
0x3d: {  	_ =	shalt  }
0x3e: {  	_ =	shalt  }
0x3f: {  	_ =	shalt  }
0x40: {  	_ =	shalt  }
0x41: {  	_ =	shalt  }
0x42: {  	_ =	shalt  }
0x43: {  	_ =	shalt  }
0x44: {  	_ =	shalt  }
0x45: {  	_ =	shalt  }
0x46: {  	_ =	shalt  }
0x47: {  	_ =	shalt  }
0x48: {  	_ =	shalt  }
0x49: {  	_ =	shalt  }
0x4a: {  	_ =	shalt  }
0x4b: {  	_ =	shalt  }
0x4c: {  	_ =	shalt  }
0x4d: {  	_ =	shalt  }
0x4e: {  	_ =	shalt  }
0x4f: {  	_ =	shalt  }
0x50: {  	_ =	shalt  }
0x51: {  	_ =	shalt  }
0x52: {  	_ =	shalt  }
0x53: {  	_ =	shalt  }
0x54: {  	_ =	shalt  }
0x55: {  	_ =	shalt  }
0x56: {  	_ =	shalt  }
0x57: {  	_ =	shalt  }
0x58: {  	_ =	shalt  }
0x59: {  	_ =	shalt  }
0x5a: {  	_ =	shalt  }
0x5b: {  	_ =	shalt  }
0x5c: {  	_ =	shalt  }
0x5d: {  	_ =	shalt  }
0x5e: {  	_ =	shalt  }
0x5f: {  	_ =	shalt  }
0x60: {  	_ =	shalt  }
0x61: {  	_ =	shalt  }
0x62: {  	_ =	shalt  }
0x63: {  	_ =	shalt  }
0x64: {  	_ =	shalt  }
0x65: {  	_ =	shalt  }
0x66: {  	_ =	shalt  }
0x67: {  	_ =	shalt  }
0x68: {  	_ =	shalt  }
0x69: {  	_ =	shalt  }
0x6a: {  	_ =	shalt  }
0x6b: {  	_ =	shalt  }
0x6c: {  	_ =	shalt  }
0x6d: {  	_ =	shalt  }
0x6e: {  	_ =	shalt  }
0x6f: {  	_ =	shalt  }
0x70: {  	_ =	shalt  }
0x71: {  	_ =	shalt  }
0x72: {  	_ =	shalt  }
0x73: {  	_ =	shalt  }
0x74: {  	_ =	shalt  }
0x75: {  	_ =	shalt  }
0x76: {  	_ =	shalt  }
0x77: {  	_ =	shalt  }
0x78: {  	_ =	shalt  }
0x79: {  	_ =	shalt  }
0x7a: {  	_ =	shalt  }
0x7b: {  	_ =	shalt  }
0x7c: {  	_ =	shalt  }
0x7d: {  	_ =	shalt  }
0x7e: {  	_ =	shalt  }
0x7f: {  	_ =	shalt  }
0x80: {  	_ =	shalt  }
0x81: {  	_ =	shalt  }
0x82: {  	_ =	shalt  }
0x83: {  	_ =	shalt  }
0x84: {  	_ =	shalt  }
0x85: {  	_ =	shalt  }
0x86: {  	_ =	shalt  }
0x87: {  	_ =	shalt  }
.Lfunc_end0:
.L_simem_size_0:
called_computation_lowered:
.L_overlay_start_0:
0x88: {  	s2 =	sld [smem:$0x3FD9]  }
0x89: {  	s3 =	sld [smem:$0x3FFE];
	_ =	sdelay $0x1  }
0x8a: {  	s1 =	srdreg.scid  }
0x8b: {  	s0 =	sand.u32 $0x1, s1  }
0x8c: {  	s17 =	sshll.u32 s0, $0xA;
	s2 =	sadd.s32 s3, s2  }
0x8d: {  	s2 =	sadd.s32 s2, s17  }
0x8e: {  	[smem:$0x3FC0] =	sst s2  }
0x8f: {  	_ = 	snop  }
0x90: {  	s18 =	sld [smem:$0x3FD0];
	(tm) =	ssettm $0x1  }
0x91: {  	s19 =	sld [smem:$0x3FFB];
	_ =	sdelay $0x3  }
0x92: {  	_ =	strace s19  }
0x93: {  	s2 =	sld [smem:$0x3FFC];
	_ =	sdelay $0x3  }
0x94: {  	_ =	strace s2  }
0x95: {  	s2 =	sld [smem:$0x3FFD];
	_ =	sdelay $0x3  }
0x96: {  	_ =	strace s2  }
0x97: {  	_ =	strace $0x8FFFFFFF  }
0x98: {  	s20 =	sld [smem:$0x3FDB];
	_ =	sdelay $0x1  }
0x99: {  	s4 =	simm.s32 $_scs_section_size  }
0x9a: {  	s5 =	simm.s32 $_size__tile_overlayer_lowered;
	s6 =	simm.s32 $_tile_overlayer_lowered  }
0x9b: {  	s7 =	simm.s32 $0x1BFF;
	s21 =	sshll.u32 s6, $0x1;
	s4 =	sadd.s32 s4, s20  }
0x9c: {  	s22 =	simm.s32 $0x0;
	s5 =	sshll.u32 s5, $0x1;
	s6 =	sadd.s32 s21, s4  }
0x9d: {  	[timem:s22], [sflag:s7] =	dma.local [hbm:s6], s5  }
0x9e: {  	_ =	swait.ge [sflag:s7], s5  }
0x9f: {  	s5 =	ssub.s32 $0x0, s5;
	[sflag:s7] =	ssyncset.done $0x0  }
0xa0: {  	[sflag:s7] =	ssyncadd.s32 s5;
	_ =	sdelay $0x1  }
0xa1: {  	s23 =	simm.s32 $0x1B8B  }
0xa2: {  	_ =	swait.ge [sflag:s23], $0x1  }
0xa3: {  	[sflag:s23] =	ssyncset.done $0x0  }
0xa4: {  	[sflag:s23] =	ssyncadd.s32 $0xFFFFFFFF  }
0xa5: {  	s5 =	sld [smem:$0x0]  }
0xa6: {  	s6 =	sand.u32 $0xFFFFFFFE, s1  }
0xa7: {  	p0 =	sne.s32 s1, s6  }
0xa8: {  	s6 =	sshll.u32 @p0 s6, $0xE  }
0xa9: {  	s6 =	sadd.s32 @p0 $0x11B8D, s6;
	s7 =	sshll.u32 @p0 s5, $0x11  }
0xaa: {  	s6 =	sor.u32 @p0 s7, s6  }
0xab: {  	[sflag:s6] =	ssyncadd.remote.s32 @p0 $0x1;
	_ =	sdelay $0x1  }
0xac: {  	s6 =	simm.s32 @p0 $0x1B8D  }
0xad: {  	_ =	swait.eq @p0 [sflag:s6], $0x1  }
0xae: {  	[sflag:s6] =	ssyncadd.s32 @p0 $0xFFFFFFFF  }
0xaf: {  	s7 =	sshll.u32 @!p0 s1, $0xE  }
0xb0: {  	s7 =	sor.u32 @!p0 $0x4000, s7;
	s6 =	simm.s32 @!p0 $0x1B8D  }
0xb1: {  	s5 =	sshll.u32 @!p0 s5, $0x11;
	s7 =	sadd.s32 @!p0 $0x11B8D, s7;
	_ =	swait.eq @!p0 [sflag:s6], $0x1  }
0xb2: {  	s5 =	sor.u32 @!p0 s5, s7;
	[sflag:s6] =	ssyncadd.s32 @!p0 $0xFFFFFFFF  }
0xb3: {  	s25 =	simm.s32 $0x1B8E;
	s24 =	sld [smem:$0x3FFE];
	[sflag:s5] =	ssyncadd.remote.s32 @!p0 $0x1  }
0xb4: {  	s26 =	simm.s32 $execute0_lowered;
	[smem:$0x3FD2] =	sst s25  }
0xb5: {  	s6 =	sshll.u32 s26, $0x1;
	_ =	strace $0x80000049;
	[dreg:$0x1] =	wrdreg $0xFFFFFFFF  }
0xb6: {  	s28 =	simm.s32 $_size_execute0_lowered;
	s4 =	sadd.s32 s4, s6;
	[dreg:$0x0] =	wrdreg $0x0  }
0xb7: {  	s6 =	sshll.u32 s28, $0x1;
	[dreg:$0x2] =	wrdreg s4  }
0xb8: {  	[dreg:$0x3] =	wrdreg s6  }
0xb9: {  	[dreg:$0x4] =	wrdreg $0xC0  }
0xba: {  	_ =	task [dreg:s22], $0x5FFFF  }
0xbb: {  	[dreg:$0x1] =	wrdreg $0xFFFFFFFF  }
0xbc: {  	[dreg:$0x0] =	wrdreg $0x60  }
0xbd: {  	[dreg:$0x2] =	wrdreg s18  }
0xbe: {  	[dreg:$0x3] =	wrdreg s24  }
0xbf: {  	[dreg:$0x4] =	wrdreg $0x5C000  }
0xc0: {  	[dreg:$0x5] =	wrdreg $0x9  }
0xc1: {  	_ =	task.clear_ibuf [dreg:s22], $0x6FFFF;
	_ =	strace $0x90000049  }
0xc2: {  	s29 =	simm.s32 $0x9;
	_ =	strace $0x8000004B  }
0xc3: {  	_ =	swait.ge [sflag:s29], $0x1  }
0xc4: {  	[sflag:s29] =	ssyncadd.s32 $0xFFFFFFFF  }
0xc5: {  	_ =	strace $0x9000004B  }
0xc6: {  	_ =	sfence  }
0xc7: {  	s30 =	sld [smem:$0x0];
	_ =	sdelay $0x2  }
0xc8: {  	s31 =	sshll.u32 s1, $0xD;
	s1 =	sshrl.u32 s1, $0x2  }
0xc9: {  	s4 =	sand.u32 $0x4000, s31;
	s1 =	sadd.s32 s1, s30  }
0xca: {  	s0 =	sor.u32 s4, s0;
	s1 =	sshll.u32 s1, $0x11  }
0xcb: {  	s0 =	sor.u32 s1, s0  }
0xcc: {  	s0 =	sadd.s32 $0x8F2B, s0  }
0xcd: {  	[sflag:s0] =	ssyncadd.remote.s32 $0x1  }
0xce: {  	_ =	sfence.sel $0xFFFF  }
0xcf: {  	[dreg:$0x0] =	wrdreg $0xFFFFFFFF;
	(pc) =	sbr.abs _section_cstart, $3  }
0xd0: {  	[dreg:$0x1] =	wrdreg $0xFFFFFFFF  }
0xd1: {  	_ =	task.clear_ibuf [dreg:s22], $0x2FFFF;
	_ =	strace $0x9FFFFFFF  }
0xd2: {  	(tm) =	ssettm $0x7FFFFFFF  }
0xd3: {  	_ =	shalt  }
tec
execute0_lowered:
.L_overlay_start_1:
0x0: {  	(tag) =	ssettag $0x1  }
0x1: {  	s0 =	rddreg [dreg:$0x0]  }
0x2: {  	s1 =	rddreg [dreg:$0x1]  }
0x3: {  	s2 =	rddreg [dreg:$0x2];
	s8 =	stileid.u32  }
0x4: {  	s4 =	srdreg.scid;
	s10 =	smul.u32 $0x4E000, s8  }
0x5: {  	s3 =	simm.s32 $0x0;
	s9 =	simm.s32 $0x1;
	s25 =	smul.u32 $0x500, s8  }
0x6: {  	s5 =	sand.u32 $0x1, s4;
	[smem:$0x7FF] =	sst s3;
	s26 =	smul.u32 $0x2700, s8  }
0x7: {  	p0 =	sne.s32 s8, $0xF;
	s8 =	simm.s32 $0x2;
	s4 =	sshrl.u32 s10, $0x2  }
0x8: {  	s6 =	smul.u32 $0x27100, s5;
	_ =	strace $0x8000004A;
	s4 =	sadd.s32 s4, s2  }
0x9: {  	s7 =	ssub.s32 $0x2, s5;
	s5 =	smul.u32 $0x5000, s5;
	s12 =	sadd.s32 $0xC00, s4  }
0xa: {  	s11 =	sshrl.u32 s7, $0x1;
	s13 =	sadd.s32 $0x1800, s4;
	[dreg:$0x4] =	wrdreg s12  }
0xb: {  	s10 =	simm.s32 $0x7D;
	s14 =	sadd.s32 $0x2400, s4;
	[dreg:$0x5] =	wrdreg s13  }
0xc: {  	s1 =	sadd.s32 s6, s1;
	s15 =	sadd.s32 $0x3000, s4;
	[dreg:$0x6] =	wrdreg s14  }
0xd: {  	s6 =	ssub.s32 s7, s11;
	s16 =	sadd.s32 $0x3C00, s4;
	[dreg:$0x7] =	wrdreg s15  }
0xe: {  	s0 =	sadd.s32 s5, s0;
	s17 =	sadd.s32 $0x4800, s4;
	[dreg:$0x8] =	wrdreg s16  }
0xf: {  	s7 =	simm.s32 $0x1000;
	s18 =	sadd.s32 $0x5400, s4;
	[dreg:$0x9] =	wrdreg s17  }
0x10: {  	s11 =	simm.s32 $0x1C00;
	s19 =	sadd.s32 $0x6000, s4;
	[dreg:$0xa] =	wrdreg s18  }
0x11: {  	s20 =	sadd.s32 $0x6C00, s4;
	s21 =	sadd.s32 $0x7800, s4;
	[dreg:$0xb] =	wrdreg s19  }
0x12: {  	s22 =	sadd.s32 $0x8400, s4;
	s23 =	sadd.s32 $0x9000, s4;
	[dreg:$0xc] =	wrdreg s20  }
0x13: {  	s24 =	sadd.s32 $0x9C00, s4;
	s28 =	sadd.s32 $0xE400, s4;
	[dreg:$0xd] =	wrdreg s21  }
0x14: {  	s29 =	sadd.s32 $0xF000, s4;
	s30 =	sadd.s32 $0xFC00, s4;
	[dreg:$0xe] =	wrdreg s22  }
0x15: {  	s31 =	sadd.s32 $0x10800, s4;
	s5 =	sadd.s32 $0x12C00, s4;
	[dreg:$0xf] =	wrdreg s23  }
.Ltmp0:
0x16: {  	[dreg:$0x10] =	wrdreg s24;
	s18 =	sadd.s32 $0xA800, s4;
	(pc) =	sbr.rel .LBB2_1-.Ltmp0, $4  }
0x17: {  	s19 =	sadd.s32 $0xB400, s4;
	s20 =	sadd.s32 $0xC000, s4;
	s14 =	sadd.s32 s25, s0  }
0x18: {  	s22 =	sadd.s32 $0xCC00, s4;
	s23 =	sadd.s32 $0x7D200, s1;
	s24 =	smax.u32 s6, $0x1  }
0x19: {  	s0 =	sadd.s32 $0x11400, s4;
	s1 =	sadd.s32 $0x12000, s4;
	s6 =	sadd.s32 $0x138000, s2  }
0x1a: {  	v0 =	vimm.f32 $0.0e+00;
	v1 =	vimm.f32 $1.000000000e+00;
	s12 =	simm.s32 $0x0;
	s25 =	sadd.s32 s26, s23;
	s26 =	sadd.s32 $0xD800, s4  }
.LBB2_12:
0x1b: {  	_ =	swait.ge [sflag:s9], $0x3E80  }
0x1c: {  	[sflag:s9] =	ssyncset.done $0x0  }
0x1d: {  	[sflag:s9] =	ssyncadd.s32 $0xFFFFC180  }
0x1e: {  	_ =	swait.ge [sflag:s9], $0x3E80  }
0x1f: {  	[sflag:s9] =	ssyncset.done $0x0  }
0x20: {  	[sflag:s9] =	ssyncadd.s32 $0xFFFFC180  }
0x21: {  	_ =	swait.ge [sflag:s9], $0x3E80  }
0x22: {  	[sflag:s9] =	ssyncset.done $0x0  }
0x23: {  	[sflag:s9] =	ssyncadd.s32 $0xFFFFC180  }
0x24: {  	_ =	swait.ge [sflag:s9], $0x3E80  }
0x25: {  	[sflag:s9] =	ssyncset.done $0x0  }
0x26: {  	[sflag:s9] =	ssyncadd.s32 $0xFFFFC180  }
0x27: {  	_ =	swait.ge [sflag:s9], $0x3E80  }
0x28: {  	[sflag:s9] =	ssyncset.done $0x0  }
0x29: {  	[sflag:s9] =	ssyncadd.s32 $0xFFFFC180  }
0x2a: {  	_ =	swait.ge [sflag:s9], $0x3E80  }
0x2b: {  	[sflag:s9] =	ssyncset.done $0x0  }
0x2c: {  	[sflag:s9] =	ssyncadd.s32 $0xFFFFC180  }
0x2d: {  	_ =	swait.ge [sflag:s9], $0x3E80  }
0x2e: {  	[sflag:s9] =	ssyncset.done $0x0  }
0x2f: {  	[sflag:s9] =	ssyncadd.s32 $0xFFFFC180  }
0x30: {  	_ =	swait.ge [sflag:s9], $0x3E80  }
0x31: {  	[sflag:s9] =	ssyncset.done $0x0  }
0x32: {  	[sflag:s9] =	ssyncadd.s32 $0xFFFFC180  }
0x33: {  	_ =	swait.ge [sflag:s9], $0x3E80  }
0x34: {  	[sflag:s9] =	ssyncset.done $0x0  }
0x35: {  	[sflag:s9] =	ssyncadd.s32 $0xFFFFC180  }
0x36: {  	_ =	swait.ge [sflag:s9], $0x3E80  }
0x37: {  	[sflag:s9] =	ssyncset.done $0x0  }
0x38: {  	[sflag:s9] =	ssyncadd.s32 $0xFFFFC180  }
0x39: {  	_ =	swait.ge [sflag:s9], $0x3E80  }
0x3a: {  	[sflag:s9] =	ssyncset.done $0x0  }
0x3b: {  	[sflag:s9] =	ssyncadd.s32 $0xFFFFC180  }
0x3c: {  	_ =	swait.ge [sflag:s9], $0x3E80  }
0x3d: {  	[sflag:s9] =	ssyncset.done $0x0  }
0x3e: {  	[sflag:s9] =	ssyncadd.s32 $0xFFFFC180  }
0x3f: {  	_ =	swait.ge [sflag:s9], $0x3E80  }
0x40: {  	[sflag:s9] =	ssyncset.done $0x0  }
0x41: {  	[sflag:s9] =	ssyncadd.s32 $0xFFFFC180  }
0x42: {  	_ =	swait.ge [sflag:s9], $0x3E80  }
0x43: {  	[sflag:s9] =	ssyncset.done $0x0  }
0x44: {  	[sflag:s9] =	ssyncadd.s32 $0xFFFFC180  }
0x45: {  	_ =	swait.ge [sflag:s9], $0x3E80  }
0x46: {  	[sflag:s9] =	ssyncset.done $0x0  }
0x47: {  	[sflag:s9] =	ssyncadd.s32 $0xFFFFC180  }
0x48: {  	_ =	swait.ge [sflag:s9], $0x3E80  }
0x49: {  	[sflag:s9] =	ssyncset.done $0x0  }
0x4a: {  	[sflag:s9] =	ssyncadd.s32 $0xFFFFC180  }
0x4b: {  	_ =	swait.ge [sflag:s9], $0x3E80  }
0x4c: {  	[sflag:s9] =	ssyncset.done $0x0  }
0x4d: {  	[sflag:s9] =	ssyncadd.s32 $0xFFFFC180  }
0x4e: {  	_ =	swait.ge [sflag:s9], $0x3E80  }
0x4f: {  	[sflag:s9] =	ssyncset.done $0x0  }
0x50: {  	[sflag:s9] =	ssyncadd.s32 $0xFFFFC180  }
0x51: {  	_ =	swait.ge [sflag:s9], $0x3E80  }
0x52: {  	[sflag:s9] =	ssyncset.done $0x0  }
0x53: {  	[sflag:s9] =	ssyncadd.s32 $0xFFFFC180  }
0x54: {  	_ =	swait.ge [sflag:s9], $0x3E80  }
0x55: {  	[sflag:s9] =	ssyncset.done $0x0  }
0x56: {  	[sflag:s9] =	ssyncadd.s32 $0xFFFFC180  }
0x57: {  	_ =	swait.ge [sflag:s9], $0x3E80  }
0x58: {  	[sflag:s9] =	ssyncset.done $0x0  }
0x59: {  	[sflag:s9] =	ssyncadd.s32 $0xFFFFC180  }
0x5a: {  	_ =	swait.ge [sflag:s9], $0x3E80  }
0x5b: {  	[sflag:s9] =	ssyncset.done $0x0  }
0x5c: {  	[sflag:s9] =	ssyncadd.s32 $0xFFFFC180  }
0x5d: {  	_ =	swait.ge [sflag:s9], $0x3E80  }
0x5e: {  	[sflag:s9] =	ssyncset.done $0x0  }
0x5f: {  	[sflag:s9] =	ssyncadd.s32 $0xFFFFC180  }
0x60: {  	_ =	swait.ge [sflag:s9], $0x3E80  }
0x61: {  	[sflag:s9] =	ssyncset.done $0x0  }
0x62: {  	[sflag:s9] =	ssyncadd.s32 $0xFFFFC180  }
0x63: {  	_ =	swait.ge [sflag:s9], $0x3E80  }
0x64: {  	[sflag:s9] =	ssyncset.done $0x0  }
0x65: {  	[sflag:s9] =	ssyncadd.s32 $0xFFFFC180  }
0x66: {  	_ =	swait.ge [sflag:s9], $0x3E80  }
0x67: {  	[sflag:s9] =	ssyncset.done $0x0  }
0x68: {  	[sflag:s9] =	ssyncadd.s32 $0xFFFFC180  }
0x69: {  	_ =	swait.ge [sflag:s9], $0x3E80  }
0x6a: {  	[sflag:s9] =	ssyncset.done $0x0  }
0x6b: {  	[sflag:s9] =	ssyncadd.s32 $0xFFFFC180  }
0x6c: {  	_ =	swait.ge [sflag:s9], $0x3E80  }
0x6d: {  	[sflag:s9] =	ssyncset.done $0x0  }
0x6e: {  	[sflag:s9] =	ssyncadd.s32 $0xFFFFC180  }
0x6f: {  	_ =	swait.ge [sflag:s9], $0x3E80  }
0x70: {  	[sflag:s9] =	ssyncset.done $0x0  }
0x71: {  	[sflag:s9] =	ssyncadd.s32 $0xFFFFC180  }
0x72: {  	_ =	swait.ge [sflag:s9], $0x3E80  }
0x73: {  	[sflag:s9] =	ssyncset.done $0x0  }
0x74: {  	[sflag:s9] =	ssyncadd.s32 $0xFFFFC180  }
0x75: {  	_ =	swait.ge [sflag:s9], $0x3E80  }
0x76: {  	[sflag:s9] =	ssyncset.done $0x0  }
0x77: {  	[sflag:s9] =	ssyncadd.s32 $0xFFFFC180  }
0x78: {  	_ =	swait.ge [sflag:s9], $0x3E80  }
0x79: {  	s13 =	stileid.u32;
	[sflag:s9] =	ssyncset.done $0x0  }
0x7a: {  	s13 =	sshll.u32 s13, $0x6;
	[sflag:s9] =	ssyncadd.s32 $0xFFFFC180  }
0x7b: {  	s15 =	sshrl.u32 s4, $0x3;
	s13 =	sor.u32 $0x1C02, s13;
	[bflag:$0x0] =	sbarrier.arrive $0xFFFF  }
0x7c: {  	[hbm:s25], [sflag:s13] =	dma.local [spmem:s15], $0x2700  }
0x7d: {  	_ =	swait.ge [sflag:s8], $0x2700  }
0x7e: {  	s16 =	sshrl.u32 @!p0 s6, $0x3;
	s12 =	sadd.s32 $0x1, s12;
	[sflag:s8] =	ssyncset.done $0x0  }
0x7f: {  	p1 =	sne.s32 s12, s24;
	s15 =	sadd.s32 @!p0 $0x27000, s23;
	[sflag:s8] =	ssyncadd.s32 $0xFFFFD900  }
0x80: {  	[hbm:s15], [sflag:s13] =	dma.local @!p0 [spmem:s16], $0x100  }
.Ltmp1:
0x81: {  	_ = 	snop;
	(pc) =	sbr.rel @!p1 .LBB2_13-.Ltmp1, $4  }
0x82: {  	s13 =	simm.s32 @!p0 $0x2  }
0x83: {  	_ =	swait.ge @!p0 [sflag:s13], $0x100  }
0x84: {  	[sflag:s13] =	ssyncset.done @!p0 $0x0  }
0x85: {  	[sflag:s13] =	ssyncadd.s32 @!p0 $0xFFFFFF00  }
.LBB2_1:
0x86: {  	s13 =	simm.s32 $0x70;
	s15 =	simm.s32 $0x3C0  }
.LBB2_2:
0x87: {  	p1 =	sne.s32 s15, $0x2FC0;
	[tilespmem:s13+$0x1000] =	vst v0  }
0x88: {  	[tilespmem:s13+$0xF90] =	vst v0  }
0x89: {  	[tilespmem:s13+$0xFA0] =	vst v0  }
.Ltmp2:
0x8a: {  	[tilespmem:s13+$0xFB0] =	vst v0;
	(pc) =	sbr.rel @p1 .LBB2_2-.Ltmp2, $4  }
0x8b: {  	[tilespmem:s13+$0xFC0] =	vst v0  }
0x8c: {  	[tilespmem:s13+$0xFD0] =	vst v0  }
0x8d: {  	[tilespmem:s13+$0xFE0] =	vst v0  }
0x8e: {  	[tilespmem:s13+$0xFF0] =	vst v0;
	s13 =	sshra.s32 s15, $0x2;
	s15 =	sadd.s32 $0x200, s15  }
0x8f: {  	[tilespmem:s13+$0x1000] =	vst v0  }
0x90: {  	[tilespmem:s13+$0xF90] =	vst v0  }
0x91: {  	[tilespmem:s13+$0xFA0] =	vst v0  }
0x92: {  	[tilespmem:s13+$0xFB0] =	vst v0  }
0x93: {  	[tilespmem:s13+$0xFC0] =	vst v0  }
0x94: {  	[tilespmem:s13+$0xFD0] =	vst v0  }
0x95: {  	[tilespmem:s13+$0xFE0] =	vst v0  }
0x96: {  	[tilespmem:s13+$0xFF0] =	vst v0;
	s13 =	simm.s32 $0x70;
	s15 =	simm.s32 $0x3C0  }
.LBB2_4:
0x97: {  	p1 =	sne.s32 s15, $0xF9C0;
	[tilespmem:s13+$0x1C00] =	vst v1  }
0x98: {  	[tilespmem:s13+$0x1B90] =	vst v1  }
0x99: {  	[tilespmem:s13+$0x1BA0] =	vst v1  }
.Ltmp3:
0x9a: {  	[tilespmem:s13+$0x1BB0] =	vst v1;
	(pc) =	sbr.rel @p1 .LBB2_4-.Ltmp3, $4  }
0x9b: {  	[tilespmem:s13+$0x1BC0] =	vst v1  }
0x9c: {  	[tilespmem:s13+$0x1BD0] =	vst v1  }
0x9d: {  	[tilespmem:s13+$0x1BE0] =	vst v1  }
0x9e: {  	[tilespmem:s13+$0x1BF0] =	vst v1;
	s13 =	sshra.s32 s15, $0x2;
	s15 =	sadd.s32 $0x200, s15  }
0x9f: {  	[tilespmem:s13+$0x1C00] =	vst v1  }
0xa0: {  	[tilespmem:s13+$0x1B90] =	vst v1  }
0xa1: {  	[tilespmem:s13+$0x1BA0] =	vst v1  }
0xa2: {  	[tilespmem:s13+$0x1BB0] =	vst v1  }
0xa3: {  	[tilespmem:s13+$0x1BC0] =	vst v1  }
0xa4: {  	[tilespmem:s13+$0x1BD0] =	vst v1  }
0xa5: {  	[tilespmem:s13+$0x1BE0] =	vst v1  }
0xa6: {  	[tilespmem:s13+$0x1BF0] =	vst v1  }
0xa7: {  	[spmem:s4] =	stream.linear.scatter [tilespmem:s7], [sflag:$0x2], $0xC00, $0x38;
	[tilespmem:$0x19480] =	vst v63  }
0xa8: {  	_ =	swait.ge [sflag:s8], $0xC00  }
0xa9: {  	[sflag:s8] =	ssyncset.done $0x0  }
0xaa: {  	s21 =	rddreg [dreg:$0x4];
	[sflag:s8] =	ssyncadd.s32 $0xFFFFF400  }
0xab: {  	[spmem:s21] =	stream.linear.scatter [tilespmem:s7], [sflag:$0x2], $0xC00, $0x38;
	[tilespmem:$0x19480] =	vst v63  }
0xac: {  	_ =	swait.ge [sflag:s8], $0xC00  }
0xad: {  	[sflag:s8] =	ssyncset.done $0x0  }
0xae: {  	s15 =	rddreg [dreg:$0x5];
	[sflag:s8] =	ssyncadd.s32 $0xFFFFF400  }
0xaf: {  	[spmem:s15] =	stream.linear.scatter [tilespmem:s7], [sflag:$0x2], $0xC00, $0x38;
	[tilespmem:$0x19480] =	vst v63  }
0xb0: {  	_ =	swait.ge [sflag:s8], $0xC00  }
0xb1: {  	[sflag:s8] =	ssyncset.done $0x0  }
0xb2: {  	s16 =	rddreg [dreg:$0x6];
	[sflag:s8] =	ssyncadd.s32 $0xFFFFF400  }
0xb3: {  	[spmem:s16] =	stream.linear.scatter [tilespmem:s7], [sflag:$0x2], $0xC00, $0x38;
	[tilespmem:$0x19480] =	vst v63  }
0xb4: {  	_ =	swait.ge [sflag:s8], $0xC00  }
0xb5: {  	[sflag:s8] =	ssyncset.done $0x0  }
0xb6: {  	s17 =	rddreg [dreg:$0x7];
	[sflag:s8] =	ssyncadd.s32 $0xFFFFF400  }
0xb7: {  	[spmem:s17] =	stream.linear.scatter [tilespmem:s7], [sflag:$0x2], $0xC00, $0x38;
	[tilespmem:$0x19480] =	vst v63  }
0xb8: {  	_ =	swait.ge [sflag:s8], $0xC00  }
0xb9: {  	[sflag:s8] =	ssyncset.done $0x0  }
0xba: {  	s21 =	rddreg [dreg:$0x8];
	[sflag:s8] =	ssyncadd.s32 $0xFFFFF400  }
0xbb: {  	[spmem:s21] =	stream.linear.scatter [tilespmem:s7], [sflag:$0x2], $0xC00, $0x38;
	[tilespmem:$0x19480] =	vst v63  }
0xbc: {  	_ =	swait.ge [sflag:s8], $0xC00  }
0xbd: {  	[sflag:s8] =	ssyncset.done $0x0  }
0xbe: {  	s15 =	rddreg [dreg:$0x9];
	[sflag:s8] =	ssyncadd.s32 $0xFFFFF400  }
0xbf: {  	[spmem:s15] =	stream.linear.scatter [tilespmem:s7], [sflag:$0x2], $0xC00, $0x38;
	[tilespmem:$0x19480] =	vst v63  }
0xc0: {  	_ =	swait.ge [sflag:s8], $0xC00  }
0xc1: {  	[sflag:s8] =	ssyncset.done $0x0  }
0xc2: {  	s16 =	rddreg [dreg:$0xa];
	[sflag:s8] =	ssyncadd.s32 $0xFFFFF400  }
0xc3: {  	[spmem:s16] =	stream.linear.scatter [tilespmem:s7], [sflag:$0x2], $0xC00, $0x38;
	[tilespmem:$0x19480] =	vst v63  }
0xc4: {  	_ =	swait.ge [sflag:s8], $0xC00  }
0xc5: {  	[sflag:s8] =	ssyncset.done $0x0  }
0xc6: {  	s17 =	rddreg [dreg:$0xb];
	[sflag:s8] =	ssyncadd.s32 $0xFFFFF400  }
0xc7: {  	[spmem:s17] =	stream.linear.scatter [tilespmem:s7], [sflag:$0x2], $0xC00, $0x38;
	[tilespmem:$0x19480] =	vst v63  }
0xc8: {  	_ =	swait.ge [sflag:s8], $0xC00  }
0xc9: {  	[sflag:s8] =	ssyncset.done $0x0  }
0xca: {  	s21 =	rddreg [dreg:$0xc];
	[sflag:s8] =	ssyncadd.s32 $0xFFFFF400  }
0xcb: {  	[spmem:s21] =	stream.linear.scatter [tilespmem:s7], [sflag:$0x2], $0xC00, $0x38;
	[tilespmem:$0x19480] =	vst v63  }
0xcc: {  	_ =	swait.ge [sflag:s8], $0xC00  }
0xcd: {  	[sflag:s8] =	ssyncset.done $0x0  }
0xce: {  	s15 =	rddreg [dreg:$0xd];
	[sflag:s8] =	ssyncadd.s32 $0xFFFFF400  }
0xcf: {  	[spmem:s15] =	stream.linear.scatter [tilespmem:s7], [sflag:$0x2], $0xC00, $0x38;
	[tilespmem:$0x19480] =	vst v63  }
0xd0: {  	_ =	swait.ge [sflag:s8], $0xC00  }
0xd1: {  	[sflag:s8] =	ssyncset.done $0x0  }
0xd2: {  	s16 =	rddreg [dreg:$0xe];
	[sflag:s8] =	ssyncadd.s32 $0xFFFFF400  }
0xd3: {  	[spmem:s16] =	stream.linear.scatter [tilespmem:s7], [sflag:$0x2], $0xC00, $0x38;
	[tilespmem:$0x19480] =	vst v63  }
0xd4: {  	_ =	swait.ge [sflag:s8], $0xC00  }
0xd5: {  	[sflag:s8] =	ssyncset.done $0x0  }
0xd6: {  	s17 =	rddreg [dreg:$0xf];
	[sflag:s8] =	ssyncadd.s32 $0xFFFFF400  }
0xd7: {  	[spmem:s17] =	stream.linear.scatter [tilespmem:s7], [sflag:$0x2], $0xC00, $0x38;
	[tilespmem:$0x19480] =	vst v63  }
0xd8: {  	_ =	swait.ge [sflag:s8], $0xC00  }
0xd9: {  	[sflag:s8] =	ssyncset.done $0x0  }
0xda: {  	s21 =	rddreg [dreg:$0x10];
	[sflag:s8] =	ssyncadd.s32 $0xFFFFF400  }
0xdb: {  	[spmem:s21] =	stream.linear.scatter [tilespmem:s7], [sflag:$0x2], $0xC00, $0x38;
	[tilespmem:$0x19480] =	vst v63  }
0xdc: {  	_ =	swait.ge [sflag:s8], $0xC00  }
0xdd: {  	[sflag:s8] =	ssyncset.done $0x0  }
0xde: {  	[sflag:s8] =	ssyncadd.s32 $0xFFFFF400  }
0xdf: {  	[spmem:s18] =	stream.linear.scatter [tilespmem:s7], [sflag:$0x2], $0xC00, $0x38;
	[tilespmem:$0x19480] =	vst v63  }
0xe0: {  	_ =	swait.ge [sflag:s8], $0xC00  }
0xe1: {  	[sflag:s8] =	ssyncset.done $0x0  }
0xe2: {  	[sflag:s8] =	ssyncadd.s32 $0xFFFFF400  }
0xe3: {  	[spmem:s19] =	stream.linear.scatter [tilespmem:s7], [sflag:$0x2], $0xC00, $0x38;
	[tilespmem:$0x19480] =	vst v63  }
0xe4: {  	_ =	swait.ge [sflag:s8], $0xC00  }
0xe5: {  	[sflag:s8] =	ssyncset.done $0x0  }
0xe6: {  	[sflag:s8] =	ssyncadd.s32 $0xFFFFF400  }
0xe7: {  	[spmem:s20] =	stream.linear.scatter [tilespmem:s7], [sflag:$0x2], $0xC00, $0x38;
	[tilespmem:$0x19480] =	vst v63  }
0xe8: {  	_ =	swait.ge [sflag:s8], $0xC00  }
0xe9: {  	[sflag:s8] =	ssyncset.done $0x0  }
0xea: {  	[sflag:s8] =	ssyncadd.s32 $0xFFFFF400  }
0xeb: {  	[spmem:s22] =	stream.linear.scatter [tilespmem:s7], [sflag:$0x2], $0xC00, $0x38;
	[tilespmem:$0x19480] =	vst v63  }
0xec: {  	_ =	swait.ge [sflag:s8], $0xC00  }
0xed: {  	[sflag:s8] =	ssyncset.done $0x0  }
0xee: {  	[sflag:s8] =	ssyncadd.s32 $0xFFFFF400  }
0xef: {  	[spmem:s26] =	stream.linear.scatter [tilespmem:s7], [sflag:$0x2], $0xC00, $0x38;
	[tilespmem:$0x19480] =	vst v63  }
0xf0: {  	_ =	swait.ge [sflag:s8], $0xC00  }
0xf1: {  	[sflag:s8] =	ssyncset.done $0x0  }
0xf2: {  	[sflag:s8] =	ssyncadd.s32 $0xFFFFF400  }
0xf3: {  	[spmem:s28] =	stream.linear.scatter [tilespmem:s7], [sflag:$0x2], $0xC00, $0x38;
	[tilespmem:$0x19480] =	vst v63  }
0xf4: {  	_ =	swait.ge [sflag:s8], $0xC00  }
0xf5: {  	[sflag:s8] =	ssyncset.done $0x0  }
0xf6: {  	[sflag:s8] =	ssyncadd.s32 $0xFFFFF400  }
0xf7: {  	[spmem:s29] =	stream.linear.scatter [tilespmem:s7], [sflag:$0x2], $0xC00, $0x38;
	[tilespmem:$0x19480] =	vst v63  }
0xf8: {  	_ =	swait.ge [sflag:s8], $0xC00  }
0xf9: {  	[sflag:s8] =	ssyncset.done $0x0  }
0xfa: {  	[sflag:s8] =	ssyncadd.s32 $0xFFFFF400  }
0xfb: {  	[spmem:s30] =	stream.linear.scatter [tilespmem:s7], [sflag:$0x2], $0xC00, $0x38;
	[tilespmem:$0x19480] =	vst v63  }
0xfc: {  	_ =	swait.ge [sflag:s8], $0xC00  }
0xfd: {  	[sflag:s8] =	ssyncset.done $0x0  }
0xfe: {  	[sflag:s8] =	ssyncadd.s32 $0xFFFFF400  }
0xff: {  	[spmem:s31] =	stream.linear.scatter [tilespmem:s7], [sflag:$0x2], $0xC00, $0x38;
	[tilespmem:$0x19480] =	vst v63  }
0x100: {  	_ =	swait.ge [sflag:s8], $0xC00  }
0x101: {  	[sflag:s8] =	ssyncset.done $0x0  }
0x102: {  	[sflag:s8] =	ssyncadd.s32 $0xFFFFF400  }
0x103: {  	[spmem:s0] =	stream.linear.scatter [tilespmem:s7], [sflag:$0x2], $0xC00, $0x38;
	[tilespmem:$0x19480] =	vst v63  }
0x104: {  	_ =	swait.ge [sflag:s8], $0xC00  }
0x105: {  	[sflag:s8] =	ssyncset.done $0x0  }
0x106: {  	[sflag:s8] =	ssyncadd.s32 $0xFFFFF400  }
0x107: {  	[spmem:s1] =	stream.linear.scatter [tilespmem:s7], [sflag:$0x2], $0xC00, $0x38;
	[tilespmem:$0x19480] =	vst v63  }
0x108: {  	_ =	swait.ge [sflag:s8], $0xC00  }
0x109: {  	[sflag:s8] =	ssyncset.done $0x0  }
0x10a: {  	[sflag:s8] =	ssyncadd.s32 $0xFFFFF400  }
0x10b: {  	[spmem:s5] =	stream.linear.scatter [tilespmem:s7], [sflag:$0x2], $0xC00, $0x38;
	[tilespmem:$0x19480] =	vst v63  }
0x10c: {  	_ =	swait.ge [sflag:s8], $0xC00  }
0x10d: {  	[sflag:s8] =	ssyncset.done $0x0  }
0x10e: {  	s13 =	simm.s32 @!p0 $0x1000;
	[sflag:s8] =	ssyncadd.s32 $0xFFFFF400  }
0x10f: {  	[spmem:s6] =	stream.linear.scatter @!p0 [tilespmem:s13], [sflag:$0x2], $0x800, $0x38;
	[tilespmem:$0x19480] =	vst v63  }
0x110: {  	s13 =	simm.s32 @!p0 $0x2  }
.Ltmp4:
0x111: {  	_ =	swait.ge @!p0 [sflag:s13], $0x800;
	(pc) =	sbr.rel .LBB2_6-.Ltmp4, $4  }
0x112: {  	[sflag:s13] =	ssyncset.done @!p0 $0x0  }
0x113: {  	[sflag:s13] =	ssyncadd.s32 @!p0 $0xFFFFF800  }
0x114: {  	[bflag:$0x0] =	sbarrier.arrive $0xFFFF  }
0x115: {  	s21 =	smov.u32 s14;
	s13 =	simm.s32 $0x0  }
.LBB2_9:
0x116: {  	p1 =	seq.s32 s15, $0x0  }
.Ltmp5:
0x117: {  	_ = 	snop;
	(pc) =	sbr.rel @p1 .LBB2_8-.Ltmp5, $1  }
0x118: {  	_ =	sdelay $0x3  }
0x119: {  	s16 =	sshll.u32 s16, $0x9  }
.LBB2_11:
0x11a: {  	s13 =	sadd.s32 $0x1, s13  }
0x11b: {  	p1 =	sne.s32 s13, $0x50  }
.Ltmp6:
0x11c: {  	_ = 	snop;
	(pc) =	sbr.rel @!p1 .LBB2_12-.Ltmp6, $4  }
0x11d: {  	_ = 	snop  }
0x11e: {  	s16 =	sshrl.u32 s16, $0x2;
	s15 =	sshll.u32 s15, $0x7  }
0x11f: {  	s21 =	sadd.s32 $0x10, s21;
	s15 =	sadd.s32 s15, s16  }
0x120: {  	[spmem:s2] =	stream.indirect.scatter.add.f32 [tilespmem:s11], [sflag:$0x1], $0x80, s15, s10, $0xb8;
	[tilespmem:$0x19480] =	vst v63  }
.LBB2_6:
0x121: {  	s15 =	sand.u32 $0xF, s13;
	p1 =	slt.u32 s13, $0x20  }
0x122: {  	p2 =	sne.s32 @!p1 s15, $0x0  }
0x123: {  	p1 =	por p1, p2  }
.Ltmp7:
0x124: {  	_ = 	snop;
	(pc) =	sbr.rel @p1 .LBB2_9-.Ltmp7, $2  }
0x125: {  	_ =	sdelay $0x2  }
0x126: {  	s16 =	sand.u32 $0x10, s13  }
0x127: {  	_ =	swait.ge [sflag:s9], $0x3E80  }
0x128: {  	[sflag:s9] =	ssyncset.done $0x0  }
0x129: {  	[sflag:s9] =	ssyncadd.s32 $0xFFFFC180  }
0x12a: {  	_ =	swait.ge [sflag:s9], $0x3E80  }
0x12b: {  	[sflag:s9] =	ssyncset.done $0x0  }
0x12c: {  	[sflag:s9] =	ssyncadd.s32 $0xFFFFC180  }
0x12d: {  	_ =	swait.ge [sflag:s9], $0x3E80  }
0x12e: {  	[sflag:s9] =	ssyncset.done $0x0  }
0x12f: {  	[sflag:s9] =	ssyncadd.s32 $0xFFFFC180  }
0x130: {  	_ =	swait.ge [sflag:s9], $0x3E80  }
0x131: {  	[sflag:s9] =	ssyncset.done $0x0  }
0x132: {  	[sflag:s9] =	ssyncadd.s32 $0xFFFFC180  }
0x133: {  	_ =	swait.ge [sflag:s9], $0x3E80  }
0x134: {  	[sflag:s9] =	ssyncset.done $0x0  }
0x135: {  	[sflag:s9] =	ssyncadd.s32 $0xFFFFC180  }
0x136: {  	_ =	swait.ge [sflag:s9], $0x3E80  }
0x137: {  	[sflag:s9] =	ssyncset.done $0x0  }
0x138: {  	[sflag:s9] =	ssyncadd.s32 $0xFFFFC180  }
0x139: {  	_ =	swait.ge [sflag:s9], $0x3E80  }
0x13a: {  	[sflag:s9] =	ssyncset.done $0x0  }
0x13b: {  	[sflag:s9] =	ssyncadd.s32 $0xFFFFC180  }
0x13c: {  	_ =	swait.ge [sflag:s9], $0x3E80  }
0x13d: {  	[sflag:s9] =	ssyncset.done $0x0  }
0x13e: {  	[sflag:s9] =	ssyncadd.s32 $0xFFFFC180  }
0x13f: {  	_ =	swait.ge [sflag:s9], $0x3E80  }
0x140: {  	[sflag:s9] =	ssyncset.done $0x0  }
0x141: {  	[sflag:s9] =	ssyncadd.s32 $0xFFFFC180  }
0x142: {  	_ =	swait.ge [sflag:s9], $0x3E80  }
0x143: {  	[sflag:s9] =	ssyncset.done $0x0  }
0x144: {  	[sflag:s9] =	ssyncadd.s32 $0xFFFFC180  }
0x145: {  	_ =	swait.ge [sflag:s9], $0x3E80  }
0x146: {  	[sflag:s9] =	ssyncset.done $0x0  }
0x147: {  	[sflag:s9] =	ssyncadd.s32 $0xFFFFC180  }
0x148: {  	_ =	swait.ge [sflag:s9], $0x3E80  }
0x149: {  	[sflag:s9] =	ssyncset.done $0x0  }
0x14a: {  	[sflag:s9] =	ssyncadd.s32 $0xFFFFC180  }
0x14b: {  	_ =	swait.ge [sflag:s9], $0x3E80  }
0x14c: {  	[sflag:s9] =	ssyncset.done $0x0  }
0x14d: {  	[sflag:s9] =	ssyncadd.s32 $0xFFFFC180  }
0x14e: {  	_ =	swait.ge [sflag:s9], $0x3E80  }
0x14f: {  	[sflag:s9] =	ssyncset.done $0x0  }
0x150: {  	[sflag:s9] =	ssyncadd.s32 $0xFFFFC180  }
0x151: {  	_ =	swait.ge [sflag:s9], $0x3E80  }
0x152: {  	[sflag:s9] =	ssyncset.done $0x0  }
0x153: {  	[sflag:s9] =	ssyncadd.s32 $0xFFFFC180  }
0x154: {  	_ =	swait.ge [sflag:s9], $0x3E80  }
0x155: {  	[sflag:s9] =	ssyncset.done $0x0  }
0x156: {  	[sflag:s9] =	ssyncadd.s32 $0xFFFFC180  }
.LBB2_8:
0x157: {  	s16 =	sshll.u32 s16, $0x9  }
.Ltmp8:
0x158: {  	s17 =	sshrl.u32 s16, $0x2;
	(pc) =	sbr.rel .LBB2_11-.Ltmp8, $4  }
0x159: {  	[tilespmem:s17], [sflag:$0x2] =	stream.linear.gather [hbm4b:s21+s3], $0x800, $0x38;
	[tilespmem:$0x19480] =	vst v63  }
0x15a: {  	_ =	swait.ge [sflag:s8], $0x800  }
0x15b: {  	[sflag:s8] =	ssyncset.done $0x0  }
0x15c: {  	[sflag:s8] =	ssyncadd.s32 $0xFFFFF800  }
.LBB2_13:
0x15d: {  	_ =	sfence.sel $0x180000  }
0x15e: {  	[bflag:$0x0] =	sbarrier.arrive $0xFFFF  }
0x15f: {  	_ =	strace $0x9000004A  }
0x160: {  	s0 =	stileid.u32;
	[bflag:$0x2] =	sbarrier.arrive $0xFFFF  }
0x161: {  	p0 =	sne.s32 s0, $0x0;
	s0 =	rddreg [dreg:$0x3]  }
0x162: {  	s0 =	sadd.s32 @!p0 $0x100000, s0  }
0x163: {  	[sflag:s0] =	ssyncadd.tile.s32 @!p0 $0x1;
	_ =	shalt  }
.Lfunc_end2:
_tile_overlayer_lowered:
.L_overlay_start_2:
0x164: {  	(tag) =	ssettag $0x2  }
0x165: {  	s0 =	rddreg [dreg:$0x0];
	s2 =	stileid.u32  }
0x166: {  	s1 =	rddreg [dreg:$0x1];
	p0 =	sne.s32 s2, $0x0  }
0x167: {  	s3 =	rddreg [dreg:$0x2];
	[bflag:$0x3] =	sbarrier.arrive $0xFFFF;
	s2 =	simm.s32 @!p0 $0x1C02  }
0x168: {  	[timem:s3], [sflag:s2] =	dma.local @!p0 [hbm:s0], s1  }
0x169: {  	s0 =	simm.s32 @!p0 $0x2  }
0x16a: {  	_ =	swait.ge @!p0 [sflag:s0], s1  }
0x16b: {  	s1 =	ssub.s32 @!p0 $0x0, s1;
	[sflag:s0] =	ssyncset.done @!p0 $0x0  }
0x16c: {  	[sflag:s0] =	ssyncadd.s32 @!p0 s1  }
0x16d: {  	[bflag:$0x3] =	sbarrier.arrive $0xFFFF  }
0x16e: {  	_ =	shalt  }

</sc_bundles>
